<compile_context>
chip_gen: v7x
topology: tpu7x:2x2x1
jax: 0.10.2.dev20260603
libtpu: 0.0.44.dev20260713+nightly
codegen_flags: <defaults>
</compile_context>

<pallas_src>
import functools

import jax
import jax.numpy as jnp
from jax import lax
from jax.experimental import pallas as pl
from jax.experimental.pallas import tpu as pltpu
from jax.experimental.pallas import tpu_sc as plsc

_B, _M, _N, _K = 8, 4096, 16384, 3
_CF, _CS, _CO = 64, 32, 64
_BN = _B * _N
_EPS = 1e-5
_OUTW = 3 + 2 * _CO
_NEG = -3.0e38


_NW = 32
_PTS = _BN // _NW
_CH = 128
_NCH = _PTS // _CH


def _gather_max_body(idx_hbm, table_hbm, out_hbm, fidx_v, rows_v, out_v,
                     gsem0, gsem1, osem0, osem1):
    wid = lax.axis_index("s") * 2 + lax.axis_index("c")
    base = wid * _PTS
    row_off = (base // _N) * _M
    gsems = (gsem0, gsem1)
    osems = (osem0, osem1)

    def prefetch(c, buf):
        cg = wid * _NCH + c
        pltpu.sync_copy(idx_hbm.at[pl.ds(_K * cg, _K)], fidx_v.at[buf])
        for k in range(_K):
            for g in range(_CH // 16):
                sl = pl.ds(g * 16, 16)
                fidx_v[buf, k, sl] = fidx_v[buf, k, sl] + row_off
        for k in range(_K):
            pltpu.async_copy(table_hbm.at[fidx_v.at[buf, k]],
                             rows_v.at[buf, pl.ds(k * _CH, _CH)], gsems[buf])

    def compute(c, buf):
        p0 = base + c * _CH
        for k in range(_K):
            pltpu.make_async_copy(table_hbm.at[fidx_v.at[buf, k]],
                                  rows_v.at[buf, pl.ds(k * _CH, _CH)],
                                  gsems[buf]).wait()

        @pl.when(c >= 2)
        def _drain_out():
            pltpu.make_async_copy(out_v.at[buf],
                                  out_hbm.at[pl.ds(p0 - 2 * _CH, _CH)],
                                  osems[buf]).wait()

        @plsc.parallel_loop(0, _CH, unroll=4)
        def _max_body(p):
            jj = _K * p
            for c4 in range(_CF // 16):
                sl = pl.ds(c4 * 16, 16)
                m = jnp.maximum(rows_v[buf, jj, sl], rows_v[buf, jj + 1, sl])
                out_v[buf, p, sl] = jnp.maximum(m, rows_v[buf, jj + 2, sl])

        pltpu.async_copy(out_v.at[buf], out_hbm.at[pl.ds(p0, _CH)],
                         osems[buf])

    prefetch(0, 0)
    prefetch(1, 1)

    def pair(jj, carry):
        c0 = jj * 2
        compute(c0, 0)

        @pl.when(c0 + 2 < _NCH)
        def _pf0():
            prefetch(c0 + 2, 0)

        compute(c0 + 1, 1)

        @pl.when(c0 + 3 < _NCH)
        def _pf1():
            prefetch(c0 + 3, 1)

        return carry

    lax.fori_loop(0, _NCH // 2, pair, 0)
    for buf, c in ((0, _NCH - 2), (1, _NCH - 1)):
        pltpu.make_async_copy(out_v.at[buf],
                              out_hbm.at[pl.ds(base + c * _CH, _CH)],
                              osems[buf]).wait()


@functools.cache
def _gather_max_kernel():
    return pl.kernel(
        _gather_max_body,
        out_type=jax.ShapeDtypeStruct((_BN, _CF), jnp.float32),
        mesh=plsc.VectorSubcoreMesh(core_axis_name="c", subcore_axis_name="s"),
        compiler_params=pltpu.CompilerParams(use_tc_tiling_on_sc=False),
        scratch_types=[
            pltpu.VMEM((2, _K, _CH), jnp.int32),
            pltpu.VMEM((2, _K * _CH, _CF), jnp.float32),
            pltpu.VMEM((2, _CH, _CF), jnp.float32),
            pltpu.SemaphoreType.DMA,
            pltpu.SemaphoreType.DMA,
            pltpu.SemaphoreType.DMA,
            pltpu.SemaphoreType.DMA,
        ],
    )


def _gather_max(idx_t, table):
    return _gather_max_kernel()(idx_t, table)



_RB_S = 2048


def _stats_body(x_ref, s_ref, wp_ref, bp_ref, gp_ref, bep_ref, ws_ref,
                bs_ref, gs_ref, bes_ref, wc_ref, wx_ref, wso_ref, br_ref,
                gx_acc, gs_acc, sx_acc, ss_acc):
    i = pl.program_id(0)
    nblk = pl.num_programs(0)

    @pl.when(i == 0)
    def _init():
        gx_acc[...] = jnp.zeros_like(gx_acc)
        gs_acc[...] = jnp.zeros_like(gs_acc)
        sx_acc[...] = jnp.zeros_like(sx_acc)
        ss_acc[...] = jnp.zeros_like(ss_acc)

    x = x_ref[...]
    s = s_ref[...]
    dn = (((0,), (0,)), ((), ()))
    gx_acc[...] += lax.dot_general(x, x, dn, preferred_element_type=jnp.float32)
    gs_acc[...] += lax.dot_general(s, s, dn, preferred_element_type=jnp.float32)
    ones = jnp.ones((8, _RB_S), jnp.float32)
    sx_acc[...] += jnp.dot(ones, x, preferred_element_type=jnp.float32)
    ss_acc[...] += jnp.dot(ones, s, preferred_element_type=jnp.float32)

    @pl.when(i == nblk - 1)
    def _fold():
        nb = jnp.float32(_BN)
        wp = wp_ref[...]
        bp = bp_ref[...]
        sxw = jnp.dot(sx_acc[0:1, :], wp,
                      preferred_element_type=jnp.float32) / nb
        mean_y = sxw + bp
        gw = jnp.dot(gx_acc[...], wp, preferred_element_type=jnp.float32)
        ey2 = (jnp.sum(wp * gw, 0, keepdims=True) / nb + 2.0 * bp * sxw
               + bp * bp)
        var_y = ey2 - mean_y * mean_y
        sc_y = gp_ref[...] * lax.rsqrt(var_y + _EPS)
        bx_eff = (bp - mean_y) * sc_y + bep_ref[...]
        wx_eff = wp * sc_y
        ws = ws_ref[...]
        bs = bs_ref[...]
        ssw = jnp.dot(ss_acc[0:1, 0:_CS], ws,
                      preferred_element_type=jnp.float32) / nb
        mean_s = ssw + bs
        gws = jnp.dot(gs_acc[...], ws, preferred_element_type=jnp.float32)
        es2 = (jnp.sum(ws * gws, 0, keepdims=True) / nb + 2.0 * bs * ssw
               + bs * bs)
        var_s = es2 - mean_s * mean_s
        sc_s = gs_ref[...] * lax.rsqrt(var_s + _EPS)
        bs_eff = (bs - mean_s) * sc_s + bes_ref[...]
        ws_eff = ws * sc_s

        wx_ref[...] = jnp.concatenate(
            [jnp.zeros((_CF, 3), jnp.float32), wx_eff,
             jnp.zeros((_CF, _CO), jnp.float32)], axis=1)
        wso_ref[...] = jnp.concatenate(
            [jnp.zeros((_CS, 3 + _CO), jnp.float32), ws_eff], axis=1)
        r_i = lax.broadcasted_iota(jnp.int32, (8, _OUTW), 0)
        c_i = lax.broadcasted_iota(jnp.int32, (8, _OUTW), 1)
        wc_ref[...] = jnp.where((r_i == c_i) & (r_i < 3), 1.0, 0.0)
        bias_row = jnp.concatenate(
            [jnp.zeros((1, 3), jnp.float32), bx_eff, bs_eff], axis=1)
        floor_row = jnp.where(c_i[0:1, :] < 3, _NEG, 0.0)
        br_ref[...] = jnp.concatenate(
            [bias_row, floor_row, jnp.zeros((6, _OUTW), jnp.float32)], axis=0)


def _stats_call(x, s, wp, bp, gp, bep, ws, bs, gs, bes):
    nblk = _BN // _RB_S
    full = lambda shp: pl.BlockSpec(shp, lambda i: (0, 0))
    return pl.pallas_call(
        _stats_body,
        grid=(nblk,),
        in_specs=[
            pl.BlockSpec((_RB_S, _CF), lambda i: (i, 0)),
            pl.BlockSpec((_RB_S, _CS), lambda i: (i, 0)),
            full((_CF, _CO)), full((1, _CO)), full((1, _CO)), full((1, _CO)),
            full((_CS, _CO)), full((1, _CO)), full((1, _CO)), full((1, _CO)),
        ],
        out_specs=[
            full((8, _OUTW)), full((_CF, _OUTW)), full((_CS, _OUTW)),
            full((8, _OUTW)),
        ],
        out_shape=[
            jax.ShapeDtypeStruct((8, _OUTW), jnp.float32),
            jax.ShapeDtypeStruct((_CF, _OUTW), jnp.float32),
            jax.ShapeDtypeStruct((_CS, _OUTW), jnp.float32),
            jax.ShapeDtypeStruct((8, _OUTW), jnp.float32),
        ],
        scratch_shapes=[
            pltpu.VMEM((_CF, _CF), jnp.float32),
            pltpu.VMEM((_CS, _CS), jnp.float32),
            pltpu.VMEM((8, _CF), jnp.float32),
            pltpu.VMEM((8, _CS), jnp.float32),
        ],
    )(x, s, wp, bp, gp, bep, ws, bs, gs, bes)



_RB_F = 2048


def _final_body(x_ref, s_ref, c_ref, wc_ref, wx_ref, wso_ref, br_ref, o_ref):
    acc = jnp.dot(c_ref[...], wc_ref[0:3, :],
                  preferred_element_type=jnp.float32)
    acc += jnp.dot(x_ref[...], wx_ref[...],
                   preferred_element_type=jnp.float32)
    acc += jnp.dot(s_ref[...], wso_ref[...],
                   preferred_element_type=jnp.float32)
    o_ref[...] = jnp.maximum(acc + br_ref[0:1, :], br_ref[1:2, :])


def _final_call(x, s, c, wc, wx, wso, br):
    nblk = _BN // _RB_F
    full = lambda shp: pl.BlockSpec(shp, lambda i: (0, 0))
    return pl.pallas_call(
        _final_body,
        grid=(nblk,),
        in_specs=[
            pl.BlockSpec((_RB_F, _CF), lambda i: (i, 0)),
            pl.BlockSpec((_RB_F, _CS), lambda i: (i, 0)),
            pl.BlockSpec((_RB_F, 3), lambda i: (i, 0)),
            full((8, _OUTW)), full((_CF, _OUTW)), full((_CS, _OUTW)),
            full((8, _OUTW)),
        ],
        out_specs=pl.BlockSpec((_RB_F, _OUTW), lambda i: (i, 0)),
        out_shape=jax.ShapeDtypeStruct((_BN, _OUTW), jnp.float32),
    )(x, s, c, wc, wx, wso, br)



def kernel(curr_coords, curr_feat, skip_coords, skip_feat, upsampling_idxs,
           W_proj, b_proj, g_proj, be_proj, W_skip, b_skip, g_skip, be_skip):
    idx_blk = upsampling_idxs.reshape(_BN * _K // _CH, _CH)
    table = curr_feat.reshape(_B * _M, _CF)
    inter = _gather_max(idx_blk, table)

    skip2 = skip_feat.reshape(_BN, _CS)
    coords2 = skip_coords.reshape(_BN, 3)
    r = lambda v: v.reshape(1, _CO)
    wc, wx, wso, br = _stats_call(inter, skip2, W_proj, r(b_proj), r(g_proj),
                                  r(be_proj), W_skip, r(b_skip), r(g_skip),
                                  r(be_skip))
    out = _final_call(inter, skip2, coords2, wc, wx, wso, br)
    return out.reshape(_B, _N, _OUTW)

# --- scband reference (transcript-rebuilt; emitter-appended) ---
"""Pipeline reference for scband-unpool-w-skip-9500467658972 (READ-ONLY COPY).

The authoritative reference and input builder live on the scoring server;
editing this copy changes nothing except your own understanding.
"""

import jax, jax.numpy as jnp
import numpy as np

_EPS = 1e-5

def _bn(x, gamma, beta):
    # training-mode BatchNorm1d over (B, N) per channel, as in PointBatchNorm
    mean = jnp.mean(x, axis=(0, 1), keepdims=True)
    var = jnp.var(x, axis=(0, 1), keepdims=True)
    return (x - mean) / jnp.sqrt(var + _EPS) * gamma + beta


def setup_inputs(seed: int = 0) -> dict:
    key = jax.random.key(seed)
    ks = jax.random.split(key, 8)
    B, M, N, K = 8, 4096, 16384, 3
    Cf, Cs, Co = 64, 32, 64
    return {
        "curr_coords": jax.random.normal(ks[0], (B, M, 3), jnp.float32),
        "curr_feat": jax.random.normal(ks[1], (B, M, Cf), jnp.float32),
        "skip_coords": jax.random.normal(ks[2], (B, N, 3), jnp.float32),
        "skip_feat": jax.random.normal(ks[3], (B, N, Cs), jnp.float32),
        "upsampling_idxs": jax.random.randint(ks[4], (B, N, K), 0, M, jnp.int32),
        "W_proj": jax.random.normal(ks[5], (Cf, Co), jnp.float32) * 0.05,
        "b_proj": jnp.zeros((Co,), jnp.float32),
        "g_proj": jnp.ones((Co,), jnp.float32),
        "be_proj": jnp.zeros((Co,), jnp.float32),
        "W_skip": jax.random.normal(ks[6], (Cs, Co), jnp.float32) * 0.05,
        "b_skip": jnp.zeros((Co,), jnp.float32),
        "g_skip": jnp.ones((Co,), jnp.float32),
        "be_skip": jnp.zeros((Co,), jnp.float32),
    }


def reference(curr_coords, curr_feat, skip_coords, skip_feat, upsampling_idxs,
              W_proj, b_proj, g_proj, be_proj, W_skip, b_skip, g_skip, be_skip):
    # backend == 'max': gather K neighbor features from the coarse level, max-reduce
    gathered = jax.vmap(lambda f, i: f[i])(curr_feat, upsampling_idxs)  # (B, N, K, Cf)
    inter_feats = jnp.max(gathered, axis=2)  # (B, N, Cf)
    # proj: Linear -> PointBatchNorm -> ReLU
    x = jax.nn.relu(_bn(inter_feats @ W_proj + b_proj, g_proj, be_proj))
    # proj_skip on skip features
    s = jax.nn.relu(_bn(skip_feat @ W_skip + b_skip, g_skip, be_skip))
    x = jnp.concatenate([x, s], axis=-1)
    return jnp.concatenate([skip_coords, x], axis=-1)  # (B, N, 3 + 2*Co)

if __name__ == "__main__":
    import jax
    _d = setup_inputs()
    print(jax.jit(kernel)(*tuple(_d.values())))

</pallas_src>

<mosaic_0001>
#map = affine_map<(d0, d1) -> (0, 0)>
module attributes {stable_mosaic.version = 14 : i64} {
  func.func @_gather_max_body(%arg0: i32, %arg1: i32, %arg2: memref<3072x128xi32, #tpu.memory_space<hbm>>, %arg3: memref<32768x64xf32, #tpu.memory_space<hbm>>, %arg4: memref<131072x64xf32, #tpu.memory_space<hbm>>, %arg5: memref<2x3x128xi32, #tpu.memory_space<vmem>>, %arg6: memref<2x384x64xf32, #tpu.memory_space<vmem>>, %arg7: memref<2x128x64xf32, #tpu.memory_space<vmem>>, %arg8: memref<!tpu.dma_semaphore, #tpu.memory_space<semaphore_mem>>, %arg9: memref<!tpu.dma_semaphore, #tpu.memory_space<semaphore_mem>>, %arg10: memref<!tpu.dma_semaphore, #tpu.memory_space<semaphore_mem>>, %arg11: memref<!tpu.dma_semaphore, #tpu.memory_space<semaphore_mem>>) attributes {dimension_semantics = [#tpu.dimension_semantics<core_parallel>, #tpu.dimension_semantics<subcore_parallel>], iteration_bounds = array<i64: 2, 16>, scalar_prefetch = 0 : i64, scratch_operands = 7 : i64, tpu.core_type = #tpu.core_type<sc_vector_subcore>, window_params = [{transform_indices = #map}, {transform_indices = #map}, {transform_indices = #map}]} {
    %mul3A = arith.constant 2 : i32
    %mul3A_0 = arith.muli %arg1, %mul3A : i32
    %add3A = arith.addi %mul3A_0, %arg0 : i32
    %mul3A_1 = arith.constant 4096 : i32
    %mul3A_2 = arith.muli %add3A, %mul3A_1 : i32
    %jit3A = arith.constant 16384 : i32
    %div3A = arith.divsi %mul3A_2, %jit3A : i32
    %sign3A = arith.constant 0 : i32
    %sign3A_3 = arith.cmpi sgt, %mul3A_2, %sign3A : i32
    %sign3A_4 = arith.extui %sign3A_3 : i1 to i32
    %sign3A_5 = arith.constant 0 : i32
    %sign3A_6 = arith.cmpi slt, %mul3A_2, %sign3A_5 : i32
    %sign3A_7 = arith.extui %sign3A_6 : i1 to i32
    %sign3A_8 = arith.subi %sign3A_4, %sign3A_7 : i32
    %sign3A_9 = arith.constant 0 : i32
    %sign3A_10 = arith.cmpi sgt, %jit3A, %sign3A_9 : i32
    %sign3A_11 = arith.extui %sign3A_10 : i1 to i32
    %sign3A_12 = arith.constant 0 : i32
    %sign3A_13 = arith.cmpi slt, %jit3A, %sign3A_12 : i32
    %sign3A_14 = arith.extui %sign3A_13 : i1 to i32
    %sign3A_15 = arith.subi %sign3A_11, %sign3A_14 : i32
    %ne3A = arith.cmpi ne, %sign3A_8, %sign3A_15 : i32
    %rem3A = arith.remsi %mul3A_2, %jit3A : i32
    %ne3A_16 = arith.constant 0 : i32
    %ne3A_17 = arith.cmpi ne, %rem3A, %ne3A_16 : i32
    %and3A = arith.andi %ne3A, %ne3A_17 : i1
    %sub3A = arith.constant 1 : i32
    %sub3A_18 = arith.subi %div3A, %sub3A : i32
    %select_n3A = arith.select %and3A, %sub3A_18, %div3A : i32
    %mul3A_19 = arith.constant 4096 : i32
    %mul3A_20 = arith.muli %select_n3A, %mul3A_19 : i32
    %mul3A_21 = arith.constant 32 : i32
    %mul3A_22 = arith.muli %add3A, %mul3A_21 : i32
    %add3A_23 = arith.constant 0 : i32
    %add3A_24 = arith.addi %mul3A_22, %add3A_23 : i32
    %mul3A_25 = arith.constant 3 : i32
    %mul3A_26 = arith.muli %mul3A_25, %add3A_24 : i32
    %run_scoped3A = arith.constant 0 : i32
    "tpu.region"() ({
      %run_scoped3A_959 = tpu.sem_alloc : memref<!tpu.dma_semaphore, #tpu.memory_space<semaphore_mem>>
      %dma_start3A_960 = arith.constant 0 : i32
      %dma_start3A_961 = arith.constant 0 : i32
      %dma_start3A_962 = tpu.memref_slice %arg5[%run_scoped3A, %dma_start3A_960, %dma_start3A_961] : memref<2x3x128xi32, #tpu.memory_space<vmem>> -> memref<1x3x128xi32, #tpu.memory_space<vmem>>
      %dma_start3A_963 = tpu.memref_squeeze %dma_start3A_962 : memref<1x3x128xi32, #tpu.memory_space<vmem>> -> memref<3x128xi32, #tpu.memory_space<vmem>>
      %dma_start3A_964 = arith.constant 0 : i32
      %dma_start3A_965 = tpu.memref_slice %arg2[%mul3A_26, %dma_start3A_964] : memref<3072x128xi32, #tpu.memory_space<hbm>> -> memref<3x128xi32, #tpu.memory_space<hbm>>
      %dma_start3A_966 = arith.constant 0 : i32
      %dma_start3A_967 = arith.constant 0 : i32
      %dma_start3A_968 = tpu.memref_slice %arg5[%run_scoped3A, %dma_start3A_966, %dma_start3A_967] : memref<2x3x128xi32, #tpu.memory_space<vmem>> -> memref<1x3x128xi32, #tpu.memory_space<vmem>>
      %dma_start3A_969 = tpu.memref_squeeze %dma_start3A_968 : memref<1x3x128xi32, #tpu.memory_space<vmem>> -> memref<3x128xi32, #tpu.memory_space<vmem>>
      %dma_start3A_970 = arith.constant 0 : i32
      %dma_start3A_971 = tpu.memref_slice %arg2[%mul3A_26, %dma_start3A_970] : memref<3072x128xi32, #tpu.memory_space<hbm>> -> memref<3x128xi32, #tpu.memory_space<hbm>>
      tpu.enqueue_dma source(%dma_start3A_971 : memref<3x128xi32, #tpu.memory_space<hbm>>) target(%dma_start3A_969 : memref<3x128xi32, #tpu.memory_space<vmem>>) target_semaphore(%run_scoped3A_959 : memref<!tpu.dma_semaphore, #tpu.memory_space<semaphore_mem>>)
      %dma_wait3A_972 = arith.constant 0 : i32
      %dma_wait3A_973 = arith.constant 0 : i32
      %dma_wait3A_974 = tpu.memref_slice %arg5[%run_scoped3A, %dma_wait3A_972, %dma_wait3A_973] : memref<2x3x128xi32, #tpu.memory_space<vmem>> -> memref<1x3x128xi32, #tpu.memory_space<vmem>>
      %dma_wait3A_975 = tpu.memref_squeeze %dma_wait3A_974 : memref<1x3x128xi32, #tpu.memory_space<vmem>> -> memref<3x128xi32, #tpu.memory_space<vmem>>
      %dma_wait3A_976 = arith.constant 0 : i32
      %dma_wait3A_977 = tpu.memref_slice %arg2[%mul3A_26, %dma_wait3A_976] : memref<3072x128xi32, #tpu.memory_space<hbm>> -> memref<3x128xi32, #tpu.memory_space<hbm>>
      %dma_wait3A_978 = arith.constant 0 : i32
      %dma_wait3A_979 = arith.constant 0 : i32
      %dma_wait3A_980 = tpu.memref_slice %arg5[%run_scoped3A, %dma_wait3A_978, %dma_wait3A_979] : memref<2x3x128xi32, #tpu.memory_space<vmem>> -> memref<1x3x128xi32, #tpu.memory_space<vmem>>
      %dma_wait3A_981 = tpu.memref_squeeze %dma_wait3A_980 : memref<1x3x128xi32, #tpu.memory_space<vmem>> -> memref<3x128xi32, #tpu.memory_space<vmem>>
      %dma_wait3A_982 = arith.constant 0 : i32
      %dma_wait3A_983 = tpu.memref_slice %arg2[%mul3A_26, %dma_wait3A_982] : memref<3072x128xi32, #tpu.memory_space<hbm>> -> memref<3x128xi32, #tpu.memory_space<hbm>>
      tpu.wait_dma2 semaphore(%run_scoped3A_959 : memref<!tpu.dma_semaphore, #tpu.memory_space<semaphore_mem>>) src(%dma_wait3A_983 : memref<3x128xi32, #tpu.memory_space<hbm>>) dst(%dma_wait3A_981 : memref<3x128xi32, #tpu.memory_space<vmem>>)
      tpu.yield
    }) : () -> ()
    %get3A = arith.constant 0 : i32
    %get3A_27 = arith.constant 0 : i32
    %get3A_28 = arith.index_cast %get3A : i32 to index
    %get3A_29 = arith.index_cast %get3A_27 : i32 to index
    %get3A_30 = arith.constant 0 : index
    %get3A_31 = tpu.vector_load %arg5[%get3A_28, %get3A_29, %get3A_30] {strides = array<i32>} : memref<2x3x128xi32, #tpu.memory_space<vmem>>, vector<1x1x16xi32>,
    %get3A_32 = vector.shape_cast %get3A_31 : vector<1x1x16xi32> to vector<16xi32>
    %add3A_33 = vector.broadcast %mul3A_20 : i32 to vector<16xi32>
    %add3A_34 = arith.addi %get3A_32, %add3A_33 : vector<16xi32>
    %swap3A = arith.constant 0 : i32
    %swap3A_35 = arith.constant 0 : i32
    %swap3A_36 = arith.index_cast %swap3A : i32 to index
    %swap3A_37 = arith.index_cast %swap3A_35 : i32 to index
    %swap3A_38 = arith.constant 0 : index
    %swap3A_39 = tpu.vector_load %arg5[%swap3A_36, %swap3A_37, %swap3A_38] {strides = array<i32>} : memref<2x3x128xi32, #tpu.memory_space<vmem>>, vector<1x1x16xi32>,
    %swap3A_40 = vector.shape_cast %swap3A_39 : vector<1x1x16xi32> to vector<16xi32>
    %swap3A_41 = vector.shape_cast %add3A_34 : vector<16xi32> to vector<1x1x16xi32>
    tpu.vector_store %arg5[%swap3A_36, %swap3A_37, %swap3A_38], %swap3A_41 {strides = array<i32>} : memref<2x3x128xi32, #tpu.memory_space<vmem>>, vector<1x1x16xi32>,
    %get3A_42 = arith.constant 0 : i32
    %get3A_43 = arith.constant 0 : i32
    %get3A_44 = arith.index_cast %get3A_42 : i32 to index
    %get3A_45 = arith.index_cast %get3A_43 : i32 to index
    %get3A_46 = arith.constant 16 : index
    %get3A_47 = tpu.vector_load %arg5[%get3A_44, %get3A_45, %get3A_46] {strides = array<i32>} : memref<2x3x128xi32, #tpu.memory_space<vmem>>, vector<1x1x16xi32>,
    %get3A_48 = vector.shape_cast %get3A_47 : vector<1x1x16xi32> to vector<16xi32>
    %add3A_49 = vector.broadcast %mul3A_20 : i32 to vector<16xi32>
    %add3A_50 = arith.addi %get3A_48, %add3A_49 : vector<16xi32>
    %swap3A_51 = arith.constant 0 : i32
    %swap3A_52 = arith.constant 0 : i32
    %swap3A_53 = arith.index_cast %swap3A_51 : i32 to index
    %swap3A_54 = arith.index_cast %swap3A_52 : i32 to index
    %swap3A_55 = arith.constant 16 : index
    %swap3A_56 = tpu.vector_load %arg5[%swap3A_53, %swap3A_54, %swap3A_55] {strides = array<i32>} : memref<2x3x128xi32, #tpu.memory_space<vmem>>, vector<1x1x16xi32>,
    %swap3A_57 = vector.shape_cast %swap3A_56 : vector<1x1x16xi32> to vector<16xi32>
    %swap3A_58 = vector.shape_cast %add3A_50 : vector<16xi32> to vector<1x1x16xi32>
    tpu.vector_store %arg5[%swap3A_53, %swap3A_54, %swap3A_55], %swap3A_58 {strides = array<i32>} : memref<2x3x128xi32, #tpu.memory_space<vmem>>, vector<1x1x16xi32>,
    %get3A_59 = arith.constant 0 : i32
    %get3A_60 = arith.constant 0 : i32
    %get3A_61 = arith.index_cast %get3A_59 : i32 to index
    %get3A_62 = arith.index_cast %get3A_60 : i32 to index
    %get3A_63 = arith.constant 32 : index
    %get3A_64 = tpu.vector_load %arg5[%get3A_61, %get3A_62, %get3A_63] {strides = array<i32>} : memref<2x3x128xi32, #tpu.memory_space<vmem>>, vector<1x1x16xi32>,
    %get3A_65 = vector.shape_cast %get3A_64 : vector<1x1x16xi32> to vector<16xi32>
    %add3A_66 = vector.broadcast %mul3A_20 : i32 to vector<16xi32>
    %add3A_67 = arith.addi %get3A_65, %add3A_66 : vector<16xi32>
    %swap3A_68 = arith.constant 0 : i32
    %swap3A_69 = arith.constant 0 : i32
    %swap3A_70 = arith.index_cast %swap3A_68 : i32 to index
    %swap3A_71 = arith.index_cast %swap3A_69 : i32 to index
    %swap3A_72 = arith.constant 32 : index
    %swap3A_73 = tpu.vector_load %arg5[%swap3A_70, %swap3A_71, %swap3A_72] {strides = array<i32>} : memref<2x3x128xi32, #tpu.memory_space<vmem>>, vector<1x1x16xi32>,
    %swap3A_74 = vector.shape_cast %swap3A_73 : vector<1x1x16xi32> to vector<16xi32>
    %swap3A_75 = vector.shape_cast %add3A_67 : vector<16xi32> to vector<1x1x16xi32>
    tpu.vector_store %arg5[%swap3A_70, %swap3A_71, %swap3A_72], %swap3A_75 {strides = array<i32>} : memref<2x3x128xi32, #tpu.memory_space<vmem>>, vector<1x1x16xi32>,
    %get3A_76 = arith.constant 0 : i32
    %get3A_77 = arith.constant 0 : i32
    %get3A_78 = arith.index_cast %get3A_76 : i32 to index
    %get3A_79 = arith.index_cast %get3A_77 : i32 to index
    %get3A_80 = arith.constant 48 : index
    %get3A_81 = tpu.vector_load %arg5[%get3A_78, %get3A_79, %get3A_80] {strides = array<i32>} : memref<2x3x128xi32, #tpu.memory_space<vmem>>, vector<1x1x16xi32>,
    %get3A_82 = vector.shape_cast %get3A_81 : vector<1x1x16xi32> to vector<16xi32>
    %add3A_83 = vector.broadcast %mul3A_20 : i32 to vector<16xi32>
    %add3A_84 = arith.addi %get3A_82, %add3A_83 : vector<16xi32>
    %swap3A_85 = arith.constant 0 : i32
    %swap3A_86 = arith.constant 0 : i32
    %swap3A_87 = arith.index_cast %swap3A_85 : i32 to index
    %swap3A_88 = arith.index_cast %swap3A_86 : i32 to index
    %swap3A_89 = arith.constant 48 : index
    %swap3A_90 = tpu.vector_load %arg5[%swap3A_87, %swap3A_88, %swap3A_89] {strides = array<i32>} : memref<2x3x128xi32, #tpu.memory_space<vmem>>, vector<1x1x16xi32>,
    %swap3A_91 = vector.shape_cast %swap3A_90 : vector<1x1x16xi32> to vector<16xi32>
    %swap3A_92 = vector.shape_cast %add3A_84 : vector<16xi32> to vector<1x1x16xi32>
    tpu.vector_store %arg5[%swap3A_87, %swap3A_88, %swap3A_89], %swap3A_92 {strides = array<i32>} : memref<2x3x128xi32, #tpu.memory_space<vmem>>, vector<1x1x16xi32>,
    %get3A_93 = arith.constant 0 : i32
    %get3A_94 = arith.constant 0 : i32
    %get3A_95 = arith.index_cast %get3A_93 : i32 to index
    %get3A_96 = arith.index_cast %get3A_94 : i32 to index
    %get3A_97 = arith.constant 64 : index
    %get3A_98 = tpu.vector_load %arg5[%get3A_95, %get3A_96, %get3A_97] {strides = array<i32>} : memref<2x3x128xi32, #tpu.memory_space<vmem>>, vector<1x1x16xi32>,
    %get3A_99 = vector.shape_cast %get3A_98 : vector<1x1x16xi32> to vector<16xi32>
    %add3A_100 = vector.broadcast %mul3A_20 : i32 to vector<16xi32>
    %add3A_101 = arith.addi %get3A_99, %add3A_100 : vector<16xi32>
    %swap3A_102 = arith.constant 0 : i32
    %swap3A_103 = arith.constant 0 : i32
    %swap3A_104 = arith.index_cast %swap3A_102 : i32 to index
    %swap3A_105 = arith.index_cast %swap3A_103 : i32 to index
    %swap3A_106 = arith.constant 64 : index
    %swap3A_107 = tpu.vector_load %arg5[%swap3A_104, %swap3A_105, %swap3A_106] {strides = array<i32>} : memref<2x3x128xi32, #tpu.memory_space<vmem>>, vector<1x1x16xi32>,
    %swap3A_108 = vector.shape_cast %swap3A_107 : vector<1x1x16xi32> to vector<16xi32>
    %swap3A_109 = vector.shape_cast %add3A_101 : vector<16xi32> to vector<1x1x16xi32>
    tpu.vector_store %arg5[%swap3A_104, %swap3A_105, %swap3A_106], %swap3A_109 {strides = array<i32>} : memref<2x3x128xi32, #tpu.memory_space<vmem>>, vector<1x1x16xi32>,
    %get3A_110 = arith.constant 0 : i32
    %get3A_111 = arith.constant 0 : i32
    %get3A_112 = arith.index_cast %get3A_110 : i32 to index
    %get3A_113 = arith.index_cast %get3A_111 : i32 to index
    %get3A_114 = arith.constant 80 : index
    %get3A_115 = tpu.vector_load %arg5[%get3A_112, %get3A_113, %get3A_114] {strides = array<i32>} : memref<2x3x128xi32, #tpu.memory_space<vmem>>, vector<1x1x16xi32>,
    %get3A_116 = vector.shape_cast %get3A_115 : vector<1x1x16xi32> to vector<16xi32>
    %add3A_117 = vector.broadcast %mul3A_20 : i32 to vector<16xi32>
    %add3A_118 = arith.addi %get3A_116, %add3A_117 : vector<16xi32>
    %swap3A_119 = arith.constant 0 : i32
    %swap3A_120 = arith.constant 0 : i32
    %swap3A_121 = arith.index_cast %swap3A_119 : i32 to index
    %swap3A_122 = arith.index_cast %swap3A_120 : i32 to index
    %swap3A_123 = arith.constant 80 : index
    %swap3A_124 = tpu.vector_load %arg5[%swap3A_121, %swap3A_122, %swap3A_123] {strides = array<i32>} : memref<2x3x128xi32, #tpu.memory_space<vmem>>, vector<1x1x16xi32>,
    %swap3A_125 = vector.shape_cast %swap3A_124 : vector<1x1x16xi32> to vector<16xi32>
    %swap3A_126 = vector.shape_cast %add3A_118 : vector<16xi32> to vector<1x1x16xi32>
    tpu.vector_store %arg5[%swap3A_121, %swap3A_122, %swap3A_123], %swap3A_126 {strides = array<i32>} : memref<2x3x128xi32, #tpu.memory_space<vmem>>, vector<1x1x16xi32>,
    %get3A_127 = arith.constant 0 : i32
    %get3A_128 = arith.constant 0 : i32
    %get3A_129 = arith.index_cast %get3A_127 : i32 to index
    %get3A_130 = arith.index_cast %get3A_128 : i32 to index
    %get3A_131 = arith.constant 96 : index
    %get3A_132 = tpu.vector_load %arg5[%get3A_129, %get3A_130, %get3A_131] {strides = array<i32>} : memref<2x3x128xi32, #tpu.memory_space<vmem>>, vector<1x1x16xi32>,
    %get3A_133 = vector.shape_cast %get3A_132 : vector<1x1x16xi32> to vector<16xi32>
    %add3A_134 = vector.broadcast %mul3A_20 : i32 to vector<16xi32>
    %add3A_135 = arith.addi %get3A_133, %add3A_134 : vector<16xi32>
    %swap3A_136 = arith.constant 0 : i32
    %swap3A_137 = arith.constant 0 : i32
    %swap3A_138 = arith.index_cast %swap3A_136 : i32 to index
    %swap3A_139 = arith.index_cast %swap3A_137 : i32 to index
    %swap3A_140 = arith.constant 96 : index
    %swap3A_141 = tpu.vector_load %arg5[%swap3A_138, %swap3A_139, %swap3A_140] {strides = array<i32>} : memref<2x3x128xi32, #tpu.memory_space<vmem>>, vector<1x1x16xi32>,
    %swap3A_142 = vector.shape_cast %swap3A_141 : vector<1x1x16xi32> to vector<16xi32>
    %swap3A_143 = vector.shape_cast %add3A_135 : vector<16xi32> to vector<1x1x16xi32>
    tpu.vector_store %arg5[%swap3A_138, %swap3A_139, %swap3A_140], %swap3A_143 {strides = array<i32>} : memref<2x3x128xi32, #tpu.memory_space<vmem>>, vector<1x1x16xi32>,
    %get3A_144 = arith.constant 0 : i32
    %get3A_145 = arith.constant 0 : i32
    %get3A_146 = arith.index_cast %get3A_144 : i32 to index
    %get3A_147 = arith.index_cast %get3A_145 : i32 to index
    %get3A_148 = arith.constant 112 : index
    %get3A_149 = tpu.vector_load %arg5[%get3A_146, %get3A_147, %get3A_148] {strides = array<i32>} : memref<2x3x128xi32, #tpu.memory_space<vmem>>, vector<1x1x16xi32>,
    %get3A_150 = vector.shape_cast %get3A_149 : vector<1x1x16xi32> to vector<16xi32>
    %add3A_151 = vector.broadcast %mul3A_20 : i32 to vector<16xi32>
    %add3A_152 = arith.addi %get3A_150, %add3A_151 : vector<16xi32>
    %swap3A_153 = arith.constant 0 : i32
    %swap3A_154 = arith.constant 0 : i32
    %swap3A_155 = arith.index_cast %swap3A_153 : i32 to index
    %swap3A_156 = arith.index_cast %swap3A_154 : i32 to index
    %swap3A_157 = arith.constant 112 : index
    %swap3A_158 = tpu.vector_load %arg5[%swap3A_155, %swap3A_156, %swap3A_157] {strides = array<i32>} : memref<2x3x128xi32, #tpu.memory_space<vmem>>, vector<1x1x16xi32>,
    %swap3A_159 = vector.shape_cast %swap3A_158 : vector<1x1x16xi32> to vector<16xi32>
    %swap3A_160 = vector.shape_cast %add3A_152 : vector<16xi32> to vector<1x1x16xi32>
    tpu.vector_store %arg5[%swap3A_155, %swap3A_156, %swap3A_157], %swap3A_160 {strides = array<i32>} : memref<2x3x128xi32, #tpu.memory_space<vmem>>, vector<1x1x16xi32>,
    %get3A_161 = arith.constant 0 : i32
    %get3A_162 = arith.constant 1 : i32
    %get3A_163 = arith.index_cast %get3A_161 : i32 to index
    %get3A_164 = arith.index_cast %get3A_162 : i32 to index
    %get3A_165 = arith.constant 0 : index
    %get3A_166 = tpu.vector_load %arg5[%get3A_163, %get3A_164, %get3A_165] {strides = array<i32>} : memref<2x3x128xi32, #tpu.memory_space<vmem>>, vector<1x1x16xi32>,
    %get3A_167 = vector.shape_cast %get3A_166 : vector<1x1x16xi32> to vector<16xi32>
    %add3A_168 = vector.broadcast %mul3A_20 : i32 to vector<16xi32>
    %add3A_169 = arith.addi %get3A_167, %add3A_168 : vector<16xi32>
    %swap3A_170 = arith.constant 0 : i32
    %swap3A_171 = arith.constant 1 : i32
    %swap3A_172 = arith.index_cast %swap3A_170 : i32 to index
    %swap3A_173 = arith.index_cast %swap3A_171 : i32 to index
    %swap3A_174 = arith.constant 0 : index
    %swap3A_175 = tpu.vector_load %arg5[%swap3A_172, %swap3A_173, %swap3A_174] {strides = array<i32>} : memref<2x3x128xi32, #tpu.memory_space<vmem>>, vector<1x1x16xi32>,
    %swap3A_176 = vector.shape_cast %swap3A_175 : vector<1x1x16xi32> to vector<16xi32>
    %swap3A_177 = vector.shape_cast %add3A_169 : vector<16xi32> to vector<1x1x16xi32>
    tpu.vector_store %arg5[%swap3A_172, %swap3A_173, %swap3A_174], %swap3A_177 {strides = array<i32>} : memref<2x3x128xi32, #tpu.memory_space<vmem>>, vector<1x1x16xi32>,
    %get3A_178 = arith.constant 0 : i32
    %get3A_179 = arith.constant 1 : i32
    %get3A_180 = arith.index_cast %get3A_178 : i32 to index
    %get3A_181 = arith.index_cast %get3A_179 : i32 to index
    %get3A_182 = arith.constant 16 : index
    %get3A_183 = tpu.vector_load %arg5[%get3A_180, %get3A_181, %get3A_182] {strides = array<i32>} : memref<2x3x128xi32, #tpu.memory_space<vmem>>, vector<1x1x16xi32>,
    %get3A_184 = vector.shape_cast %get3A_183 : vector<1x1x16xi32> to vector<16xi32>
    %add3A_185 = vector.broadcast %mul3A_20 : i32 to vector<16xi32>
    %add3A_186 = arith.addi %get3A_184, %add3A_185 : vector<16xi32>
    %swap3A_187 = arith.constant 0 : i32
    %swap3A_188 = arith.constant 1 : i32
    %swap3A_189 = arith.index_cast %swap3A_187 : i32 to index
    %swap3A_190 = arith.index_cast %swap3A_188 : i32 to index
    %swap3A_191 = arith.constant 16 : index
    %swap3A_192 = tpu.vector_load %arg5[%swap3A_189, %swap3A_190, %swap3A_191] {strides = array<i32>} : memref<2x3x128xi32, #tpu.memory_space<vmem>>, vector<1x1x16xi32>,
    %swap3A_193 = vector.shape_cast %swap3A_192 : vector<1x1x16xi32> to vector<16xi32>
    %swap3A_194 = vector.shape_cast %add3A_186 : vector<16xi32> to vector<1x1x16xi32>
    tpu.vector_store %arg5[%swap3A_189, %swap3A_190, %swap3A_191], %swap3A_194 {strides = array<i32>} : memref<2x3x128xi32, #tpu.memory_space<vmem>>, vector<1x1x16xi32>,
    %get3A_195 = arith.constant 0 : i32
    %get3A_196 = arith.constant 1 : i32
    %get3A_197 = arith.index_cast %get3A_195 : i32 to index
    %get3A_198 = arith.index_cast %get3A_196 : i32 to index
    %get3A_199 = arith.constant 32 : index
    %get3A_200 = tpu.vector_load %arg5[%get3A_197, %get3A_198, %get3A_199] {strides = array<i32>} : memref<2x3x128xi32, #tpu.memory_space<vmem>>, vector<1x1x16xi32>,
    %get3A_201 = vector.shape_cast %get3A_200 : vector<1x1x16xi32> to vector<16xi32>
    %add3A_202 = vector.broadcast %mul3A_20 : i32 to vector<16xi32>
    %add3A_203 = arith.addi %get3A_201, %add3A_202 : vector<16xi32>
    %swap3A_204 = arith.constant 0 : i32
    %swap3A_205 = arith.constant 1 : i32
    %swap3A_206 = arith.index_cast %swap3A_204 : i32 to index
    %swap3A_207 = arith.index_cast %swap3A_205 : i32 to index
    %swap3A_208 = arith.constant 32 : index
    %swap3A_209 = tpu.vector_load %arg5[%swap3A_206, %swap3A_207, %swap3A_208] {strides = array<i32>} : memref<2x3x128xi32, #tpu.memory_space<vmem>>, vector<1x1x16xi32>,
    %swap3A_210 = vector.shape_cast %swap3A_209 : vector<1x1x16xi32> to vector<16xi32>
    %swap3A_211 = vector.shape_cast %add3A_203 : vector<16xi32> to vector<1x1x16xi32>
    tpu.vector_store %arg5[%swap3A_206, %swap3A_207, %swap3A_208], %swap3A_211 {strides = array<i32>} : memref<2x3x128xi32, #tpu.memory_space<vmem>>, vector<1x1x16xi32>,
    %get3A_212 = arith.constant 0 : i32
    %get3A_213 = arith.constant 1 : i32
    %get3A_214 = arith.index_cast %get3A_212 : i32 to index
    %get3A_215 = arith.index_cast %get3A_213 : i32 to index
    %get3A_216 = arith.constant 48 : index
    %get3A_217 = tpu.vector_load %arg5[%get3A_214, %get3A_215, %get3A_216] {strides = array<i32>} : memref<2x3x128xi32, #tpu.memory_space<vmem>>, vector<1x1x16xi32>,
    %get3A_218 = vector.shape_cast %get3A_217 : vector<1x1x16xi32> to vector<16xi32>
    %add3A_219 = vector.broadcast %mul3A_20 : i32 to vector<16xi32>
    %add3A_220 = arith.addi %get3A_218, %add3A_219 : vector<16xi32>
    %swap3A_221 = arith.constant 0 : i32
    %swap3A_222 = arith.constant 1 : i32
    %swap3A_223 = arith.index_cast %swap3A_221 : i32 to index
    %swap3A_224 = arith.index_cast %swap3A_222 : i32 to index
    %swap3A_225 = arith.constant 48 : index
    %swap3A_226 = tpu.vector_load %arg5[%swap3A_223, %swap3A_224, %swap3A_225] {strides = array<i32>} : memref<2x3x128xi32, #tpu.memory_space<vmem>>, vector<1x1x16xi32>,
    %swap3A_227 = vector.shape_cast %swap3A_226 : vector<1x1x16xi32> to vector<16xi32>
    %swap3A_228 = vector.shape_cast %add3A_220 : vector<16xi32> to vector<1x1x16xi32>
    tpu.vector_store %arg5[%swap3A_223, %swap3A_224, %swap3A_225], %swap3A_228 {strides = array<i32>} : memref<2x3x128xi32, #tpu.memory_space<vmem>>, vector<1x1x16xi32>,
    %get3A_229 = arith.constant 0 : i32
    %get3A_230 = arith.constant 1 : i32
    %get3A_231 = arith.index_cast %get3A_229 : i32 to index
    %get3A_232 = arith.index_cast %get3A_230 : i32 to index
    %get3A_233 = arith.constant 64 : index
    %get3A_234 = tpu.vector_load %arg5[%get3A_231, %get3A_232, %get3A_233] {strides = array<i32>} : memref<2x3x128xi32, #tpu.memory_space<vmem>>, vector<1x1x16xi32>,
    %get3A_235 = vector.shape_cast %get3A_234 : vector<1x1x16xi32> to vector<16xi32>
    %add3A_236 = vector.broadcast %mul3A_20 : i32 to vector<16xi32>
    %add3A_237 = arith.addi %get3A_235, %add3A_236 : vector<16xi32>
    %swap3A_238 = arith.constant 0 : i32
    %swap3A_239 = arith.constant 1 : i32
    %swap3A_240 = arith.index_cast %swap3A_238 : i32 to index
    %swap3A_241 = arith.index_cast %swap3A_239 : i32 to index
    %swap3A_242 = arith.constant 64 : index
    %swap3A_243 = tpu.vector_load %arg5[%swap3A_240, %swap3A_241, %swap3A_242] {strides = array<i32>} : memref<2x3x128xi32, #tpu.memory_space<vmem>>, vector<1x1x16xi32>,
    %swap3A_244 = vector.shape_cast %swap3A_243 : vector<1x1x16xi32> to vector<16xi32>
    %swap3A_245 = vector.shape_cast %add3A_237 : vector<16xi32> to vector<1x1x16xi32>
    tpu.vector_store %arg5[%swap3A_240, %swap3A_241, %swap3A_242], %swap3A_245 {strides = array<i32>} : memref<2x3x128xi32, #tpu.memory_space<vmem>>, vector<1x1x16xi32>,
    %get3A_246 = arith.constant 0 : i32
    %get3A_247 = arith.constant 1 : i32
    %get3A_248 = arith.index_cast %get3A_246 : i32 to index
    %get3A_249 = arith.index_cast %get3A_247 : i32 to index
    %get3A_250 = arith.constant 80 : index
    %get3A_251 = tpu.vector_load %arg5[%get3A_248, %get3A_249, %get3A_250] {strides = array<i32>} : memref<2x3x128xi32, #tpu.memory_space<vmem>>, vector<1x1x16xi32>,
    %get3A_252 = vector.shape_cast %get3A_251 : vector<1x1x16xi32> to vector<16xi32>
    %add3A_253 = vector.broadcast %mul3A_20 : i32 to vector<16xi32>
    %add3A_254 = arith.addi %get3A_252, %add3A_253 : vector<16xi32>
    %swap3A_255 = arith.constant 0 : i32
    %swap3A_256 = arith.constant 1 : i32
    %swap3A_257 = arith.index_cast %swap3A_255 : i32 to index
    %swap3A_258 = arith.index_cast %swap3A_256 : i32 to index
    %swap3A_259 = arith.constant 80 : index
    %swap3A_260 = tpu.vector_load %arg5[%swap3A_257, %swap3A_258, %swap3A_259] {strides = array<i32>} : memref<2x3x128xi32, #tpu.memory_space<vmem>>, vector<1x1x16xi32>,
    %swap3A_261 = vector.shape_cast %swap3A_260 : vector<1x1x16xi32> to vector<16xi32>
    %swap3A_262 = vector.shape_cast %add3A_254 : vector<16xi32> to vector<1x1x16xi32>
    tpu.vector_store %arg5[%swap3A_257, %swap3A_258, %swap3A_259], %swap3A_262 {strides = array<i32>} : memref<2x3x128xi32, #tpu.memory_space<vmem>>, vector<1x1x16xi32>,
    %get3A_263 = arith.constant 0 : i32
    %get3A_264 = arith.constant 1 : i32
    %get3A_265 = arith.index_cast %get3A_263 : i32 to index
    %get3A_266 = arith.index_cast %get3A_264 : i32 to index
    %get3A_267 = arith.constant 96 : index
    %get3A_268 = tpu.vector_load %arg5[%get3A_265, %get3A_266, %get3A_267] {strides = array<i32>} : memref<2x3x128xi32, #tpu.memory_space<vmem>>, vector<1x1x16xi32>,
    %get3A_269 = vector.shape_cast %get3A_268 : vector<1x1x16xi32> to vector<16xi32>
    %add3A_270 = vector.broadcast %mul3A_20 : i32 to vector<16xi32>
    %add3A_271 = arith.addi %get3A_269, %add3A_270 : vector<16xi32>
    %swap3A_272 = arith.constant 0 : i32
    %swap3A_273 = arith.constant 1 : i32
    %swap3A_274 = arith.index_cast %swap3A_272 : i32 to index
    %swap3A_275 = arith.index_cast %swap3A_273 : i32 to index
    %swap3A_276 = arith.constant 96 : index
    %swap3A_277 = tpu.vector_load %arg5[%swap3A_274, %swap3A_275, %swap3A_276] {strides = array<i32>} : memref<2x3x128xi32, #tpu.memory_space<vmem>>, vector<1x1x16xi32>,
    %swap3A_278 = vector.shape_cast %swap3A_277 : vector<1x1x16xi32> to vector<16xi32>
    %swap3A_279 = vector.shape_cast %add3A_271 : vector<16xi32> to vector<1x1x16xi32>
    tpu.vector_store %arg5[%swap3A_274, %swap3A_275, %swap3A_276], %swap3A_279 {strides = array<i32>} : memref<2x3x128xi32, #tpu.memory_space<vmem>>, vector<1x1x16xi32>,
    %get3A_280 = arith.constant 0 : i32
    %get3A_281 = arith.constant 1 : i32
    %get3A_282 = arith.index_cast %get3A_280 : i32 to index
    %get3A_283 = arith.index_cast %get3A_281 : i32 to index
    %get3A_284 = arith.constant 112 : index
    %get3A_285 = tpu.vector_load %arg5[%get3A_282, %get3A_283, %get3A_284] {strides = array<i32>} : memref<2x3x128xi32, #tpu.memory_space<vmem>>, vector<1x1x16xi32>,
    %get3A_286 = vector.shape_cast %get3A_285 : vector<1x1x16xi32> to vector<16xi32>
    %add3A_287 = vector.broadcast %mul3A_20 : i32 to vector<16xi32>
    %add3A_288 = arith.addi %get3A_286, %add3A_287 : vector<16xi32>
    %swap3A_289 = arith.constant 0 : i32
    %swap3A_290 = arith.constant 1 : i32
    %swap3A_291 = arith.index_cast %swap3A_289 : i32 to index
    %swap3A_292 = arith.index_cast %swap3A_290 : i32 to index
    %swap3A_293 = arith.constant 112 : index
    %swap3A_294 = tpu.vector_load %arg5[%swap3A_291, %swap3A_292, %swap3A_293] {strides = array<i32>} : memref<2x3x128xi32, #tpu.memory_space<vmem>>, vector<1x1x16xi32>,
    %swap3A_295 = vector.shape_cast %swap3A_294 : vector<1x1x16xi32> to vector<16xi32>
    %swap3A_296 = vector.shape_cast %add3A_288 : vector<16xi32> to vector<1x1x16xi32>
    tpu.vector_store %arg5[%swap3A_291, %swap3A_292, %swap3A_293], %swap3A_296 {strides = array<i32>} : memref<2x3x128xi32, #tpu.memory_space<vmem>>, vector<1x1x16xi32>,
    %get3A_297 = arith.constant 0 : i32
    %get3A_298 = arith.constant 2 : i32
    %get3A_299 = arith.index_cast %get3A_297 : i32 to index
    %get3A_300 = arith.index_cast %get3A_298 : i32 to index
    %get3A_301 = arith.constant 0 : index
    %get3A_302 = tpu.vector_load %arg5[%get3A_299, %get3A_300, %get3A_301] {strides = array<i32>} : memref<2x3x128xi32, #tpu.memory_space<vmem>>, vector<1x1x16xi32>,
    %get3A_303 = vector.shape_cast %get3A_302 : vector<1x1x16xi32> to vector<16xi32>
    %add3A_304 = vector.broadcast %mul3A_20 : i32 to vector<16xi32>
    %add3A_305 = arith.addi %get3A_303, %add3A_304 : vector<16xi32>
    %swap3A_306 = arith.constant 0 : i32
    %swap3A_307 = arith.constant 2 : i32
    %swap3A_308 = arith.index_cast %swap3A_306 : i32 to index
    %swap3A_309 = arith.index_cast %swap3A_307 : i32 to index
    %swap3A_310 = arith.constant 0 : index
    %swap3A_311 = tpu.vector_load %arg5[%swap3A_308, %swap3A_309, %swap3A_310] {strides = array<i32>} : memref<2x3x128xi32, #tpu.memory_space<vmem>>, vector<1x1x16xi32>,
    %swap3A_312 = vector.shape_cast %swap3A_311 : vector<1x1x16xi32> to vector<16xi32>
    %swap3A_313 = vector.shape_cast %add3A_305 : vector<16xi32> to vector<1x1x16xi32>
    tpu.vector_store %arg5[%swap3A_308, %swap3A_309, %swap3A_310], %swap3A_313 {strides = array<i32>} : memref<2x3x128xi32, #tpu.memory_space<vmem>>, vector<1x1x16xi32>,
    %get3A_314 = arith.constant 0 : i32
    %get3A_315 = arith.constant 2 : i32
    %get3A_316 = arith.index_cast %get3A_314 : i32 to index
    %get3A_317 = arith.index_cast %get3A_315 : i32 to index
    %get3A_318 = arith.constant 16 : index
    %get3A_319 = tpu.vector_load %arg5[%get3A_316, %get3A_317, %get3A_318] {strides = array<i32>} : memref<2x3x128xi32, #tpu.memory_space<vmem>>, vector<1x1x16xi32>,
    %get3A_320 = vector.shape_cast %get3A_319 : vector<1x1x16xi32> to vector<16xi32>
    %add3A_321 = vector.broadcast %mul3A_20 : i32 to vector<16xi32>
    %add3A_322 = arith.addi %get3A_320, %add3A_321 : vector<16xi32>
    %swap3A_323 = arith.constant 0 : i32
    %swap3A_324 = arith.constant 2 : i32
    %swap3A_325 = arith.index_cast %swap3A_323 : i32 to index
    %swap3A_326 = arith.index_cast %swap3A_324 : i32 to index
    %swap3A_327 = arith.constant 16 : index
    %swap3A_328 = tpu.vector_load %arg5[%swap3A_325, %swap3A_326, %swap3A_327] {strides = array<i32>} : memref<2x3x128xi32, #tpu.memory_space<vmem>>, vector<1x1x16xi32>,
    %swap3A_329 = vector.shape_cast %swap3A_328 : vector<1x1x16xi32> to vector<16xi32>
    %swap3A_330 = vector.shape_cast %add3A_322 : vector<16xi32> to vector<1x1x16xi32>
    tpu.vector_store %arg5[%swap3A_325, %swap3A_326, %swap3A_327], %swap3A_330 {strides = array<i32>} : memref<2x3x128xi32, #tpu.memory_space<vmem>>, vector<1x1x16xi32>,
    %get3A_331 = arith.constant 0 : i32
    %get3A_332 = arith.constant 2 : i32
    %get3A_333 = arith.index_cast %get3A_331 : i32 to index
    %get3A_334 = arith.index_cast %get3A_332 : i32 to index
    %get3A_335 = arith.constant 32 : index
    %get3A_336 = tpu.vector_load %arg5[%get3A_333, %get3A_334, %get3A_335] {strides = array<i32>} : memref<2x3x128xi32, #tpu.memory_space<vmem>>, vector<1x1x16xi32>,
    %get3A_337 = vector.shape_cast %get3A_336 : vector<1x1x16xi32> to vector<16xi32>
    %add3A_338 = vector.broadcast %mul3A_20 : i32 to vector<16xi32>
    %add3A_339 = arith.addi %get3A_337, %add3A_338 : vector<16xi32>
    %swap3A_340 = arith.constant 0 : i32
    %swap3A_341 = arith.constant 2 : i32
    %swap3A_342 = arith.index_cast %swap3A_340 : i32 to index
    %swap3A_343 = arith.index_cast %swap3A_341 : i32 to index
    %swap3A_344 = arith.constant 32 : index
    %swap3A_345 = tpu.vector_load %arg5[%swap3A_342, %swap3A_343, %swap3A_344] {strides = array<i32>} : memref<2x3x128xi32, #tpu.memory_space<vmem>>, vector<1x1x16xi32>,
    %swap3A_346 = vector.shape_cast %swap3A_345 : vector<1x1x16xi32> to vector<16xi32>
    %swap3A_347 = vector.shape_cast %add3A_339 : vector<16xi32> to vector<1x1x16xi32>
    tpu.vector_store %arg5[%swap3A_342, %swap3A_343, %swap3A_344], %swap3A_347 {strides = array<i32>} : memref<2x3x128xi32, #tpu.memory_space<vmem>>, vector<1x1x16xi32>,
    %get3A_348 = arith.constant 0 : i32
    %get3A_349 = arith.constant 2 : i32
    %get3A_350 = arith.index_cast %get3A_348 : i32 to index
    %get3A_351 = arith.index_cast %get3A_349 : i32 to index
    %get3A_352 = arith.constant 48 : index
    %get3A_353 = tpu.vector_load %arg5[%get3A_350, %get3A_351, %get3A_352] {strides = array<i32>} : memref<2x3x128xi32, #tpu.memory_space<vmem>>, vector<1x1x16xi32>,
    %get3A_354 = vector.shape_cast %get3A_353 : vector<1x1x16xi32> to vector<16xi32>
    %add3A_355 = vector.broadcast %mul3A_20 : i32 to vector<16xi32>
    %add3A_356 = arith.addi %get3A_354, %add3A_355 : vector<16xi32>
    %swap3A_357 = arith.constant 0 : i32
    %swap3A_358 = arith.constant 2 : i32
    %swap3A_359 = arith.index_cast %swap3A_357 : i32 to index
    %swap3A_360 = arith.index_cast %swap3A_358 : i32 to index
    %swap3A_361 = arith.constant 48 : index
    %swap3A_362 = tpu.vector_load %arg5[%swap3A_359, %swap3A_360, %swap3A_361] {strides = array<i32>} : memref<2x3x128xi32, #tpu.memory_space<vmem>>, vector<1x1x16xi32>,
    %swap3A_363 = vector.shape_cast %swap3A_362 : vector<1x1x16xi32> to vector<16xi32>
    %swap3A_364 = vector.shape_cast %add3A_356 : vector<16xi32> to vector<1x1x16xi32>
    tpu.vector_store %arg5[%swap3A_359, %swap3A_360, %swap3A_361], %swap3A_364 {strides = array<i32>} : memref<2x3x128xi32, #tpu.memory_space<vmem>>, vector<1x1x16xi32>,
    %get3A_365 = arith.constant 0 : i32
    %get3A_366 = arith.constant 2 : i32
    %get3A_367 = arith.index_cast %get3A_365 : i32 to index
    %get3A_368 = arith.index_cast %get3A_366 : i32 to index
    %get3A_369 = arith.constant 64 : index
    %get3A_370 = tpu.vector_load %arg5[%get3A_367, %get3A_368, %get3A_369] {strides = array<i32>} : memref<2x3x128xi32, #tpu.memory_space<vmem>>, vector<1x1x16xi32>,
    %get3A_371 = vector.shape_cast %get3A_370 : vector<1x1x16xi32> to vector<16xi32>
    %add3A_372 = vector.broadcast %mul3A_20 : i32 to vector<16xi32>
    %add3A_373 = arith.addi %get3A_371, %add3A_372 : vector<16xi32>
    %swap3A_374 = arith.constant 0 : i32
    %swap3A_375 = arith.constant 2 : i32
    %swap3A_376 = arith.index_cast %swap3A_374 : i32 to index
    %swap3A_377 = arith.index_cast %swap3A_375 : i32 to index
    %swap3A_378 = arith.constant 64 : index
    %swap3A_379 = tpu.vector_load %arg5[%swap3A_376, %swap3A_377, %swap3A_378] {strides = array<i32>} : memref<2x3x128xi32, #tpu.memory_space<vmem>>, vector<1x1x16xi32>,
    %swap3A_380 = vector.shape_cast %swap3A_379 : vector<1x1x16xi32> to vector<16xi32>
    %swap3A_381 = vector.shape_cast %add3A_373 : vector<16xi32> to vector<1x1x16xi32>
    tpu.vector_store %arg5[%swap3A_376, %swap3A_377, %swap3A_378], %swap3A_381 {strides = array<i32>} : memref<2x3x128xi32, #tpu.memory_space<vmem>>, vector<1x1x16xi32>,
    %get3A_382 = arith.constant 0 : i32
    %get3A_383 = arith.constant 2 : i32
    %get3A_384 = arith.index_cast %get3A_382 : i32 to index
    %get3A_385 = arith.index_cast %get3A_383 : i32 to index
    %get3A_386 = arith.constant 80 : index
    %get3A_387 = tpu.vector_load %arg5[%get3A_384, %get3A_385, %get3A_386] {strides = array<i32>} : memref<2x3x128xi32, #tpu.memory_space<vmem>>, vector<1x1x16xi32>,
    %get3A_388 = vector.shape_cast %get3A_387 : vector<1x1x16xi32> to vector<16xi32>
    %add3A_389 = vector.broadcast %mul3A_20 : i32 to vector<16xi32>
    %add3A_390 = arith.addi %get3A_388, %add3A_389 : vector<16xi32>
    %swap3A_391 = arith.constant 0 : i32
    %swap3A_392 = arith.constant 2 : i32
    %swap3A_393 = arith.index_cast %swap3A_391 : i32 to index
    %swap3A_394 = arith.index_cast %swap3A_392 : i32 to index
    %swap3A_395 = arith.constant 80 : index
    %swap3A_396 = tpu.vector_load %arg5[%swap3A_393, %swap3A_394, %swap3A_395] {strides = array<i32>} : memref<2x3x128xi32, #tpu.memory_space<vmem>>, vector<1x1x16xi32>,
    %swap3A_397 = vector.shape_cast %swap3A_396 : vector<1x1x16xi32> to vector<16xi32>
    %swap3A_398 = vector.shape_cast %add3A_390 : vector<16xi32> to vector<1x1x16xi32>
    tpu.vector_store %arg5[%swap3A_393, %swap3A_394, %swap3A_395], %swap3A_398 {strides = array<i32>} : memref<2x3x128xi32, #tpu.memory_space<vmem>>, vector<1x1x16xi32>,
    %get3A_399 = arith.constant 0 : i32
    %get3A_400 = arith.constant 2 : i32
    %get3A_401 = arith.index_cast %get3A_399 : i32 to index
    %get3A_402 = arith.index_cast %get3A_400 : i32 to index
    %get3A_403 = arith.constant 96 : index
    %get3A_404 = tpu.vector_load %arg5[%get3A_401, %get3A_402, %get3A_403] {strides = array<i32>} : memref<2x3x128xi32, #tpu.memory_space<vmem>>, vector<1x1x16xi32>,
    %get3A_405 = vector.shape_cast %get3A_404 : vector<1x1x16xi32> to vector<16xi32>
    %add3A_406 = vector.broadcast %mul3A_20 : i32 to vector<16xi32>
    %add3A_407 = arith.addi %get3A_405, %add3A_406 : vector<16xi32>
    %swap3A_408 = arith.constant 0 : i32
    %swap3A_409 = arith.constant 2 : i32
    %swap3A_410 = arith.index_cast %swap3A_408 : i32 to index
    %swap3A_411 = arith.index_cast %swap3A_409 : i32 to index
    %swap3A_412 = arith.constant 96 : index
    %swap3A_413 = tpu.vector_load %arg5[%swap3A_410, %swap3A_411, %swap3A_412] {strides = array<i32>} : memref<2x3x128xi32, #tpu.memory_space<vmem>>, vector<1x1x16xi32>,
    %swap3A_414 = vector.shape_cast %swap3A_413 : vector<1x1x16xi32> to vector<16xi32>
    %swap3A_415 = vector.shape_cast %add3A_407 : vector<16xi32> to vector<1x1x16xi32>
    tpu.vector_store %arg5[%swap3A_410, %swap3A_411, %swap3A_412], %swap3A_415 {strides = array<i32>} : memref<2x3x128xi32, #tpu.memory_space<vmem>>, vector<1x1x16xi32>,
    %get3A_416 = arith.constant 0 : i32
    %get3A_417 = arith.constant 2 : i32
    %get3A_418 = arith.index_cast %get3A_416 : i32 to index
    %get3A_419 = arith.index_cast %get3A_417 : i32 to index
    %get3A_420 = arith.constant 112 : index
    %get3A_421 = tpu.vector_load %arg5[%get3A_418, %get3A_419, %get3A_420] {strides = array<i32>} : memref<2x3x128xi32, #tpu.memory_space<vmem>>, vector<1x1x16xi32>,
    %get3A_422 = vector.shape_cast %get3A_421 : vector<1x1x16xi32> to vector<16xi32>
    %add3A_423 = vector.broadcast %mul3A_20 : i32 to vector<16xi32>
    %add3A_424 = arith.addi %get3A_422, %add3A_423 : vector<16xi32>
    %swap3A_425 = arith.constant 0 : i32
    %swap3A_426 = arith.constant 2 : i32
    %swap3A_427 = arith.index_cast %swap3A_425 : i32 to index
    %swap3A_428 = arith.index_cast %swap3A_426 : i32 to index
    %swap3A_429 = arith.constant 112 : index
    %swap3A_430 = tpu.vector_load %arg5[%swap3A_427, %swap3A_428, %swap3A_429] {strides = array<i32>} : memref<2x3x128xi32, #tpu.memory_space<vmem>>, vector<1x1x16xi32>,
    %swap3A_431 = vector.shape_cast %swap3A_430 : vector<1x1x16xi32> to vector<16xi32>
    %swap3A_432 = vector.shape_cast %add3A_424 : vector<16xi32> to vector<1x1x16xi32>
    tpu.vector_store %arg5[%swap3A_427, %swap3A_428, %swap3A_429], %swap3A_432 {strides = array<i32>} : memref<2x3x128xi32, #tpu.memory_space<vmem>>, vector<1x1x16xi32>,
    %dma_start3A = arith.constant 0 : i32
    %dma_start3A_433 = arith.constant 0 : i32
    %dma_start3A_434 = arith.constant 0 : i32
    %dma_start3A_435 = arith.constant 0 : i32
    %dma_start3A_436 = arith.constant 0 : i32
    %dma_start3A_437 = tpu.memref_slice %arg6[%dma_start3A_434, %dma_start3A_435, %dma_start3A_436] : memref<2x384x64xf32, #tpu.memory_space<vmem>> -> memref<1x128x64xf32, #tpu.memory_space<vmem>>
    %dma_start3A_438 = tpu.memref_squeeze %dma_start3A_437 : memref<1x128x64xf32, #tpu.memory_space<vmem>> -> memref<128x64xf32, #tpu.memory_space<vmem>>
    %dma_start3A_439 = arith.constant 0 : i32
    %dma_start3A_440 = tpu.memref_slice %arg5[%dma_start3A, %dma_start3A_433, %dma_start3A_439] : memref<2x3x128xi32, #tpu.memory_space<vmem>> -> memref<1x1x128xi32, #tpu.memory_space<vmem>>
    %dma_start3A_441 = tpu.memref_squeeze %dma_start3A_440 : memref<1x1x128xi32, #tpu.memory_space<vmem>> -> memref<128xi32, #tpu.memory_space<vmem>>
    %dma_start3A_442 = arith.constant 0 : i32
    %dma_start3A_443 = arith.constant 0 : i32
    %dma_start3A_444 = tpu.memref_slice %arg3[%dma_start3A_442, %dma_start3A_443] : memref<32768x64xf32, #tpu.memory_space<hbm>> -> memref<32768x64xf32, #tpu.memory_space<hbm>>
    tpu.enqueue_indirect_dma source(%dma_start3A_444 : memref<32768x64xf32, #tpu.memory_space<hbm>>) target(%dma_start3A_438 : memref<128x64xf32, #tpu.memory_space<vmem>>) offsets(%dma_start3A_441 : memref<128xi32, #tpu.memory_space<vmem>>) semaphore(%arg8 : memref<!tpu.dma_semaphore, #tpu.memory_space<semaphore_mem>>)
    %dma_start3A_445 = arith.constant 0 : i32
    %dma_start3A_446 = arith.constant 1 : i32
    %dma_start3A_447 = arith.constant 0 : i32
    %dma_start3A_448 = arith.constant 128 : i32
    %dma_start3A_449 = arith.constant 0 : i32
    %dma_start3A_450 = tpu.memref_slice %arg6[%dma_start3A_447, %dma_start3A_448, %dma_start3A_449] : memref<2x384x64xf32, #tpu.memory_space<vmem>> -> memref<1x128x64xf32, #tpu.memory_space<vmem>>
    %dma_start3A_451 = tpu.memref_squeeze %dma_start3A_450 : memref<1x128x64xf32, #tpu.memory_space<vmem>> -> memref<128x64xf32, #tpu.memory_space<vmem>>
    %dma_start3A_452 = arith.constant 0 : i32
    %dma_start3A_453 = tpu.memref_slice %arg5[%dma_start3A_445, %dma_start3A_446, %dma_start3A_452] : memref<2x3x128xi32, #tpu.memory_space<vmem>> -> memref<1x1x128xi32, #tpu.memory_space<vmem>>
    %dma_start3A_454 = tpu.memref_squeeze %dma_start3A_453 : memref<1x1x128xi32, #tpu.memory_space<vmem>> -> memref<128xi32, #tpu.memory_space<vmem>>
    %dma_start3A_455 = arith.constant 0 : i32
    %dma_start3A_456 = arith.constant 0 : i32
    %dma_start3A_457 = tpu.memref_slice %arg3[%dma_start3A_455, %dma_start3A_456] : memref<32768x64xf32, #tpu.memory_space<hbm>> -> memref<32768x64xf32, #tpu.memory_space<hbm>>
    tpu.enqueue_indirect_dma source(%dma_start3A_457 : memref<32768x64xf32, #tpu.memory_space<hbm>>) target(%dma_start3A_451 : memref<128x64xf32, #tpu.memory_space<vmem>>) offsets(%dma_start3A_454 : memref<128xi32, #tpu.memory_space<vmem>>) semaphore(%arg8 : memref<!tpu.dma_semaphore, #tpu.memory_space<semaphore_mem>>)
    %dma_start3A_458 = arith.constant 0 : i32
    %dma_start3A_459 = arith.constant 2 : i32
    %dma_start3A_460 = arith.constant 0 : i32
    %dma_start3A_461 = arith.constant 256 : i32
    %dma_start3A_462 = arith.constant 0 : i32
    %dma_start3A_463 = tpu.memref_slice %arg6[%dma_start3A_460, %dma_start3A_461, %dma_start3A_462] : memref<2x384x64xf32, #tpu.memory_space<vmem>> -> memref<1x128x64xf32, #tpu.memory_space<vmem>>
    %dma_start3A_464 = tpu.memref_squeeze %dma_start3A_463 : memref<1x128x64xf32, #tpu.memory_space<vmem>> -> memref<128x64xf32, #tpu.memory_space<vmem>>
    %dma_start3A_465 = arith.constant 0 : i32
    %dma_start3A_466 = tpu.memref_slice %arg5[%dma_start3A_458, %dma_start3A_459, %dma_start3A_465] : memref<2x3x128xi32, #tpu.memory_space<vmem>> -> memref<1x1x128xi32, #tpu.memory_space<vmem>>
    %dma_start3A_467 = tpu.memref_squeeze %dma_start3A_466 : memref<1x1x128xi32, #tpu.memory_space<vmem>> -> memref<128xi32, #tpu.memory_space<vmem>>
    %dma_start3A_468 = arith.constant 0 : i32
    %dma_start3A_469 = arith.constant 0 : i32
    %dma_start3A_470 = tpu.memref_slice %arg3[%dma_start3A_468, %dma_start3A_469] : memref<32768x64xf32, #tpu.memory_space<hbm>> -> memref<32768x64xf32, #tpu.memory_space<hbm>>
    tpu.enqueue_indirect_dma source(%dma_start3A_470 : memref<32768x64xf32, #tpu.memory_space<hbm>>) target(%dma_start3A_464 : memref<128x64xf32, #tpu.memory_space<vmem>>) offsets(%dma_start3A_467 : memref<128xi32, #tpu.memory_space<vmem>>) semaphore(%arg8 : memref<!tpu.dma_semaphore, #tpu.memory_space<semaphore_mem>>)
    %mul3A_471 = arith.constant 32 : i32
    %mul3A_472 = arith.muli %add3A, %mul3A_471 : i32
    %add3A_473 = arith.constant 1 : i32
    %add3A_474 = arith.addi %mul3A_472, %add3A_473 : i32
    %mul3A_475 = arith.constant 3 : i32
    %mul3A_476 = arith.muli %mul3A_475, %add3A_474 : i32
    %run_scoped3A_477 = arith.constant 1 : i32
    "tpu.region"() ({
      %run_scoped3A_959 = tpu.sem_alloc : memref<!tpu.dma_semaphore, #tpu.memory_space<semaphore_mem>>
      %dma_start3A_960 = arith.constant 0 : i32
      %dma_start3A_961 = arith.constant 0 : i32
      %dma_start3A_962 = tpu.memref_slice %arg5[%run_scoped3A_477, %dma_start3A_960, %dma_start3A_961] : memref<2x3x128xi32, #tpu.memory_space<vmem>> -> memref<1x3x128xi32, #tpu.memory_space<vmem>>
      %dma_start3A_963 = tpu.memref_squeeze %dma_start3A_962 : memref<1x3x128xi32, #tpu.memory_space<vmem>> -> memref<3x128xi32, #tpu.memory_space<vmem>>
      %dma_start3A_964 = arith.constant 0 : i32
      %dma_start3A_965 = tpu.memref_slice %arg2[%mul3A_476, %dma_start3A_964] : memref<3072x128xi32, #tpu.memory_space<hbm>> -> memref<3x128xi32, #tpu.memory_space<hbm>>
      %dma_start3A_966 = arith.constant 0 : i32
      %dma_start3A_967 = arith.constant 0 : i32
      %dma_start3A_968 = tpu.memref_slice %arg5[%run_scoped3A_477, %dma_start3A_966, %dma_start3A_967] : memref<2x3x128xi32, #tpu.memory_space<vmem>> -> memref<1x3x128xi32, #tpu.memory_space<vmem>>
      %dma_start3A_969 = tpu.memref_squeeze %dma_start3A_968 : memref<1x3x128xi32, #tpu.memory_space<vmem>> -> memref<3x128xi32, #tpu.memory_space<vmem>>
      %dma_start3A_970 = arith.constant 0 : i32
      %dma_start3A_971 = tpu.memref_slice %arg2[%mul3A_476, %dma_start3A_970] : memref<3072x128xi32, #tpu.memory_space<hbm>> -> memref<3x128xi32, #tpu.memory_space<hbm>>
      tpu.enqueue_dma source(%dma_start3A_971 : memref<3x128xi32, #tpu.memory_space<hbm>>) target(%dma_start3A_969 : memref<3x128xi32, #tpu.memory_space<vmem>>) target_semaphore(%run_scoped3A_959 : memref<!tpu.dma_semaphore, #tpu.memory_space<semaphore_mem>>)
      %dma_wait3A_972 = arith.constant 0 : i32
      %dma_wait3A_973 = arith.constant 0 : i32
      %dma_wait3A_974 = tpu.memref_slice %arg5[%run_scoped3A_477, %dma_wait3A_972, %dma_wait3A_973] : memref<2x3x128xi32, #tpu.memory_space<vmem>> -> memref<1x3x128xi32, #tpu.memory_space<vmem>>
      %dma_wait3A_975 = tpu.memref_squeeze %dma_wait3A_974 : memref<1x3x128xi32, #tpu.memory_space<vmem>> -> memref<3x128xi32, #tpu.memory_space<vmem>>
      %dma_wait3A_976 = arith.constant 0 : i32
      %dma_wait3A_977 = tpu.memref_slice %arg2[%mul3A_476, %dma_wait3A_976] : memref<3072x128xi32, #tpu.memory_space<hbm>> -> memref<3x128xi32, #tpu.memory_space<hbm>>
      %dma_wait3A_978 = arith.constant 0 : i32
      %dma_wait3A_979 = arith.constant 0 : i32
      %dma_wait3A_980 = tpu.memref_slice %arg5[%run_scoped3A_477, %dma_wait3A_978, %dma_wait3A_979] : memref<2x3x128xi32, #tpu.memory_space<vmem>> -> memref<1x3x128xi32, #tpu.memory_space<vmem>>
      %dma_wait3A_981 = tpu.memref_squeeze %dma_wait3A_980 : memref<1x3x128xi32, #tpu.memory_space<vmem>> -> memref<3x128xi32, #tpu.memory_space<vmem>>
      %dma_wait3A_982 = arith.constant 0 : i32
      %dma_wait3A_983 = tpu.memref_slice %arg2[%mul3A_476, %dma_wait3A_982] : memref<3072x128xi32, #tpu.memory_space<hbm>> -> memref<3x128xi32, #tpu.memory_space<hbm>>
      tpu.wait_dma2 semaphore(%run_scoped3A_959 : memref<!tpu.dma_semaphore, #tpu.memory_space<semaphore_mem>>) src(%dma_wait3A_983 : memref<3x128xi32, #tpu.memory_space<hbm>>) dst(%dma_wait3A_981 : memref<3x128xi32, #tpu.memory_space<vmem>>)
      tpu.yield
    }) : () -> ()
    %get3A_478 = arith.constant 1 : i32
    %get3A_479 = arith.constant 0 : i32
    %get3A_480 = arith.index_cast %get3A_478 : i32 to index
    %get3A_481 = arith.index_cast %get3A_479 : i32 to index
    %get3A_482 = arith.constant 0 : index
    %get3A_483 = tpu.vector_load %arg5[%get3A_480, %get3A_481, %get3A_482] {strides = array<i32>} : memref<2x3x128xi32, #tpu.memory_space<vmem>>, vector<1x1x16xi32>,
    %get3A_484 = vector.shape_cast %get3A_483 : vector<1x1x16xi32> to vector<16xi32>
    %add3A_485 = vector.broadcast %mul3A_20 : i32 to vector<16xi32>
    %add3A_486 = arith.addi %get3A_484, %add3A_485 : vector<16xi32>
    %swap3A_487 = arith.constant 1 : i32
    %swap3A_488 = arith.constant 0 : i32
    %swap3A_489 = arith.index_cast %swap3A_487 : i32 to index
    %swap3A_490 = arith.index_cast %swap3A_488 : i32 to index
    %swap3A_491 = arith.constant 0 : index
    %swap3A_492 = tpu.vector_load %arg5[%swap3A_489, %swap3A_490, %swap3A_491] {strides = array<i32>} : memref<2x3x128xi32, #tpu.memory_space<vmem>>, vector<1x1x16xi32>,
    %swap3A_493 = vector.shape_cast %swap3A_492 : vector<1x1x16xi32> to vector<16xi32>
    %swap3A_494 = vector.shape_cast %add3A_486 : vector<16xi32> to vector<1x1x16xi32>
    tpu.vector_store %arg5[%swap3A_489, %swap3A_490, %swap3A_491], %swap3A_494 {strides = array<i32>} : memref<2x3x128xi32, #tpu.memory_space<vmem>>, vector<1x1x16xi32>,
    %get3A_495 = arith.constant 1 : i32
    %get3A_496 = arith.constant 0 : i32
    %get3A_497 = arith.index_cast %get3A_495 : i32 to index
    %get3A_498 = arith.index_cast %get3A_496 : i32 to index
    %get3A_499 = arith.constant 16 : index
    %get3A_500 = tpu.vector_load %arg5[%get3A_497, %get3A_498, %get3A_499] {strides = array<i32>} : memref<2x3x128xi32, #tpu.memory_space<vmem>>, vector<1x1x16xi32>,
    %get3A_501 = vector.shape_cast %get3A_500 : vector<1x1x16xi32> to vector<16xi32>
    %add3A_502 = vector.broadcast %mul3A_20 : i32 to vector<16xi32>
    %add3A_503 = arith.addi %get3A_501, %add3A_502 : vector<16xi32>
    %swap3A_504 = arith.constant 1 : i32
    %swap3A_505 = arith.constant 0 : i32
    %swap3A_506 = arith.index_cast %swap3A_504 : i32 to index
    %swap3A_507 = arith.index_cast %swap3A_505 : i32 to index
    %swap3A_508 = arith.constant 16 : index
    %swap3A_509 = tpu.vector_load %arg5[%swap3A_506, %swap3A_507, %swap3A_508] {strides = array<i32>} : memref<2x3x128xi32, #tpu.memory_space<vmem>>, vector<1x1x16xi32>,
    %swap3A_510 = vector.shape_cast %swap3A_509 : vector<1x1x16xi32> to vector<16xi32>
    %swap3A_511 = vector.shape_cast %add3A_503 : vector<16xi32> to vector<1x1x16xi32>
    tpu.vector_store %arg5[%swap3A_506, %swap3A_507, %swap3A_508], %swap3A_511 {strides = array<i32>} : memref<2x3x128xi32, #tpu.memory_space<vmem>>, vector<1x1x16xi32>,
    %get3A_512 = arith.constant 1 : i32
    %get3A_513 = arith.constant 0 : i32
    %get3A_514 = arith.index_cast %get3A_512 : i32 to index
    %get3A_515 = arith.index_cast %get3A_513 : i32 to index
    %get3A_516 = arith.constant 32 : index
    %get3A_517 = tpu.vector_load %arg5[%get3A_514, %get3A_515, %get3A_516] {strides = array<i32>} : memref<2x3x128xi32, #tpu.memory_space<vmem>>, vector<1x1x16xi32>,
    %get3A_518 = vector.shape_cast %get3A_517 : vector<1x1x16xi32> to vector<16xi32>
    %add3A_519 = vector.broadcast %mul3A_20 : i32 to vector<16xi32>
    %add3A_520 = arith.addi %get3A_518, %add3A_519 : vector<16xi32>
    %swap3A_521 = arith.constant 1 : i32
    %swap3A_522 = arith.constant 0 : i32
    %swap3A_523 = arith.index_cast %swap3A_521 : i32 to index
    %swap3A_524 = arith.index_cast %swap3A_522 : i32 to index
    %swap3A_525 = arith.constant 32 : index
    %swap3A_526 = tpu.vector_load %arg5[%swap3A_523, %swap3A_524, %swap3A_525] {strides = array<i32>} : memref<2x3x128xi32, #tpu.memory_space<vmem>>, vector<1x1x16xi32>,
    %swap3A_527 = vector.shape_cast %swap3A_526 : vector<1x1x16xi32> to vector<16xi32>
    %swap3A_528 = vector.shape_cast %add3A_520 : vector<16xi32> to vector<1x1x16xi32>
    tpu.vector_store %arg5[%swap3A_523, %swap3A_524, %swap3A_525], %swap3A_528 {strides = array<i32>} : memref<2x3x128xi32, #tpu.memory_space<vmem>>, vector<1x1x16xi32>,
    %get3A_529 = arith.constant 1 : i32
    %get3A_530 = arith.constant 0 : i32
    %get3A_531 = arith.index_cast %get3A_529 : i32 to index
    %get3A_532 = arith.index_cast %get3A_530 : i32 to index
    %get3A_533 = arith.constant 48 : index
    %get3A_534 = tpu.vector_load %arg5[%get3A_531, %get3A_532, %get3A_533] {strides = array<i32>} : memref<2x3x128xi32, #tpu.memory_space<vmem>>, vector<1x1x16xi32>,
    %get3A_535 = vector.shape_cast %get3A_534 : vector<1x1x16xi32> to vector<16xi32>
    %add3A_536 = vector.broadcast %mul3A_20 : i32 to vector<16xi32>
    %add3A_537 = arith.addi %get3A_535, %add3A_536 : vector<16xi32>
    %swap3A_538 = arith.constant 1 : i32
    %swap3A_539 = arith.constant 0 : i32
    %swap3A_540 = arith.index_cast %swap3A_538 : i32 to index
    %swap3A_541 = arith.index_cast %swap3A_539 : i32 to index
    %swap3A_542 = arith.constant 48 : index
    %swap3A_543 = tpu.vector_load %arg5[%swap3A_540, %swap3A_541, %swap3A_542] {strides = array<i32>} : memref<2x3x128xi32, #tpu.memory_space<vmem>>, vector<1x1x16xi32>,
    %swap3A_544 = vector.shape_cast %swap3A_543 : vector<1x1x16xi32> to vector<16xi32>
    %swap3A_545 = vector.shape_cast %add3A_537 : vector<16xi32> to vector<1x1x16xi32>
    tpu.vector_store %arg5[%swap3A_540, %swap3A_541, %swap3A_542], %swap3A_545 {strides = array<i32>} : memref<2x3x128xi32, #tpu.memory_space<vmem>>, vector<1x1x16xi32>,
    %get3A_546 = arith.constant 1 : i32
    %get3A_547 = arith.constant 0 : i32
    %get3A_548 = arith.index_cast %get3A_546 : i32 to index
    %get3A_549 = arith.index_cast %get3A_547 : i32 to index
    %get3A_550 = arith.constant 64 : index
    %get3A_551 = tpu.vector_load %arg5[%get3A_548, %get3A_549, %get3A_550] {strides = array<i32>} : memref<2x3x128xi32, #tpu.memory_space<vmem>>, vector<1x1x16xi32>,
    %get3A_552 = vector.shape_cast %get3A_551 : vector<1x1x16xi32> to vector<16xi32>
    %add3A_553 = vector.broadcast %mul3A_20 : i32 to vector<16xi32>
    %add3A_554 = arith.addi %get3A_552, %add3A_553 : vector<16xi32>
    %swap3A_555 = arith.constant 1 : i32
    %swap3A_556 = arith.constant 0 : i32
    %swap3A_557 = arith.index_cast %swap3A_555 : i32 to index
    %swap3A_558 = arith.index_cast %swap3A_556 : i32 to index
    %swap3A_559 = arith.constant 64 : index
    %swap3A_560 = tpu.vector_load %arg5[%swap3A_557, %swap3A_558, %swap3A_559] {strides = array<i32>} : memref<2x3x128xi32, #tpu.memory_space<vmem>>, vector<1x1x16xi32>,
    %swap3A_561 = vector.shape_cast %swap3A_560 : vector<1x1x16xi32> to vector<16xi32>
    %swap3A_562 = vector.shape_cast %add3A_554 : vector<16xi32> to vector<1x1x16xi32>
    tpu.vector_store %arg5[%swap3A_557, %swap3A_558, %swap3A_559], %swap3A_562 {strides = array<i32>} : memref<2x3x128xi32, #tpu.memory_space<vmem>>, vector<1x1x16xi32>,
    %get3A_563 = arith.constant 1 : i32
    %get3A_564 = arith.constant 0 : i32
    %get3A_565 = arith.index_cast %get3A_563 : i32 to index
    %get3A_566 = arith.index_cast %get3A_564 : i32 to index
    %get3A_567 = arith.constant 80 : index
    %get3A_568 = tpu.vector_load %arg5[%get3A_565, %get3A_566, %get3A_567] {strides = array<i32>} : memref<2x3x128xi32, #tpu.memory_space<vmem>>, vector<1x1x16xi32>,
    %get3A_569 = vector.shape_cast %get3A_568 : vector<1x1x16xi32> to vector<16xi32>
    %add3A_570 = vector.broadcast %mul3A_20 : i32 to vector<16xi32>
    %add3A_571 = arith.addi %get3A_569, %add3A_570 : vector<16xi32>
    %swap3A_572 = arith.constant 1 : i32
    %swap3A_573 = arith.constant 0 : i32
    %swap3A_574 = arith.index_cast %swap3A_572 : i32 to index
    %swap3A_575 = arith.index_cast %swap3A_573 : i32 to index
    %swap3A_576 = arith.constant 80 : index
    %swap3A_577 = tpu.vector_load %arg5[%swap3A_574, %swap3A_575, %swap3A_576] {strides = array<i32>} : memref<2x3x128xi32, #tpu.memory_space<vmem>>, vector<1x1x16xi32>,
    %swap3A_578 = vector.shape_cast %swap3A_577 : vector<1x1x16xi32> to vector<16xi32>
    %swap3A_579 = vector.shape_cast %add3A_571 : vector<16xi32> to vector<1x1x16xi32>
    tpu.vector_store %arg5[%swap3A_574, %swap3A_575, %swap3A_576], %swap3A_579 {strides = array<i32>} : memref<2x3x128xi32, #tpu.memory_space<vmem>>, vector<1x1x16xi32>,
    %get3A_580 = arith.constant 1 : i32
    %get3A_581 = arith.constant 0 : i32
    %get3A_582 = arith.index_cast %get3A_580 : i32 to index
    %get3A_583 = arith.index_cast %get3A_581 : i32 to index
    %get3A_584 = arith.constant 96 : index
    %get3A_585 = tpu.vector_load %arg5[%get3A_582, %get3A_583, %get3A_584] {strides = array<i32>} : memref<2x3x128xi32, #tpu.memory_space<vmem>>, vector<1x1x16xi32>,
    %get3A_586 = vector.shape_cast %get3A_585 : vector<1x1x16xi32> to vector<16xi32>
    %add3A_587 = vector.broadcast %mul3A_20 : i32 to vector<16xi32>
    %add3A_588 = arith.addi %get3A_586, %add3A_587 : vector<16xi32>
    %swap3A_589 = arith.constant 1 : i32
    %swap3A_590 = arith.constant 0 : i32
    %swap3A_591 = arith.index_cast %swap3A_589 : i32 to index
    %swap3A_592 = arith.index_cast %swap3A_590 : i32 to index
    %swap3A_593 = arith.constant 96 : index
    %swap3A_594 = tpu.vector_load %arg5[%swap3A_591, %swap3A_592, %swap3A_593] {strides = array<i32>} : memref<2x3x128xi32, #tpu.memory_space<vmem>>, vector<1x1x16xi32>,
    %swap3A_595 = vector.shape_cast %swap3A_594 : vector<1x1x16xi32> to vector<16xi32>
    %swap3A_596 = vector.shape_cast %add3A_588 : vector<16xi32> to vector<1x1x16xi32>
    tpu.vector_store %arg5[%swap3A_591, %swap3A_592, %swap3A_593], %swap3A_596 {strides = array<i32>} : memref<2x3x128xi32, #tpu.memory_space<vmem>>, vector<1x1x16xi32>,
    %get3A_597 = arith.constant 1 : i32
    %get3A_598 = arith.constant 0 : i32
    %get3A_599 = arith.index_cast %get3A_597 : i32 to index
    %get3A_600 = arith.index_cast %get3A_598 : i32 to index
    %get3A_601 = arith.constant 112 : index
    %get3A_602 = tpu.vector_load %arg5[%get3A_599, %get3A_600, %get3A_601] {strides = array<i32>} : memref<2x3x128xi32, #tpu.memory_space<vmem>>, vector<1x1x16xi32>,
    %get3A_603 = vector.shape_cast %get3A_602 : vector<1x1x16xi32> to vector<16xi32>
    %add3A_604 = vector.broadcast %mul3A_20 : i32 to vector<16xi32>
    %add3A_605 = arith.addi %get3A_603, %add3A_604 : vector<16xi32>
    %swap3A_606 = arith.constant 1 : i32
    %swap3A_607 = arith.constant 0 : i32
    %swap3A_608 = arith.index_cast %swap3A_606 : i32 to index
    %swap3A_609 = arith.index_cast %swap3A_607 : i32 to index
    %swap3A_610 = arith.constant 112 : index
    %swap3A_611 = tpu.vector_load %arg5[%swap3A_608, %swap3A_609, %swap3A_610] {strides = array<i32>} : memref<2x3x128xi32, #tpu.memory_space<vmem>>, vector<1x1x16xi32>,
    %swap3A_612 = vector.shape_cast %swap3A_611 : vector<1x1x16xi32> to vector<16xi32>
    %swap3A_613 = vector.shape_cast %add3A_605 : vector<16xi32> to vector<1x1x16xi32>
    tpu.vector_store %arg5[%swap3A_608, %swap3A_609, %swap3A_610], %swap3A_613 {strides = array<i32>} : memref<2x3x128xi32, #tpu.memory_space<vmem>>, vector<1x1x16xi32>,
    %get3A_614 = arith.constant 1 : i32
    %get3A_615 = arith.constant 1 : i32
    %get3A_616 = arith.index_cast %get3A_614 : i32 to index
    %get3A_617 = arith.index_cast %get3A_615 : i32 to index
    %get3A_618 = arith.constant 0 : index
    %get3A_619 = tpu.vector_load %arg5[%get3A_616, %get3A_617, %get3A_618] {strides = array<i32>} : memref<2x3x128xi32, #tpu.memory_space<vmem>>, vector<1x1x16xi32>,
    %get3A_620 = vector.shape_cast %get3A_619 : vector<1x1x16xi32> to vector<16xi32>
    %add3A_621 = vector.broadcast %mul3A_20 : i32 to vector<16xi32>
    %add3A_622 = arith.addi %get3A_620, %add3A_621 : vector<16xi32>
    %swap3A_623 = arith.constant 1 : i32
    %swap3A_624 = arith.constant 1 : i32
    %swap3A_625 = arith.index_cast %swap3A_623 : i32 to index
    %swap3A_626 = arith.index_cast %swap3A_624 : i32 to index
    %swap3A_627 = arith.constant 0 : index
    %swap3A_628 = tpu.vector_load %arg5[%swap3A_625, %swap3A_626, %swap3A_627] {strides = array<i32>} : memref<2x3x128xi32, #tpu.memory_space<vmem>>, vector<1x1x16xi32>,
    %swap3A_629 = vector.shape_cast %swap3A_628 : vector<1x1x16xi32> to vector<16xi32>
    %swap3A_630 = vector.shape_cast %add3A_622 : vector<16xi32> to vector<1x1x16xi32>
    tpu.vector_store %arg5[%swap3A_625, %swap3A_626, %swap3A_627], %swap3A_630 {strides = array<i32>} : memref<2x3x128xi32, #tpu.memory_space<vmem>>, vector<1x1x16xi32>,
    %get3A_631 = arith.constant 1 : i32
    %get3A_632 = arith.constant 1 : i32
    %get3A_633 = arith.index_cast %get3A_631 : i32 to index
    %get3A_634 = arith.index_cast %get3A_632 : i32 to index
    %get3A_635 = arith.constant 16 : index
    %get3A_636 = tpu.vector_load %arg5[%get3A_633, %get3A_634, %get3A_635] {strides = array<i32>} : memref<2x3x128xi32, #tpu.memory_space<vmem>>, vector<1x1x16xi32>,
    %get3A_637 = vector.shape_cast %get3A_636 : vector<1x1x16xi32> to vector<16xi32>
    %add3A_638 = vector.broadcast %mul3A_20 : i32 to vector<16xi32>
    %add3A_639 = arith.addi %get3A_637, %add3A_638 : vector<16xi32>
    %swap3A_640 = arith.constant 1 : i32
    %swap3A_641 = arith.constant 1 : i32
    %swap3A_642 = arith.index_cast %swap3A_640 : i32 to index
    %swap3A_643 = arith.index_cast %swap3A_641 : i32 to index
    %swap3A_644 = arith.constant 16 : index
    %swap3A_645 = tpu.vector_load %arg5[%swap3A_642, %swap3A_643, %swap3A_644] {strides = array<i32>} : memref<2x3x128xi32, #tpu.memory_space<vmem>>, vector<1x1x16xi32>,
    %swap3A_646 = vector.shape_cast %swap3A_645 : vector<1x1x16xi32> to vector<16xi32>
    %swap3A_647 = vector.shape_cast %add3A_639 : vector<16xi32> to vector<1x1x16xi32>
    tpu.vector_store %arg5[%swap3A_642, %swap3A_643, %swap3A_644], %swap3A_647 {strides = array<i32>} : memref<2x3x128xi32, #tpu.memory_space<vmem>>, vector<1x1x16xi32>,
    %get3A_648 = arith.constant 1 : i32
    %get3A_649 = arith.constant 1 : i32
    %get3A_650 = arith.index_cast %get3A_648 : i32 to index
    %get3A_651 = arith.index_cast %get3A_649 : i32 to index
    %get3A_652 = arith.constant 32 : index
    %get3A_653 = tpu.vector_load %arg5[%get3A_650, %get3A_651, %get3A_652] {strides = array<i32>} : memref<2x3x128xi32, #tpu.memory_space<vmem>>, vector<1x1x16xi32>,
    %get3A_654 = vector.shape_cast %get3A_653 : vector<1x1x16xi32> to vector<16xi32>
    %add3A_655 = vector.broadcast %mul3A_20 : i32 to vector<16xi32>
    %add3A_656 = arith.addi %get3A_654, %add3A_655 : vector<16xi32>
    %swap3A_657 = arith.constant 1 : i32
    %swap3A_658 = arith.constant 1 : i32
    %swap3A_659 = arith.index_cast %swap3A_657 : i32 to index
    %swap3A_660 = arith.index_cast %swap3A_658 : i32 to index
    %swap3A_661 = arith.constant 32 : index
    %swap3A_662 = tpu.vector_load %arg5[%swap3A_659, %swap3A_660, %swap3A_661] {strides = array<i32>} : memref<2x3x128xi32, #tpu.memory_space<vmem>>, vector<1x1x16xi32>,
    %swap3A_663 = vector.shape_cast %swap3A_662 : vector<1x1x16xi32> to vector<16xi32>
    %swap3A_664 = vector.shape_cast %add3A_656 : vector<16xi32> to vector<1x1x16xi32>
    tpu.vector_store %arg5[%swap3A_659, %swap3A_660, %swap3A_661], %swap3A_664 {strides = array<i32>} : memref<2x3x128xi32, #tpu.memory_space<vmem>>, vector<1x1x16xi32>,
    %get3A_665 = arith.constant 1 : i32
    %get3A_666 = arith.constant 1 : i32
    %get3A_667 = arith.index_cast %get3A_665 : i32 to index
    %get3A_668 = arith.index_cast %get3A_666 : i32 to index
    %get3A_669 = arith.constant 48 : index
    %get3A_670 = tpu.vector_load %arg5[%get3A_667, %get3A_668, %get3A_669] {strides = array<i32>} : memref<2x3x128xi32, #tpu.memory_space<vmem>>, vector<1x1x16xi32>,
    %get3A_671 = vector.shape_cast %get3A_670 : vector<1x1x16xi32> to vector<16xi32>
    %add3A_672 = vector.broadcast %mul3A_20 : i32 to vector<16xi32>
    %add3A_673 = arith.addi %get3A_671, %add3A_672 : vector<16xi32>
    %swap3A_674 = arith.constant 1 : i32
    %swap3A_675 = arith.constant 1 : i32
    %swap3A_676 = arith.index_cast %swap3A_674 : i32 to index
    %swap3A_677 = arith.index_cast %swap3A_675 : i32 to index
    %swap3A_678 = arith.constant 48 : index
    %swap3A_679 = tpu.vector_load %arg5[%swap3A_676, %swap3A_677, %swap3A_678] {strides = array<i32>} : memref<2x3x128xi32, #tpu.memory_space<vmem>>, vector<1x1x16xi32>,
    %swap3A_680 = vector.shape_cast %swap3A_679 : vector<1x1x16xi32> to vector<16xi32>
    %swap3A_681 = vector.shape_cast %add3A_673 : vector<16xi32> to vector<1x1x16xi32>
    tpu.vector_store %arg5[%swap3A_676, %swap3A_677, %swap3A_678], %swap3A_681 {strides = array<i32>} : memref<2x3x128xi32, #tpu.memory_space<vmem>>, vector<1x1x16xi32>,
    %get3A_682 = arith.constant 1 : i32
    %get3A_683 = arith.constant 1 : i32
    %get3A_684 = arith.index_cast %get3A_682 : i32 to index
    %get3A_685 = arith.index_cast %get3A_683 : i32 to index
    %get3A_686 = arith.constant 64 : index
    %get3A_687 = tpu.vector_load %arg5[%get3A_684, %get3A_685, %get3A_686] {strides = array<i32>} : memref<2x3x128xi32, #tpu.memory_space<vmem>>, vector<1x1x16xi32>,
    %get3A_688 = vector.shape_cast %get3A_687 : vector<1x1x16xi32> to vector<16xi32>
    %add3A_689 = vector.broadcast %mul3A_20 : i32 to vector<16xi32>
    %add3A_690 = arith.addi %get3A_688, %add3A_689 : vector<16xi32>
    %swap3A_691 = arith.constant 1 : i32
    %swap3A_692 = arith.constant 1 : i32
    %swap3A_693 = arith.index_cast %swap3A_691 : i32 to index
    %swap3A_694 = arith.index_cast %swap3A_692 : i32 to index
    %swap3A_695 = arith.constant 64 : index
    %swap3A_696 = tpu.vector_load %arg5[%swap3A_693, %swap3A_694, %swap3A_695] {strides = array<i32>} : memref<2x3x128xi32, #tpu.memory_space<vmem>>, vector<1x1x16xi32>,
    %swap3A_697 = vector.shape_cast %swap3A_696 : vector<1x1x16xi32> to vector<16xi32>
    %swap3A_698 = vector.shape_cast %add3A_690 : vector<16xi32> to vector<1x1x16xi32>
    tpu.vector_store %arg5[%swap3A_693, %swap3A_694, %swap3A_695], %swap3A_698 {strides = array<i32>} : memref<2x3x128xi32, #tpu.memory_space<vmem>>, vector<1x1x16xi32>,
    %get3A_699 = arith.constant 1 : i32
    %get3A_700 = arith.constant 1 : i32
    %get3A_701 = arith.index_cast %get3A_699 : i32 to index
    %get3A_702 = arith.index_cast %get3A_700 : i32 to index
    %get3A_703 = arith.constant 80 : index
    %get3A_704 = tpu.vector_load %arg5[%get3A_701, %get3A_702, %get3A_703] {strides = array<i32>} : memref<2x3x128xi32, #tpu.memory_space<vmem>>, vector<1x1x16xi32>,
    %get3A_705 = vector.shape_cast %get3A_704 : vector<1x1x16xi32> to vector<16xi32>
    %add3A_706 = vector.broadcast %mul3A_20 : i32 to vector<16xi32>
    %add3A_707 = arith.addi %get3A_705, %add3A_706 : vector<16xi32>
    %swap3A_708 = arith.constant 1 : i32
    %swap3A_709 = arith.constant 1 : i32
    %swap3A_710 = arith.index_cast %swap3A_708 : i32 to index
    %swap3A_711 = arith.index_cast %swap3A_709 : i32 to index
    %swap3A_712 = arith.constant 80 : index
    %swap3A_713 = tpu.vector_load %arg5[%swap3A_710, %swap3A_711, %swap3A_712] {strides = array<i32>} : memref<2x3x128xi32, #tpu.memory_space<vmem>>, vector<1x1x16xi32>,
    %swap3A_714 = vector.shape_cast %swap3A_713 : vector<1x1x16xi32> to vector<16xi32>
    %swap3A_715 = vector.shape_cast %add3A_707 : vector<16xi32> to vector<1x1x16xi32>
    tpu.vector_store %arg5[%swap3A_710, %swap3A_711, %swap3A_712], %swap3A_715 {strides = array<i32>} : memref<2x3x128xi32, #tpu.memory_space<vmem>>, vector<1x1x16xi32>,
    %get3A_716 = arith.constant 1 : i32
    %get3A_717 = arith.constant 1 : i32
    %get3A_718 = arith.index_cast %get3A_716 : i32 to index
    %get3A_719 = arith.index_cast %get3A_717 : i32 to index
    %get3A_720 = arith.constant 96 : index
    %get3A_721 = tpu.vector_load %arg5[%get3A_718, %get3A_719, %get3A_720] {strides = array<i32>} : memref<2x3x128xi32, #tpu.memory_space<vmem>>, vector<1x1x16xi32>,
    %get3A_722 = vector.shape_cast %get3A_721 : vector<1x1x16xi32> to vector<16xi32>
    %add3A_723 = vector.broadcast %mul3A_20 : i32 to vector<16xi32>
    %add3A_724 = arith.addi %get3A_722, %add3A_723 : vector<16xi32>
    %swap3A_725 = arith.constant 1 : i32
    %swap3A_726 = arith.constant 1 : i32
    %swap3A_727 = arith.index_cast %swap3A_725 : i32 to index
    %swap3A_728 = arith.index_cast %swap3A_726 : i32 to index
    %swap3A_729 = arith.constant 96 : index
    %swap3A_730 = tpu.vector_load %arg5[%swap3A_727, %swap3A_728, %swap3A_729] {strides = array<i32>} : memref<2x3x128xi32, #tpu.memory_space<vmem>>, vector<1x1x16xi32>,
    %swap3A_731 = vector.shape_cast %swap3A_730 : vector<1x1x16xi32> to vector<16xi32>
    %swap3A_732 = vector.shape_cast %add3A_724 : vector<16xi32> to vector<1x1x16xi32>
    tpu.vector_store %arg5[%swap3A_727, %swap3A_728, %swap3A_729], %swap3A_732 {strides = array<i32>} : memref<2x3x128xi32, #tpu.memory_space<vmem>>, vector<1x1x16xi32>,
    %get3A_733 = arith.constant 1 : i32
    %get3A_734 = arith.constant 1 : i32
    %get3A_735 = arith.index_cast %get3A_733 : i32 to index
    %get3A_736 = arith.index_cast %get3A_734 : i32 to index
    %get3A_737 = arith.constant 112 : index
    %get3A_738 = tpu.vector_load %arg5[%get3A_735, %get3A_736, %get3A_737] {strides = array<i32>} : memref<2x3x128xi32, #tpu.memory_space<vmem>>, vector<1x1x16xi32>,
    %get3A_739 = vector.shape_cast %get3A_738 : vector<1x1x16xi32> to vector<16xi32>
    %add3A_740 = vector.broadcast %mul3A_20 : i32 to vector<16xi32>
    %add3A_741 = arith.addi %get3A_739, %add3A_740 : vector<16xi32>
    %swap3A_742 = arith.constant 1 : i32
    %swap3A_743 = arith.constant 1 : i32
    %swap3A_744 = arith.index_cast %swap3A_742 : i32 to index
    %swap3A_745 = arith.index_cast %swap3A_743 : i32 to index
    %swap3A_746 = arith.constant 112 : index
    %swap3A_747 = tpu.vector_load %arg5[%swap3A_744, %swap3A_745, %swap3A_746] {strides = array<i32>} : memref<2x3x128xi32, #tpu.memory_space<vmem>>, vector<1x1x16xi32>,
    %swap3A_748 = vector.shape_cast %swap3A_747 : vector<1x1x16xi32> to vector<16xi32>
    %swap3A_749 = vector.shape_cast %add3A_741 : vector<16xi32> to vector<1x1x16xi32>
    tpu.vector_store %arg5[%swap3A_744, %swap3A_745, %swap3A_746], %swap3A_749 {strides = array<i32>} : memref<2x3x128xi32, #tpu.memory_space<vmem>>, vector<1x1x16xi32>,
    %get3A_750 = arith.constant 1 : i32
    %get3A_751 = arith.constant 2 : i32
    %get3A_752 = arith.index_cast %get3A_750 : i32 to index
    %get3A_753 = arith.index_cast %get3A_751 : i32 to index
    %get3A_754 = arith.constant 0 : index
    %get3A_755 = tpu.vector_load %arg5[%get3A_752, %get3A_753, %get3A_754] {strides = array<i32>} : memref<2x3x128xi32, #tpu.memory_space<vmem>>, vector<1x1x16xi32>,
    %get3A_756 = vector.shape_cast %get3A_755 : vector<1x1x16xi32> to vector<16xi32>
    %add3A_757 = vector.broadcast %mul3A_20 : i32 to vector<16xi32>
    %add3A_758 = arith.addi %get3A_756, %add3A_757 : vector<16xi32>
    %swap3A_759 = arith.constant 1 : i32
    %swap3A_760 = arith.constant 2 : i32
    %swap3A_761 = arith.index_cast %swap3A_759 : i32 to index
    %swap3A_762 = arith.index_cast %swap3A_760 : i32 to index
    %swap3A_763 = arith.constant 0 : index
    %swap3A_764 = tpu.vector_load %arg5[%swap3A_761, %swap3A_762, %swap3A_763] {strides = array<i32>} : memref<2x3x128xi32, #tpu.memory_space<vmem>>, vector<1x1x16xi32>,
    %swap3A_765 = vector.shape_cast %swap3A_764 : vector<1x1x16xi32> to vector<16xi32>
    %swap3A_766 = vector.shape_cast %add3A_758 : vector<16xi32> to vector<1x1x16xi32>
    tpu.vector_store %arg5[%swap3A_761, %swap3A_762, %swap3A_763], %swap3A_766 {strides = array<i32>} : memref<2x3x128xi32, #tpu.memory_space<vmem>>, vector<1x1x16xi32>,
    %get3A_767 = arith.constant 1 : i32
    %get3A_768 = arith.constant 2 : i32
    %get3A_769 = arith.index_cast %get3A_767 : i32 to index
    %get3A_770 = arith.index_cast %get3A_768 : i32 to index
    %get3A_771 = arith.constant 16 : index
    %get3A_772 = tpu.vector_load %arg5[%get3A_769, %get3A_770, %get3A_771] {strides = array<i32>} : memref<2x3x128xi32, #tpu.memory_space<vmem>>, vector<1x1x16xi32>,
    %get3A_773 = vector.shape_cast %get3A_772 : vector<1x1x16xi32> to vector<16xi32>
    %add3A_774 = vector.broadcast %mul3A_20 : i32 to vector<16xi32>
    %add3A_775 = arith.addi %get3A_773, %add3A_774 : vector<16xi32>
    %swap3A_776 = arith.constant 1 : i32
    %swap3A_777 = arith.constant 2 : i32
    %swap3A_778 = arith.index_cast %swap3A_776 : i32 to index
    %swap3A_779 = arith.index_cast %swap3A_777 : i32 to index
    %swap3A_780 = arith.constant 16 : index
    %swap3A_781 = tpu.vector_load %arg5[%swap3A_778, %swap3A_779, %swap3A_780] {strides = array<i32>} : memref<2x3x128xi32, #tpu.memory_space<vmem>>, vector<1x1x16xi32>,
    %swap3A_782 = vector.shape_cast %swap3A_781 : vector<1x1x16xi32> to vector<16xi32>
    %swap3A_783 = vector.shape_cast %add3A_775 : vector<16xi32> to vector<1x1x16xi32>
    tpu.vector_store %arg5[%swap3A_778, %swap3A_779, %swap3A_780], %swap3A_783 {strides = array<i32>} : memref<2x3x128xi32, #tpu.memory_space<vmem>>, vector<1x1x16xi32>,
    %get3A_784 = arith.constant 1 : i32
    %get3A_785 = arith.constant 2 : i32
    %get3A_786 = arith.index_cast %get3A_784 : i32 to index
    %get3A_787 = arith.index_cast %get3A_785 : i32 to index
    %get3A_788 = arith.constant 32 : index
    %get3A_789 = tpu.vector_load %arg5[%get3A_786, %get3A_787, %get3A_788] {strides = array<i32>} : memref<2x3x128xi32, #tpu.memory_space<vmem>>, vector<1x1x16xi32>,
    %get3A_790 = vector.shape_cast %get3A_789 : vector<1x1x16xi32> to vector<16xi32>
    %add3A_791 = vector.broadcast %mul3A_20 : i32 to vector<16xi32>
    %add3A_792 = arith.addi %get3A_790, %add3A_791 : vector<16xi32>
    %swap3A_793 = arith.constant 1 : i32
    %swap3A_794 = arith.constant 2 : i32
    %swap3A_795 = arith.index_cast %swap3A_793 : i32 to index
    %swap3A_796 = arith.index_cast %swap3A_794 : i32 to index
    %swap3A_797 = arith.constant 32 : index
    %swap3A_798 = tpu.vector_load %arg5[%swap3A_795, %swap3A_796, %swap3A_797] {strides = array<i32>} : memref<2x3x128xi32, #tpu.memory_space<vmem>>, vector<1x1x16xi32>,
    %swap3A_799 = vector.shape_cast %swap3A_798 : vector<1x1x16xi32> to vector<16xi32>
    %swap3A_800 = vector.shape_cast %add3A_792 : vector<16xi32> to vector<1x1x16xi32>
    tpu.vector_store %arg5[%swap3A_795, %swap3A_796, %swap3A_797], %swap3A_800 {strides = array<i32>} : memref<2x3x128xi32, #tpu.memory_space<vmem>>, vector<1x1x16xi32>,
    %get3A_801 = arith.constant 1 : i32
    %get3A_802 = arith.constant 2 : i32
    %get3A_803 = arith.index_cast %get3A_801 : i32 to index
    %get3A_804 = arith.index_cast %get3A_802 : i32 to index
    %get3A_805 = arith.constant 48 : index
    %get3A_806 = tpu.vector_load %arg5[%get3A_803, %get3A_804, %get3A_805] {strides = array<i32>} : memref<2x3x128xi32, #tpu.memory_space<vmem>>, vector<1x1x16xi32>,
    %get3A_807 = vector.shape_cast %get3A_806 : vector<1x1x16xi32> to vector<16xi32>
    %add3A_808 = vector.broadcast %mul3A_20 : i32 to vector<16xi32>
    %add3A_809 = arith.addi %get3A_807, %add3A_808 : vector<16xi32>
    %swap3A_810 = arith.constant 1 : i32
    %swap3A_811 = arith.constant 2 : i32
    %swap3A_812 = arith.index_cast %swap3A_810 : i32 to index
    %swap3A_813 = arith.index_cast %swap3A_811 : i32 to index
    %swap3A_814 = arith.constant 48 : index
    %swap3A_815 = tpu.vector_load %arg5[%swap3A_812, %swap3A_813, %swap3A_814] {strides = array<i32>} : memref<2x3x128xi32, #tpu.memory_space<vmem>>, vector<1x1x16xi32>,
    %swap3A_816 = vector.shape_cast %swap3A_815 : vector<1x1x16xi32> to vector<16xi32>
    %swap3A_817 = vector.shape_cast %add3A_809 : vector<16xi32> to vector<1x1x16xi32>
    tpu.vector_store %arg5[%swap3A_812, %swap3A_813, %swap3A_814], %swap3A_817 {strides = array<i32>} : memref<2x3x128xi32, #tpu.memory_space<vmem>>, vector<1x1x16xi32>,
    %get3A_818 = arith.constant 1 : i32
    %get3A_819 = arith.constant 2 : i32
    %get3A_820 = arith.index_cast %get3A_818 : i32 to index
    %get3A_821 = arith.index_cast %get3A_819 : i32 to index
    %get3A_822 = arith.constant 64 : index
    %get3A_823 = tpu.vector_load %arg5[%get3A_820, %get3A_821, %get3A_822] {strides = array<i32>} : memref<2x3x128xi32, #tpu.memory_space<vmem>>, vector<1x1x16xi32>,
    %get3A_824 = vector.shape_cast %get3A_823 : vector<1x1x16xi32> to vector<16xi32>
    %add3A_825 = vector.broadcast %mul3A_20 : i32 to vector<16xi32>
    %add3A_826 = arith.addi %get3A_824, %add3A_825 : vector<16xi32>
    %swap3A_827 = arith.constant 1 : i32
    %swap3A_828 = arith.constant 2 : i32
    %swap3A_829 = arith.index_cast %swap3A_827 : i32 to index
    %swap3A_830 = arith.index_cast %swap3A_828 : i32 to index
    %swap3A_831 = arith.constant 64 : index
    %swap3A_832 = tpu.vector_load %arg5[%swap3A_829, %swap3A_830, %swap3A_831] {strides = array<i32>} : memref<2x3x128xi32, #tpu.memory_space<vmem>>, vector<1x1x16xi32>,
    %swap3A_833 = vector.shape_cast %swap3A_832 : vector<1x1x16xi32> to vector<16xi32>
    %swap3A_834 = vector.shape_cast %add3A_826 : vector<16xi32> to vector<1x1x16xi32>
    tpu.vector_store %arg5[%swap3A_829, %swap3A_830, %swap3A_831], %swap3A_834 {strides = array<i32>} : memref<2x3x128xi32, #tpu.memory_space<vmem>>, vector<1x1x16xi32>,
    %get3A_835 = arith.constant 1 : i32
    %get3A_836 = arith.constant 2 : i32
    %get3A_837 = arith.index_cast %get3A_835 : i32 to index
    %get3A_838 = arith.index_cast %get3A_836 : i32 to index
    %get3A_839 = arith.constant 80 : index
    %get3A_840 = tpu.vector_load %arg5[%get3A_837, %get3A_838, %get3A_839] {strides = array<i32>} : memref<2x3x128xi32, #tpu.memory_space<vmem>>, vector<1x1x16xi32>,
    %get3A_841 = vector.shape_cast %get3A_840 : vector<1x1x16xi32> to vector<16xi32>
    %add3A_842 = vector.broadcast %mul3A_20 : i32 to vector<16xi32>
    %add3A_843 = arith.addi %get3A_841, %add3A_842 : vector<16xi32>
    %swap3A_844 = arith.constant 1 : i32
    %swap3A_845 = arith.constant 2 : i32
    %swap3A_846 = arith.index_cast %swap3A_844 : i32 to index
    %swap3A_847 = arith.index_cast %swap3A_845 : i32 to index
    %swap3A_848 = arith.constant 80 : index
    %swap3A_849 = tpu.vector_load %arg5[%swap3A_846, %swap3A_847, %swap3A_848] {strides = array<i32>} : memref<2x3x128xi32, #tpu.memory_space<vmem>>, vector<1x1x16xi32>,
    %swap3A_850 = vector.shape_cast %swap3A_849 : vector<1x1x16xi32> to vector<16xi32>
    %swap3A_851 = vector.shape_cast %add3A_843 : vector<16xi32> to vector<1x1x16xi32>
    tpu.vector_store %arg5[%swap3A_846, %swap3A_847, %swap3A_848], %swap3A_851 {strides = array<i32>} : memref<2x3x128xi32, #tpu.memory_space<vmem>>, vector<1x1x16xi32>,
    %get3A_852 = arith.constant 1 : i32
    %get3A_853 = arith.constant 2 : i32
    %get3A_854 = arith.index_cast %get3A_852 : i32 to index
    %get3A_855 = arith.index_cast %get3A_853 : i32 to index
    %get3A_856 = arith.constant 96 : index
    %get3A_857 = tpu.vector_load %arg5[%get3A_854, %get3A_855, %get3A_856] {strides = array<i32>} : memref<2x3x128xi32, #tpu.memory_space<vmem>>, vector<1x1x16xi32>,
    %get3A_858 = vector.shape_cast %get3A_857 : vector<1x1x16xi32> to vector<16xi32>
    %add3A_859 = vector.broadcast %mul3A_20 : i32 to vector<16xi32>
    %add3A_860 = arith.addi %get3A_858, %add3A_859 : vector<16xi32>
    %swap3A_861 = arith.constant 1 : i32
    %swap3A_862 = arith.constant 2 : i32
    %swap3A_863 = arith.index_cast %swap3A_861 : i32 to index
    %swap3A_864 = arith.index_cast %swap3A_862 : i32 to index
    %swap3A_865 = arith.constant 96 : index
    %swap3A_866 = tpu.vector_load %arg5[%swap3A_863, %swap3A_864, %swap3A_865] {strides = array<i32>} : memref<2x3x128xi32, #tpu.memory_space<vmem>>, vector<1x1x16xi32>,
    %swap3A_867 = vector.shape_cast %swap3A_866 : vector<1x1x16xi32> to vector<16xi32>
    %swap3A_868 = vector.shape_cast %add3A_860 : vector<16xi32> to vector<1x1x16xi32>
    tpu.vector_store %arg5[%swap3A_863, %swap3A_864, %swap3A_865], %swap3A_868 {strides = array<i32>} : memref<2x3x128xi32, #tpu.memory_space<vmem>>, vector<1x1x16xi32>,
    %get3A_869 = arith.constant 1 : i32
    %get3A_870 = arith.constant 2 : i32
    %get3A_871 = arith.index_cast %get3A_869 : i32 to index
    %get3A_872 = arith.index_cast %get3A_870 : i32 to index
    %get3A_873 = arith.constant 112 : index
    %get3A_874 = tpu.vector_load %arg5[%get3A_871, %get3A_872, %get3A_873] {strides = array<i32>} : memref<2x3x128xi32, #tpu.memory_space<vmem>>, vector<1x1x16xi32>,
    %get3A_875 = vector.shape_cast %get3A_874 : vector<1x1x16xi32> to vector<16xi32>
    %add3A_876 = vector.broadcast %mul3A_20 : i32 to vector<16xi32>
    %add3A_877 = arith.addi %get3A_875, %add3A_876 : vector<16xi32>
    %swap3A_878 = arith.constant 1 : i32
    %swap3A_879 = arith.constant 2 : i32
    %swap3A_880 = arith.index_cast %swap3A_878 : i32 to index
    %swap3A_881 = arith.index_cast %swap3A_879 : i32 to index
    %swap3A_882 = arith.constant 112 : index
    %swap3A_883 = tpu.vector_load %arg5[%swap3A_880, %swap3A_881, %swap3A_882] {strides = array<i32>} : memref<2x3x128xi32, #tpu.memory_space<vmem>>, vector<1x1x16xi32>,
    %swap3A_884 = vector.shape_cast %swap3A_883 : vector<1x1x16xi32> to vector<16xi32>
    %swap3A_885 = vector.shape_cast %add3A_877 : vector<16xi32> to vector<1x1x16xi32>
    tpu.vector_store %arg5[%swap3A_880, %swap3A_881, %swap3A_882], %swap3A_885 {strides = array<i32>} : memref<2x3x128xi32, #tpu.memory_space<vmem>>, vector<1x1x16xi32>,
    %dma_start3A_886 = arith.constant 1 : i32
    %dma_start3A_887 = arith.constant 0 : i32
    %dma_start3A_888 = arith.constant 1 : i32
    %dma_start3A_889 = arith.constant 0 : i32
    %dma_start3A_890 = arith.constant 0 : i32
    %dma_start3A_891 = tpu.memref_slice %arg6[%dma_start3A_888, %dma_start3A_889, %dma_start3A_890] : memref<2x384x64xf32, #tpu.memory_space<vmem>> -> memref<1x128x64xf32, #tpu.memory_space<vmem>>
    %dma_start3A_892 = tpu.memref_squeeze %dma_start3A_891 : memref<1x128x64xf32, #tpu.memory_space<vmem>> -> memref<128x64xf32, #tpu.memory_space<vmem>>
    %dma_start3A_893 = arith.constant 0 : i32
    %dma_start3A_894 = tpu.memref_slice %arg5[%dma_start3A_886, %dma_start3A_887, %dma_start3A_893] : memref<2x3x128xi32, #tpu.memory_space<vmem>> -> memref<1x1x128xi32, #tpu.memory_space<vmem>>
    %dma_start3A_895 = tpu.memref_squeeze %dma_start3A_894 : memref<1x1x128xi32, #tpu.memory_space<vmem>> -> memref<128xi32, #tpu.memory_space<vmem>>
    %dma_start3A_896 = arith.constant 0 : i32
    %dma_start3A_897 = arith.constant 0 : i32
    %dma_start3A_898 = tpu.memref_slice %arg3[%dma_start3A_896, %dma_start3A_897] : memref<32768x64xf32, #tpu.memory_space<hbm>> -> memref<32768x64xf32, #tpu.memory_space<hbm>>
    tpu.enqueue_indirect_dma source(%dma_start3A_898 : memref<32768x64xf32, #tpu.memory_space<hbm>>) target(%dma_start3A_892 : memref<128x64xf32, #tpu.memory_space<vmem>>) offsets(%dma_start3A_895 : memref<128xi32, #tpu.memory_space<vmem>>) semaphore(%arg9 : memref<!tpu.dma_semaphore, #tpu.memory_space<semaphore_mem>>)
    %dma_start3A_899 = arith.constant 1 : i32
    %dma_start3A_900 = arith.constant 1 : i32
    %dma_start3A_901 = arith.constant 1 : i32
    %dma_start3A_902 = arith.constant 128 : i32
    %dma_start3A_903 = arith.constant 0 : i32
    %dma_start3A_904 = tpu.memref_slice %arg6[%dma_start3A_901, %dma_start3A_902, %dma_start3A_903] : memref<2x384x64xf32, #tpu.memory_space<vmem>> -> memref<1x128x64xf32, #tpu.memory_space<vmem>>
    %dma_start3A_905 = tpu.memref_squeeze %dma_start3A_904 : memref<1x128x64xf32, #tpu.memory_space<vmem>> -> memref<128x64xf32, #tpu.memory_space<vmem>>
    %dma_start3A_906 = arith.constant 0 : i32
    %dma_start3A_907 = tpu.memref_slice %arg5[%dma_start3A_899, %dma_start3A_900, %dma_start3A_906] : memref<2x3x128xi32, #tpu.memory_space<vmem>> -> memref<1x1x128xi32, #tpu.memory_space<vmem>>
    %dma_start3A_908 = tpu.memref_squeeze %dma_start3A_907 : memref<1x1x128xi32, #tpu.memory_space<vmem>> -> memref<128xi32, #tpu.memory_space<vmem>>
    %dma_start3A_909 = arith.constant 0 : i32
    %dma_start3A_910 = arith.constant 0 : i32
    %dma_start3A_911 = tpu.memref_slice %arg3[%dma_start3A_909, %dma_start3A_910] : memref<32768x64xf32, #tpu.memory_space<hbm>> -> memref<32768x64xf32, #tpu.memory_space<hbm>>
    tpu.enqueue_indirect_dma source(%dma_start3A_911 : memref<32768x64xf32, #tpu.memory_space<hbm>>) target(%dma_start3A_905 : memref<128x64xf32, #tpu.memory_space<vmem>>) offsets(%dma_start3A_908 : memref<128xi32, #tpu.memory_space<vmem>>) semaphore(%arg9 : memref<!tpu.dma_semaphore, #tpu.memory_space<semaphore_mem>>)
    %dma_start3A_912 = arith.constant 1 : i32
    %dma_start3A_913 = arith.constant 2 : i32
    %dma_start3A_914 = arith.constant 1 : i32
    %dma_start3A_915 = arith.constant 256 : i32
    %dma_start3A_916 = arith.constant 0 : i32
    %dma_start3A_917 = tpu.memref_slice %arg6[%dma_start3A_914, %dma_start3A_915, %dma_start3A_916] : memref<2x384x64xf32, #tpu.memory_space<vmem>> -> memref<1x128x64xf32, #tpu.memory_space<vmem>>
    %dma_start3A_918 = tpu.memref_squeeze %dma_start3A_917 : memref<1x128x64xf32, #tpu.memory_space<vmem>> -> memref<128x64xf32, #tpu.memory_space<vmem>>
    %dma_start3A_919 = arith.constant 0 : i32
    %dma_start3A_920 = tpu.memref_slice %arg5[%dma_start3A_912, %dma_start3A_913, %dma_start3A_919] : memref<2x3x128xi32, #tpu.memory_space<vmem>> -> memref<1x1x128xi32, #tpu.memory_space<vmem>>
    %dma_start3A_921 = tpu.memref_squeeze %dma_start3A_920 : memref<1x1x128xi32, #tpu.memory_space<vmem>> -> memref<128xi32, #tpu.memory_space<vmem>>
    %dma_start3A_922 = arith.constant 0 : i32
    %dma_start3A_923 = arith.constant 0 : i32
    %dma_start3A_924 = tpu.memref_slice %arg3[%dma_start3A_922, %dma_start3A_923] : memref<32768x64xf32, #tpu.memory_space<hbm>> -> memref<32768x64xf32, #tpu.memory_space<hbm>>
    tpu.enqueue_indirect_dma source(%dma_start3A_924 : memref<32768x64xf32, #tpu.memory_space<hbm>>) target(%dma_start3A_918 : memref<128x64xf32, #tpu.memory_space<vmem>>) offsets(%dma_start3A_921 : memref<128xi32, #tpu.memory_space<vmem>>) semaphore(%arg9 : memref<!tpu.dma_semaphore, #tpu.memory_space<semaphore_mem>>)
    %scan3A = arith.constant 0 : i32
    %scan3A_925 = arith.constant 0 : i32
    %scan3A_926 = arith.constant 16 : i32
    %scan3A_927 = arith.addi %scan3A_925, %scan3A_926 : i32
    %scan3A_928 = arith.constant 1 : i32
    scf.for %scan3A_959 = %scan3A_925 to %scan3A_927 step %scan3A_928  : i32 {
      %mul3A_960 = arith.constant 2 : i32
      %mul3A_961 = arith.muli %scan3A_959, %mul3A_960 : i32
      %mul3A_962 = arith.constant 128 : i32
      %mul3A_963 = arith.muli %mul3A_961, %mul3A_962 : i32
      %add3A_964 = arith.addi %mul3A_2, %mul3A_963 : i32
      %dma_wait3A_965 = arith.constant 0 : i32
      %dma_wait3A_966 = arith.constant 0 : i32
      %dma_wait3A_967 = arith.constant 0 : i32
      %dma_wait3A_968 = arith.constant 0 : i32
      %dma_wait3A_969 = arith.constant 0 : i32
      %dma_wait3A_970 = tpu.memref_slice %arg6[%dma_wait3A_967, %dma_wait3A_968, %dma_wait3A_969] : memref<2x384x64xf32, #tpu.memory_space<vmem>> -> memref<1x128x64xf32, #tpu.memory_space<vmem>>
      %dma_wait3A_971 = tpu.memref_squeeze %dma_wait3A_970 : memref<1x128x64xf32, #tpu.memory_space<vmem>> -> memref<128x64xf32, #tpu.memory_space<vmem>>
      %dma_wait3A_972 = arith.constant 0 : i32
      %dma_wait3A_973 = tpu.memref_slice %arg5[%dma_wait3A_965, %dma_wait3A_966, %dma_wait3A_972] : memref<2x3x128xi32, #tpu.memory_space<vmem>> -> memref<1x1x128xi32, #tpu.memory_space<vmem>>
      %dma_wait3A_974 = tpu.memref_squeeze %dma_wait3A_973 : memref<1x1x128xi32, #tpu.memory_space<vmem>> -> memref<128xi32, #tpu.memory_space<vmem>>
      %dma_wait3A_975 = arith.constant 0 : i32
      %dma_wait3A_976 = arith.constant 0 : i32
      %dma_wait3A_977 = tpu.memref_slice %arg3[%dma_wait3A_975, %dma_wait3A_976] : memref<32768x64xf32, #tpu.memory_space<hbm>> -> memref<32768x64xf32, #tpu.memory_space<hbm>>
      tpu.wait_indirect_dma semaphore(%arg8 : memref<!tpu.dma_semaphore, #tpu.memory_space<semaphore_mem>>) src(%dma_wait3A_977 : memref<32768x64xf32, #tpu.memory_space<hbm>>) dst(%dma_wait3A_971 : memref<128x64xf32, #tpu.memory_space<vmem>>)
      %dma_wait3A_978 = arith.constant 0 : i32
      %dma_wait3A_979 = arith.constant 1 : i32
      %dma_wait3A_980 = arith.constant 0 : i32
      %dma_wait3A_981 = arith.constant 128 : i32
      %dma_wait3A_982 = arith.constant 0 : i32
      %dma_wait3A_983 = tpu.memref_slice %arg6[%dma_wait3A_980, %dma_wait3A_981, %dma_wait3A_982] : memref<2x384x64xf32, #tpu.memory_space<vmem>> -> memref<1x128x64xf32, #tpu.memory_space<vmem>>
      %dma_wait3A_984 = tpu.memref_squeeze %dma_wait3A_983 : memref<1x128x64xf32, #tpu.memory_space<vmem>> -> memref<128x64xf32, #tpu.memory_space<vmem>>
      %dma_wait3A_985 = arith.constant 0 : i32
      %dma_wait3A_986 = tpu.memref_slice %arg5[%dma_wait3A_978, %dma_wait3A_979, %dma_wait3A_985] : memref<2x3x128xi32, #tpu.memory_space<vmem>> -> memref<1x1x128xi32, #tpu.memory_space<vmem>>
      %dma_wait3A_987 = tpu.memref_squeeze %dma_wait3A_986 : memref<1x1x128xi32, #tpu.memory_space<vmem>> -> memref<128xi32, #tpu.memory_space<vmem>>
      %dma_wait3A_988 = arith.constant 0 : i32
      %dma_wait3A_989 = arith.constant 0 : i32
      %dma_wait3A_990 = tpu.memref_slice %arg3[%dma_wait3A_988, %dma_wait3A_989] : memref<32768x64xf32, #tpu.memory_space<hbm>> -> memref<32768x64xf32, #tpu.memory_space<hbm>>
      tpu.wait_indirect_dma semaphore(%arg8 : memref<!tpu.dma_semaphore, #tpu.memory_space<semaphore_mem>>) src(%dma_wait3A_990 : memref<32768x64xf32, #tpu.memory_space<hbm>>) dst(%dma_wait3A_984 : memref<128x64xf32, #tpu.memory_space<vmem>>)
      %dma_wait3A_991 = arith.constant 0 : i32
      %dma_wait3A_992 = arith.constant 2 : i32
      %dma_wait3A_993 = arith.constant 0 : i32
      %dma_wait3A_994 = arith.constant 256 : i32
      %dma_wait3A_995 = arith.constant 0 : i32
      %dma_wait3A_996 = tpu.memref_slice %arg6[%dma_wait3A_993, %dma_wait3A_994, %dma_wait3A_995] : memref<2x384x64xf32, #tpu.memory_space<vmem>> -> memref<1x128x64xf32, #tpu.memory_space<vmem>>
      %dma_wait3A_997 = tpu.memref_squeeze %dma_wait3A_996 : memref<1x128x64xf32, #tpu.memory_space<vmem>> -> memref<128x64xf32, #tpu.memory_space<vmem>>
      %dma_wait3A_998 = arith.constant 0 : i32
      %dma_wait3A_999 = tpu.memref_slice %arg5[%dma_wait3A_991, %dma_wait3A_992, %dma_wait3A_998] : memref<2x3x128xi32, #tpu.memory_space<vmem>> -> memref<1x1x128xi32, #tpu.memory_space<vmem>>
      %dma_wait3A_1000 = tpu.memref_squeeze %dma_wait3A_999 : memref<1x1x128xi32, #tpu.memory_space<vmem>> -> memref<128xi32, #tpu.memory_space<vmem>>
      %dma_wait3A_1001 = arith.constant 0 : i32
      %dma_wait3A_1002 = arith.constant 0 : i32
      %dma_wait3A_1003 = tpu.memref_slice %arg3[%dma_wait3A_1001, %dma_wait3A_1002] : memref<32768x64xf32, #tpu.memory_space<hbm>> -> memref<32768x64xf32, #tpu.memory_space<hbm>>
      tpu.wait_indirect_dma semaphore(%arg8 : memref<!tpu.dma_semaphore, #tpu.memory_space<semaphore_mem>>) src(%dma_wait3A_1003 : memref<32768x64xf32, #tpu.memory_space<hbm>>) dst(%dma_wait3A_997 : memref<128x64xf32, #tpu.memory_space<vmem>>)
      %ge3A = arith.constant 2 : i32
      %ge3A_1004 = arith.cmpi sge, %mul3A_961, %ge3A : i32
      %convert_element_type3A = arith.extui %ge3A_1004 : i1 to i32
      %cond3A = arith.constant 0 : i32
      %cond3A_1005 = arith.cmpi ne, %convert_element_type3A, %cond3A : i32
      scf.if %cond3A_1005 {
        %sub3A_1099 = arith.constant 256 : i32
        %sub3A_1100 = arith.subi %add3A_964, %sub3A_1099 : i32
        %dma_wait3A_1101 = arith.constant 0 : i32
        %dma_wait3A_1102 = arith.constant 0 : i32
        %dma_wait3A_1103 = arith.constant 0 : i32
        %dma_wait3A_1104 = tpu.memref_slice %arg7[%dma_wait3A_1101, %dma_wait3A_1102, %dma_wait3A_1103] : memref<2x128x64xf32, #tpu.memory_space<vmem>> -> memref<1x128x64xf32, #tpu.memory_space<vmem>>
        %dma_wait3A_1105 = tpu.memref_squeeze %dma_wait3A_1104 : memref<1x128x64xf32, #tpu.memory_space<vmem>> -> memref<128x64xf32, #tpu.memory_space<vmem>>
        %dma_wait3A_1106 = arith.constant 0 : i32
        %dma_wait3A_1107 = tpu.memref_slice %arg4[%sub3A_1100, %dma_wait3A_1106] : memref<131072x64xf32, #tpu.memory_space<hbm>> -> memref<128x64xf32, #tpu.memory_space<hbm>>
        %dma_wait3A_1108 = arith.constant 0 : i32
        %dma_wait3A_1109 = tpu.memref_slice %arg4[%sub3A_1100, %dma_wait3A_1108] : memref<131072x64xf32, #tpu.memory_space<hbm>> -> memref<128x64xf32, #tpu.memory_space<hbm>>
        %dma_wait3A_1110 = arith.constant 0 : i32
        %dma_wait3A_1111 = arith.constant 0 : i32
        %dma_wait3A_1112 = tpu.memref_slice %arg7[%dma_wait3A_1101, %dma_wait3A_1110, %dma_wait3A_1111] : memref<2x128x64xf32, #tpu.memory_space<vmem>> -> memref<1x128x64xf32, #tpu.memory_space<vmem>>
        %dma_wait3A_1113 = tpu.memref_squeeze %dma_wait3A_1112 : memref<1x128x64xf32, #tpu.memory_space<vmem>> -> memref<128x64xf32, #tpu.memory_space<vmem>>
        tpu.wait_dma2 semaphore(%arg10 : memref<!tpu.dma_semaphore, #tpu.memory_space<semaphore_mem>>) src(%dma_wait3A_1113 : memref<128x64xf32, #tpu.memory_space<vmem>>) dst(%dma_wait3A_1109 : memref<128x64xf32, #tpu.memory_space<hbm>>)
      } else {
      }
      %parallel_loop3A = arith.constant 0 : i32
      %parallel_loop3A_1006 = arith.constant 128 : i32
      %parallel_loop3A_1007 = arith.constant 1 : i32
      scf.for %parallel_loop3A_1099 = %parallel_loop3A to %parallel_loop3A_1006 step %parallel_loop3A_1007  : i32 {
        %parallel_loop3A_1100 = arith.constant 3 : i32
        %parallel_loop3A_1101 = arith.muli %parallel_loop3A_1100, %parallel_loop3A_1099 : i32
        %parallel_loop3A_1102 = arith.constant 0 : i32
        %parallel_loop3A_1103 = arith.index_cast %parallel_loop3A_1102 : i32 to index
        %parallel_loop3A_1104 = arith.index_cast %parallel_loop3A_1101 : i32 to index
        %parallel_loop3A_1105 = arith.constant 0 : index
        %parallel_loop3A_1106 = tpu.vector_load %arg6[%parallel_loop3A_1103, %parallel_loop3A_1104, %parallel_loop3A_1105] {strides = array<i32>} : memref<2x384x64xf32, #tpu.memory_space<vmem>>, vector<1x1x16xf32>,
        %parallel_loop3A_1107 = vector.shape_cast %parallel_loop3A_1106 : vector<1x1x16xf32> to vector<16xf32>
        %parallel_loop3A_1108 = arith.constant 1 : i32
        %parallel_loop3A_1109 = arith.addi %parallel_loop3A_1101, %parallel_loop3A_1108 : i32
        %parallel_loop3A_1110 = arith.constant 0 : i32
        %parallel_loop3A_1111 = arith.index_cast %parallel_loop3A_1110 : i32 to index
        %parallel_loop3A_1112 = arith.index_cast %parallel_loop3A_1109 : i32 to index
        %parallel_loop3A_1113 = arith.constant 0 : index
        %parallel_loop3A_1114 = tpu.vector_load %arg6[%parallel_loop3A_1111, %parallel_loop3A_1112, %parallel_loop3A_1113] {strides = array<i32>} : memref<2x384x64xf32, #tpu.memory_space<vmem>>, vector<1x1x16xf32>,
        %parallel_loop3A_1115 = vector.shape_cast %parallel_loop3A_1114 : vector<1x1x16xf32> to vector<16xf32>
        %parallel_loop3A_1116 = arith.maximumf %parallel_loop3A_1107, %parallel_loop3A_1115 : vector<16xf32>
        %parallel_loop3A_1117 = arith.constant 2 : i32
        %parallel_loop3A_1118 = arith.addi %parallel_loop3A_1101, %parallel_loop3A_1117 : i32
        %parallel_loop3A_1119 = arith.constant 0 : i32
        %parallel_loop3A_1120 = arith.index_cast %parallel_loop3A_1119 : i32 to index
        %parallel_loop3A_1121 = arith.index_cast %parallel_loop3A_1118 : i32 to index
        %parallel_loop3A_1122 = arith.constant 0 : index
        %parallel_loop3A_1123 = tpu.vector_load %arg6[%parallel_loop3A_1120, %parallel_loop3A_1121, %parallel_loop3A_1122] {strides = array<i32>} : memref<2x384x64xf32, #tpu.memory_space<vmem>>, vector<1x1x16xf32>,
        %parallel_loop3A_1124 = vector.shape_cast %parallel_loop3A_1123 : vector<1x1x16xf32> to vector<16xf32>
        %parallel_loop3A_1125 = arith.maximumf %parallel_loop3A_1116, %parallel_loop3A_1124 : vector<16xf32>
        %parallel_loop3A_1126 = arith.constant 0 : i32
        %parallel_loop3A_1127 = arith.index_cast %parallel_loop3A_1126 : i32 to index
        %parallel_loop3A_1128 = arith.index_cast %parallel_loop3A_1099 : i32 to index
        %parallel_loop3A_1129 = arith.constant 0 : index
        %parallel_loop3A_1130 = tpu.vector_load %arg7[%parallel_loop3A_1127, %parallel_loop3A_1128, %parallel_loop3A_1129] {strides = array<i32>} : memref<2x128x64xf32, #tpu.memory_space<vmem>>, vector<1x1x16xf32>,
        %parallel_loop3A_1131 = vector.shape_cast %parallel_loop3A_1130 : vector<1x1x16xf32> to vector<16xf32>
        %parallel_loop3A_1132 = vector.shape_cast %parallel_loop3A_1125 : vector<16xf32> to vector<1x1x16xf32>
        tpu.vector_store %arg7[%parallel_loop3A_1127, %parallel_loop3A_1128, %parallel_loop3A_1129], %parallel_loop3A_1132 {strides = array<i32>} : memref<2x128x64xf32, #tpu.memory_space<vmem>>, vector<1x1x16xf32>,
        %parallel_loop3A_1133 = arith.constant 0 : i32
        %parallel_loop3A_1134 = arith.index_cast %parallel_loop3A_1133 : i32 to index
        %parallel_loop3A_1135 = arith.index_cast %parallel_loop3A_1101 : i32 to index
        %parallel_loop3A_1136 = arith.constant 16 : index
        %parallel_loop3A_1137 = tpu.vector_load %arg6[%parallel_loop3A_1134, %parallel_loop3A_1135, %parallel_loop3A_1136] {strides = array<i32>} : memref<2x384x64xf32, #tpu.memory_space<vmem>>, vector<1x1x16xf32>,
        %parallel_loop3A_1138 = vector.shape_cast %parallel_loop3A_1137 : vector<1x1x16xf32> to vector<16xf32>
        %parallel_loop3A_1139 = arith.constant 1 : i32
        %parallel_loop3A_1140 = arith.addi %parallel_loop3A_1101, %parallel_loop3A_1139 : i32
        %parallel_loop3A_1141 = arith.constant 0 : i32
        %parallel_loop3A_1142 = arith.index_cast %parallel_loop3A_1141 : i32 to index
        %parallel_loop3A_1143 = arith.index_cast %parallel_loop3A_1140 : i32 to index
        %parallel_loop3A_1144 = arith.constant 16 : index
        %parallel_loop3A_1145 = tpu.vector_load %arg6[%parallel_loop3A_1142, %parallel_loop3A_1143, %parallel_loop3A_1144] {strides = array<i32>} : memref<2x384x64xf32, #tpu.memory_space<vmem>>, vector<1x1x16xf32>,
        %parallel_loop3A_1146 = vector.shape_cast %parallel_loop3A_1145 : vector<1x1x16xf32> to vector<16xf32>
        %parallel_loop3A_1147 = arith.maximumf %parallel_loop3A_1138, %parallel_loop3A_1146 : vector<16xf32>
        %parallel_loop3A_1148 = arith.constant 2 : i32
        %parallel_loop3A_1149 = arith.addi %parallel_loop3A_1101, %parallel_loop3A_1148 : i32
        %parallel_loop3A_1150 = arith.constant 0 : i32
        %parallel_loop3A_1151 = arith.index_cast %parallel_loop3A_1150 : i32 to index
        %parallel_loop3A_1152 = arith.index_cast %parallel_loop3A_1149 : i32 to index
        %parallel_loop3A_1153 = arith.constant 16 : index
        %parallel_loop3A_1154 = tpu.vector_load %arg6[%parallel_loop3A_1151, %parallel_loop3A_1152, %parallel_loop3A_1153] {strides = array<i32>} : memref<2x384x64xf32, #tpu.memory_space<vmem>>, vector<1x1x16xf32>,
        %parallel_loop3A_1155 = vector.shape_cast %parallel_loop3A_1154 : vector<1x1x16xf32> to vector<16xf32>
        %parallel_loop3A_1156 = arith.maximumf %parallel_loop3A_1147, %parallel_loop3A_1155 : vector<16xf32>
        %parallel_loop3A_1157 = arith.constant 0 : i32
        %parallel_loop3A_1158 = arith.index_cast %parallel_loop3A_1157 : i32 to index
        %parallel_loop3A_1159 = arith.index_cast %parallel_loop3A_1099 : i32 to index
        %parallel_loop3A_1160 = arith.constant 16 : index
        %parallel_loop3A_1161 = tpu.vector_load %arg7[%parallel_loop3A_1158, %parallel_loop3A_1159, %parallel_loop3A_1160] {strides = array<i32>} : memref<2x128x64xf32, #tpu.memory_space<vmem>>, vector<1x1x16xf32>,
        %parallel_loop3A_1162 = vector.shape_cast %parallel_loop3A_1161 : vector<1x1x16xf32> to vector<16xf32>
        %parallel_loop3A_1163 = vector.shape_cast %parallel_loop3A_1156 : vector<16xf32> to vector<1x1x16xf32>
        tpu.vector_store %arg7[%parallel_loop3A_1158, %parallel_loop3A_1159, %parallel_loop3A_1160], %parallel_loop3A_1163 {strides = array<i32>} : memref<2x128x64xf32, #tpu.memory_space<vmem>>, vector<1x1x16xf32>,
        %parallel_loop3A_1164 = arith.constant 0 : i32
        %parallel_loop3A_1165 = arith.index_cast %parallel_loop3A_1164 : i32 to index
        %parallel_loop3A_1166 = arith.index_cast %parallel_loop3A_1101 : i32 to index
        %parallel_loop3A_1167 = arith.constant 32 : index
        %parallel_loop3A_1168 = tpu.vector_load %arg6[%parallel_loop3A_1165, %parallel_loop3A_1166, %parallel_loop3A_1167] {strides = array<i32>} : memref<2x384x64xf32, #tpu.memory_space<vmem>>, vector<1x1x16xf32>,
        %parallel_loop3A_1169 = vector.shape_cast %parallel_loop3A_1168 : vector<1x1x16xf32> to vector<16xf32>
        %parallel_loop3A_1170 = arith.constant 1 : i32
        %parallel_loop3A_1171 = arith.addi %parallel_loop3A_1101, %parallel_loop3A_1170 : i32
        %parallel_loop3A_1172 = arith.constant 0 : i32
        %parallel_loop3A_1173 = arith.index_cast %parallel_loop3A_1172 : i32 to index
        %parallel_loop3A_1174 = arith.index_cast %parallel_loop3A_1171 : i32 to index
        %parallel_loop3A_1175 = arith.constant 32 : index
        %parallel_loop3A_1176 = tpu.vector_load %arg6[%parallel_loop3A_1173, %parallel_loop3A_1174, %parallel_loop3A_1175] {strides = array<i32>} : memref<2x384x64xf32, #tpu.memory_space<vmem>>, vector<1x1x16xf32>,
        %parallel_loop3A_1177 = vector.shape_cast %parallel_loop3A_1176 : vector<1x1x16xf32> to vector<16xf32>
        %parallel_loop3A_1178 = arith.maximumf %parallel_loop3A_1169, %parallel_loop3A_1177 : vector<16xf32>
        %parallel_loop3A_1179 = arith.constant 2 : i32
        %parallel_loop3A_1180 = arith.addi %parallel_loop3A_1101, %parallel_loop3A_1179 : i32
        %parallel_loop3A_1181 = arith.constant 0 : i32
        %parallel_loop3A_1182 = arith.index_cast %parallel_loop3A_1181 : i32 to index
        %parallel_loop3A_1183 = arith.index_cast %parallel_loop3A_1180 : i32 to index
        %parallel_loop3A_1184 = arith.constant 32 : index
        %parallel_loop3A_1185 = tpu.vector_load %arg6[%parallel_loop3A_1182, %parallel_loop3A_1183, %parallel_loop3A_1184] {strides = array<i32>} : memref<2x384x64xf32, #tpu.memory_space<vmem>>, vector<1x1x16xf32>,
        %parallel_loop3A_1186 = vector.shape_cast %parallel_loop3A_1185 : vector<1x1x16xf32> to vector<16xf32>
        %parallel_loop3A_1187 = arith.maximumf %parallel_loop3A_1178, %parallel_loop3A_1186 : vector<16xf32>
        %parallel_loop3A_1188 = arith.constant 0 : i32
        %parallel_loop3A_1189 = arith.index_cast %parallel_loop3A_1188 : i32 to index
        %parallel_loop3A_1190 = arith.index_cast %parallel_loop3A_1099 : i32 to index
        %parallel_loop3A_1191 = arith.constant 32 : index
        %parallel_loop3A_1192 = tpu.vector_load %arg7[%parallel_loop3A_1189, %parallel_loop3A_1190, %parallel_loop3A_1191] {strides = array<i32>} : memref<2x128x64xf32, #tpu.memory_space<vmem>>, vector<1x1x16xf32>,
        %parallel_loop3A_1193 = vector.shape_cast %parallel_loop3A_1192 : vector<1x1x16xf32> to vector<16xf32>
        %parallel_loop3A_1194 = vector.shape_cast %parallel_loop3A_1187 : vector<16xf32> to vector<1x1x16xf32>
        tpu.vector_store %arg7[%parallel_loop3A_1189, %parallel_loop3A_1190, %parallel_loop3A_1191], %parallel_loop3A_1194 {strides = array<i32>} : memref<2x128x64xf32, #tpu.memory_space<vmem>>, vector<1x1x16xf32>,
        %parallel_loop3A_1195 = arith.constant 0 : i32
        %parallel_loop3A_1196 = arith.index_cast %parallel_loop3A_1195 : i32 to index
        %parallel_loop3A_1197 = arith.index_cast %parallel_loop3A_1101 : i32 to index
        %parallel_loop3A_1198 = arith.constant 48 : index
        %parallel_loop3A_1199 = tpu.vector_load %arg6[%parallel_loop3A_1196, %parallel_loop3A_1197, %parallel_loop3A_1198] {strides = array<i32>} : memref<2x384x64xf32, #tpu.memory_space<vmem>>, vector<1x1x16xf32>,
        %parallel_loop3A_1200 = vector.shape_cast %parallel_loop3A_1199 : vector<1x1x16xf32> to vector<16xf32>
        %parallel_loop3A_1201 = arith.constant 1 : i32
        %parallel_loop3A_1202 = arith.addi %parallel_loop3A_1101, %parallel_loop3A_1201 : i32
        %parallel_loop3A_1203 = arith.constant 0 : i32
        %parallel_loop3A_1204 = arith.index_cast %parallel_loop3A_1203 : i32 to index
        %parallel_loop3A_1205 = arith.index_cast %parallel_loop3A_1202 : i32 to index
        %parallel_loop3A_1206 = arith.constant 48 : index
        %parallel_loop3A_1207 = tpu.vector_load %arg6[%parallel_loop3A_1204, %parallel_loop3A_1205, %parallel_loop3A_1206] {strides = array<i32>} : memref<2x384x64xf32, #tpu.memory_space<vmem>>, vector<1x1x16xf32>,
        %parallel_loop3A_1208 = vector.shape_cast %parallel_loop3A_1207 : vector<1x1x16xf32> to vector<16xf32>
        %parallel_loop3A_1209 = arith.maximumf %parallel_loop3A_1200, %parallel_loop3A_1208 : vector<16xf32>
        %parallel_loop3A_1210 = arith.constant 2 : i32
        %parallel_loop3A_1211 = arith.addi %parallel_loop3A_1101, %parallel_loop3A_1210 : i32
        %parallel_loop3A_1212 = arith.constant 0 : i32
        %parallel_loop3A_1213 = arith.index_cast %parallel_loop3A_1212 : i32 to index
        %parallel_loop3A_1214 = arith.index_cast %parallel_loop3A_1211 : i32 to index
        %parallel_loop3A_1215 = arith.constant 48 : index
        %parallel_loop3A_1216 = tpu.vector_load %arg6[%parallel_loop3A_1213, %parallel_loop3A_1214, %parallel_loop3A_1215] {strides = array<i32>} : memref<2x384x64xf32, #tpu.memory_space<vmem>>, vector<1x1x16xf32>,
        %parallel_loop3A_1217 = vector.shape_cast %parallel_loop3A_1216 : vector<1x1x16xf32> to vector<16xf32>
        %parallel_loop3A_1218 = arith.maximumf %parallel_loop3A_1209, %parallel_loop3A_1217 : vector<16xf32>
        %parallel_loop3A_1219 = arith.constant 0 : i32
        %parallel_loop3A_1220 = arith.index_cast %parallel_loop3A_1219 : i32 to index
        %parallel_loop3A_1221 = arith.index_cast %parallel_loop3A_1099 : i32 to index
        %parallel_loop3A_1222 = arith.constant 48 : index
        %parallel_loop3A_1223 = tpu.vector_load %arg7[%parallel_loop3A_1220, %parallel_loop3A_1221, %parallel_loop3A_1222] {strides = array<i32>} : memref<2x128x64xf32, #tpu.memory_space<vmem>>, vector<1x1x16xf32>,
        %parallel_loop3A_1224 = vector.shape_cast %parallel_loop3A_1223 : vector<1x1x16xf32> to vector<16xf32>
        %parallel_loop3A_1225 = vector.shape_cast %parallel_loop3A_1218 : vector<16xf32> to vector<1x1x16xf32>
        tpu.vector_store %arg7[%parallel_loop3A_1220, %parallel_loop3A_1221, %parallel_loop3A_1222], %parallel_loop3A_1225 {strides = array<i32>} : memref<2x128x64xf32, #tpu.memory_space<vmem>>, vector<1x1x16xf32>,
      } {sc.loop_unroll_factor = 4 : i64, sc.parallel_access}
      %dma_start3A_1008 = arith.constant 0 : i32
      %dma_start3A_1009 = arith.constant 0 : i32
      %dma_start3A_1010 = arith.constant 0 : i32
      %dma_start3A_1011 = tpu.memref_slice %arg7[%dma_start3A_1008, %dma_start3A_1009, %dma_start3A_1010] : memref<2x128x64xf32, #tpu.memory_space<vmem>> -> memref<1x128x64xf32, #tpu.memory_space<vmem>>
      %dma_start3A_1012 = tpu.memref_squeeze %dma_start3A_1011 : memref<1x128x64xf32, #tpu.memory_space<vmem>> -> memref<128x64xf32, #tpu.memory_space<vmem>>
      %dma_start3A_1013 = arith.constant 0 : i32
      %dma_start3A_1014 = tpu.memref_slice %arg4[%add3A_964, %dma_start3A_1013] : memref<131072x64xf32, #tpu.memory_space<hbm>> -> memref<128x64xf32, #tpu.memory_space<hbm>>
      %dma_start3A_1015 = arith.constant 0 : i32
      %dma_start3A_1016 = tpu.memref_slice %arg4[%add3A_964, %dma_start3A_1015] : memref<131072x64xf32, #tpu.memory_space<hbm>> -> memref<128x64xf32, #tpu.memory_space<hbm>>
      %dma_start3A_1017 = arith.constant 0 : i32
      %dma_start3A_1018 = arith.constant 0 : i32
      %dma_start3A_1019 = tpu.memref_slice %arg7[%dma_start3A_1008, %dma_start3A_1017, %dma_start3A_1018] : memref<2x128x64xf32, #tpu.memory_space<vmem>> -> memref<1x128x64xf32, #tpu.memory_space<vmem>>
      %dma_start3A_1020 = tpu.memref_squeeze %dma_start3A_1019 : memref<1x128x64xf32, #tpu.memory_space<vmem>> -> memref<128x64xf32, #tpu.memory_space<vmem>>
      tpu.enqueue_dma source(%dma_start3A_1020 : memref<128x64xf32, #tpu.memory_space<vmem>>) target(%dma_start3A_1016 : memref<128x64xf32, #tpu.memory_space<hbm>>) target_semaphore(%arg10 : memref<!tpu.dma_semaphore, #tpu.memory_space<semaphore_mem>>)
      %add3A_1021 = arith.constant 2 : i32
      %add3A_1022 = arith.addi %mul3A_961, %add3A_1021 : i32
      %lt3A = arith.constant 32 : i32
      %lt3A_1023 = arith.cmpi slt, %add3A_1022, %lt3A : i32
      %convert_element_type3A_1024 = arith.extui %lt3A_1023 : i1 to i32
      %cond3A_1025 = arith.constant 0 : i32
      %cond3A_1026 = arith.cmpi ne, %convert_element_type3A_1024, %cond3A_1025 : i32
      scf.if %cond3A_1026 {
        %add3A_1099 = arith.constant 2 : i32
        %add3A_1100 = arith.addi %mul3A_961, %add3A_1099 : i32
        %mul3A_1101 = arith.constant 32 : i32
        %mul3A_1102 = arith.muli %add3A, %mul3A_1101 : i32
        %add3A_1103 = arith.addi %mul3A_1102, %add3A_1100 : i32
        %mul3A_1104 = arith.constant 3 : i32
        %mul3A_1105 = arith.muli %mul3A_1104, %add3A_1103 : i32
        %run_scoped3A_1106 = arith.constant 0 : i32
        "tpu.region"() ({
          %run_scoped3A_1554 = tpu.sem_alloc : memref<!tpu.dma_semaphore, #tpu.memory_space<semaphore_mem>>
          %dma_start3A_1555 = arith.constant 0 : i32
          %dma_start3A_1556 = arith.constant 0 : i32
          %dma_start3A_1557 = tpu.memref_slice %arg5[%run_scoped3A_1106, %dma_start3A_1555, %dma_start3A_1556] : memref<2x3x128xi32, #tpu.memory_space<vmem>> -> memref<1x3x128xi32, #tpu.memory_space<vmem>>
          %dma_start3A_1558 = tpu.memref_squeeze %dma_start3A_1557 : memref<1x3x128xi32, #tpu.memory_space<vmem>> -> memref<3x128xi32, #tpu.memory_space<vmem>>
          %dma_start3A_1559 = arith.constant 0 : i32
          %dma_start3A_1560 = tpu.memref_slice %arg2[%mul3A_1105, %dma_start3A_1559] : memref<3072x128xi32, #tpu.memory_space<hbm>> -> memref<3x128xi32, #tpu.memory_space<hbm>>
          %dma_start3A_1561 = arith.constant 0 : i32
          %dma_start3A_1562 = arith.constant 0 : i32
          %dma_start3A_1563 = tpu.memref_slice %arg5[%run_scoped3A_1106, %dma_start3A_1561, %dma_start3A_1562] : memref<2x3x128xi32, #tpu.memory_space<vmem>> -> memref<1x3x128xi32, #tpu.memory_space<vmem>>
          %dma_start3A_1564 = tpu.memref_squeeze %dma_start3A_1563 : memref<1x3x128xi32, #tpu.memory_space<vmem>> -> memref<3x128xi32, #tpu.memory_space<vmem>>
          %dma_start3A_1565 = arith.constant 0 : i32
          %dma_start3A_1566 = tpu.memref_slice %arg2[%mul3A_1105, %dma_start3A_1565] : memref<3072x128xi32, #tpu.memory_space<hbm>> -> memref<3x128xi32, #tpu.memory_space<hbm>>
          tpu.enqueue_dma source(%dma_start3A_1566 : memref<3x128xi32, #tpu.memory_space<hbm>>) target(%dma_start3A_1564 : memref<3x128xi32, #tpu.memory_space<vmem>>) target_semaphore(%run_scoped3A_1554 : memref<!tpu.dma_semaphore, #tpu.memory_space<semaphore_mem>>)
          %dma_wait3A_1567 = arith.constant 0 : i32
          %dma_wait3A_1568 = arith.constant 0 : i32
          %dma_wait3A_1569 = tpu.memref_slice %arg5[%run_scoped3A_1106, %dma_wait3A_1567, %dma_wait3A_1568] : memref<2x3x128xi32, #tpu.memory_space<vmem>> -> memref<1x3x128xi32, #tpu.memory_space<vmem>>
          %dma_wait3A_1570 = tpu.memref_squeeze %dma_wait3A_1569 : memref<1x3x128xi32, #tpu.memory_space<vmem>> -> memref<3x128xi32, #tpu.memory_space<vmem>>
          %dma_wait3A_1571 = arith.constant 0 : i32
          %dma_wait3A_1572 = tpu.memref_slice %arg2[%mul3A_1105, %dma_wait3A_1571] : memref<3072x128xi32, #tpu.memory_space<hbm>> -> memref<3x128xi32, #tpu.memory_space<hbm>>
          %dma_wait3A_1573 = arith.constant 0 : i32
          %dma_wait3A_1574 = arith.constant 0 : i32
          %dma_wait3A_1575 = tpu.memref_slice %arg5[%run_scoped3A_1106, %dma_wait3A_1573, %dma_wait3A_1574] : memref<2x3x128xi32, #tpu.memory_space<vmem>> -> memref<1x3x128xi32, #tpu.memory_space<vmem>>
          %dma_wait3A_1576 = tpu.memref_squeeze %dma_wait3A_1575 : memref<1x3x128xi32, #tpu.memory_space<vmem>> -> memref<3x128xi32, #tpu.memory_space<vmem>>
          %dma_wait3A_1577 = arith.constant 0 : i32
          %dma_wait3A_1578 = tpu.memref_slice %arg2[%mul3A_1105, %dma_wait3A_1577] : memref<3072x128xi32, #tpu.memory_space<hbm>> -> memref<3x128xi32, #tpu.memory_space<hbm>>
          tpu.wait_dma2 semaphore(%run_scoped3A_1554 : memref<!tpu.dma_semaphore, #tpu.memory_space<semaphore_mem>>) src(%dma_wait3A_1578 : memref<3x128xi32, #tpu.memory_space<hbm>>) dst(%dma_wait3A_1576 : memref<3x128xi32, #tpu.memory_space<vmem>>)
          tpu.yield
        }) : () -> ()
        %get3A_1107 = arith.constant 0 : i32
        %get3A_1108 = arith.constant 0 : i32
        %get3A_1109 = arith.index_cast %get3A_1107 : i32 to index
        %get3A_1110 = arith.index_cast %get3A_1108 : i32 to index
        %get3A_1111 = arith.constant 0 : index
        %get3A_1112 = tpu.vector_load %arg5[%get3A_1109, %get3A_1110, %get3A_1111] {strides = array<i32>} : memref<2x3x128xi32, #tpu.memory_space<vmem>>, vector<1x1x16xi32>,
        %get3A_1113 = vector.shape_cast %get3A_1112 : vector<1x1x16xi32> to vector<16xi32>
        %add3A_1114 = vector.broadcast %mul3A_20 : i32 to vector<16xi32>
        %add3A_1115 = arith.addi %get3A_1113, %add3A_1114 : vector<16xi32>
        %swap3A_1116 = arith.constant 0 : i32
        %swap3A_1117 = arith.constant 0 : i32
        %swap3A_1118 = arith.index_cast %swap3A_1116 : i32 to index
        %swap3A_1119 = arith.index_cast %swap3A_1117 : i32 to index
        %swap3A_1120 = arith.constant 0 : index
        %swap3A_1121 = tpu.vector_load %arg5[%swap3A_1118, %swap3A_1119, %swap3A_1120] {strides = array<i32>} : memref<2x3x128xi32, #tpu.memory_space<vmem>>, vector<1x1x16xi32>,
        %swap3A_1122 = vector.shape_cast %swap3A_1121 : vector<1x1x16xi32> to vector<16xi32>
        %swap3A_1123 = vector.shape_cast %add3A_1115 : vector<16xi32> to vector<1x1x16xi32>
        tpu.vector_store %arg5[%swap3A_1118, %swap3A_1119, %swap3A_1120], %swap3A_1123 {strides = array<i32>} : memref<2x3x128xi32, #tpu.memory_space<vmem>>, vector<1x1x16xi32>,
        %get3A_1124 = arith.constant 0 : i32
        %get3A_1125 = arith.constant 0 : i32
        %get3A_1126 = arith.index_cast %get3A_1124 : i32 to index
        %get3A_1127 = arith.index_cast %get3A_1125 : i32 to index
        %get3A_1128 = arith.constant 16 : index
        %get3A_1129 = tpu.vector_load %arg5[%get3A_1126, %get3A_1127, %get3A_1128] {strides = array<i32>} : memref<2x3x128xi32, #tpu.memory_space<vmem>>, vector<1x1x16xi32>,
        %get3A_1130 = vector.shape_cast %get3A_1129 : vector<1x1x16xi32> to vector<16xi32>
        %add3A_1131 = vector.broadcast %mul3A_20 : i32 to vector<16xi32>
        %add3A_1132 = arith.addi %get3A_1130, %add3A_1131 : vector<16xi32>
        %swap3A_1133 = arith.constant 0 : i32
        %swap3A_1134 = arith.constant 0 : i32
        %swap3A_1135 = arith.index_cast %swap3A_1133 : i32 to index
        %swap3A_1136 = arith.index_cast %swap3A_1134 : i32 to index
        %swap3A_1137 = arith.constant 16 : index
        %swap3A_1138 = tpu.vector_load %arg5[%swap3A_1135, %swap3A_1136, %swap3A_1137] {strides = array<i32>} : memref<2x3x128xi32, #tpu.memory_space<vmem>>, vector<1x1x16xi32>,
        %swap3A_1139 = vector.shape_cast %swap3A_1138 : vector<1x1x16xi32> to vector<16xi32>
        %swap3A_1140 = vector.shape_cast %add3A_1132 : vector<16xi32> to vector<1x1x16xi32>
        tpu.vector_store %arg5[%swap3A_1135, %swap3A_1136, %swap3A_1137], %swap3A_1140 {strides = array<i32>} : memref<2x3x128xi32, #tpu.memory_space<vmem>>, vector<1x1x16xi32>,
        %get3A_1141 = arith.constant 0 : i32
        %get3A_1142 = arith.constant 0 : i32
        %get3A_1143 = arith.index_cast %get3A_1141 : i32 to index
        %get3A_1144 = arith.index_cast %get3A_1142 : i32 to index
        %get3A_1145 = arith.constant 32 : index
        %get3A_1146 = tpu.vector_load %arg5[%get3A_1143, %get3A_1144, %get3A_1145] {strides = array<i32>} : memref<2x3x128xi32, #tpu.memory_space<vmem>>, vector<1x1x16xi32>,
        %get3A_1147 = vector.shape_cast %get3A_1146 : vector<1x1x16xi32> to vector<16xi32>
        %add3A_1148 = vector.broadcast %mul3A_20 : i32 to vector<16xi32>
        %add3A_1149 = arith.addi %get3A_1147, %add3A_1148 : vector<16xi32>
        %swap3A_1150 = arith.constant 0 : i32
        %swap3A_1151 = arith.constant 0 : i32
        %swap3A_1152 = arith.index_cast %swap3A_1150 : i32 to index
        %swap3A_1153 = arith.index_cast %swap3A_1151 : i32 to index
        %swap3A_1154 = arith.constant 32 : index
        %swap3A_1155 = tpu.vector_load %arg5[%swap3A_1152, %swap3A_1153, %swap3A_1154] {strides = array<i32>} : memref<2x3x128xi32, #tpu.memory_space<vmem>>, vector<1x1x16xi32>,
        %swap3A_1156 = vector.shape_cast %swap3A_1155 : vector<1x1x16xi32> to vector<16xi32>
        %swap3A_1157 = vector.shape_cast %add3A_1149 : vector<16xi32> to vector<1x1x16xi32>
        tpu.vector_store %arg5[%swap3A_1152, %swap3A_1153, %swap3A_1154], %swap3A_1157 {strides = array<i32>} : memref<2x3x128xi32, #tpu.memory_space<vmem>>, vector<1x1x16xi32>,
        %get3A_1158 = arith.constant 0 : i32
        %get3A_1159 = arith.constant 0 : i32
        %get3A_1160 = arith.index_cast %get3A_1158 : i32 to index
        %get3A_1161 = arith.index_cast %get3A_1159 : i32 to index
        %get3A_1162 = arith.constant 48 : index
        %get3A_1163 = tpu.vector_load %arg5[%get3A_1160, %get3A_1161, %get3A_1162] {strides = array<i32>} : memref<2x3x128xi32, #tpu.memory_space<vmem>>, vector<1x1x16xi32>,
        %get3A_1164 = vector.shape_cast %get3A_1163 : vector<1x1x16xi32> to vector<16xi32>
        %add3A_1165 = vector.broadcast %mul3A_20 : i32 to vector<16xi32>
        %add3A_1166 = arith.addi %get3A_1164, %add3A_1165 : vector<16xi32>
        %swap3A_1167 = arith.constant 0 : i32
        %swap3A_1168 = arith.constant 0 : i32
        %swap3A_1169 = arith.index_cast %swap3A_1167 : i32 to index
        %swap3A_1170 = arith.index_cast %swap3A_1168 : i32 to index
        %swap3A_1171 = arith.constant 48 : index
        %swap3A_1172 = tpu.vector_load %arg5[%swap3A_1169, %swap3A_1170, %swap3A_1171] {strides = array<i32>} : memref<2x3x128xi32, #tpu.memory_space<vmem>>, vector<1x1x16xi32>,
        %swap3A_1173 = vector.shape_cast %swap3A_1172 : vector<1x1x16xi32> to vector<16xi32>
        %swap3A_1174 = vector.shape_cast %add3A_1166 : vector<16xi32> to vector<1x1x16xi32>
        tpu.vector_store %arg5[%swap3A_1169, %swap3A_1170, %swap3A_1171], %swap3A_1174 {strides = array<i32>} : memref<2x3x128xi32, #tpu.memory_space<vmem>>, vector<1x1x16xi32>,
        %get3A_1175 = arith.constant 0 : i32
        %get3A_1176 = arith.constant 0 : i32
        %get3A_1177 = arith.index_cast %get3A_1175 : i32 to index
        %get3A_1178 = arith.index_cast %get3A_1176 : i32 to index
        %get3A_1179 = arith.constant 64 : index
        %get3A_1180 = tpu.vector_load %arg5[%get3A_1177, %get3A_1178, %get3A_1179] {strides = array<i32>} : memref<2x3x128xi32, #tpu.memory_space<vmem>>, vector<1x1x16xi32>,
        %get3A_1181 = vector.shape_cast %get3A_1180 : vector<1x1x16xi32> to vector<16xi32>
        %add3A_1182 = vector.broadcast %mul3A_20 : i32 to vector<16xi32>
        %add3A_1183 = arith.addi %get3A_1181, %add3A_1182 : vector<16xi32>
        %swap3A_1184 = arith.constant 0 : i32
        %swap3A_1185 = arith.constant 0 : i32
        %swap3A_1186 = arith.index_cast %swap3A_1184 : i32 to index
        %swap3A_1187 = arith.index_cast %swap3A_1185 : i32 to index
        %swap3A_1188 = arith.constant 64 : index
        %swap3A_1189 = tpu.vector_load %arg5[%swap3A_1186, %swap3A_1187, %swap3A_1188] {strides = array<i32>} : memref<2x3x128xi32, #tpu.memory_space<vmem>>, vector<1x1x16xi32>,
        %swap3A_1190 = vector.shape_cast %swap3A_1189 : vector<1x1x16xi32> to vector<16xi32>
        %swap3A_1191 = vector.shape_cast %add3A_1183 : vector<16xi32> to vector<1x1x16xi32>
        tpu.vector_store %arg5[%swap3A_1186, %swap3A_1187, %swap3A_1188], %swap3A_1191 {strides = array<i32>} : memref<2x3x128xi32, #tpu.memory_space<vmem>>, vector<1x1x16xi32>,
        %get3A_1192 = arith.constant 0 : i32
        %get3A_1193 = arith.constant 0 : i32
        %get3A_1194 = arith.index_cast %get3A_1192 : i32 to index
        %get3A_1195 = arith.index_cast %get3A_1193 : i32 to index
        %get3A_1196 = arith.constant 80 : index
        %get3A_1197 = tpu.vector_load %arg5[%get3A_1194, %get3A_1195, %get3A_1196] {strides = array<i32>} : memref<2x3x128xi32, #tpu.memory_space<vmem>>, vector<1x1x16xi32>,
        %get3A_1198 = vector.shape_cast %get3A_1197 : vector<1x1x16xi32> to vector<16xi32>
        %add3A_1199 = vector.broadcast %mul3A_20 : i32 to vector<16xi32>
        %add3A_1200 = arith.addi %get3A_1198, %add3A_1199 : vector<16xi32>
        %swap3A_1201 = arith.constant 0 : i32
        %swap3A_1202 = arith.constant 0 : i32
        %swap3A_1203 = arith.index_cast %swap3A_1201 : i32 to index
        %swap3A_1204 = arith.index_cast %swap3A_1202 : i32 to index
        %swap3A_1205 = arith.constant 80 : index
        %swap3A_1206 = tpu.vector_load %arg5[%swap3A_1203, %swap3A_1204, %swap3A_1205] {strides = array<i32>} : memref<2x3x128xi32, #tpu.memory_space<vmem>>, vector<1x1x16xi32>,
        %swap3A_1207 = vector.shape_cast %swap3A_1206 : vector<1x1x16xi32> to vector<16xi32>
        %swap3A_1208 = vector.shape_cast %add3A_1200 : vector<16xi32> to vector<1x1x16xi32>
        tpu.vector_store %arg5[%swap3A_1203, %swap3A_1204, %swap3A_1205], %swap3A_1208 {strides = array<i32>} : memref<2x3x128xi32, #tpu.memory_space<vmem>>, vector<1x1x16xi32>,
        %get3A_1209 = arith.constant 0 : i32
        %get3A_1210 = arith.constant 0 : i32
        %get3A_1211 = arith.index_cast %get3A_1209 : i32 to index
        %get3A_1212 = arith.index_cast %get3A_1210 : i32 to index
        %get3A_1213 = arith.constant 96 : index
        %get3A_1214 = tpu.vector_load %arg5[%get3A_1211, %get3A_1212, %get3A_1213] {strides = array<i32>} : memref<2x3x128xi32, #tpu.memory_space<vmem>>, vector<1x1x16xi32>,
        %get3A_1215 = vector.shape_cast %get3A_1214 : vector<1x1x16xi32> to vector<16xi32>
        %add3A_1216 = vector.broadcast %mul3A_20 : i32 to vector<16xi32>
        %add3A_1217 = arith.addi %get3A_1215, %add3A_1216 : vector<16xi32>
        %swap3A_1218 = arith.constant 0 : i32
        %swap3A_1219 = arith.constant 0 : i32
        %swap3A_1220 = arith.index_cast %swap3A_1218 : i32 to index
        %swap3A_1221 = arith.index_cast %swap3A_1219 : i32 to index
        %swap3A_1222 = arith.constant 96 : index
        %swap3A_1223 = tpu.vector_load %arg5[%swap3A_1220, %swap3A_1221, %swap3A_1222] {strides = array<i32>} : memref<2x3x128xi32, #tpu.memory_space<vmem>>, vector<1x1x16xi32>,
        %swap3A_1224 = vector.shape_cast %swap3A_1223 : vector<1x1x16xi32> to vector<16xi32>
        %swap3A_1225 = vector.shape_cast %add3A_1217 : vector<16xi32> to vector<1x1x16xi32>
        tpu.vector_store %arg5[%swap3A_1220, %swap3A_1221, %swap3A_1222], %swap3A_1225 {strides = array<i32>} : memref<2x3x128xi32, #tpu.memory_space<vmem>>, vector<1x1x16xi32>,
        %get3A_1226 = arith.constant 0 : i32
        %get3A_1227 = arith.constant 0 : i32
        %get3A_1228 = arith.index_cast %get3A_1226 : i32 to index
        %get3A_1229 = arith.index_cast %get3A_1227 : i32 to index
        %get3A_1230 = arith.constant 112 : index
        %get3A_1231 = tpu.vector_load %arg5[%get3A_1228, %get3A_1229, %get3A_1230] {strides = array<i32>} : memref<2x3x128xi32, #tpu.memory_space<vmem>>, vector<1x1x16xi32>,
        %get3A_1232 = vector.shape_cast %get3A_1231 : vector<1x1x16xi32> to vector<16xi32>
        %add3A_1233 = vector.broadcast %mul3A_20 : i32 to vector<16xi32>
        %add3A_1234 = arith.addi %get3A_1232, %add3A_1233 : vector<16xi32>
        %swap3A_1235 = arith.constant 0 : i32
        %swap3A_1236 = arith.constant 0 : i32
        %swap3A_1237 = arith.index_cast %swap3A_1235 : i32 to index
        %swap3A_1238 = arith.index_cast %swap3A_1236 : i32 to index
        %swap3A_1239 = arith.constant 112 : index
        %swap3A_1240 = tpu.vector_load %arg5[%swap3A_1237, %swap3A_1238, %swap3A_1239] {strides = array<i32>} : memref<2x3x128xi32, #tpu.memory_space<vmem>>, vector<1x1x16xi32>,
        %swap3A_1241 = vector.shape_cast %swap3A_1240 : vector<1x1x16xi32> to vector<16xi32>
        %swap3A_1242 = vector.shape_cast %add3A_1234 : vector<16xi32> to vector<1x1x16xi32>
        tpu.vector_store %arg5[%swap3A_1237, %swap3A_1238, %swap3A_1239], %swap3A_1242 {strides = array<i32>} : memref<2x3x128xi32, #tpu.memory_space<vmem>>, vector<1x1x16xi32>,
        %get3A_1243 = arith.constant 0 : i32
        %get3A_1244 = arith.constant 1 : i32
        %get3A_1245 = arith.index_cast %get3A_1243 : i32 to index
        %get3A_1246 = arith.index_cast %get3A_1244 : i32 to index
        %get3A_1247 = arith.constant 0 : index
        %get3A_1248 = tpu.vector_load %arg5[%get3A_1245, %get3A_1246, %get3A_1247] {strides = array<i32>} : memref<2x3x128xi32, #tpu.memory_space<vmem>>, vector<1x1x16xi32>,
        %get3A_1249 = vector.shape_cast %get3A_1248 : vector<1x1x16xi32> to vector<16xi32>
        %add3A_1250 = vector.broadcast %mul3A_20 : i32 to vector<16xi32>
        %add3A_1251 = arith.addi %get3A_1249, %add3A_1250 : vector<16xi32>
        %swap3A_1252 = arith.constant 0 : i32
        %swap3A_1253 = arith.constant 1 : i32
        %swap3A_1254 = arith.index_cast %swap3A_1252 : i32 to index
        %swap3A_1255 = arith.index_cast %swap3A_1253 : i32 to index
        %swap3A_1256 = arith.constant 0 : index
        %swap3A_1257 = tpu.vector_load %arg5[%swap3A_1254, %swap3A_1255, %swap3A_1256] {strides = array<i32>} : memref<2x3x128xi32, #tpu.memory_space<vmem>>, vector<1x1x16xi32>,
        %swap3A_1258 = vector.shape_cast %swap3A_1257 : vector<1x1x16xi32> to vector<16xi32>
        %swap3A_1259 = vector.shape_cast %add3A_1251 : vector<16xi32> to vector<1x1x16xi32>
        tpu.vector_store %arg5[%swap3A_1254, %swap3A_1255, %swap3A_1256], %swap3A_1259 {strides = array<i32>} : memref<2x3x128xi32, #tpu.memory_space<vmem>>, vector<1x1x16xi32>,
        %get3A_1260 = arith.constant 0 : i32
        %get3A_1261 = arith.constant 1 : i32
        %get3A_1262 = arith.index_cast %get3A_1260 : i32 to index
        %get3A_1263 = arith.index_cast %get3A_1261 : i32 to index
        %get3A_1264 = arith.constant 16 : index
        %get3A_1265 = tpu.vector_load %arg5[%get3A_1262, %get3A_1263, %get3A_1264] {strides = array<i32>} : memref<2x3x128xi32, #tpu.memory_space<vmem>>, vector<1x1x16xi32>,
        %get3A_1266 = vector.shape_cast %get3A_1265 : vector<1x1x16xi32> to vector<16xi32>
        %add3A_1267 = vector.broadcast %mul3A_20 : i32 to vector<16xi32>
        %add3A_1268 = arith.addi %get3A_1266, %add3A_1267 : vector<16xi32>
        %swap3A_1269 = arith.constant 0 : i32
        %swap3A_1270 = arith.constant 1 : i32
        %swap3A_1271 = arith.index_cast %swap3A_1269 : i32 to index
        %swap3A_1272 = arith.index_cast %swap3A_1270 : i32 to index
        %swap3A_1273 = arith.constant 16 : index
        %swap3A_1274 = tpu.vector_load %arg5[%swap3A_1271, %swap3A_1272, %swap3A_1273] {strides = array<i32>} : memref<2x3x128xi32, #tpu.memory_space<vmem>>, vector<1x1x16xi32>,
        %swap3A_1275 = vector.shape_cast %swap3A_1274 : vector<1x1x16xi32> to vector<16xi32>
        %swap3A_1276 = vector.shape_cast %add3A_1268 : vector<16xi32> to vector<1x1x16xi32>
        tpu.vector_store %arg5[%swap3A_1271, %swap3A_1272, %swap3A_1273], %swap3A_1276 {strides = array<i32>} : memref<2x3x128xi32, #tpu.memory_space<vmem>>, vector<1x1x16xi32>,
        %get3A_1277 = arith.constant 0 : i32
        %get3A_1278 = arith.constant 1 : i32
        %get3A_1279 = arith.index_cast %get3A_1277 : i32 to index
        %get3A_1280 = arith.index_cast %get3A_1278 : i32 to index
        %get3A_1281 = arith.constant 32 : index
        %get3A_1282 = tpu.vector_load %arg5[%get3A_1279, %get3A_1280, %get3A_1281] {strides = array<i32>} : memref<2x3x128xi32, #tpu.memory_space<vmem>>, vector<1x1x16xi32>,
        %get3A_1283 = vector.shape_cast %get3A_1282 : vector<1x1x16xi32> to vector<16xi32>
        %add3A_1284 = vector.broadcast %mul3A_20 : i32 to vector<16xi32>
        %add3A_1285 = arith.addi %get3A_1283, %add3A_1284 : vector<16xi32>
        %swap3A_1286 = arith.constant 0 : i32
        %swap3A_1287 = arith.constant 1 : i32
        %swap3A_1288 = arith.index_cast %swap3A_1286 : i32 to index
        %swap3A_1289 = arith.index_cast %swap3A_1287 : i32 to index
        %swap3A_1290 = arith.constant 32 : index
        %swap3A_1291 = tpu.vector_load %arg5[%swap3A_1288, %swap3A_1289, %swap3A_1290] {strides = array<i32>} : memref<2x3x128xi32, #tpu.memory_space<vmem>>, vector<1x1x16xi32>,
        %swap3A_1292 = vector.shape_cast %swap3A_1291 : vector<1x1x16xi32> to vector<16xi32>
        %swap3A_1293 = vector.shape_cast %add3A_1285 : vector<16xi32> to vector<1x1x16xi32>
        tpu.vector_store %arg5[%swap3A_1288, %swap3A_1289, %swap3A_1290], %swap3A_1293 {strides = array<i32>} : memref<2x3x128xi32, #tpu.memory_space<vmem>>, vector<1x1x16xi32>,
        %get3A_1294 = arith.constant 0 : i32
        %get3A_1295 = arith.constant 1 : i32
        %get3A_1296 = arith.index_cast %get3A_1294 : i32 to index
        %get3A_1297 = arith.index_cast %get3A_1295 : i32 to index
        %get3A_1298 = arith.constant 48 : index
        %get3A_1299 = tpu.vector_load %arg5[%get3A_1296, %get3A_1297, %get3A_1298] {strides = array<i32>} : memref<2x3x128xi32, #tpu.memory_space<vmem>>, vector<1x1x16xi32>,
        %get3A_1300 = vector.shape_cast %get3A_1299 : vector<1x1x16xi32> to vector<16xi32>
        %add3A_1301 = vector.broadcast %mul3A_20 : i32 to vector<16xi32>
        %add3A_1302 = arith.addi %get3A_1300, %add3A_1301 : vector<16xi32>
        %swap3A_1303 = arith.constant 0 : i32
        %swap3A_1304 = arith.constant 1 : i32
        %swap3A_1305 = arith.index_cast %swap3A_1303 : i32 to index
        %swap3A_1306 = arith.index_cast %swap3A_1304 : i32 to index
        %swap3A_1307 = arith.constant 48 : index
        %swap3A_1308 = tpu.vector_load %arg5[%swap3A_1305, %swap3A_1306, %swap3A_1307] {strides = array<i32>} : memref<2x3x128xi32, #tpu.memory_space<vmem>>, vector<1x1x16xi32>,
        %swap3A_1309 = vector.shape_cast %swap3A_1308 : vector<1x1x16xi32> to vector<16xi32>
        %swap3A_1310 = vector.shape_cast %add3A_1302 : vector<16xi32> to vector<1x1x16xi32>
        tpu.vector_store %arg5[%swap3A_1305, %swap3A_1306, %swap3A_1307], %swap3A_1310 {strides = array<i32>} : memref<2x3x128xi32, #tpu.memory_space<vmem>>, vector<1x1x16xi32>,
        %get3A_1311 = arith.constant 0 : i32
        %get3A_1312 = arith.constant 1 : i32
        %get3A_1313 = arith.index_cast %get3A_1311 : i32 to index
        %get3A_1314 = arith.index_cast %get3A_1312 : i32 to index
        %get3A_1315 = arith.constant 64 : index
        %get3A_1316 = tpu.vector_load %arg5[%get3A_1313, %get3A_1314, %get3A_1315] {strides = array<i32>} : memref<2x3x128xi32, #tpu.memory_space<vmem>>, vector<1x1x16xi32>,
        %get3A_1317 = vector.shape_cast %get3A_1316 : vector<1x1x16xi32> to vector<16xi32>
        %add3A_1318 = vector.broadcast %mul3A_20 : i32 to vector<16xi32>
        %add3A_1319 = arith.addi %get3A_1317, %add3A_1318 : vector<16xi32>
        %swap3A_1320 = arith.constant 0 : i32
        %swap3A_1321 = arith.constant 1 : i32
        %swap3A_1322 = arith.index_cast %swap3A_1320 : i32 to index
        %swap3A_1323 = arith.index_cast %swap3A_1321 : i32 to index
        %swap3A_1324 = arith.constant 64 : index
        %swap3A_1325 = tpu.vector_load %arg5[%swap3A_1322, %swap3A_1323, %swap3A_1324] {strides = array<i32>} : memref<2x3x128xi32, #tpu.memory_space<vmem>>, vector<1x1x16xi32>,
        %swap3A_1326 = vector.shape_cast %swap3A_1325 : vector<1x1x16xi32> to vector<16xi32>
        %swap3A_1327 = vector.shape_cast %add3A_1319 : vector<16xi32> to vector<1x1x16xi32>
        tpu.vector_store %arg5[%swap3A_1322, %swap3A_1323, %swap3A_1324], %swap3A_1327 {strides = array<i32>} : memref<2x3x128xi32, #tpu.memory_space<vmem>>, vector<1x1x16xi32>,
        %get3A_1328 = arith.constant 0 : i32
        %get3A_1329 = arith.constant 1 : i32
        %get3A_1330 = arith.index_cast %get3A_1328 : i32 to index
        %get3A_1331 = arith.index_cast %get3A_1329 : i32 to index
        %get3A_1332 = arith.constant 80 : index
        %get3A_1333 = tpu.vector_load %arg5[%get3A_1330, %get3A_1331, %get3A_1332] {strides = array<i32>} : memref<2x3x128xi32, #tpu.memory_space<vmem>>, vector<1x1x16xi32>,
        %get3A_1334 = vector.shape_cast %get3A_1333 : vector<1x1x16xi32> to vector<16xi32>
        %add3A_1335 = vector.broadcast %mul3A_20 : i32 to vector<16xi32>
        %add3A_1336 = arith.addi %get3A_1334, %add3A_1335 : vector<16xi32>
        %swap3A_1337 = arith.constant 0 : i32
        %swap3A_1338 = arith.constant 1 : i32
        %swap3A_1339 = arith.index_cast %swap3A_1337 : i32 to index
        %swap3A_1340 = arith.index_cast %swap3A_1338 : i32 to index
        %swap3A_1341 = arith.constant 80 : index
        %swap3A_1342 = tpu.vector_load %arg5[%swap3A_1339, %swap3A_1340, %swap3A_1341] {strides = array<i32>} : memref<2x3x128xi32, #tpu.memory_space<vmem>>, vector<1x1x16xi32>,
        %swap3A_1343 = vector.shape_cast %swap3A_1342 : vector<1x1x16xi32> to vector<16xi32>
        %swap3A_1344 = vector.shape_cast %add3A_1336 : vector<16xi32> to vector<1x1x16xi32>
        tpu.vector_store %arg5[%swap3A_1339, %swap3A_1340, %swap3A_1341], %swap3A_1344 {strides = array<i32>} : memref<2x3x128xi32, #tpu.memory_space<vmem>>, vector<1x1x16xi32>,
        %get3A_1345 = arith.constant 0 : i32
        %get3A_1346 = arith.constant 1 : i32
        %get3A_1347 = arith.index_cast %get3A_1345 : i32 to index
        %get3A_1348 = arith.index_cast %get3A_1346 : i32 to index
        %get3A_1349 = arith.constant 96 : index
        %get3A_1350 = tpu.vector_load %arg5[%get3A_1347, %get3A_1348, %get3A_1349] {strides = array<i32>} : memref<2x3x128xi32, #tpu.memory_space<vmem>>, vector<1x1x16xi32>,
        %get3A_1351 = vector.shape_cast %get3A_1350 : vector<1x1x16xi32> to vector<16xi32>
        %add3A_1352 = vector.broadcast %mul3A_20 : i32 to vector<16xi32>
        %add3A_1353 = arith.addi %get3A_1351, %add3A_1352 : vector<16xi32>
        %swap3A_1354 = arith.constant 0 : i32
        %swap3A_1355 = arith.constant 1 : i32
        %swap3A_1356 = arith.index_cast %swap3A_1354 : i32 to index
        %swap3A_1357 = arith.index_cast %swap3A_1355 : i32 to index
        %swap3A_1358 = arith.constant 96 : index
        %swap3A_1359 = tpu.vector_load %arg5[%swap3A_1356, %swap3A_1357, %swap3A_1358] {strides = array<i32>} : memref<2x3x128xi32, #tpu.memory_space<vmem>>, vector<1x1x16xi32>,
        %swap3A_1360 = vector.shape_cast %swap3A_1359 : vector<1x1x16xi32> to vector<16xi32>
        %swap3A_1361 = vector.shape_cast %add3A_1353 : vector<16xi32> to vector<1x1x16xi32>
        tpu.vector_store %arg5[%swap3A_1356, %swap3A_1357, %swap3A_1358], %swap3A_1361 {strides = array<i32>} : memref<2x3x128xi32, #tpu.memory_space<vmem>>, vector<1x1x16xi32>,
        %get3A_1362 = arith.constant 0 : i32
        %get3A_1363 = arith.constant 1 : i32
        %get3A_1364 = arith.index_cast %get3A_1362 : i32 to index
        %get3A_1365 = arith.index_cast %get3A_1363 : i32 to index
        %get3A_1366 = arith.constant 112 : index
        %get3A_1367 = tpu.vector_load %arg5[%get3A_1364, %get3A_1365, %get3A_1366] {strides = array<i32>} : memref<2x3x128xi32, #tpu.memory_space<vmem>>, vector<1x1x16xi32>,
        %get3A_1368 = vector.shape_cast %get3A_1367 : vector<1x1x16xi32> to vector<16xi32>
        %add3A_1369 = vector.broadcast %mul3A_20 : i32 to vector<16xi32>
        %add3A_1370 = arith.addi %get3A_1368, %add3A_1369 : vector<16xi32>
        %swap3A_1371 = arith.constant 0 : i32
        %swap3A_1372 = arith.constant 1 : i32
        %swap3A_1373 = arith.index_cast %swap3A_1371 : i32 to index
        %swap3A_1374 = arith.index_cast %swap3A_1372 : i32 to index
        %swap3A_1375 = arith.constant 112 : index
        %swap3A_1376 = tpu.vector_load %arg5[%swap3A_1373, %swap3A_1374, %swap3A_1375] {strides = array<i32>} : memref<2x3x128xi32, #tpu.memory_space<vmem>>, vector<1x1x16xi32>,
        %swap3A_1377 = vector.shape_cast %swap3A_1376 : vector<1x1x16xi32> to vector<16xi32>
        %swap3A_1378 = vector.shape_cast %add3A_1370 : vector<16xi32> to vector<1x1x16xi32>
        tpu.vector_store %arg5[%swap3A_1373, %swap3A_1374, %swap3A_1375], %swap3A_1378 {strides = array<i32>} : memref<2x3x128xi32, #tpu.memory_space<vmem>>, vector<1x1x16xi32>,
        %get3A_1379 = arith.constant 0 : i32
        %get3A_1380 = arith.constant 2 : i32
        %get3A_1381 = arith.index_cast %get3A_1379 : i32 to index
        %get3A_1382 = arith.index_cast %get3A_1380 : i32 to index
        %get3A_1383 = arith.constant 0 : index
        %get3A_1384 = tpu.vector_load %arg5[%get3A_1381, %get3A_1382, %get3A_1383] {strides = array<i32>} : memref<2x3x128xi32, #tpu.memory_space<vmem>>, vector<1x1x16xi32>,
        %get3A_1385 = vector.shape_cast %get3A_1384 : vector<1x1x16xi32> to vector<16xi32>
        %add3A_1386 = vector.broadcast %mul3A_20 : i32 to vector<16xi32>
        %add3A_1387 = arith.addi %get3A_1385, %add3A_1386 : vector<16xi32>
        %swap3A_1388 = arith.constant 0 : i32
        %swap3A_1389 = arith.constant 2 : i32
        %swap3A_1390 = arith.index_cast %swap3A_1388 : i32 to index
        %swap3A_1391 = arith.index_cast %swap3A_1389 : i32 to index
        %swap3A_1392 = arith.constant 0 : index
        %swap3A_1393 = tpu.vector_load %arg5[%swap3A_1390, %swap3A_1391, %swap3A_1392] {strides = array<i32>} : memref<2x3x128xi32, #tpu.memory_space<vmem>>, vector<1x1x16xi32>,
        %swap3A_1394 = vector.shape_cast %swap3A_1393 : vector<1x1x16xi32> to vector<16xi32>
        %swap3A_1395 = vector.shape_cast %add3A_1387 : vector<16xi32> to vector<1x1x16xi32>
        tpu.vector_store %arg5[%swap3A_1390, %swap3A_1391, %swap3A_1392], %swap3A_1395 {strides = array<i32>} : memref<2x3x128xi32, #tpu.memory_space<vmem>>, vector<1x1x16xi32>,
        %get3A_1396 = arith.constant 0 : i32
        %get3A_1397 = arith.constant 2 : i32
        %get3A_1398 = arith.index_cast %get3A_1396 : i32 to index
        %get3A_1399 = arith.index_cast %get3A_1397 : i32 to index
        %get3A_1400 = arith.constant 16 : index
        %get3A_1401 = tpu.vector_load %arg5[%get3A_1398, %get3A_1399, %get3A_1400] {strides = array<i32>} : memref<2x3x128xi32, #tpu.memory_space<vmem>>, vector<1x1x16xi32>,
        %get3A_1402 = vector.shape_cast %get3A_1401 : vector<1x1x16xi32> to vector<16xi32>
        %add3A_1403 = vector.broadcast %mul3A_20 : i32 to vector<16xi32>
        %add3A_1404 = arith.addi %get3A_1402, %add3A_1403 : vector<16xi32>
        %swap3A_1405 = arith.constant 0 : i32
        %swap3A_1406 = arith.constant 2 : i32
        %swap3A_1407 = arith.index_cast %swap3A_1405 : i32 to index
        %swap3A_1408 = arith.index_cast %swap3A_1406 : i32 to index
        %swap3A_1409 = arith.constant 16 : index
        %swap3A_1410 = tpu.vector_load %arg5[%swap3A_1407, %swap3A_1408, %swap3A_1409] {strides = array<i32>} : memref<2x3x128xi32, #tpu.memory_space<vmem>>, vector<1x1x16xi32>,
        %swap3A_1411 = vector.shape_cast %swap3A_1410 : vector<1x1x16xi32> to vector<16xi32>
        %swap3A_1412 = vector.shape_cast %add3A_1404 : vector<16xi32> to vector<1x1x16xi32>
        tpu.vector_store %arg5[%swap3A_1407, %swap3A_1408, %swap3A_1409], %swap3A_1412 {strides = array<i32>} : memref<2x3x128xi32, #tpu.memory_space<vmem>>, vector<1x1x16xi32>,
        %get3A_1413 = arith.constant 0 : i32
        %get3A_1414 = arith.constant 2 : i32
        %get3A_1415 = arith.index_cast %get3A_1413 : i32 to index
        %get3A_1416 = arith.index_cast %get3A_1414 : i32 to index
        %get3A_1417 = arith.constant 32 : index
        %get3A_1418 = tpu.vector_load %arg5[%get3A_1415, %get3A_1416, %get3A_1417] {strides = array<i32>} : memref<2x3x128xi32, #tpu.memory_space<vmem>>, vector<1x1x16xi32>,
        %get3A_1419 = vector.shape_cast %get3A_1418 : vector<1x1x16xi32> to vector<16xi32>
        %add3A_1420 = vector.broadcast %mul3A_20 : i32 to vector<16xi32>
        %add3A_1421 = arith.addi %get3A_1419, %add3A_1420 : vector<16xi32>
        %swap3A_1422 = arith.constant 0 : i32
        %swap3A_1423 = arith.constant 2 : i32
        %swap3A_1424 = arith.index_cast %swap3A_1422 : i32 to index
        %swap3A_1425 = arith.index_cast %swap3A_1423 : i32 to index
        %swap3A_1426 = arith.constant 32 : index
        %swap3A_1427 = tpu.vector_load %arg5[%swap3A_1424, %swap3A_1425, %swap3A_1426] {strides = array<i32>} : memref<2x3x128xi32, #tpu.memory_space<vmem>>, vector<1x1x16xi32>,
        %swap3A_1428 = vector.shape_cast %swap3A_1427 : vector<1x1x16xi32> to vector<16xi32>
        %swap3A_1429 = vector.shape_cast %add3A_1421 : vector<16xi32> to vector<1x1x16xi32>
        tpu.vector_store %arg5[%swap3A_1424, %swap3A_1425, %swap3A_1426], %swap3A_1429 {strides = array<i32>} : memref<2x3x128xi32, #tpu.memory_space<vmem>>, vector<1x1x16xi32>,
        %get3A_1430 = arith.constant 0 : i32
        %get3A_1431 = arith.constant 2 : i32
        %get3A_1432 = arith.index_cast %get3A_1430 : i32 to index
        %get3A_1433 = arith.index_cast %get3A_1431 : i32 to index
        %get3A_1434 = arith.constant 48 : index
        %get3A_1435 = tpu.vector_load %arg5[%get3A_1432, %get3A_1433, %get3A_1434] {strides = array<i32>} : memref<2x3x128xi32, #tpu.memory_space<vmem>>, vector<1x1x16xi32>,
        %get3A_1436 = vector.shape_cast %get3A_1435 : vector<1x1x16xi32> to vector<16xi32>
        %add3A_1437 = vector.broadcast %mul3A_20 : i32 to vector<16xi32>
        %add3A_1438 = arith.addi %get3A_1436, %add3A_1437 : vector<16xi32>
        %swap3A_1439 = arith.constant 0 : i32
        %swap3A_1440 = arith.constant 2 : i32
        %swap3A_1441 = arith.index_cast %swap3A_1439 : i32 to index
        %swap3A_1442 = arith.index_cast %swap3A_1440 : i32 to index
        %swap3A_1443 = arith.constant 48 : index
        %swap3A_1444 = tpu.vector_load %arg5[%swap3A_1441, %swap3A_1442, %swap3A_1443] {strides = array<i32>} : memref<2x3x128xi32, #tpu.memory_space<vmem>>, vector<1x1x16xi32>,
        %swap3A_1445 = vector.shape_cast %swap3A_1444 : vector<1x1x16xi32> to vector<16xi32>
        %swap3A_1446 = vector.shape_cast %add3A_1438 : vector<16xi32> to vector<1x1x16xi32>
        tpu.vector_store %arg5[%swap3A_1441, %swap3A_1442, %swap3A_1443], %swap3A_1446 {strides = array<i32>} : memref<2x3x128xi32, #tpu.memory_space<vmem>>, vector<1x1x16xi32>,
        %get3A_1447 = arith.constant 0 : i32
        %get3A_1448 = arith.constant 2 : i32
        %get3A_1449 = arith.index_cast %get3A_1447 : i32 to index
        %get3A_1450 = arith.index_cast %get3A_1448 : i32 to index
        %get3A_1451 = arith.constant 64 : index
        %get3A_1452 = tpu.vector_load %arg5[%get3A_1449, %get3A_1450, %get3A_1451] {strides = array<i32>} : memref<2x3x128xi32, #tpu.memory_space<vmem>>, vector<1x1x16xi32>,
        %get3A_1453 = vector.shape_cast %get3A_1452 : vector<1x1x16xi32> to vector<16xi32>
        %add3A_1454 = vector.broadcast %mul3A_20 : i32 to vector<16xi32>
        %add3A_1455 = arith.addi %get3A_1453, %add3A_1454 : vector<16xi32>
        %swap3A_1456 = arith.constant 0 : i32
        %swap3A_1457 = arith.constant 2 : i32
        %swap3A_1458 = arith.index_cast %swap3A_1456 : i32 to index
        %swap3A_1459 = arith.index_cast %swap3A_1457 : i32 to index
        %swap3A_1460 = arith.constant 64 : index
        %swap3A_1461 = tpu.vector_load %arg5[%swap3A_1458, %swap3A_1459, %swap3A_1460] {strides = array<i32>} : memref<2x3x128xi32, #tpu.memory_space<vmem>>, vector<1x1x16xi32>,
        %swap3A_1462 = vector.shape_cast %swap3A_1461 : vector<1x1x16xi32> to vector<16xi32>
        %swap3A_1463 = vector.shape_cast %add3A_1455 : vector<16xi32> to vector<1x1x16xi32>
        tpu.vector_store %arg5[%swap3A_1458, %swap3A_1459, %swap3A_1460], %swap3A_1463 {strides = array<i32>} : memref<2x3x128xi32, #tpu.memory_space<vmem>>, vector<1x1x16xi32>,
        %get3A_1464 = arith.constant 0 : i32
        %get3A_1465 = arith.constant 2 : i32
        %get3A_1466 = arith.index_cast %get3A_1464 : i32 to index
        %get3A_1467 = arith.index_cast %get3A_1465 : i32 to index
        %get3A_1468 = arith.constant 80 : index
        %get3A_1469 = tpu.vector_load %arg5[%get3A_1466, %get3A_1467, %get3A_1468] {strides = array<i32>} : memref<2x3x128xi32, #tpu.memory_space<vmem>>, vector<1x1x16xi32>,
        %get3A_1470 = vector.shape_cast %get3A_1469 : vector<1x1x16xi32> to vector<16xi32>
        %add3A_1471 = vector.broadcast %mul3A_20 : i32 to vector<16xi32>
        %add3A_1472 = arith.addi %get3A_1470, %add3A_1471 : vector<16xi32>
        %swap3A_1473 = arith.constant 0 : i32
        %swap3A_1474 = arith.constant 2 : i32
        %swap3A_1475 = arith.index_cast %swap3A_1473 : i32 to index
        %swap3A_1476 = arith.index_cast %swap3A_1474 : i32 to index
        %swap3A_1477 = arith.constant 80 : index
        %swap3A_1478 = tpu.vector_load %arg5[%swap3A_1475, %swap3A_1476, %swap3A_1477] {strides = array<i32>} : memref<2x3x128xi32, #tpu.memory_space<vmem>>, vector<1x1x16xi32>,
        %swap3A_1479 = vector.shape_cast %swap3A_1478 : vector<1x1x16xi32> to vector<16xi32>
        %swap3A_1480 = vector.shape_cast %add3A_1472 : vector<16xi32> to vector<1x1x16xi32>
        tpu.vector_store %arg5[%swap3A_1475, %swap3A_1476, %swap3A_1477], %swap3A_1480 {strides = array<i32>} : memref<2x3x128xi32, #tpu.memory_space<vmem>>, vector<1x1x16xi32>,
        %get3A_1481 = arith.constant 0 : i32
        %get3A_1482 = arith.constant 2 : i32
        %get3A_1483 = arith.index_cast %get3A_1481 : i32 to index
        %get3A_1484 = arith.index_cast %get3A_1482 : i32 to index
        %get3A_1485 = arith.constant 96 : index
        %get3A_1486 = tpu.vector_load %arg5[%get3A_1483, %get3A_1484, %get3A_1485] {strides = array<i32>} : memref<2x3x128xi32, #tpu.memory_space<vmem>>, vector<1x1x16xi32>,
        %get3A_1487 = vector.shape_cast %get3A_1486 : vector<1x1x16xi32> to vector<16xi32>
        %add3A_1488 = vector.broadcast %mul3A_20 : i32 to vector<16xi32>
        %add3A_1489 = arith.addi %get3A_1487, %add3A_1488 : vector<16xi32>
        %swap3A_1490 = arith.constant 0 : i32
        %swap3A_1491 = arith.constant 2 : i32
        %swap3A_1492 = arith.index_cast %swap3A_1490 : i32 to index
        %swap3A_1493 = arith.index_cast %swap3A_1491 : i32 to index
        %swap3A_1494 = arith.constant 96 : index
        %swap3A_1495 = tpu.vector_load %arg5[%swap3A_1492, %swap3A_1493, %swap3A_1494] {strides = array<i32>} : memref<2x3x128xi32, #tpu.memory_space<vmem>>, vector<1x1x16xi32>,
        %swap3A_1496 = vector.shape_cast %swap3A_1495 : vector<1x1x16xi32> to vector<16xi32>
        %swap3A_1497 = vector.shape_cast %add3A_1489 : vector<16xi32> to vector<1x1x16xi32>
        tpu.vector_store %arg5[%swap3A_1492, %swap3A_1493, %swap3A_1494], %swap3A_1497 {strides = array<i32>} : memref<2x3x128xi32, #tpu.memory_space<vmem>>, vector<1x1x16xi32>,
        %get3A_1498 = arith.constant 0 : i32
        %get3A_1499 = arith.constant 2 : i32
        %get3A_1500 = arith.index_cast %get3A_1498 : i32 to index
        %get3A_1501 = arith.index_cast %get3A_1499 : i32 to index
        %get3A_1502 = arith.constant 112 : index
        %get3A_1503 = tpu.vector_load %arg5[%get3A_1500, %get3A_1501, %get3A_1502] {strides = array<i32>} : memref<2x3x128xi32, #tpu.memory_space<vmem>>, vector<1x1x16xi32>,
        %get3A_1504 = vector.shape_cast %get3A_1503 : vector<1x1x16xi32> to vector<16xi32>
        %add3A_1505 = vector.broadcast %mul3A_20 : i32 to vector<16xi32>
        %add3A_1506 = arith.addi %get3A_1504, %add3A_1505 : vector<16xi32>
        %swap3A_1507 = arith.constant 0 : i32
        %swap3A_1508 = arith.constant 2 : i32
        %swap3A_1509 = arith.index_cast %swap3A_1507 : i32 to index
        %swap3A_1510 = arith.index_cast %swap3A_1508 : i32 to index
        %swap3A_1511 = arith.constant 112 : index
        %swap3A_1512 = tpu.vector_load %arg5[%swap3A_1509, %swap3A_1510, %swap3A_1511] {strides = array<i32>} : memref<2x3x128xi32, #tpu.memory_space<vmem>>, vector<1x1x16xi32>,
        %swap3A_1513 = vector.shape_cast %swap3A_1512 : vector<1x1x16xi32> to vector<16xi32>
        %swap3A_1514 = vector.shape_cast %add3A_1506 : vector<16xi32> to vector<1x1x16xi32>
        tpu.vector_store %arg5[%swap3A_1509, %swap3A_1510, %swap3A_1511], %swap3A_1514 {strides = array<i32>} : memref<2x3x128xi32, #tpu.memory_space<vmem>>, vector<1x1x16xi32>,
        %dma_start3A_1515 = arith.constant 0 : i32
        %dma_start3A_1516 = arith.constant 0 : i32
        %dma_start3A_1517 = arith.constant 0 : i32
        %dma_start3A_1518 = arith.constant 0 : i32
        %dma_start3A_1519 = arith.constant 0 : i32
        %dma_start3A_1520 = tpu.memref_slice %arg6[%dma_start3A_1517, %dma_start3A_1518, %dma_start3A_1519] : memref<2x384x64xf32, #tpu.memory_space<vmem>> -> memref<1x128x64xf32, #tpu.memory_space<vmem>>
        %dma_start3A_1521 = tpu.memref_squeeze %dma_start3A_1520 : memref<1x128x64xf32, #tpu.memory_space<vmem>> -> memref<128x64xf32, #tpu.memory_space<vmem>>
        %dma_start3A_1522 = arith.constant 0 : i32
        %dma_start3A_1523 = tpu.memref_slice %arg5[%dma_start3A_1515, %dma_start3A_1516, %dma_start3A_1522] : memref<2x3x128xi32, #tpu.memory_space<vmem>> -> memref<1x1x128xi32, #tpu.memory_space<vmem>>
        %dma_start3A_1524 = tpu.memref_squeeze %dma_start3A_1523 : memref<1x1x128xi32, #tpu.memory_space<vmem>> -> memref<128xi32, #tpu.memory_space<vmem>>
        %dma_start3A_1525 = arith.constant 0 : i32
        %dma_start3A_1526 = arith.constant 0 : i32
        %dma_start3A_1527 = tpu.memref_slice %arg3[%dma_start3A_1525, %dma_start3A_1526] : memref<32768x64xf32, #tpu.memory_space<hbm>> -> memref<32768x64xf32, #tpu.memory_space<hbm>>
        tpu.enqueue_indirect_dma source(%dma_start3A_1527 : memref<32768x64xf32, #tpu.memory_space<hbm>>) target(%dma_start3A_1521 : memref<128x64xf32, #tpu.memory_space<vmem>>) offsets(%dma_start3A_1524 : memref<128xi32, #tpu.memory_space<vmem>>) semaphore(%arg8 : memref<!tpu.dma_semaphore, #tpu.memory_space<semaphore_mem>>)
        %dma_start3A_1528 = arith.constant 0 : i32
        %dma_start3A_1529 = arith.constant 1 : i32
        %dma_start3A_1530 = arith.constant 0 : i32
        %dma_start3A_1531 = arith.constant 128 : i32
        %dma_start3A_1532 = arith.constant 0 : i32
        %dma_start3A_1533 = tpu.memref_slice %arg6[%dma_start3A_1530, %dma_start3A_1531, %dma_start3A_1532] : memref<2x384x64xf32, #tpu.memory_space<vmem>> -> memref<1x128x64xf32, #tpu.memory_space<vmem>>
        %dma_start3A_1534 = tpu.memref_squeeze %dma_start3A_1533 : memref<1x128x64xf32, #tpu.memory_space<vmem>> -> memref<128x64xf32, #tpu.memory_space<vmem>>
        %dma_start3A_1535 = arith.constant 0 : i32
        %dma_start3A_1536 = tpu.memref_slice %arg5[%dma_start3A_1528, %dma_start3A_1529, %dma_start3A_1535] : memref<2x3x128xi32, #tpu.memory_space<vmem>> -> memref<1x1x128xi32, #tpu.memory_space<vmem>>
        %dma_start3A_1537 = tpu.memref_squeeze %dma_start3A_1536 : memref<1x1x128xi32, #tpu.memory_space<vmem>> -> memref<128xi32, #tpu.memory_space<vmem>>
        %dma_start3A_1538 = arith.constant 0 : i32
        %dma_start3A_1539 = arith.constant 0 : i32
        %dma_start3A_1540 = tpu.memref_slice %arg3[%dma_start3A_1538, %dma_start3A_1539] : memref<32768x64xf32, #tpu.memory_space<hbm>> -> memref<32768x64xf32, #tpu.memory_space<hbm>>
        tpu.enqueue_indirect_dma source(%dma_start3A_1540 : memref<32768x64xf32, #tpu.memory_space<hbm>>) target(%dma_start3A_1534 : memref<128x64xf32, #tpu.memory_space<vmem>>) offsets(%dma_start3A_1537 : memref<128xi32, #tpu.memory_space<vmem>>) semaphore(%arg8 : memref<!tpu.dma_semaphore, #tpu.memory_space<semaphore_mem>>)
        %dma_start3A_1541 = arith.constant 0 : i32
        %dma_start3A_1542 = arith.constant 2 : i32
        %dma_start3A_1543 = arith.constant 0 : i32
        %dma_start3A_1544 = arith.constant 256 : i32
        %dma_start3A_1545 = arith.constant 0 : i32
        %dma_start3A_1546 = tpu.memref_slice %arg6[%dma_start3A_1543, %dma_start3A_1544, %dma_start3A_1545] : memref<2x384x64xf32, #tpu.memory_space<vmem>> -> memref<1x128x64xf32, #tpu.memory_space<vmem>>
        %dma_start3A_1547 = tpu.memref_squeeze %dma_start3A_1546 : memref<1x128x64xf32, #tpu.memory_space<vmem>> -> memref<128x64xf32, #tpu.memory_space<vmem>>
        %dma_start3A_1548 = arith.constant 0 : i32
        %dma_start3A_1549 = tpu.memref_slice %arg5[%dma_start3A_1541, %dma_start3A_1542, %dma_start3A_1548] : memref<2x3x128xi32, #tpu.memory_space<vmem>> -> memref<1x1x128xi32, #tpu.memory_space<vmem>>
        %dma_start3A_1550 = tpu.memref_squeeze %dma_start3A_1549 : memref<1x1x128xi32, #tpu.memory_space<vmem>> -> memref<128xi32, #tpu.memory_space<vmem>>
        %dma_start3A_1551 = arith.constant 0 : i32
        %dma_start3A_1552 = arith.constant 0 : i32
        %dma_start3A_1553 = tpu.memref_slice %arg3[%dma_start3A_1551, %dma_start3A_1552] : memref<32768x64xf32, #tpu.memory_space<hbm>> -> memref<32768x64xf32, #tpu.memory_space<hbm>>
        tpu.enqueue_indirect_dma source(%dma_start3A_1553 : memref<32768x64xf32, #tpu.memory_space<hbm>>) target(%dma_start3A_1547 : memref<128x64xf32, #tpu.memory_space<vmem>>) offsets(%dma_start3A_1550 : memref<128xi32, #tpu.memory_space<vmem>>) semaphore(%arg8 : memref<!tpu.dma_semaphore, #tpu.memory_space<semaphore_mem>>)
      } else {
      }
      %add3A_1027 = arith.constant 1 : i32
      %add3A_1028 = arith.addi %mul3A_961, %add3A_1027 : i32
      %mul3A_1029 = arith.constant 128 : i32
      %mul3A_1030 = arith.muli %add3A_1028, %mul3A_1029 : i32
      %add3A_1031 = arith.addi %mul3A_2, %mul3A_1030 : i32
      %dma_wait3A_1032 = arith.constant 1 : i32
      %dma_wait3A_1033 = arith.constant 0 : i32
      %dma_wait3A_1034 = arith.constant 1 : i32
      %dma_wait3A_1035 = arith.constant 0 : i32
      %dma_wait3A_1036 = arith.constant 0 : i32
      %dma_wait3A_1037 = tpu.memref_slice %arg6[%dma_wait3A_1034, %dma_wait3A_1035, %dma_wait3A_1036] : memref<2x384x64xf32, #tpu.memory_space<vmem>> -> memref<1x128x64xf32, #tpu.memory_space<vmem>>
      %dma_wait3A_1038 = tpu.memref_squeeze %dma_wait3A_1037 : memref<1x128x64xf32, #tpu.memory_space<vmem>> -> memref<128x64xf32, #tpu.memory_space<vmem>>
      %dma_wait3A_1039 = arith.constant 0 : i32
      %dma_wait3A_1040 = tpu.memref_slice %arg5[%dma_wait3A_1032, %dma_wait3A_1033, %dma_wait3A_1039] : memref<2x3x128xi32, #tpu.memory_space<vmem>> -> memref<1x1x128xi32, #tpu.memory_space<vmem>>
      %dma_wait3A_1041 = tpu.memref_squeeze %dma_wait3A_1040 : memref<1x1x128xi32, #tpu.memory_space<vmem>> -> memref<128xi32, #tpu.memory_space<vmem>>
      %dma_wait3A_1042 = arith.constant 0 : i32
      %dma_wait3A_1043 = arith.constant 0 : i32
      %dma_wait3A_1044 = tpu.memref_slice %arg3[%dma_wait3A_1042, %dma_wait3A_1043] : memref<32768x64xf32, #tpu.memory_space<hbm>> -> memref<32768x64xf32, #tpu.memory_space<hbm>>
      tpu.wait_indirect_dma semaphore(%arg9 : memref<!tpu.dma_semaphore, #tpu.memory_space<semaphore_mem>>) src(%dma_wait3A_1044 : memref<32768x64xf32, #tpu.memory_space<hbm>>) dst(%dma_wait3A_1038 : memref<128x64xf32, #tpu.memory_space<vmem>>)
      %dma_wait3A_1045 = arith.constant 1 : i32
      %dma_wait3A_1046 = arith.constant 1 : i32
      %dma_wait3A_1047 = arith.constant 1 : i32
      %dma_wait3A_1048 = arith.constant 128 : i32
      %dma_wait3A_1049 = arith.constant 0 : i32
      %dma_wait3A_1050 = tpu.memref_slice %arg6[%dma_wait3A_1047, %dma_wait3A_1048, %dma_wait3A_1049] : memref<2x384x64xf32, #tpu.memory_space<vmem>> -> memref<1x128x64xf32, #tpu.memory_space<vmem>>
      %dma_wait3A_1051 = tpu.memref_squeeze %dma_wait3A_1050 : memref<1x128x64xf32, #tpu.memory_space<vmem>> -> memref<128x64xf32, #tpu.memory_space<vmem>>
      %dma_wait3A_1052 = arith.constant 0 : i32
      %dma_wait3A_1053 = tpu.memref_slice %arg5[%dma_wait3A_1045, %dma_wait3A_1046, %dma_wait3A_1052] : memref<2x3x128xi32, #tpu.memory_space<vmem>> -> memref<1x1x128xi32, #tpu.memory_space<vmem>>
      %dma_wait3A_1054 = tpu.memref_squeeze %dma_wait3A_1053 : memref<1x1x128xi32, #tpu.memory_space<vmem>> -> memref<128xi32, #tpu.memory_space<vmem>>
      %dma_wait3A_1055 = arith.constant 0 : i32
      %dma_wait3A_1056 = arith.constant 0 : i32
      %dma_wait3A_1057 = tpu.memref_slice %arg3[%dma_wait3A_1055, %dma_wait3A_1056] : memref<32768x64xf32, #tpu.memory_space<hbm>> -> memref<32768x64xf32, #tpu.memory_space<hbm>>
      tpu.wait_indirect_dma semaphore(%arg9 : memref<!tpu.dma_semaphore, #tpu.memory_space<semaphore_mem>>) src(%dma_wait3A_1057 : memref<32768x64xf32, #tpu.memory_space<hbm>>) dst(%dma_wait3A_1051 : memref<128x64xf32, #tpu.memory_space<vmem>>)
      %dma_wait3A_1058 = arith.constant 1 : i32
      %dma_wait3A_1059 = arith.constant 2 : i32
      %dma_wait3A_1060 = arith.constant 1 : i32
      %dma_wait3A_1061 = arith.constant 256 : i32
      %dma_wait3A_1062 = arith.constant 0 : i32
      %dma_wait3A_1063 = tpu.memref_slice %arg6[%dma_wait3A_1060, %dma_wait3A_1061, %dma_wait3A_1062] : memref<2x384x64xf32, #tpu.memory_space<vmem>> -> memref<1x128x64xf32, #tpu.memory_space<vmem>>
      %dma_wait3A_1064 = tpu.memref_squeeze %dma_wait3A_1063 : memref<1x128x64xf32, #tpu.memory_space<vmem>> -> memref<128x64xf32, #tpu.memory_space<vmem>>
      %dma_wait3A_1065 = arith.constant 0 : i32
      %dma_wait3A_1066 = tpu.memref_slice %arg5[%dma_wait3A_1058, %dma_wait3A_1059, %dma_wait3A_1065] : memref<2x3x128xi32, #tpu.memory_space<vmem>> -> memref<1x1x128xi32, #tpu.memory_space<vmem>>
      %dma_wait3A_1067 = tpu.memref_squeeze %dma_wait3A_1066 : memref<1x1x128xi32, #tpu.memory_space<vmem>> -> memref<128xi32, #tpu.memory_space<vmem>>
      %dma_wait3A_1068 = arith.constant 0 : i32
      %dma_wait3A_1069 = arith.constant 0 : i32
      %dma_wait3A_1070 = tpu.memref_slice %arg3[%dma_wait3A_1068, %dma_wait3A_1069] : memref<32768x64xf32, #tpu.memory_space<hbm>> -> memref<32768x64xf32, #tpu.memory_space<hbm>>
      tpu.wait_indirect_dma semaphore(%arg9 : memref<!tpu.dma_semaphore, #tpu.memory_space<semaphore_mem>>) src(%dma_wait3A_1070 : memref<32768x64xf32, #tpu.memory_space<hbm>>) dst(%dma_wait3A_1064 : memref<128x64xf32, #tpu.memory_space<vmem>>)
      %ge3A_1071 = arith.constant 2 : i32
      %ge3A_1072 = arith.cmpi sge, %add3A_1028, %ge3A_1071 : i32
      %convert_element_type3A_1073 = arith.extui %ge3A_1072 : i1 to i32
      %cond3A_1074 = arith.constant 0 : i32
      %cond3A_1075 = arith.cmpi ne, %convert_element_type3A_1073, %cond3A_1074 : i32
      scf.if %cond3A_1075 {
        %sub3A_1099 = arith.constant 256 : i32
        %sub3A_1100 = arith.subi %add3A_1031, %sub3A_1099 : i32
        %dma_wait3A_1101 = arith.constant 1 : i32
        %dma_wait3A_1102 = arith.constant 0 : i32
        %dma_wait3A_1103 = arith.constant 0 : i32
        %dma_wait3A_1104 = tpu.memref_slice %arg7[%dma_wait3A_1101, %dma_wait3A_1102, %dma_wait3A_1103] : memref<2x128x64xf32, #tpu.memory_space<vmem>> -> memref<1x128x64xf32, #tpu.memory_space<vmem>>
        %dma_wait3A_1105 = tpu.memref_squeeze %dma_wait3A_1104 : memref<1x128x64xf32, #tpu.memory_space<vmem>> -> memref<128x64xf32, #tpu.memory_space<vmem>>
        %dma_wait3A_1106 = arith.constant 0 : i32
        %dma_wait3A_1107 = tpu.memref_slice %arg4[%sub3A_1100, %dma_wait3A_1106] : memref<131072x64xf32, #tpu.memory_space<hbm>> -> memref<128x64xf32, #tpu.memory_space<hbm>>
        %dma_wait3A_1108 = arith.constant 0 : i32
        %dma_wait3A_1109 = tpu.memref_slice %arg4[%sub3A_1100, %dma_wait3A_1108] : memref<131072x64xf32, #tpu.memory_space<hbm>> -> memref<128x64xf32, #tpu.memory_space<hbm>>
        %dma_wait3A_1110 = arith.constant 0 : i32
        %dma_wait3A_1111 = arith.constant 0 : i32
        %dma_wait3A_1112 = tpu.memref_slice %arg7[%dma_wait3A_1101, %dma_wait3A_1110, %dma_wait3A_1111] : memref<2x128x64xf32, #tpu.memory_space<vmem>> -> memref<1x128x64xf32, #tpu.memory_space<vmem>>
        %dma_wait3A_1113 = tpu.memref_squeeze %dma_wait3A_1112 : memref<1x128x64xf32, #tpu.memory_space<vmem>> -> memref<128x64xf32, #tpu.memory_space<vmem>>
        tpu.wait_dma2 semaphore(%arg11 : memref<!tpu.dma_semaphore, #tpu.memory_space<semaphore_mem>>) src(%dma_wait3A_1113 : memref<128x64xf32, #tpu.memory_space<vmem>>) dst(%dma_wait3A_1109 : memref<128x64xf32, #tpu.memory_space<hbm>>)
      } else {
      }
      %parallel_loop3A_1076 = arith.constant 0 : i32
      %parallel_loop3A_1077 = arith.constant 128 : i32
      %parallel_loop3A_1078 = arith.constant 1 : i32
      scf.for %parallel_loop3A_1099 = %parallel_loop3A_1076 to %parallel_loop3A_1077 step %parallel_loop3A_1078  : i32 {
        %parallel_loop3A_1100 = arith.constant 3 : i32
        %parallel_loop3A_1101 = arith.muli %parallel_loop3A_1100, %parallel_loop3A_1099 : i32
        %parallel_loop3A_1102 = arith.constant 1 : i32
        %parallel_loop3A_1103 = arith.index_cast %parallel_loop3A_1102 : i32 to index
        %parallel_loop3A_1104 = arith.index_cast %parallel_loop3A_1101 : i32 to index
        %parallel_loop3A_1105 = arith.constant 0 : index
        %parallel_loop3A_1106 = tpu.vector_load %arg6[%parallel_loop3A_1103, %parallel_loop3A_1104, %parallel_loop3A_1105] {strides = array<i32>} : memref<2x384x64xf32, #tpu.memory_space<vmem>>, vector<1x1x16xf32>,
        %parallel_loop3A_1107 = vector.shape_cast %parallel_loop3A_1106 : vector<1x1x16xf32> to vector<16xf32>
        %parallel_loop3A_1108 = arith.constant 1 : i32
        %parallel_loop3A_1109 = arith.addi %parallel_loop3A_1101, %parallel_loop3A_1108 : i32
        %parallel_loop3A_1110 = arith.constant 1 : i32
        %parallel_loop3A_1111 = arith.index_cast %parallel_loop3A_1110 : i32 to index
        %parallel_loop3A_1112 = arith.index_cast %parallel_loop3A_1109 : i32 to index
        %parallel_loop3A_1113 = arith.constant 0 : index
        %parallel_loop3A_1114 = tpu.vector_load %arg6[%parallel_loop3A_1111, %parallel_loop3A_1112, %parallel_loop3A_1113] {strides = array<i32>} : memref<2x384x64xf32, #tpu.memory_space<vmem>>, vector<1x1x16xf32>,
        %parallel_loop3A_1115 = vector.shape_cast %parallel_loop3A_1114 : vector<1x1x16xf32> to vector<16xf32>
        %parallel_loop3A_1116 = arith.maximumf %parallel_loop3A_1107, %parallel_loop3A_1115 : vector<16xf32>
        %parallel_loop3A_1117 = arith.constant 2 : i32
        %parallel_loop3A_1118 = arith.addi %parallel_loop3A_1101, %parallel_loop3A_1117 : i32
        %parallel_loop3A_1119 = arith.constant 1 : i32
        %parallel_loop3A_1120 = arith.index_cast %parallel_loop3A_1119 : i32 to index
        %parallel_loop3A_1121 = arith.index_cast %parallel_loop3A_1118 : i32 to index
        %parallel_loop3A_1122 = arith.constant 0 : index
        %parallel_loop3A_1123 = tpu.vector_load %arg6[%parallel_loop3A_1120, %parallel_loop3A_1121, %parallel_loop3A_1122] {strides = array<i32>} : memref<2x384x64xf32, #tpu.memory_space<vmem>>, vector<1x1x16xf32>,
        %parallel_loop3A_1124 = vector.shape_cast %parallel_loop3A_1123 : vector<1x1x16xf32> to vector<16xf32>
        %parallel_loop3A_1125 = arith.maximumf %parallel_loop3A_1116, %parallel_loop3A_1124 : vector<16xf32>
        %parallel_loop3A_1126 = arith.constant 1 : i32
        %parallel_loop3A_1127 = arith.index_cast %parallel_loop3A_1126 : i32 to index
        %parallel_loop3A_1128 = arith.index_cast %parallel_loop3A_1099 : i32 to index
        %parallel_loop3A_1129 = arith.constant 0 : index
        %parallel_loop3A_1130 = tpu.vector_load %arg7[%parallel_loop3A_1127, %parallel_loop3A_1128, %parallel_loop3A_1129] {strides = array<i32>} : memref<2x128x64xf32, #tpu.memory_space<vmem>>, vector<1x1x16xf32>,
        %parallel_loop3A_1131 = vector.shape_cast %parallel_loop3A_1130 : vector<1x1x16xf32> to vector<16xf32>
        %parallel_loop3A_1132 = vector.shape_cast %parallel_loop3A_1125 : vector<16xf32> to vector<1x1x16xf32>
        tpu.vector_store %arg7[%parallel_loop3A_1127, %parallel_loop3A_1128, %parallel_loop3A_1129], %parallel_loop3A_1132 {strides = array<i32>} : memref<2x128x64xf32, #tpu.memory_space<vmem>>, vector<1x1x16xf32>,
        %parallel_loop3A_1133 = arith.constant 1 : i32
        %parallel_loop3A_1134 = arith.index_cast %parallel_loop3A_1133 : i32 to index
        %parallel_loop3A_1135 = arith.index_cast %parallel_loop3A_1101 : i32 to index
        %parallel_loop3A_1136 = arith.constant 16 : index
        %parallel_loop3A_1137 = tpu.vector_load %arg6[%parallel_loop3A_1134, %parallel_loop3A_1135, %parallel_loop3A_1136] {strides = array<i32>} : memref<2x384x64xf32, #tpu.memory_space<vmem>>, vector<1x1x16xf32>,
        %parallel_loop3A_1138 = vector.shape_cast %parallel_loop3A_1137 : vector<1x1x16xf32> to vector<16xf32>
        %parallel_loop3A_1139 = arith.constant 1 : i32
        %parallel_loop3A_1140 = arith.addi %parallel_loop3A_1101, %parallel_loop3A_1139 : i32
        %parallel_loop3A_1141 = arith.constant 1 : i32
        %parallel_loop3A_1142 = arith.index_cast %parallel_loop3A_1141 : i32 to index
        %parallel_loop3A_1143 = arith.index_cast %parallel_loop3A_1140 : i32 to index
        %parallel_loop3A_1144 = arith.constant 16 : index
        %parallel_loop3A_1145 = tpu.vector_load %arg6[%parallel_loop3A_1142, %parallel_loop3A_1143, %parallel_loop3A_1144] {strides = array<i32>} : memref<2x384x64xf32, #tpu.memory_space<vmem>>, vector<1x1x16xf32>,
        %parallel_loop3A_1146 = vector.shape_cast %parallel_loop3A_1145 : vector<1x1x16xf32> to vector<16xf32>
        %parallel_loop3A_1147 = arith.maximumf %parallel_loop3A_1138, %parallel_loop3A_1146 : vector<16xf32>
        %parallel_loop3A_1148 = arith.constant 2 : i32
        %parallel_loop3A_1149 = arith.addi %parallel_loop3A_1101, %parallel_loop3A_1148 : i32
        %parallel_loop3A_1150 = arith.constant 1 : i32
        %parallel_loop3A_1151 = arith.index_cast %parallel_loop3A_1150 : i32 to index
        %parallel_loop3A_1152 = arith.index_cast %parallel_loop3A_1149 : i32 to index
        %parallel_loop3A_1153 = arith.constant 16 : index
        %parallel_loop3A_1154 = tpu.vector_load %arg6[%parallel_loop3A_1151, %parallel_loop3A_1152, %parallel_loop3A_1153] {strides = array<i32>} : memref<2x384x64xf32, #tpu.memory_space<vmem>>, vector<1x1x16xf32>,
        %parallel_loop3A_1155 = vector.shape_cast %parallel_loop3A_1154 : vector<1x1x16xf32> to vector<16xf32>
        %parallel_loop3A_1156 = arith.maximumf %parallel_loop3A_1147, %parallel_loop3A_1155 : vector<16xf32>
        %parallel_loop3A_1157 = arith.constant 1 : i32
        %parallel_loop3A_1158 = arith.index_cast %parallel_loop3A_1157 : i32 to index
        %parallel_loop3A_1159 = arith.index_cast %parallel_loop3A_1099 : i32 to index
        %parallel_loop3A_1160 = arith.constant 16 : index
        %parallel_loop3A_1161 = tpu.vector_load %arg7[%parallel_loop3A_1158, %parallel_loop3A_1159, %parallel_loop3A_1160] {strides = array<i32>} : memref<2x128x64xf32, #tpu.memory_space<vmem>>, vector<1x1x16xf32>,
        %parallel_loop3A_1162 = vector.shape_cast %parallel_loop3A_1161 : vector<1x1x16xf32> to vector<16xf32>
        %parallel_loop3A_1163 = vector.shape_cast %parallel_loop3A_1156 : vector<16xf32> to vector<1x1x16xf32>
        tpu.vector_store %arg7[%parallel_loop3A_1158, %parallel_loop3A_1159, %parallel_loop3A_1160], %parallel_loop3A_1163 {strides = array<i32>} : memref<2x128x64xf32, #tpu.memory_space<vmem>>, vector<1x1x16xf32>,
        %parallel_loop3A_1164 = arith.constant 1 : i32
        %parallel_loop3A_1165 = arith.index_cast %parallel_loop3A_1164 : i32 to index
        %parallel_loop3A_1166 = arith.index_cast %parallel_loop3A_1101 : i32 to index
        %parallel_loop3A_1167 = arith.constant 32 : index
        %parallel_loop3A_1168 = tpu.vector_load %arg6[%parallel_loop3A_1165, %parallel_loop3A_1166, %parallel_loop3A_1167] {strides = array<i32>} : memref<2x384x64xf32, #tpu.memory_space<vmem>>, vector<1x1x16xf32>,
        %parallel_loop3A_1169 = vector.shape_cast %parallel_loop3A_1168 : vector<1x1x16xf32> to vector<16xf32>
        %parallel_loop3A_1170 = arith.constant 1 : i32
        %parallel_loop3A_1171 = arith.addi %parallel_loop3A_1101, %parallel_loop3A_1170 : i32
        %parallel_loop3A_1172 = arith.constant 1 : i32
        %parallel_loop3A_1173 = arith.index_cast %parallel_loop3A_1172 : i32 to index
        %parallel_loop3A_1174 = arith.index_cast %parallel_loop3A_1171 : i32 to index
        %parallel_loop3A_1175 = arith.constant 32 : index
        %parallel_loop3A_1176 = tpu.vector_load %arg6[%parallel_loop3A_1173, %parallel_loop3A_1174, %parallel_loop3A_1175] {strides = array<i32>} : memref<2x384x64xf32, #tpu.memory_space<vmem>>, vector<1x1x16xf32>,
        %parallel_loop3A_1177 = vector.shape_cast %parallel_loop3A_1176 : vector<1x1x16xf32> to vector<16xf32>
        %parallel_loop3A_1178 = arith.maximumf %parallel_loop3A_1169, %parallel_loop3A_1177 : vector<16xf32>
        %parallel_loop3A_1179 = arith.constant 2 : i32
        %parallel_loop3A_1180 = arith.addi %parallel_loop3A_1101, %parallel_loop3A_1179 : i32
        %parallel_loop3A_1181 = arith.constant 1 : i32
        %parallel_loop3A_1182 = arith.index_cast %parallel_loop3A_1181 : i32 to index
        %parallel_loop3A_1183 = arith.index_cast %parallel_loop3A_1180 : i32 to index
        %parallel_loop3A_1184 = arith.constant 32 : index
        %parallel_loop3A_1185 = tpu.vector_load %arg6[%parallel_loop3A_1182, %parallel_loop3A_1183, %parallel_loop3A_1184] {strides = array<i32>} : memref<2x384x64xf32, #tpu.memory_space<vmem>>, vector<1x1x16xf32>,
        %parallel_loop3A_1186 = vector.shape_cast %parallel_loop3A_1185 : vector<1x1x16xf32> to vector<16xf32>
        %parallel_loop3A_1187 = arith.maximumf %parallel_loop3A_1178, %parallel_loop3A_1186 : vector<16xf32>
        %parallel_loop3A_1188 = arith.constant 1 : i32
        %parallel_loop3A_1189 = arith.index_cast %parallel_loop3A_1188 : i32 to index
        %parallel_loop3A_1190 = arith.index_cast %parallel_loop3A_1099 : i32 to index
        %parallel_loop3A_1191 = arith.constant 32 : index
        %parallel_loop3A_1192 = tpu.vector_load %arg7[%parallel_loop3A_1189, %parallel_loop3A_1190, %parallel_loop3A_1191] {strides = array<i32>} : memref<2x128x64xf32, #tpu.memory_space<vmem>>, vector<1x1x16xf32>,
        %parallel_loop3A_1193 = vector.shape_cast %parallel_loop3A_1192 : vector<1x1x16xf32> to vector<16xf32>
        %parallel_loop3A_1194 = vector.shape_cast %parallel_loop3A_1187 : vector<16xf32> to vector<1x1x16xf32>
        tpu.vector_store %arg7[%parallel_loop3A_1189, %parallel_loop3A_1190, %parallel_loop3A_1191], %parallel_loop3A_1194 {strides = array<i32>} : memref<2x128x64xf32, #tpu.memory_space<vmem>>, vector<1x1x16xf32>,
        %parallel_loop3A_1195 = arith.constant 1 : i32
        %parallel_loop3A_1196 = arith.index_cast %parallel_loop3A_1195 : i32 to index
        %parallel_loop3A_1197 = arith.index_cast %parallel_loop3A_1101 : i32 to index
        %parallel_loop3A_1198 = arith.constant 48 : index
        %parallel_loop3A_1199 = tpu.vector_load %arg6[%parallel_loop3A_1196, %parallel_loop3A_1197, %parallel_loop3A_1198] {strides = array<i32>} : memref<2x384x64xf32, #tpu.memory_space<vmem>>, vector<1x1x16xf32>,
        %parallel_loop3A_1200 = vector.shape_cast %parallel_loop3A_1199 : vector<1x1x16xf32> to vector<16xf32>
        %parallel_loop3A_1201 = arith.constant 1 : i32
        %parallel_loop3A_1202 = arith.addi %parallel_loop3A_1101, %parallel_loop3A_1201 : i32
        %parallel_loop3A_1203 = arith.constant 1 : i32
        %parallel_loop3A_1204 = arith.index_cast %parallel_loop3A_1203 : i32 to index
        %parallel_loop3A_1205 = arith.index_cast %parallel_loop3A_1202 : i32 to index
        %parallel_loop3A_1206 = arith.constant 48 : index
        %parallel_loop3A_1207 = tpu.vector_load %arg6[%parallel_loop3A_1204, %parallel_loop3A_1205, %parallel_loop3A_1206] {strides = array<i32>} : memref<2x384x64xf32, #tpu.memory_space<vmem>>, vector<1x1x16xf32>,
        %parallel_loop3A_1208 = vector.shape_cast %parallel_loop3A_1207 : vector<1x1x16xf32> to vector<16xf32>
        %parallel_loop3A_1209 = arith.maximumf %parallel_loop3A_1200, %parallel_loop3A_1208 : vector<16xf32>
        %parallel_loop3A_1210 = arith.constant 2 : i32
        %parallel_loop3A_1211 = arith.addi %parallel_loop3A_1101, %parallel_loop3A_1210 : i32
        %parallel_loop3A_1212 = arith.constant 1 : i32
        %parallel_loop3A_1213 = arith.index_cast %parallel_loop3A_1212 : i32 to index
        %parallel_loop3A_1214 = arith.index_cast %parallel_loop3A_1211 : i32 to index
        %parallel_loop3A_1215 = arith.constant 48 : index
        %parallel_loop3A_1216 = tpu.vector_load %arg6[%parallel_loop3A_1213, %parallel_loop3A_1214, %parallel_loop3A_1215] {strides = array<i32>} : memref<2x384x64xf32, #tpu.memory_space<vmem>>, vector<1x1x16xf32>,
        %parallel_loop3A_1217 = vector.shape_cast %parallel_loop3A_1216 : vector<1x1x16xf32> to vector<16xf32>
        %parallel_loop3A_1218 = arith.maximumf %parallel_loop3A_1209, %parallel_loop3A_1217 : vector<16xf32>
        %parallel_loop3A_1219 = arith.constant 1 : i32
        %parallel_loop3A_1220 = arith.index_cast %parallel_loop3A_1219 : i32 to index
        %parallel_loop3A_1221 = arith.index_cast %parallel_loop3A_1099 : i32 to index
        %parallel_loop3A_1222 = arith.constant 48 : index
        %parallel_loop3A_1223 = tpu.vector_load %arg7[%parallel_loop3A_1220, %parallel_loop3A_1221, %parallel_loop3A_1222] {strides = array<i32>} : memref<2x128x64xf32, #tpu.memory_space<vmem>>, vector<1x1x16xf32>,
        %parallel_loop3A_1224 = vector.shape_cast %parallel_loop3A_1223 : vector<1x1x16xf32> to vector<16xf32>
        %parallel_loop3A_1225 = vector.shape_cast %parallel_loop3A_1218 : vector<16xf32> to vector<1x1x16xf32>
        tpu.vector_store %arg7[%parallel_loop3A_1220, %parallel_loop3A_1221, %parallel_loop3A_1222], %parallel_loop3A_1225 {strides = array<i32>} : memref<2x128x64xf32, #tpu.memory_space<vmem>>, vector<1x1x16xf32>,
      } {sc.loop_unroll_factor = 4 : i64, sc.parallel_access}
      %dma_start3A_1079 = arith.constant 1 : i32
      %dma_start3A_1080 = arith.constant 0 : i32
      %dma_start3A_1081 = arith.constant 0 : i32
      %dma_start3A_1082 = tpu.memref_slice %arg7[%dma_start3A_1079, %dma_start3A_1080, %dma_start3A_1081] : memref<2x128x64xf32, #tpu.memory_space<vmem>> -> memref<1x128x64xf32, #tpu.memory_space<vmem>>
      %dma_start3A_1083 = tpu.memref_squeeze %dma_start3A_1082 : memref<1x128x64xf32, #tpu.memory_space<vmem>> -> memref<128x64xf32, #tpu.memory_space<vmem>>
      %dma_start3A_1084 = arith.constant 0 : i32
      %dma_start3A_1085 = tpu.memref_slice %arg4[%add3A_1031, %dma_start3A_1084] : memref<131072x64xf32, #tpu.memory_space<hbm>> -> memref<128x64xf32, #tpu.memory_space<hbm>>
      %dma_start3A_1086 = arith.constant 0 : i32
      %dma_start3A_1087 = tpu.memref_slice %arg4[%add3A_1031, %dma_start3A_1086] : memref<131072x64xf32, #tpu.memory_space<hbm>> -> memref<128x64xf32, #tpu.memory_space<hbm>>
      %dma_start3A_1088 = arith.constant 0 : i32
      %dma_start3A_1089 = arith.constant 0 : i32
      %dma_start3A_1090 = tpu.memref_slice %arg7[%dma_start3A_1079, %dma_start3A_1088, %dma_start3A_1089] : memref<2x128x64xf32, #tpu.memory_space<vmem>> -> memref<1x128x64xf32, #tpu.memory_space<vmem>>
      %dma_start3A_1091 = tpu.memref_squeeze %dma_start3A_1090 : memref<1x128x64xf32, #tpu.memory_space<vmem>> -> memref<128x64xf32, #tpu.memory_space<vmem>>
      tpu.enqueue_dma source(%dma_start3A_1091 : memref<128x64xf32, #tpu.memory_space<vmem>>) target(%dma_start3A_1087 : memref<128x64xf32, #tpu.memory_space<hbm>>) target_semaphore(%arg11 : memref<!tpu.dma_semaphore, #tpu.memory_space<semaphore_mem>>)
      %add3A_1092 = arith.constant 3 : i32
      %add3A_1093 = arith.addi %mul3A_961, %add3A_1092 : i32
      %lt3A_1094 = arith.constant 32 : i32
      %lt3A_1095 = arith.cmpi slt, %add3A_1093, %lt3A_1094 : i32
      %convert_element_type3A_1096 = arith.extui %lt3A_1095 : i1 to i32
      %cond3A_1097 = arith.constant 0 : i32
      %cond3A_1098 = arith.cmpi ne, %convert_element_type3A_1096, %cond3A_1097 : i32
      scf.if %cond3A_1098 {
        %add3A_1099 = arith.constant 3 : i32
        %add3A_1100 = arith.addi %mul3A_961, %add3A_1099 : i32
        %mul3A_1101 = arith.constant 32 : i32
        %mul3A_1102 = arith.muli %add3A, %mul3A_1101 : i32
        %add3A_1103 = arith.addi %mul3A_1102, %add3A_1100 : i32
        %mul3A_1104 = arith.constant 3 : i32
        %mul3A_1105 = arith.muli %mul3A_1104, %add3A_1103 : i32
        %run_scoped3A_1106 = arith.constant 1 : i32
        "tpu.region"() ({
          %run_scoped3A_1554 = tpu.sem_alloc : memref<!tpu.dma_semaphore, #tpu.memory_space<semaphore_mem>>
          %dma_start3A_1555 = arith.constant 0 : i32
          %dma_start3A_1556 = arith.constant 0 : i32
          %dma_start3A_1557 = tpu.memref_slice %arg5[%run_scoped3A_1106, %dma_start3A_1555, %dma_start3A_1556] : memref<2x3x128xi32, #tpu.memory_space<vmem>> -> memref<1x3x128xi32, #tpu.memory_space<vmem>>
          %dma_start3A_1558 = tpu.memref_squeeze %dma_start3A_1557 : memref<1x3x128xi32, #tpu.memory_space<vmem>> -> memref<3x128xi32, #tpu.memory_space<vmem>>
          %dma_start3A_1559 = arith.constant 0 : i32
          %dma_start3A_1560 = tpu.memref_slice %arg2[%mul3A_1105, %dma_start3A_1559] : memref<3072x128xi32, #tpu.memory_space<hbm>> -> memref<3x128xi32, #tpu.memory_space<hbm>>
          %dma_start3A_1561 = arith.constant 0 : i32
          %dma_start3A_1562 = arith.constant 0 : i32
          %dma_start3A_1563 = tpu.memref_slice %arg5[%run_scoped3A_1106, %dma_start3A_1561, %dma_start3A_1562] : memref<2x3x128xi32, #tpu.memory_space<vmem>> -> memref<1x3x128xi32, #tpu.memory_space<vmem>>
          %dma_start3A_1564 = tpu.memref_squeeze %dma_start3A_1563 : memref<1x3x128xi32, #tpu.memory_space<vmem>> -> memref<3x128xi32, #tpu.memory_space<vmem>>
          %dma_start3A_1565 = arith.constant 0 : i32
          %dma_start3A_1566 = tpu.memref_slice %arg2[%mul3A_1105, %dma_start3A_1565] : memref<3072x128xi32, #tpu.memory_space<hbm>> -> memref<3x128xi32, #tpu.memory_space<hbm>>
          tpu.enqueue_dma source(%dma_start3A_1566 : memref<3x128xi32, #tpu.memory_space<hbm>>) target(%dma_start3A_1564 : memref<3x128xi32, #tpu.memory_space<vmem>>) target_semaphore(%run_scoped3A_1554 : memref<!tpu.dma_semaphore, #tpu.memory_space<semaphore_mem>>)
          %dma_wait3A_1567 = arith.constant 0 : i32
          %dma_wait3A_1568 = arith.constant 0 : i32
          %dma_wait3A_1569 = tpu.memref_slice %arg5[%run_scoped3A_1106, %dma_wait3A_1567, %dma_wait3A_1568] : memref<2x3x128xi32, #tpu.memory_space<vmem>> -> memref<1x3x128xi32, #tpu.memory_space<vmem>>
          %dma_wait3A_1570 = tpu.memref_squeeze %dma_wait3A_1569 : memref<1x3x128xi32, #tpu.memory_space<vmem>> -> memref<3x128xi32, #tpu.memory_space<vmem>>
          %dma_wait3A_1571 = arith.constant 0 : i32
          %dma_wait3A_1572 = tpu.memref_slice %arg2[%mul3A_1105, %dma_wait3A_1571] : memref<3072x128xi32, #tpu.memory_space<hbm>> -> memref<3x128xi32, #tpu.memory_space<hbm>>
          %dma_wait3A_1573 = arith.constant 0 : i32
          %dma_wait3A_1574 = arith.constant 0 : i32
          %dma_wait3A_1575 = tpu.memref_slice %arg5[%run_scoped3A_1106, %dma_wait3A_1573, %dma_wait3A_1574] : memref<2x3x128xi32, #tpu.memory_space<vmem>> -> memref<1x3x128xi32, #tpu.memory_space<vmem>>
          %dma_wait3A_1576 = tpu.memref_squeeze %dma_wait3A_1575 : memref<1x3x128xi32, #tpu.memory_space<vmem>> -> memref<3x128xi32, #tpu.memory_space<vmem>>
          %dma_wait3A_1577 = arith.constant 0 : i32
          %dma_wait3A_1578 = tpu.memref_slice %arg2[%mul3A_1105, %dma_wait3A_1577] : memref<3072x128xi32, #tpu.memory_space<hbm>> -> memref<3x128xi32, #tpu.memory_space<hbm>>
          tpu.wait_dma2 semaphore(%run_scoped3A_1554 : memref<!tpu.dma_semaphore, #tpu.memory_space<semaphore_mem>>) src(%dma_wait3A_1578 : memref<3x128xi32, #tpu.memory_space<hbm>>) dst(%dma_wait3A_1576 : memref<3x128xi32, #tpu.memory_space<vmem>>)
          tpu.yield
        }) : () -> ()
        %get3A_1107 = arith.constant 1 : i32
        %get3A_1108 = arith.constant 0 : i32
        %get3A_1109 = arith.index_cast %get3A_1107 : i32 to index
        %get3A_1110 = arith.index_cast %get3A_1108 : i32 to index
        %get3A_1111 = arith.constant 0 : index
        %get3A_1112 = tpu.vector_load %arg5[%get3A_1109, %get3A_1110, %get3A_1111] {strides = array<i32>} : memref<2x3x128xi32, #tpu.memory_space<vmem>>, vector<1x1x16xi32>,
        %get3A_1113 = vector.shape_cast %get3A_1112 : vector<1x1x16xi32> to vector<16xi32>
        %add3A_1114 = vector.broadcast %mul3A_20 : i32 to vector<16xi32>
        %add3A_1115 = arith.addi %get3A_1113, %add3A_1114 : vector<16xi32>
        %swap3A_1116 = arith.constant 1 : i32
        %swap3A_1117 = arith.constant 0 : i32
        %swap3A_1118 = arith.index_cast %swap3A_1116 : i32 to index
        %swap3A_1119 = arith.index_cast %swap3A_1117 : i32 to index
        %swap3A_1120 = arith.constant 0 : index
        %swap3A_1121 = tpu.vector_load %arg5[%swap3A_1118, %swap3A_1119, %swap3A_1120] {strides = array<i32>} : memref<2x3x128xi32, #tpu.memory_space<vmem>>, vector<1x1x16xi32>,
        %swap3A_1122 = vector.shape_cast %swap3A_1121 : vector<1x1x16xi32> to vector<16xi32>
        %swap3A_1123 = vector.shape_cast %add3A_1115 : vector<16xi32> to vector<1x1x16xi32>
        tpu.vector_store %arg5[%swap3A_1118, %swap3A_1119, %swap3A_1120], %swap3A_1123 {strides = array<i32>} : memref<2x3x128xi32, #tpu.memory_space<vmem>>, vector<1x1x16xi32>,
        %get3A_1124 = arith.constant 1 : i32
        %get3A_1125 = arith.constant 0 : i32
        %get3A_1126 = arith.index_cast %get3A_1124 : i32 to index
        %get3A_1127 = arith.index_cast %get3A_1125 : i32 to index
        %get3A_1128 = arith.constant 16 : index
        %get3A_1129 = tpu.vector_load %arg5[%get3A_1126, %get3A_1127, %get3A_1128] {strides = array<i32>} : memref<2x3x128xi32, #tpu.memory_space<vmem>>, vector<1x1x16xi32>,
        %get3A_1130 = vector.shape_cast %get3A_1129 : vector<1x1x16xi32> to vector<16xi32>
        %add3A_1131 = vector.broadcast %mul3A_20 : i32 to vector<16xi32>
        %add3A_1132 = arith.addi %get3A_1130, %add3A_1131 : vector<16xi32>
        %swap3A_1133 = arith.constant 1 : i32
        %swap3A_1134 = arith.constant 0 : i32
        %swap3A_1135 = arith.index_cast %swap3A_1133 : i32 to index
        %swap3A_1136 = arith.index_cast %swap3A_1134 : i32 to index
        %swap3A_1137 = arith.constant 16 : index
        %swap3A_1138 = tpu.vector_load %arg5[%swap3A_1135, %swap3A_1136, %swap3A_1137] {strides = array<i32>} : memref<2x3x128xi32, #tpu.memory_space<vmem>>, vector<1x1x16xi32>,
        %swap3A_1139 = vector.shape_cast %swap3A_1138 : vector<1x1x16xi32> to vector<16xi32>
        %swap3A_1140 = vector.shape_cast %add3A_1132 : vector<16xi32> to vector<1x1x16xi32>
        tpu.vector_store %arg5[%swap3A_1135, %swap3A_1136, %swap3A_1137], %swap3A_1140 {strides = array<i32>} : memref<2x3x128xi32, #tpu.memory_space<vmem>>, vector<1x1x16xi32>,
        %get3A_1141 = arith.constant 1 : i32
        %get3A_1142 = arith.constant 0 : i32
        %get3A_1143 = arith.index_cast %get3A_1141 : i32 to index
        %get3A_1144 = arith.index_cast %get3A_1142 : i32 to index
        %get3A_1145 = arith.constant 32 : index
        %get3A_1146 = tpu.vector_load %arg5[%get3A_1143, %get3A_1144, %get3A_1145] {strides = array<i32>} : memref<2x3x128xi32, #tpu.memory_space<vmem>>, vector<1x1x16xi32>,
        %get3A_1147 = vector.shape_cast %get3A_1146 : vector<1x1x16xi32> to vector<16xi32>
        %add3A_1148 = vector.broadcast %mul3A_20 : i32 to vector<16xi32>
        %add3A_1149 = arith.addi %get3A_1147, %add3A_1148 : vector<16xi32>
        %swap3A_1150 = arith.constant 1 : i32
        %swap3A_1151 = arith.constant 0 : i32
        %swap3A_1152 = arith.index_cast %swap3A_1150 : i32 to index
        %swap3A_1153 = arith.index_cast %swap3A_1151 : i32 to index
        %swap3A_1154 = arith.constant 32 : index
        %swap3A_1155 = tpu.vector_load %arg5[%swap3A_1152, %swap3A_1153, %swap3A_1154] {strides = array<i32>} : memref<2x3x128xi32, #tpu.memory_space<vmem>>, vector<1x1x16xi32>,
        %swap3A_1156 = vector.shape_cast %swap3A_1155 : vector<1x1x16xi32> to vector<16xi32>
        %swap3A_1157 = vector.shape_cast %add3A_1149 : vector<16xi32> to vector<1x1x16xi32>
        tpu.vector_store %arg5[%swap3A_1152, %swap3A_1153, %swap3A_1154], %swap3A_1157 {strides = array<i32>} : memref<2x3x128xi32, #tpu.memory_space<vmem>>, vector<1x1x16xi32>,
        %get3A_1158 = arith.constant 1 : i32
        %get3A_1159 = arith.constant 0 : i32
        %get3A_1160 = arith.index_cast %get3A_1158 : i32 to index
        %get3A_1161 = arith.index_cast %get3A_1159 : i32 to index
        %get3A_1162 = arith.constant 48 : index
        %get3A_1163 = tpu.vector_load %arg5[%get3A_1160, %get3A_1161, %get3A_1162] {strides = array<i32>} : memref<2x3x128xi32, #tpu.memory_space<vmem>>, vector<1x1x16xi32>,
        %get3A_1164 = vector.shape_cast %get3A_1163 : vector<1x1x16xi32> to vector<16xi32>
        %add3A_1165 = vector.broadcast %mul3A_20 : i32 to vector<16xi32>
        %add3A_1166 = arith.addi %get3A_1164, %add3A_1165 : vector<16xi32>
        %swap3A_1167 = arith.constant 1 : i32
        %swap3A_1168 = arith.constant 0 : i32
        %swap3A_1169 = arith.index_cast %swap3A_1167 : i32 to index
        %swap3A_1170 = arith.index_cast %swap3A_1168 : i32 to index
        %swap3A_1171 = arith.constant 48 : index
        %swap3A_1172 = tpu.vector_load %arg5[%swap3A_1169, %swap3A_1170, %swap3A_1171] {strides = array<i32>} : memref<2x3x128xi32, #tpu.memory_space<vmem>>, vector<1x1x16xi32>,
        %swap3A_1173 = vector.shape_cast %swap3A_1172 : vector<1x1x16xi32> to vector<16xi32>
        %swap3A_1174 = vector.shape_cast %add3A_1166 : vector<16xi32> to vector<1x1x16xi32>
        tpu.vector_store %arg5[%swap3A_1169, %swap3A_1170, %swap3A_1171], %swap3A_1174 {strides = array<i32>} : memref<2x3x128xi32, #tpu.memory_space<vmem>>, vector<1x1x16xi32>,
        %get3A_1175 = arith.constant 1 : i32
        %get3A_1176 = arith.constant 0 : i32
        %get3A_1177 = arith.index_cast %get3A_1175 : i32 to index
        %get3A_1178 = arith.index_cast %get3A_1176 : i32 to index
        %get3A_1179 = arith.constant 64 : index
        %get3A_1180 = tpu.vector_load %arg5[%get3A_1177, %get3A_1178, %get3A_1179] {strides = array<i32>} : memref<2x3x128xi32, #tpu.memory_space<vmem>>, vector<1x1x16xi32>,
        %get3A_1181 = vector.shape_cast %get3A_1180 : vector<1x1x16xi32> to vector<16xi32>
        %add3A_1182 = vector.broadcast %mul3A_20 : i32 to vector<16xi32>
        %add3A_1183 = arith.addi %get3A_1181, %add3A_1182 : vector<16xi32>
        %swap3A_1184 = arith.constant 1 : i32
        %swap3A_1185 = arith.constant 0 : i32
        %swap3A_1186 = arith.index_cast %swap3A_1184 : i32 to index
        %swap3A_1187 = arith.index_cast %swap3A_1185 : i32 to index
        %swap3A_1188 = arith.constant 64 : index
        %swap3A_1189 = tpu.vector_load %arg5[%swap3A_1186, %swap3A_1187, %swap3A_1188] {strides = array<i32>} : memref<2x3x128xi32, #tpu.memory_space<vmem>>, vector<1x1x16xi32>,
        %swap3A_1190 = vector.shape_cast %swap3A_1189 : vector<1x1x16xi32> to vector<16xi32>
        %swap3A_1191 = vector.shape_cast %add3A_1183 : vector<16xi32> to vector<1x1x16xi32>
        tpu.vector_store %arg5[%swap3A_1186, %swap3A_1187, %swap3A_1188], %swap3A_1191 {strides = array<i32>} : memref<2x3x128xi32, #tpu.memory_space<vmem>>, vector<1x1x16xi32>,
        %get3A_1192 = arith.constant 1 : i32
        %get3A_1193 = arith.constant 0 : i32
        %get3A_1194 = arith.index_cast %get3A_1192 : i32 to index
        %get3A_1195 = arith.index_cast %get3A_1193 : i32 to index
        %get3A_1196 = arith.constant 80 : index
        %get3A_1197 = tpu.vector_load %arg5[%get3A_1194, %get3A_1195, %get3A_1196] {strides = array<i32>} : memref<2x3x128xi32, #tpu.memory_space<vmem>>, vector<1x1x16xi32>,
        %get3A_1198 = vector.shape_cast %get3A_1197 : vector<1x1x16xi32> to vector<16xi32>
        %add3A_1199 = vector.broadcast %mul3A_20 : i32 to vector<16xi32>
        %add3A_1200 = arith.addi %get3A_1198, %add3A_1199 : vector<16xi32>
        %swap3A_1201 = arith.constant 1 : i32
        %swap3A_1202 = arith.constant 0 : i32
        %swap3A_1203 = arith.index_cast %swap3A_1201 : i32 to index
        %swap3A_1204 = arith.index_cast %swap3A_1202 : i32 to index
        %swap3A_1205 = arith.constant 80 : index
        %swap3A_1206 = tpu.vector_load %arg5[%swap3A_1203, %swap3A_1204, %swap3A_1205] {strides = array<i32>} : memref<2x3x128xi32, #tpu.memory_space<vmem>>, vector<1x1x16xi32>,
        %swap3A_1207 = vector.shape_cast %swap3A_1206 : vector<1x1x16xi32> to vector<16xi32>
        %swap3A_1208 = vector.shape_cast %add3A_1200 : vector<16xi32> to vector<1x1x16xi32>
        tpu.vector_store %arg5[%swap3A_1203, %swap3A_1204, %swap3A_1205], %swap3A_1208 {strides = array<i32>} : memref<2x3x128xi32, #tpu.memory_space<vmem>>, vector<1x1x16xi32>,
        %get3A_1209 = arith.constant 1 : i32
        %get3A_1210 = arith.constant 0 : i32
        %get3A_1211 = arith.index_cast %get3A_1209 : i32 to index
        %get3A_1212 = arith.index_cast %get3A_1210 : i32 to index
        %get3A_1213 = arith.constant 96 : index
        %get3A_1214 = tpu.vector_load %arg5[%get3A_1211, %get3A_1212, %get3A_1213] {strides = array<i32>} : memref<2x3x128xi32, #tpu.memory_space<vmem>>, vector<1x1x16xi32>,
        %get3A_1215 = vector.shape_cast %get3A_1214 : vector<1x1x16xi32> to vector<16xi32>
        %add3A_1216 = vector.broadcast %mul3A_20 : i32 to vector<16xi32>
        %add3A_1217 = arith.addi %get3A_1215, %add3A_1216 : vector<16xi32>
        %swap3A_1218 = arith.constant 1 : i32
        %swap3A_1219 = arith.constant 0 : i32
        %swap3A_1220 = arith.index_cast %swap3A_1218 : i32 to index
        %swap3A_1221 = arith.index_cast %swap3A_1219 : i32 to index
        %swap3A_1222 = arith.constant 96 : index
        %swap3A_1223 = tpu.vector_load %arg5[%swap3A_1220, %swap3A_1221, %swap3A_1222] {strides = array<i32>} : memref<2x3x128xi32, #tpu.memory_space<vmem>>, vector<1x1x16xi32>,
        %swap3A_1224 = vector.shape_cast %swap3A_1223 : vector<1x1x16xi32> to vector<16xi32>
        %swap3A_1225 = vector.shape_cast %add3A_1217 : vector<16xi32> to vector<1x1x16xi32>
        tpu.vector_store %arg5[%swap3A_1220, %swap3A_1221, %swap3A_1222], %swap3A_1225 {strides = array<i32>} : memref<2x3x128xi32, #tpu.memory_space<vmem>>, vector<1x1x16xi32>,
        %get3A_1226 = arith.constant 1 : i32
        %get3A_1227 = arith.constant 0 : i32
        %get3A_1228 = arith.index_cast %get3A_1226 : i32 to index
        %get3A_1229 = arith.index_cast %get3A_1227 : i32 to index
        %get3A_1230 = arith.constant 112 : index
        %get3A_1231 = tpu.vector_load %arg5[%get3A_1228, %get3A_1229, %get3A_1230] {strides = array<i32>} : memref<2x3x128xi32, #tpu.memory_space<vmem>>, vector<1x1x16xi32>,
        %get3A_1232 = vector.shape_cast %get3A_1231 : vector<1x1x16xi32> to vector<16xi32>
        %add3A_1233 = vector.broadcast %mul3A_20 : i32 to vector<16xi32>
        %add3A_1234 = arith.addi %get3A_1232, %add3A_1233 : vector<16xi32>
        %swap3A_1235 = arith.constant 1 : i32
        %swap3A_1236 = arith.constant 0 : i32
        %swap3A_1237 = arith.index_cast %swap3A_1235 : i32 to index
        %swap3A_1238 = arith.index_cast %swap3A_1236 : i32 to index
        %swap3A_1239 = arith.constant 112 : index
        %swap3A_1240 = tpu.vector_load %arg5[%swap3A_1237, %swap3A_1238, %swap3A_1239] {strides = array<i32>} : memref<2x3x128xi32, #tpu.memory_space<vmem>>, vector<1x1x16xi32>,
        %swap3A_1241 = vector.shape_cast %swap3A_1240 : vector<1x1x16xi32> to vector<16xi32>
        %swap3A_1242 = vector.shape_cast %add3A_1234 : vector<16xi32> to vector<1x1x16xi32>
        tpu.vector_store %arg5[%swap3A_1237, %swap3A_1238, %swap3A_1239], %swap3A_1242 {strides = array<i32>} : memref<2x3x128xi32, #tpu.memory_space<vmem>>, vector<1x1x16xi32>,
        %get3A_1243 = arith.constant 1 : i32
        %get3A_1244 = arith.constant 1 : i32
        %get3A_1245 = arith.index_cast %get3A_1243 : i32 to index
        %get3A_1246 = arith.index_cast %get3A_1244 : i32 to index
        %get3A_1247 = arith.constant 0 : index
        %get3A_1248 = tpu.vector_load %arg5[%get3A_1245, %get3A_1246, %get3A_1247] {strides = array<i32>} : memref<2x3x128xi32, #tpu.memory_space<vmem>>, vector<1x1x16xi32>,
        %get3A_1249 = vector.shape_cast %get3A_1248 : vector<1x1x16xi32> to vector<16xi32>
        %add3A_1250 = vector.broadcast %mul3A_20 : i32 to vector<16xi32>
        %add3A_1251 = arith.addi %get3A_1249, %add3A_1250 : vector<16xi32>
        %swap3A_1252 = arith.constant 1 : i32
        %swap3A_1253 = arith.constant 1 : i32
        %swap3A_1254 = arith.index_cast %swap3A_1252 : i32 to index
        %swap3A_1255 = arith.index_cast %swap3A_1253 : i32 to index
        %swap3A_1256 = arith.constant 0 : index
        %swap3A_1257 = tpu.vector_load %arg5[%swap3A_1254, %swap3A_1255, %swap3A_1256] {strides = array<i32>} : memref<2x3x128xi32, #tpu.memory_space<vmem>>, vector<1x1x16xi32>,
        %swap3A_1258 = vector.shape_cast %swap3A_1257 : vector<1x1x16xi32> to vector<16xi32>
        %swap3A_1259 = vector.shape_cast %add3A_1251 : vector<16xi32> to vector<1x1x16xi32>
        tpu.vector_store %arg5[%swap3A_1254, %swap3A_1255, %swap3A_1256], %swap3A_1259 {strides = array<i32>} : memref<2x3x128xi32, #tpu.memory_space<vmem>>, vector<1x1x16xi32>,
        %get3A_1260 = arith.constant 1 : i32
        %get3A_1261 = arith.constant 1 : i32
        %get3A_1262 = arith.index_cast %get3A_1260 : i32 to index
        %get3A_1263 = arith.index_cast %get3A_1261 : i32 to index
        %get3A_1264 = arith.constant 16 : index
        %get3A_1265 = tpu.vector_load %arg5[%get3A_1262, %get3A_1263, %get3A_1264] {strides = array<i32>} : memref<2x3x128xi32, #tpu.memory_space<vmem>>, vector<1x1x16xi32>,
        %get3A_1266 = vector.shape_cast %get3A_1265 : vector<1x1x16xi32> to vector<16xi32>
        %add3A_1267 = vector.broadcast %mul3A_20 : i32 to vector<16xi32>
        %add3A_1268 = arith.addi %get3A_1266, %add3A_1267 : vector<16xi32>
        %swap3A_1269 = arith.constant 1 : i32
        %swap3A_1270 = arith.constant 1 : i32
        %swap3A_1271 = arith.index_cast %swap3A_1269 : i32 to index
        %swap3A_1272 = arith.index_cast %swap3A_1270 : i32 to index
        %swap3A_1273 = arith.constant 16 : index
        %swap3A_1274 = tpu.vector_load %arg5[%swap3A_1271, %swap3A_1272, %swap3A_1273] {strides = array<i32>} : memref<2x3x128xi32, #tpu.memory_space<vmem>>, vector<1x1x16xi32>,
        %swap3A_1275 = vector.shape_cast %swap3A_1274 : vector<1x1x16xi32> to vector<16xi32>
        %swap3A_1276 = vector.shape_cast %add3A_1268 : vector<16xi32> to vector<1x1x16xi32>
        tpu.vector_store %arg5[%swap3A_1271, %swap3A_1272, %swap3A_1273], %swap3A_1276 {strides = array<i32>} : memref<2x3x128xi32, #tpu.memory_space<vmem>>, vector<1x1x16xi32>,
        %get3A_1277 = arith.constant 1 : i32
        %get3A_1278 = arith.constant 1 : i32
        %get3A_1279 = arith.index_cast %get3A_1277 : i32 to index
        %get3A_1280 = arith.index_cast %get3A_1278 : i32 to index
        %get3A_1281 = arith.constant 32 : index
        %get3A_1282 = tpu.vector_load %arg5[%get3A_1279, %get3A_1280, %get3A_1281] {strides = array<i32>} : memref<2x3x128xi32, #tpu.memory_space<vmem>>, vector<1x1x16xi32>,
        %get3A_1283 = vector.shape_cast %get3A_1282 : vector<1x1x16xi32> to vector<16xi32>
        %add3A_1284 = vector.broadcast %mul3A_20 : i32 to vector<16xi32>
        %add3A_1285 = arith.addi %get3A_1283, %add3A_1284 : vector<16xi32>
        %swap3A_1286 = arith.constant 1 : i32
        %swap3A_1287 = arith.constant 1 : i32
        %swap3A_1288 = arith.index_cast %swap3A_1286 : i32 to index
        %swap3A_1289 = arith.index_cast %swap3A_1287 : i32 to index
        %swap3A_1290 = arith.constant 32 : index
        %swap3A_1291 = tpu.vector_load %arg5[%swap3A_1288, %swap3A_1289, %swap3A_1290] {strides = array<i32>} : memref<2x3x128xi32, #tpu.memory_space<vmem>>, vector<1x1x16xi32>,
        %swap3A_1292 = vector.shape_cast %swap3A_1291 : vector<1x1x16xi32> to vector<16xi32>
        %swap3A_1293 = vector.shape_cast %add3A_1285 : vector<16xi32> to vector<1x1x16xi32>
        tpu.vector_store %arg5[%swap3A_1288, %swap3A_1289, %swap3A_1290], %swap3A_1293 {strides = array<i32>} : memref<2x3x128xi32, #tpu.memory_space<vmem>>, vector<1x1x16xi32>,
        %get3A_1294 = arith.constant 1 : i32
        %get3A_1295 = arith.constant 1 : i32
        %get3A_1296 = arith.index_cast %get3A_1294 : i32 to index
        %get3A_1297 = arith.index_cast %get3A_1295 : i32 to index
        %get3A_1298 = arith.constant 48 : index
        %get3A_1299 = tpu.vector_load %arg5[%get3A_1296, %get3A_1297, %get3A_1298] {strides = array<i32>} : memref<2x3x128xi32, #tpu.memory_space<vmem>>, vector<1x1x16xi32>,
        %get3A_1300 = vector.shape_cast %get3A_1299 : vector<1x1x16xi32> to vector<16xi32>
        %add3A_1301 = vector.broadcast %mul3A_20 : i32 to vector<16xi32>
        %add3A_1302 = arith.addi %get3A_1300, %add3A_1301 : vector<16xi32>
        %swap3A_1303 = arith.constant 1 : i32
        %swap3A_1304 = arith.constant 1 : i32
        %swap3A_1305 = arith.index_cast %swap3A_1303 : i32 to index
        %swap3A_1306 = arith.index_cast %swap3A_1304 : i32 to index
        %swap3A_1307 = arith.constant 48 : index
        %swap3A_1308 = tpu.vector_load %arg5[%swap3A_1305, %swap3A_1306, %swap3A_1307] {strides = array<i32>} : memref<2x3x128xi32, #tpu.memory_space<vmem>>, vector<1x1x16xi32>,
        %swap3A_1309 = vector.shape_cast %swap3A_1308 : vector<1x1x16xi32> to vector<16xi32>
        %swap3A_1310 = vector.shape_cast %add3A_1302 : vector<16xi32> to vector<1x1x16xi32>
        tpu.vector_store %arg5[%swap3A_1305, %swap3A_1306, %swap3A_1307], %swap3A_1310 {strides = array<i32>} : memref<2x3x128xi32, #tpu.memory_space<vmem>>, vector<1x1x16xi32>,
        %get3A_1311 = arith.constant 1 : i32
        %get3A_1312 = arith.constant 1 : i32
        %get3A_1313 = arith.index_cast %get3A_1311 : i32 to index
        %get3A_1314 = arith.index_cast %get3A_1312 : i32 to index
        %get3A_1315 = arith.constant 64 : index
        %get3A_1316 = tpu.vector_load %arg5[%get3A_1313, %get3A_1314, %get3A_1315] {strides = array<i32>} : memref<2x3x128xi32, #tpu.memory_space<vmem>>, vector<1x1x16xi32>,
        %get3A_1317 = vector.shape_cast %get3A_1316 : vector<1x1x16xi32> to vector<16xi32>
        %add3A_1318 = vector.broadcast %mul3A_20 : i32 to vector<16xi32>
        %add3A_1319 = arith.addi %get3A_1317, %add3A_1318 : vector<16xi32>
        %swap3A_1320 = arith.constant 1 : i32
        %swap3A_1321 = arith.constant 1 : i32
        %swap3A_1322 = arith.index_cast %swap3A_1320 : i32 to index
        %swap3A_1323 = arith.index_cast %swap3A_1321 : i32 to index
        %swap3A_1324 = arith.constant 64 : index
        %swap3A_1325 = tpu.vector_load %arg5[%swap3A_1322, %swap3A_1323, %swap3A_1324] {strides = array<i32>} : memref<2x3x128xi32, #tpu.memory_space<vmem>>, vector<1x1x16xi32>,
        %swap3A_1326 = vector.shape_cast %swap3A_1325 : vector<1x1x16xi32> to vector<16xi32>
        %swap3A_1327 = vector.shape_cast %add3A_1319 : vector<16xi32> to vector<1x1x16xi32>
        tpu.vector_store %arg5[%swap3A_1322, %swap3A_1323, %swap3A_1324], %swap3A_1327 {strides = array<i32>} : memref<2x3x128xi32, #tpu.memory_space<vmem>>, vector<1x1x16xi32>,
        %get3A_1328 = arith.constant 1 : i32
        %get3A_1329 = arith.constant 1 : i32
        %get3A_1330 = arith.index_cast %get3A_1328 : i32 to index
        %get3A_1331 = arith.index_cast %get3A_1329 : i32 to index
        %get3A_1332 = arith.constant 80 : index
        %get3A_1333 = tpu.vector_load %arg5[%get3A_1330, %get3A_1331, %get3A_1332] {strides = array<i32>} : memref<2x3x128xi32, #tpu.memory_space<vmem>>, vector<1x1x16xi32>,
        %get3A_1334 = vector.shape_cast %get3A_1333 : vector<1x1x16xi32> to vector<16xi32>
        %add3A_1335 = vector.broadcast %mul3A_20 : i32 to vector<16xi32>
        %add3A_1336 = arith.addi %get3A_1334, %add3A_1335 : vector<16xi32>
        %swap3A_1337 = arith.constant 1 : i32
        %swap3A_1338 = arith.constant 1 : i32
        %swap3A_1339 = arith.index_cast %swap3A_1337 : i32 to index
        %swap3A_1340 = arith.index_cast %swap3A_1338 : i32 to index
        %swap3A_1341 = arith.constant 80 : index
        %swap3A_1342 = tpu.vector_load %arg5[%swap3A_1339, %swap3A_1340, %swap3A_1341] {strides = array<i32>} : memref<2x3x128xi32, #tpu.memory_space<vmem>>, vector<1x1x16xi32>,
        %swap3A_1343 = vector.shape_cast %swap3A_1342 : vector<1x1x16xi32> to vector<16xi32>
        %swap3A_1344 = vector.shape_cast %add3A_1336 : vector<16xi32> to vector<1x1x16xi32>
        tpu.vector_store %arg5[%swap3A_1339, %swap3A_1340, %swap3A_1341], %swap3A_1344 {strides = array<i32>} : memref<2x3x128xi32, #tpu.memory_space<vmem>>, vector<1x1x16xi32>,
        %get3A_1345 = arith.constant 1 : i32
        %get3A_1346 = arith.constant 1 : i32
        %get3A_1347 = arith.index_cast %get3A_1345 : i32 to index
        %get3A_1348 = arith.index_cast %get3A_1346 : i32 to index
        %get3A_1349 = arith.constant 96 : index
        %get3A_1350 = tpu.vector_load %arg5[%get3A_1347, %get3A_1348, %get3A_1349] {strides = array<i32>} : memref<2x3x128xi32, #tpu.memory_space<vmem>>, vector<1x1x16xi32>,
        %get3A_1351 = vector.shape_cast %get3A_1350 : vector<1x1x16xi32> to vector<16xi32>
        %add3A_1352 = vector.broadcast %mul3A_20 : i32 to vector<16xi32>
        %add3A_1353 = arith.addi %get3A_1351, %add3A_1352 : vector<16xi32>
        %swap3A_1354 = arith.constant 1 : i32
        %swap3A_1355 = arith.constant 1 : i32
        %swap3A_1356 = arith.index_cast %swap3A_1354 : i32 to index
        %swap3A_1357 = arith.index_cast %swap3A_1355 : i32 to index
        %swap3A_1358 = arith.constant 96 : index
        %swap3A_1359 = tpu.vector_load %arg5[%swap3A_1356, %swap3A_1357, %swap3A_1358] {strides = array<i32>} : memref<2x3x128xi32, #tpu.memory_space<vmem>>, vector<1x1x16xi32>,
        %swap3A_1360 = vector.shape_cast %swap3A_1359 : vector<1x1x16xi32> to vector<16xi32>
        %swap3A_1361 = vector.shape_cast %add3A_1353 : vector<16xi32> to vector<1x1x16xi32>
        tpu.vector_store %arg5[%swap3A_1356, %swap3A_1357, %swap3A_1358], %swap3A_1361 {strides = array<i32>} : memref<2x3x128xi32, #tpu.memory_space<vmem>>, vector<1x1x16xi32>,
        %get3A_1362 = arith.constant 1 : i32
        %get3A_1363 = arith.constant 1 : i32
        %get3A_1364 = arith.index_cast %get3A_1362 : i32 to index
        %get3A_1365 = arith.index_cast %get3A_1363 : i32 to index
        %get3A_1366 = arith.constant 112 : index
        %get3A_1367 = tpu.vector_load %arg5[%get3A_1364, %get3A_1365, %get3A_1366] {strides = array<i32>} : memref<2x3x128xi32, #tpu.memory_space<vmem>>, vector<1x1x16xi32>,
        %get3A_1368 = vector.shape_cast %get3A_1367 : vector<1x1x16xi32> to vector<16xi32>
        %add3A_1369 = vector.broadcast %mul3A_20 : i32 to vector<16xi32>
        %add3A_1370 = arith.addi %get3A_1368, %add3A_1369 : vector<16xi32>
        %swap3A_1371 = arith.constant 1 : i32
        %swap3A_1372 = arith.constant 1 : i32
        %swap3A_1373 = arith.index_cast %swap3A_1371 : i32 to index
        %swap3A_1374 = arith.index_cast %swap3A_1372 : i32 to index
        %swap3A_1375 = arith.constant 112 : index
        %swap3A_1376 = tpu.vector_load %arg5[%swap3A_1373, %swap3A_1374, %swap3A_1375] {strides = array<i32>} : memref<2x3x128xi32, #tpu.memory_space<vmem>>, vector<1x1x16xi32>,
        %swap3A_1377 = vector.shape_cast %swap3A_1376 : vector<1x1x16xi32> to vector<16xi32>
        %swap3A_1378 = vector.shape_cast %add3A_1370 : vector<16xi32> to vector<1x1x16xi32>
        tpu.vector_store %arg5[%swap3A_1373, %swap3A_1374, %swap3A_1375], %swap3A_1378 {strides = array<i32>} : memref<2x3x128xi32, #tpu.memory_space<vmem>>, vector<1x1x16xi32>,
        %get3A_1379 = arith.constant 1 : i32
        %get3A_1380 = arith.constant 2 : i32
        %get3A_1381 = arith.index_cast %get3A_1379 : i32 to index
        %get3A_1382 = arith.index_cast %get3A_1380 : i32 to index
        %get3A_1383 = arith.constant 0 : index
        %get3A_1384 = tpu.vector_load %arg5[%get3A_1381, %get3A_1382, %get3A_1383] {strides = array<i32>} : memref<2x3x128xi32, #tpu.memory_space<vmem>>, vector<1x1x16xi32>,
        %get3A_1385 = vector.shape_cast %get3A_1384 : vector<1x1x16xi32> to vector<16xi32>
        %add3A_1386 = vector.broadcast %mul3A_20 : i32 to vector<16xi32>
        %add3A_1387 = arith.addi %get3A_1385, %add3A_1386 : vector<16xi32>
        %swap3A_1388 = arith.constant 1 : i32
        %swap3A_1389 = arith.constant 2 : i32
        %swap3A_1390 = arith.index_cast %swap3A_1388 : i32 to index
        %swap3A_1391 = arith.index_cast %swap3A_1389 : i32 to index
        %swap3A_1392 = arith.constant 0 : index
        %swap3A_1393 = tpu.vector_load %arg5[%swap3A_1390, %swap3A_1391, %swap3A_1392] {strides = array<i32>} : memref<2x3x128xi32, #tpu.memory_space<vmem>>, vector<1x1x16xi32>,
        %swap3A_1394 = vector.shape_cast %swap3A_1393 : vector<1x1x16xi32> to vector<16xi32>
        %swap3A_1395 = vector.shape_cast %add3A_1387 : vector<16xi32> to vector<1x1x16xi32>
        tpu.vector_store %arg5[%swap3A_1390, %swap3A_1391, %swap3A_1392], %swap3A_1395 {strides = array<i32>} : memref<2x3x128xi32, #tpu.memory_space<vmem>>, vector<1x1x16xi32>,
        %get3A_1396 = arith.constant 1 : i32
        %get3A_1397 = arith.constant 2 : i32
        %get3A_1398 = arith.index_cast %get3A_1396 : i32 to index
        %get3A_1399 = arith.index_cast %get3A_1397 : i32 to index
        %get3A_1400 = arith.constant 16 : index
        %get3A_1401 = tpu.vector_load %arg5[%get3A_1398, %get3A_1399, %get3A_1400] {strides = array<i32>} : memref<2x3x128xi32, #tpu.memory_space<vmem>>, vector<1x1x16xi32>,
        %get3A_1402 = vector.shape_cast %get3A_1401 : vector<1x1x16xi32> to vector<16xi32>
        %add3A_1403 = vector.broadcast %mul3A_20 : i32 to vector<16xi32>
        %add3A_1404 = arith.addi %get3A_1402, %add3A_1403 : vector<16xi32>
        %swap3A_1405 = arith.constant 1 : i32
        %swap3A_1406 = arith.constant 2 : i32
        %swap3A_1407 = arith.index_cast %swap3A_1405 : i32 to index
        %swap3A_1408 = arith.index_cast %swap3A_1406 : i32 to index
        %swap3A_1409 = arith.constant 16 : index
        %swap3A_1410 = tpu.vector_load %arg5[%swap3A_1407, %swap3A_1408, %swap3A_1409] {strides = array<i32>} : memref<2x3x128xi32, #tpu.memory_space<vmem>>, vector<1x1x16xi32>,
        %swap3A_1411 = vector.shape_cast %swap3A_1410 : vector<1x1x16xi32> to vector<16xi32>
        %swap3A_1412 = vector.shape_cast %add3A_1404 : vector<16xi32> to vector<1x1x16xi32>
        tpu.vector_store %arg5[%swap3A_1407, %swap3A_1408, %swap3A_1409], %swap3A_1412 {strides = array<i32>} : memref<2x3x128xi32, #tpu.memory_space<vmem>>, vector<1x1x16xi32>,
        %get3A_1413 = arith.constant 1 : i32
        %get3A_1414 = arith.constant 2 : i32
        %get3A_1415 = arith.index_cast %get3A_1413 : i32 to index
        %get3A_1416 = arith.index_cast %get3A_1414 : i32 to index
        %get3A_1417 = arith.constant 32 : index
        %get3A_1418 = tpu.vector_load %arg5[%get3A_1415, %get3A_1416, %get3A_1417] {strides = array<i32>} : memref<2x3x128xi32, #tpu.memory_space<vmem>>, vector<1x1x16xi32>,
        %get3A_1419 = vector.shape_cast %get3A_1418 : vector<1x1x16xi32> to vector<16xi32>
        %add3A_1420 = vector.broadcast %mul3A_20 : i32 to vector<16xi32>
        %add3A_1421 = arith.addi %get3A_1419, %add3A_1420 : vector<16xi32>
        %swap3A_1422 = arith.constant 1 : i32
        %swap3A_1423 = arith.constant 2 : i32
        %swap3A_1424 = arith.index_cast %swap3A_1422 : i32 to index
        %swap3A_1425 = arith.index_cast %swap3A_1423 : i32 to index
        %swap3A_1426 = arith.constant 32 : index
        %swap3A_1427 = tpu.vector_load %arg5[%swap3A_1424, %swap3A_1425, %swap3A_1426] {strides = array<i32>} : memref<2x3x128xi32, #tpu.memory_space<vmem>>, vector<1x1x16xi32>,
        %swap3A_1428 = vector.shape_cast %swap3A_1427 : vector<1x1x16xi32> to vector<16xi32>
        %swap3A_1429 = vector.shape_cast %add3A_1421 : vector<16xi32> to vector<1x1x16xi32>
        tpu.vector_store %arg5[%swap3A_1424, %swap3A_1425, %swap3A_1426], %swap3A_1429 {strides = array<i32>} : memref<2x3x128xi32, #tpu.memory_space<vmem>>, vector<1x1x16xi32>,
        %get3A_1430 = arith.constant 1 : i32
        %get3A_1431 = arith.constant 2 : i32
        %get3A_1432 = arith.index_cast %get3A_1430 : i32 to index
        %get3A_1433 = arith.index_cast %get3A_1431 : i32 to index
        %get3A_1434 = arith.constant 48 : index
        %get3A_1435 = tpu.vector_load %arg5[%get3A_1432, %get3A_1433, %get3A_1434] {strides = array<i32>} : memref<2x3x128xi32, #tpu.memory_space<vmem>>, vector<1x1x16xi32>,
        %get3A_1436 = vector.shape_cast %get3A_1435 : vector<1x1x16xi32> to vector<16xi32>
        %add3A_1437 = vector.broadcast %mul3A_20 : i32 to vector<16xi32>
        %add3A_1438 = arith.addi %get3A_1436, %add3A_1437 : vector<16xi32>
        %swap3A_1439 = arith.constant 1 : i32
        %swap3A_1440 = arith.constant 2 : i32
        %swap3A_1441 = arith.index_cast %swap3A_1439 : i32 to index
        %swap3A_1442 = arith.index_cast %swap3A_1440 : i32 to index
        %swap3A_1443 = arith.constant 48 : index
        %swap3A_1444 = tpu.vector_load %arg5[%swap3A_1441, %swap3A_1442, %swap3A_1443] {strides = array<i32>} : memref<2x3x128xi32, #tpu.memory_space<vmem>>, vector<1x1x16xi32>,
        %swap3A_1445 = vector.shape_cast %swap3A_1444 : vector<1x1x16xi32> to vector<16xi32>
        %swap3A_1446 = vector.shape_cast %add3A_1438 : vector<16xi32> to vector<1x1x16xi32>
        tpu.vector_store %arg5[%swap3A_1441, %swap3A_1442, %swap3A_1443], %swap3A_1446 {strides = array<i32>} : memref<2x3x128xi32, #tpu.memory_space<vmem>>, vector<1x1x16xi32>,
        %get3A_1447 = arith.constant 1 : i32
        %get3A_1448 = arith.constant 2 : i32
        %get3A_1449 = arith.index_cast %get3A_1447 : i32 to index
        %get3A_1450 = arith.index_cast %get3A_1448 : i32 to index
        %get3A_1451 = arith.constant 64 : index
        %get3A_1452 = tpu.vector_load %arg5[%get3A_1449, %get3A_1450, %get3A_1451] {strides = array<i32>} : memref<2x3x128xi32, #tpu.memory_space<vmem>>, vector<1x1x16xi32>,
        %get3A_1453 = vector.shape_cast %get3A_1452 : vector<1x1x16xi32> to vector<16xi32>
        %add3A_1454 = vector.broadcast %mul3A_20 : i32 to vector<16xi32>
        %add3A_1455 = arith.addi %get3A_1453, %add3A_1454 : vector<16xi32>
        %swap3A_1456 = arith.constant 1 : i32
        %swap3A_1457 = arith.constant 2 : i32
        %swap3A_1458 = arith.index_cast %swap3A_1456 : i32 to index
        %swap3A_1459 = arith.index_cast %swap3A_1457 : i32 to index
        %swap3A_1460 = arith.constant 64 : index
        %swap3A_1461 = tpu.vector_load %arg5[%swap3A_1458, %swap3A_1459, %swap3A_1460] {strides = array<i32>} : memref<2x3x128xi32, #tpu.memory_space<vmem>>, vector<1x1x16xi32>,
        %swap3A_1462 = vector.shape_cast %swap3A_1461 : vector<1x1x16xi32> to vector<16xi32>
        %swap3A_1463 = vector.shape_cast %add3A_1455 : vector<16xi32> to vector<1x1x16xi32>
        tpu.vector_store %arg5[%swap3A_1458, %swap3A_1459, %swap3A_1460], %swap3A_1463 {strides = array<i32>} : memref<2x3x128xi32, #tpu.memory_space<vmem>>, vector<1x1x16xi32>,
        %get3A_1464 = arith.constant 1 : i32
        %get3A_1465 = arith.constant 2 : i32
        %get3A_1466 = arith.index_cast %get3A_1464 : i32 to index
        %get3A_1467 = arith.index_cast %get3A_1465 : i32 to index
        %get3A_1468 = arith.constant 80 : index
        %get3A_1469 = tpu.vector_load %arg5[%get3A_1466, %get3A_1467, %get3A_1468] {strides = array<i32>} : memref<2x3x128xi32, #tpu.memory_space<vmem>>, vector<1x1x16xi32>,
        %get3A_1470 = vector.shape_cast %get3A_1469 : vector<1x1x16xi32> to vector<16xi32>
        %add3A_1471 = vector.broadcast %mul3A_20 : i32 to vector<16xi32>
        %add3A_1472 = arith.addi %get3A_1470, %add3A_1471 : vector<16xi32>
        %swap3A_1473 = arith.constant 1 : i32
        %swap3A_1474 = arith.constant 2 : i32
        %swap3A_1475 = arith.index_cast %swap3A_1473 : i32 to index
        %swap3A_1476 = arith.index_cast %swap3A_1474 : i32 to index
        %swap3A_1477 = arith.constant 80 : index
        %swap3A_1478 = tpu.vector_load %arg5[%swap3A_1475, %swap3A_1476, %swap3A_1477] {strides = array<i32>} : memref<2x3x128xi32, #tpu.memory_space<vmem>>, vector<1x1x16xi32>,
        %swap3A_1479 = vector.shape_cast %swap3A_1478 : vector<1x1x16xi32> to vector<16xi32>
        %swap3A_1480 = vector.shape_cast %add3A_1472 : vector<16xi32> to vector<1x1x16xi32>
        tpu.vector_store %arg5[%swap3A_1475, %swap3A_1476, %swap3A_1477], %swap3A_1480 {strides = array<i32>} : memref<2x3x128xi32, #tpu.memory_space<vmem>>, vector<1x1x16xi32>,
        %get3A_1481 = arith.constant 1 : i32
        %get3A_1482 = arith.constant 2 : i32
        %get3A_1483 = arith.index_cast %get3A_1481 : i32 to index
        %get3A_1484 = arith.index_cast %get3A_1482 : i32 to index
        %get3A_1485 = arith.constant 96 : index
        %get3A_1486 = tpu.vector_load %arg5[%get3A_1483, %get3A_1484, %get3A_1485] {strides = array<i32>} : memref<2x3x128xi32, #tpu.memory_space<vmem>>, vector<1x1x16xi32>,
        %get3A_1487 = vector.shape_cast %get3A_1486 : vector<1x1x16xi32> to vector<16xi32>
        %add3A_1488 = vector.broadcast %mul3A_20 : i32 to vector<16xi32>
        %add3A_1489 = arith.addi %get3A_1487, %add3A_1488 : vector<16xi32>
        %swap3A_1490 = arith.constant 1 : i32
        %swap3A_1491 = arith.constant 2 : i32
        %swap3A_1492 = arith.index_cast %swap3A_1490 : i32 to index
        %swap3A_1493 = arith.index_cast %swap3A_1491 : i32 to index
        %swap3A_1494 = arith.constant 96 : index
        %swap3A_1495 = tpu.vector_load %arg5[%swap3A_1492, %swap3A_1493, %swap3A_1494] {strides = array<i32>} : memref<2x3x128xi32, #tpu.memory_space<vmem>>, vector<1x1x16xi32>,
        %swap3A_1496 = vector.shape_cast %swap3A_1495 : vector<1x1x16xi32> to vector<16xi32>
        %swap3A_1497 = vector.shape_cast %add3A_1489 : vector<16xi32> to vector<1x1x16xi32>
        tpu.vector_store %arg5[%swap3A_1492, %swap3A_1493, %swap3A_1494], %swap3A_1497 {strides = array<i32>} : memref<2x3x128xi32, #tpu.memory_space<vmem>>, vector<1x1x16xi32>,
        %get3A_1498 = arith.constant 1 : i32
        %get3A_1499 = arith.constant 2 : i32
        %get3A_1500 = arith.index_cast %get3A_1498 : i32 to index
        %get3A_1501 = arith.index_cast %get3A_1499 : i32 to index
        %get3A_1502 = arith.constant 112 : index
        %get3A_1503 = tpu.vector_load %arg5[%get3A_1500, %get3A_1501, %get3A_1502] {strides = array<i32>} : memref<2x3x128xi32, #tpu.memory_space<vmem>>, vector<1x1x16xi32>,
        %get3A_1504 = vector.shape_cast %get3A_1503 : vector<1x1x16xi32> to vector<16xi32>
        %add3A_1505 = vector.broadcast %mul3A_20 : i32 to vector<16xi32>
        %add3A_1506 = arith.addi %get3A_1504, %add3A_1505 : vector<16xi32>
        %swap3A_1507 = arith.constant 1 : i32
        %swap3A_1508 = arith.constant 2 : i32
        %swap3A_1509 = arith.index_cast %swap3A_1507 : i32 to index
        %swap3A_1510 = arith.index_cast %swap3A_1508 : i32 to index
        %swap3A_1511 = arith.constant 112 : index
        %swap3A_1512 = tpu.vector_load %arg5[%swap3A_1509, %swap3A_1510, %swap3A_1511] {strides = array<i32>} : memref<2x3x128xi32, #tpu.memory_space<vmem>>, vector<1x1x16xi32>,
        %swap3A_1513 = vector.shape_cast %swap3A_1512 : vector<1x1x16xi32> to vector<16xi32>
        %swap3A_1514 = vector.shape_cast %add3A_1506 : vector<16xi32> to vector<1x1x16xi32>
        tpu.vector_store %arg5[%swap3A_1509, %swap3A_1510, %swap3A_1511], %swap3A_1514 {strides = array<i32>} : memref<2x3x128xi32, #tpu.memory_space<vmem>>, vector<1x1x16xi32>,
        %dma_start3A_1515 = arith.constant 1 : i32
        %dma_start3A_1516 = arith.constant 0 : i32
        %dma_start3A_1517 = arith.constant 1 : i32
        %dma_start3A_1518 = arith.constant 0 : i32
        %dma_start3A_1519 = arith.constant 0 : i32
        %dma_start3A_1520 = tpu.memref_slice %arg6[%dma_start3A_1517, %dma_start3A_1518, %dma_start3A_1519] : memref<2x384x64xf32, #tpu.memory_space<vmem>> -> memref<1x128x64xf32, #tpu.memory_space<vmem>>
        %dma_start3A_1521 = tpu.memref_squeeze %dma_start3A_1520 : memref<1x128x64xf32, #tpu.memory_space<vmem>> -> memref<128x64xf32, #tpu.memory_space<vmem>>
        %dma_start3A_1522 = arith.constant 0 : i32
        %dma_start3A_1523 = tpu.memref_slice %arg5[%dma_start3A_1515, %dma_start3A_1516, %dma_start3A_1522] : memref<2x3x128xi32, #tpu.memory_space<vmem>> -> memref<1x1x128xi32, #tpu.memory_space<vmem>>
        %dma_start3A_1524 = tpu.memref_squeeze %dma_start3A_1523 : memref<1x1x128xi32, #tpu.memory_space<vmem>> -> memref<128xi32, #tpu.memory_space<vmem>>
        %dma_start3A_1525 = arith.constant 0 : i32
        %dma_start3A_1526 = arith.constant 0 : i32
        %dma_start3A_1527 = tpu.memref_slice %arg3[%dma_start3A_1525, %dma_start3A_1526] : memref<32768x64xf32, #tpu.memory_space<hbm>> -> memref<32768x64xf32, #tpu.memory_space<hbm>>
        tpu.enqueue_indirect_dma source(%dma_start3A_1527 : memref<32768x64xf32, #tpu.memory_space<hbm>>) target(%dma_start3A_1521 : memref<128x64xf32, #tpu.memory_space<vmem>>) offsets(%dma_start3A_1524 : memref<128xi32, #tpu.memory_space<vmem>>) semaphore(%arg9 : memref<!tpu.dma_semaphore, #tpu.memory_space<semaphore_mem>>)
        %dma_start3A_1528 = arith.constant 1 : i32
        %dma_start3A_1529 = arith.constant 1 : i32
        %dma_start3A_1530 = arith.constant 1 : i32
        %dma_start3A_1531 = arith.constant 128 : i32
        %dma_start3A_1532 = arith.constant 0 : i32
        %dma_start3A_1533 = tpu.memref_slice %arg6[%dma_start3A_1530, %dma_start3A_1531, %dma_start3A_1532] : memref<2x384x64xf32, #tpu.memory_space<vmem>> -> memref<1x128x64xf32, #tpu.memory_space<vmem>>
        %dma_start3A_1534 = tpu.memref_squeeze %dma_start3A_1533 : memref<1x128x64xf32, #tpu.memory_space<vmem>> -> memref<128x64xf32, #tpu.memory_space<vmem>>
        %dma_start3A_1535 = arith.constant 0 : i32
        %dma_start3A_1536 = tpu.memref_slice %arg5[%dma_start3A_1528, %dma_start3A_1529, %dma_start3A_1535] : memref<2x3x128xi32, #tpu.memory_space<vmem>> -> memref<1x1x128xi32, #tpu.memory_space<vmem>>
        %dma_start3A_1537 = tpu.memref_squeeze %dma_start3A_1536 : memref<1x1x128xi32, #tpu.memory_space<vmem>> -> memref<128xi32, #tpu.memory_space<vmem>>
        %dma_start3A_1538 = arith.constant 0 : i32
        %dma_start3A_1539 = arith.constant 0 : i32
        %dma_start3A_1540 = tpu.memref_slice %arg3[%dma_start3A_1538, %dma_start3A_1539] : memref<32768x64xf32, #tpu.memory_space<hbm>> -> memref<32768x64xf32, #tpu.memory_space<hbm>>
        tpu.enqueue_indirect_dma source(%dma_start3A_1540 : memref<32768x64xf32, #tpu.memory_space<hbm>>) target(%dma_start3A_1534 : memref<128x64xf32, #tpu.memory_space<vmem>>) offsets(%dma_start3A_1537 : memref<128xi32, #tpu.memory_space<vmem>>) semaphore(%arg9 : memref<!tpu.dma_semaphore, #tpu.memory_space<semaphore_mem>>)
        %dma_start3A_1541 = arith.constant 1 : i32
        %dma_start3A_1542 = arith.constant 2 : i32
        %dma_start3A_1543 = arith.constant 1 : i32
        %dma_start3A_1544 = arith.constant 256 : i32
        %dma_start3A_1545 = arith.constant 0 : i32
        %dma_start3A_1546 = tpu.memref_slice %arg6[%dma_start3A_1543, %dma_start3A_1544, %dma_start3A_1545] : memref<2x384x64xf32, #tpu.memory_space<vmem>> -> memref<1x128x64xf32, #tpu.memory_space<vmem>>
        %dma_start3A_1547 = tpu.memref_squeeze %dma_start3A_1546 : memref<1x128x64xf32, #tpu.memory_space<vmem>> -> memref<128x64xf32, #tpu.memory_space<vmem>>
        %dma_start3A_1548 = arith.constant 0 : i32
        %dma_start3A_1549 = tpu.memref_slice %arg5[%dma_start3A_1541, %dma_start3A_1542, %dma_start3A_1548] : memref<2x3x128xi32, #tpu.memory_space<vmem>> -> memref<1x1x128xi32, #tpu.memory_space<vmem>>
        %dma_start3A_1550 = tpu.memref_squeeze %dma_start3A_1549 : memref<1x1x128xi32, #tpu.memory_space<vmem>> -> memref<128xi32, #tpu.memory_space<vmem>>
        %dma_start3A_1551 = arith.constant 0 : i32
        %dma_start3A_1552 = arith.constant 0 : i32
        %dma_start3A_1553 = tpu.memref_slice %arg3[%dma_start3A_1551, %dma_start3A_1552] : memref<32768x64xf32, #tpu.memory_space<hbm>> -> memref<32768x64xf32, #tpu.memory_space<hbm>>
        tpu.enqueue_indirect_dma source(%dma_start3A_1553 : memref<32768x64xf32, #tpu.memory_space<hbm>>) target(%dma_start3A_1547 : memref<128x64xf32, #tpu.memory_space<vmem>>) offsets(%dma_start3A_1550 : memref<128xi32, #tpu.memory_space<vmem>>) semaphore(%arg9 : memref<!tpu.dma_semaphore, #tpu.memory_space<semaphore_mem>>)
      } else {
      }
    }
    %scan3A_929 = arith.constant 16 : i32
    %add3A_930 = arith.constant 3840 : i32
    %add3A_931 = arith.addi %mul3A_2, %add3A_930 : i32
    %dma_wait3A = arith.constant 0 : i32
    %dma_wait3A_932 = arith.constant 0 : i32
    %dma_wait3A_933 = arith.constant 0 : i32
    %dma_wait3A_934 = tpu.memref_slice %arg7[%dma_wait3A, %dma_wait3A_932, %dma_wait3A_933] : memref<2x128x64xf32, #tpu.memory_space<vmem>> -> memref<1x128x64xf32, #tpu.memory_space<vmem>>
    %dma_wait3A_935 = tpu.memref_squeeze %dma_wait3A_934 : memref<1x128x64xf32, #tpu.memory_space<vmem>> -> memref<128x64xf32, #tpu.memory_space<vmem>>
    %dma_wait3A_936 = arith.constant 0 : i32
    %dma_wait3A_937 = tpu.memref_slice %arg4[%add3A_931, %dma_wait3A_936] : memref<131072x64xf32, #tpu.memory_space<hbm>> -> memref<128x64xf32, #tpu.memory_space<hbm>>
    %dma_wait3A_938 = arith.constant 0 : i32
    %dma_wait3A_939 = tpu.memref_slice %arg4[%add3A_931, %dma_wait3A_938] : memref<131072x64xf32, #tpu.memory_space<hbm>> -> memref<128x64xf32, #tpu.memory_space<hbm>>
    %dma_wait3A_940 = arith.constant 0 : i32
    %dma_wait3A_941 = arith.constant 0 : i32
    %dma_wait3A_942 = tpu.memref_slice %arg7[%dma_wait3A, %dma_wait3A_940, %dma_wait3A_941] : memref<2x128x64xf32, #tpu.memory_space<vmem>> -> memref<1x128x64xf32, #tpu.memory_space<vmem>>
    %dma_wait3A_943 = tpu.memref_squeeze %dma_wait3A_942 : memref<1x128x64xf32, #tpu.memory_space<vmem>> -> memref<128x64xf32, #tpu.memory_space<vmem>>
    tpu.wait_dma2 semaphore(%arg10 : memref<!tpu.dma_semaphore, #tpu.memory_space<semaphore_mem>>) src(%dma_wait3A_943 : memref<128x64xf32, #tpu.memory_space<vmem>>) dst(%dma_wait3A_939 : memref<128x64xf32, #tpu.memory_space<hbm>>)
    %add3A_944 = arith.constant 3968 : i32
    %add3A_945 = arith.addi %mul3A_2, %add3A_944 : i32
    %dma_wait3A_946 = arith.constant 1 : i32
    %dma_wait3A_947 = arith.constant 0 : i32
    %dma_wait3A_948 = arith.constant 0 : i32
    %dma_wait3A_949 = tpu.memref_slice %arg7[%dma_wait3A_946, %dma_wait3A_947, %dma_wait3A_948] : memref<2x128x64xf32, #tpu.memory_space<vmem>> -> memref<1x128x64xf32, #tpu.memory_space<vmem>>
    %dma_wait3A_950 = tpu.memref_squeeze %dma_wait3A_949 : memref<1x128x64xf32, #tpu.memory_space<vmem>> -> memref<128x64xf32, #tpu.memory_space<vmem>>
    %dma_wait3A_951 = arith.constant 0 : i32
    %dma_wait3A_952 = tpu.memref_slice %arg4[%add3A_945, %dma_wait3A_951] : memref<131072x64xf32, #tpu.memory_space<hbm>> -> memref<128x64xf32, #tpu.memory_space<hbm>>
    %dma_wait3A_953 = arith.constant 0 : i32
    %dma_wait3A_954 = tpu.memref_slice %arg4[%add3A_945, %dma_wait3A_953] : memref<131072x64xf32, #tpu.memory_space<hbm>> -> memref<128x64xf32, #tpu.memory_space<hbm>>
    %dma_wait3A_955 = arith.constant 0 : i32
    %dma_wait3A_956 = arith.constant 0 : i32
    %dma_wait3A_957 = tpu.memref_slice %arg7[%dma_wait3A_946, %dma_wait3A_955, %dma_wait3A_956] : memref<2x128x64xf32, #tpu.memory_space<vmem>> -> memref<1x128x64xf32, #tpu.memory_space<vmem>>
    %dma_wait3A_958 = tpu.memref_squeeze %dma_wait3A_957 : memref<1x128x64xf32, #tpu.memory_space<vmem>> -> memref<128x64xf32, #tpu.memory_space<vmem>>
    tpu.wait_dma2 semaphore(%arg11 : memref<!tpu.dma_semaphore, #tpu.memory_space<semaphore_mem>>) src(%dma_wait3A_958 : memref<128x64xf32, #tpu.memory_space<vmem>>) dst(%dma_wait3A_954 : memref<128x64xf32, #tpu.memory_space<hbm>>)
    return
  }
}

module attributes {stable_mosaic.version = 14 : i64} {
  func.func @_stats_body(%arg0: i32, %arg1: memref<2048x64xf32, #tpu.memory_space<vmem>>, %arg2: memref<2048x32xf32, #tpu.memory_space<vmem>>, %arg3: memref<64x64xf32, #tpu.memory_space<vmem>>, %arg4: memref<1x64xf32, #tpu.memory_space<vmem>>, %arg5: memref<1x64xf32, #tpu.memory_space<vmem>>, %arg6: memref<1x64xf32, #tpu.memory_space<vmem>>, %arg7: memref<32x64xf32, #tpu.memory_space<vmem>>, %arg8: memref<1x64xf32, #tpu.memory_space<vmem>>, %arg9: memref<1x64xf32, #tpu.memory_space<vmem>>, %arg10: memref<1x64xf32, #tpu.memory_space<vmem>>, %arg11: memref<8x131xf32, #tpu.memory_space<vmem>>, %arg12: memref<64x131xf32, #tpu.memory_space<vmem>>, %arg13: memref<32x131xf32, #tpu.memory_space<vmem>>, %arg14: memref<8x131xf32, #tpu.memory_space<vmem>>, %arg15: memref<64x64xf32, #tpu.memory_space<vmem>>, %arg16: memref<32x32xf32, #tpu.memory_space<vmem>>, %arg17: memref<8x64xf32, #tpu.memory_space<vmem>>, %arg18: memref<8x32xf32, #tpu.memory_space<vmem>>) attributes {dimension_semantics = [#tpu.dimension_semantics<arbitrary>], iteration_bounds = array<i64: 64>, scalar_prefetch = 0 : i64, scratch_operands = 4 : i64, tpu.core_type = #tpu.core_type<tc>, window_params = [{transform_indices = @transform_0, window_bounds = array<i64: 2048, 64>}, {transform_indices = @transform_1, window_bounds = array<i64: 2048, 32>}, {pipeline_mode = #tpu.pipeline_mode<synchronous>, transform_indices = @transform_2, window_bounds = array<i64: 64, 64>}, {pipeline_mode = #tpu.pipeline_mode<synchronous>, transform_indices = @transform_3, window_bounds = array<i64: 1, 64>}, {pipeline_mode = #tpu.pipeline_mode<synchronous>, transform_indices = @transform_4, window_bounds = array<i64: 1, 64>}, {pipeline_mode = #tpu.pipeline_mode<synchronous>, transform_indices = @transform_5, window_bounds = array<i64: 1, 64>}, {pipeline_mode = #tpu.pipeline_mode<synchronous>, transform_indices = @transform_6, window_bounds = array<i64: 32, 64>}, {pipeline_mode = #tpu.pipeline_mode<synchronous>, transform_indices = @transform_7, window_bounds = array<i64: 1, 64>}, {pipeline_mode = #tpu.pipeline_mode<synchronous>, transform_indices = @transform_8, window_bounds = array<i64: 1, 64>}, {pipeline_mode = #tpu.pipeline_mode<synchronous>, transform_indices = @transform_9, window_bounds = array<i64: 1, 64>}, {pipeline_mode = #tpu.pipeline_mode<synchronous>, transform_indices = @transform_10, window_bounds = array<i64: 8, 131>}, {pipeline_mode = #tpu.pipeline_mode<synchronous>, transform_indices = @transform_11, window_bounds = array<i64: 64, 131>}, {pipeline_mode = #tpu.pipeline_mode<synchronous>, transform_indices = @transform_12, window_bounds = array<i64: 32, 131>}, {pipeline_mode = #tpu.pipeline_mode<synchronous>, transform_indices = @transform_13, window_bounds = array<i64: 8, 131>}]} {
    %eq3A = arith.constant 0 : i32
    %eq3A_0 = arith.cmpi eq, %arg0, %eq3A : i32
    %convert_element_type3A = arith.extui %eq3A_0 : i1 to i32
    %cond3A = arith.constant 0 : i32
    %cond3A_1 = arith.cmpi ne, %convert_element_type3A, %cond3A : i32
    scf.if %cond3A_1 {
      %broadcast_in_dim3A_46 = arith.constant 0.000000e+00 : f32
      %broadcast_in_dim3A_47 = vector.broadcast %broadcast_in_dim3A_46 : f32 to vector<64x64xf32>
      %swap3A_48 = arith.constant 0 : index
      %swap3A_49 = arith.constant 0 : index
      %swap3A_50 = vector.load %arg15[%swap3A_48, %swap3A_49] : memref<64x64xf32, #tpu.memory_space<vmem>>, vector<64x64xf32>
      tpu.vector_store %arg15[%swap3A_48, %swap3A_49], %broadcast_in_dim3A_47 {strides = array<i32>} : memref<64x64xf32, #tpu.memory_space<vmem>>, vector<64x64xf32>,
      %broadcast_in_dim3A_51 = arith.constant 0.000000e+00 : f32
      %broadcast_in_dim3A_52 = vector.broadcast %broadcast_in_dim3A_51 : f32 to vector<32x32xf32>
      %swap3A_53 = arith.constant 0 : index
      %swap3A_54 = arith.constant 0 : index
      %swap3A_55 = vector.load %arg16[%swap3A_53, %swap3A_54] : memref<32x32xf32, #tpu.memory_space<vmem>>, vector<32x32xf32>
      tpu.vector_store %arg16[%swap3A_53, %swap3A_54], %broadcast_in_dim3A_52 {strides = array<i32>} : memref<32x32xf32, #tpu.memory_space<vmem>>, vector<32x32xf32>,
      %broadcast_in_dim3A_56 = arith.constant 0.000000e+00 : f32
      %broadcast_in_dim3A_57 = vector.broadcast %broadcast_in_dim3A_56 : f32 to vector<8x64xf32>
      %swap3A_58 = arith.constant 0 : index
      %swap3A_59 = arith.constant 0 : index
      %swap3A_60 = vector.load %arg17[%swap3A_58, %swap3A_59] : memref<8x64xf32, #tpu.memory_space<vmem>>, vector<8x64xf32>
      tpu.vector_store %arg17[%swap3A_58, %swap3A_59], %broadcast_in_dim3A_57 {strides = array<i32>} : memref<8x64xf32, #tpu.memory_space<vmem>>, vector<8x64xf32>,
      %broadcast_in_dim3A_61 = arith.constant 0.000000e+00 : f32
      %broadcast_in_dim3A_62 = vector.broadcast %broadcast_in_dim3A_61 : f32 to vector<8x32xf32>
      %swap3A_63 = arith.constant 0 : index
      %swap3A_64 = arith.constant 0 : index
      %swap3A_65 = vector.load %arg18[%swap3A_63, %swap3A_64] : memref<8x32xf32, #tpu.memory_space<vmem>>, vector<8x32xf32>
      tpu.vector_store %arg18[%swap3A_63, %swap3A_64], %broadcast_in_dim3A_62 {strides = array<i32>} : memref<8x32xf32, #tpu.memory_space<vmem>>, vector<8x32xf32>,
    } else {
    }
    %get3A = arith.constant 0 : index
    %get3A_2 = arith.constant 0 : index
    %get3A_3 = vector.load %arg1[%get3A, %get3A_2] : memref<2048x64xf32, #tpu.memory_space<vmem>>, vector<2048x64xf32>
    %get3A_4 = arith.constant 0 : index
    %get3A_5 = arith.constant 0 : index
    %get3A_6 = vector.load %arg2[%get3A_4, %get3A_5] : memref<2048x32xf32, #tpu.memory_space<vmem>>, vector<2048x32xf32>
    %get3A_7 = arith.constant 0 : index
    %get3A_8 = arith.constant 0 : index
    %get3A_9 = vector.load %arg15[%get3A_7, %get3A_8] : memref<64x64xf32, #tpu.memory_space<vmem>>, vector<64x64xf32>
    %dot_general3A = arith.constant dense<0.000000e+00> : vector<64x64xf32>
    %dot_general3A_10 = tpu.matmul %get3A_3, %get3A_3, %dot_general3A {dimension_numbers = #tpu.dot_dimension_numbers<[0], [0], [1], [1], [0, 1, 1, 1], [], []>, transpose_lhs_hint = false} : vector<2048x64xf32>, vector<2048x64xf32>, vector<64x64xf32> -> vector<64x64xf32>
    %add3A = arith.addf %get3A_9, %dot_general3A_10 : vector<64x64xf32>
    %swap3A = arith.constant 0 : index
    %swap3A_11 = arith.constant 0 : index
    %swap3A_12 = vector.load %arg15[%swap3A, %swap3A_11] : memref<64x64xf32, #tpu.memory_space<vmem>>, vector<64x64xf32>
    tpu.vector_store %arg15[%swap3A, %swap3A_11], %add3A {strides = array<i32>} : memref<64x64xf32, #tpu.memory_space<vmem>>, vector<64x64xf32>,
    %get3A_13 = arith.constant 0 : index
    %get3A_14 = arith.constant 0 : index
    %get3A_15 = vector.load %arg16[%get3A_13, %get3A_14] : memref<32x32xf32, #tpu.memory_space<vmem>>, vector<32x32xf32>
    %dot_general3A_16 = arith.constant dense<0.000000e+00> : vector<32x32xf32>
    %dot_general3A_17 = tpu.matmul %get3A_6, %get3A_6, %dot_general3A_16 {dimension_numbers = #tpu.dot_dimension_numbers<[0], [0], [1], [1], [0, 1, 1, 1], [], []>, transpose_lhs_hint = false} : vector<2048x32xf32>, vector<2048x32xf32>, vector<32x32xf32> -> vector<32x32xf32>
    %add3A_18 = arith.addf %get3A_15, %dot_general3A_17 : vector<32x32xf32>
    %swap3A_19 = arith.constant 0 : index
    %swap3A_20 = arith.constant 0 : index
    %swap3A_21 = vector.load %arg16[%swap3A_19, %swap3A_20] : memref<32x32xf32, #tpu.memory_space<vmem>>, vector<32x32xf32>
    tpu.vector_store %arg16[%swap3A_19, %swap3A_20], %add3A_18 {strides = array<i32>} : memref<32x32xf32, #tpu.memory_space<vmem>>, vector<32x32xf32>,
    %broadcast_in_dim3A = arith.constant 1.000000e+00 : f32
    %broadcast_in_dim3A_22 = vector.broadcast %broadcast_in_dim3A : f32 to vector<8x2048xf32>
    %get3A_23 = arith.constant 0 : index
    %get3A_24 = arith.constant 0 : index
    %get3A_25 = vector.load %arg17[%get3A_23, %get3A_24] : memref<8x64xf32, #tpu.memory_space<vmem>>, vector<8x64xf32>
    %dot_general3A_26 = arith.constant dense<0.000000e+00> : vector<8x64xf32>
    %dot_general3A_27 = tpu.matmul %broadcast_in_dim3A_22, %get3A_3, %dot_general3A_26 {dimension_numbers = #tpu.dot_dimension_numbers<[1], [0], [0], [1], [0, 0, 1, 1], [], []>, transpose_lhs_hint = false} : vector<8x2048xf32>, vector<2048x64xf32>, vector<8x64xf32> -> vector<8x64xf32>
    %add3A_28 = arith.addf %get3A_25, %dot_general3A_27 : vector<8x64xf32>
    %swap3A_29 = arith.constant 0 : index
    %swap3A_30 = arith.constant 0 : index
    %swap3A_31 = vector.load %arg17[%swap3A_29, %swap3A_30] : memref<8x64xf32, #tpu.memory_space<vmem>>, vector<8x64xf32>
    tpu.vector_store %arg17[%swap3A_29, %swap3A_30], %add3A_28 {strides = array<i32>} : memref<8x64xf32, #tpu.memory_space<vmem>>, vector<8x64xf32>,
    %get3A_32 = arith.constant 0 : index
    %get3A_33 = arith.constant 0 : index
    %get3A_34 = vector.load %arg18[%get3A_32, %get3A_33] : memref<8x32xf32, #tpu.memory_space<vmem>>, vector<8x32xf32>
    %dot_general3A_35 = arith.constant dense<0.000000e+00> : vector<8x32xf32>
    %dot_general3A_36 = tpu.matmul %broadcast_in_dim3A_22, %get3A_6, %dot_general3A_35 {dimension_numbers = #tpu.dot_dimension_numbers<[1], [0], [0], [1], [0, 0, 1, 1], [], []>, transpose_lhs_hint = false} : vector<8x2048xf32>, vector<2048x32xf32>, vector<8x32xf32> -> vector<8x32xf32>
    %add3A_37 = arith.addf %get3A_34, %dot_general3A_36 : vector<8x32xf32>
    %swap3A_38 = arith.constant 0 : index
    %swap3A_39 = arith.constant 0 : index
    %swap3A_40 = vector.load %arg18[%swap3A_38, %swap3A_39] : memref<8x32xf32, #tpu.memory_space<vmem>>, vector<8x32xf32>
    tpu.vector_store %arg18[%swap3A_38, %swap3A_39], %add3A_37 {strides = array<i32>} : memref<8x32xf32, #tpu.memory_space<vmem>>, vector<8x32xf32>,
    %eq3A_41 = arith.constant 63 : i32
    %eq3A_42 = arith.cmpi eq, %arg0, %eq3A_41 : i32
    %convert_element_type3A_43 = arith.extui %eq3A_42 : i1 to i32
    %cond3A_44 = arith.constant 0 : i32
    %cond3A_45 = arith.cmpi ne, %convert_element_type3A_43, %cond3A_44 : i32
    scf.if %cond3A_45 {
      %get3A_46 = arith.constant 0 : index
      %get3A_47 = arith.constant 0 : index
      %get3A_48 = vector.load %arg3[%get3A_46, %get3A_47] : memref<64x64xf32, #tpu.memory_space<vmem>>, vector<64x64xf32>
      %get3A_49 = arith.constant 0 : index
      %get3A_50 = arith.constant 0 : index
      %get3A_51 = vector.load %arg4[%get3A_49, %get3A_50] : memref<1x64xf32, #tpu.memory_space<vmem>>, vector<1x64xf32>
      %get3A_52 = arith.constant 0 : index
      %get3A_53 = arith.constant 0 : index
      %get3A_54 = vector.load %arg17[%get3A_52, %get3A_53] : memref<8x64xf32, #tpu.memory_space<vmem>>, vector<1x64xf32>
      %dot_general3A_55 = arith.constant dense<0.000000e+00> : vector<1x64xf32>
      %dot_general3A_56 = tpu.matmul %get3A_54, %get3A_48, %dot_general3A_55 {dimension_numbers = #tpu.dot_dimension_numbers<[1], [0], [0], [1], [0, 0, 1, 1], [], []>, transpose_lhs_hint = false} : vector<1x64xf32>, vector<64x64xf32>, vector<1x64xf32> -> vector<1x64xf32>
      %div3A = arith.constant 1.310720e+05 : f32
      %div3A_57 = vector.broadcast %div3A : f32 to vector<1x64xf32>
      %div3A_58 = arith.divf %dot_general3A_56, %div3A_57 : vector<1x64xf32>
      %add3A_59 = arith.addf %div3A_58, %get3A_51 : vector<1x64xf32>
      %get3A_60 = arith.constant 0 : index
      %get3A_61 = arith.constant 0 : index
      %get3A_62 = vector.load %arg15[%get3A_60, %get3A_61] : memref<64x64xf32, #tpu.memory_space<vmem>>, vector<64x64xf32>
      %dot_general3A_63 = arith.constant dense<0.000000e+00> : vector<64x64xf32>
      %dot_general3A_64 = tpu.matmul %get3A_62, %get3A_48, %dot_general3A_63 {dimension_numbers = #tpu.dot_dimension_numbers<[1], [0], [0], [1], [0, 0, 1, 1], [], []>, transpose_lhs_hint = false} : vector<64x64xf32>, vector<64x64xf32>, vector<64x64xf32> -> vector<64x64xf32>
      %mul3A = arith.mulf %get3A_48, %dot_general3A_64 : vector<64x64xf32>
      %reduce_sum3A = arith.constant dense<0.000000e+00> : vector<64xf32>
      %reduce_sum3A_65 = vector.multi_reduction <add>, %mul3A, %reduce_sum3A [0] : vector<64x64xf32> to vector<64xf32>
      %broadcast_in_dim3A_66 = vector.shape_cast %reduce_sum3A_65 : vector<64xf32> to vector<1x64xf32>
      %div3A_67 = arith.constant 1.310720e+05 : f32
      %div3A_68 = vector.broadcast %div3A_67 : f32 to vector<1x64xf32>
      %div3A_69 = arith.divf %broadcast_in_dim3A_66, %div3A_68 : vector<1x64xf32>
      %mul3A_70 = arith.constant 2.000000e+00 : f32
      %mul3A_71 = vector.broadcast %mul3A_70 : f32 to vector<1x64xf32>
      %mul3A_72 = arith.mulf %mul3A_71, %get3A_51 : vector<1x64xf32>
      %mul3A_73 = arith.mulf %mul3A_72, %div3A_58 : vector<1x64xf32>
      %add3A_74 = arith.addf %div3A_69, %mul3A_73 : vector<1x64xf32>
      %mul3A_75 = arith.mulf %get3A_51, %get3A_51 : vector<1x64xf32>
      %add3A_76 = arith.addf %add3A_74, %mul3A_75 : vector<1x64xf32>
      %mul3A_77 = arith.mulf %add3A_59, %add3A_59 : vector<1x64xf32>
      %sub3A = arith.subf %add3A_76, %mul3A_77 : vector<1x64xf32>
      %get3A_78 = arith.constant 0 : index
      %get3A_79 = arith.constant 0 : index
      %get3A_80 = vector.load %arg5[%get3A_78, %get3A_79] : memref<1x64xf32, #tpu.memory_space<vmem>>, vector<1x64xf32>
      %add3A_81 = arith.constant 9.99999974E-6 : f32
      %add3A_82 = vector.broadcast %add3A_81 : f32 to vector<1x64xf32>
      %add3A_83 = arith.addf %sub3A, %add3A_82 : vector<1x64xf32>
      %rsqrt3A = math.rsqrt %add3A_83 : vector<1x64xf32>
      %mul3A_84 = arith.mulf %get3A_80, %rsqrt3A : vector<1x64xf32>
      %sub3A_85 = arith.subf %get3A_51, %add3A_59 : vector<1x64xf32>
      %mul3A_86 = arith.mulf %sub3A_85, %mul3A_84 : vector<1x64xf32>
      %get3A_87 = arith.constant 0 : index
      %get3A_88 = arith.constant 0 : index
      %get3A_89 = vector.load %arg6[%get3A_87, %get3A_88] : memref<1x64xf32, #tpu.memory_space<vmem>>, vector<1x64xf32>
      %add3A_90 = arith.addf %mul3A_86, %get3A_89 : vector<1x64xf32>
      %mul3A_91 = vector.broadcast %mul3A_84 : vector<1x64xf32> to vector<64x64xf32>
      %mul3A_92 = arith.mulf %get3A_48, %mul3A_91 : vector<64x64xf32>
      %get3A_93 = arith.constant 0 : index
      %get3A_94 = arith.constant 0 : index
      %get3A_95 = vector.load %arg7[%get3A_93, %get3A_94] : memref<32x64xf32, #tpu.memory_space<vmem>>, vector<32x64xf32>
      %get3A_96 = arith.constant 0 : index
      %get3A_97 = arith.constant 0 : index
      %get3A_98 = vector.load %arg8[%get3A_96, %get3A_97] : memref<1x64xf32, #tpu.memory_space<vmem>>, vector<1x64xf32>
      %get3A_99 = arith.constant 0 : index
      %get3A_100 = arith.constant 0 : index
      %get3A_101 = vector.load %arg18[%get3A_99, %get3A_100] : memref<8x32xf32, #tpu.memory_space<vmem>>, vector<1x32xf32>
      %dot_general3A_102 = arith.constant dense<0.000000e+00> : vector<1x64xf32>
      %dot_general3A_103 = tpu.matmul %get3A_101, %get3A_95, %dot_general3A_102 {dimension_numbers = #tpu.dot_dimension_numbers<[1], [0], [0], [1], [0, 0, 1, 1], [], []>, transpose_lhs_hint = false} : vector<1x32xf32>, vector<32x64xf32>, vector<1x64xf32> -> vector<1x64xf32>
      %div3A_104 = arith.constant 1.310720e+05 : f32
      %div3A_105 = vector.broadcast %div3A_104 : f32 to vector<1x64xf32>
      %div3A_106 = arith.divf %dot_general3A_103, %div3A_105 : vector<1x64xf32>
      %add3A_107 = arith.addf %div3A_106, %get3A_98 : vector<1x64xf32>
      %get3A_108 = arith.constant 0 : index
      %get3A_109 = arith.constant 0 : index
      %get3A_110 = vector.load %arg16[%get3A_108, %get3A_109] : memref<32x32xf32, #tpu.memory_space<vmem>>, vector<32x32xf32>
      %dot_general3A_111 = arith.constant dense<0.000000e+00> : vector<32x64xf32>
      %dot_general3A_112 = tpu.matmul %get3A_110, %get3A_95, %dot_general3A_111 {dimension_numbers = #tpu.dot_dimension_numbers<[1], [0], [0], [1], [0, 0, 1, 1], [], []>, transpose_lhs_hint = false} : vector<32x32xf32>, vector<32x64xf32>, vector<32x64xf32> -> vector<32x64xf32>
      %mul3A_113 = arith.mulf %get3A_95, %dot_general3A_112 : vector<32x64xf32>
      %reduce_sum3A_114 = arith.constant dense<0.000000e+00> : vector<64xf32>
      %reduce_sum3A_115 = vector.multi_reduction <add>, %mul3A_113, %reduce_sum3A_114 [0] : vector<32x64xf32> to vector<64xf32>
      %broadcast_in_dim3A_116 = vector.shape_cast %reduce_sum3A_115 : vector<64xf32> to vector<1x64xf32>
      %div3A_117 = arith.constant 1.310720e+05 : f32
      %div3A_118 = vector.broadcast %div3A_117 : f32 to vector<1x64xf32>
      %div3A_119 = arith.divf %broadcast_in_dim3A_116, %div3A_118 : vector<1x64xf32>
      %mul3A_120 = arith.constant 2.000000e+00 : f32
      %mul3A_121 = vector.broadcast %mul3A_120 : f32 to vector<1x64xf32>
      %mul3A_122 = arith.mulf %mul3A_121, %get3A_98 : vector<1x64xf32>
      %mul3A_123 = arith.mulf %mul3A_122, %div3A_106 : vector<1x64xf32>
      %add3A_124 = arith.addf %div3A_119, %mul3A_123 : vector<1x64xf32>
      %mul3A_125 = arith.mulf %get3A_98, %get3A_98 : vector<1x64xf32>
      %add3A_126 = arith.addf %add3A_124, %mul3A_125 : vector<1x64xf32>
      %mul3A_127 = arith.mulf %add3A_107, %add3A_107 : vector<1x64xf32>
      %sub3A_128 = arith.subf %add3A_126, %mul3A_127 : vector<1x64xf32>
      %get3A_129 = arith.constant 0 : index
      %get3A_130 = arith.constant 0 : index
      %get3A_131 = vector.load %arg9[%get3A_129, %get3A_130] : memref<1x64xf32, #tpu.memory_space<vmem>>, vector<1x64xf32>
      %add3A_132 = arith.constant 9.99999974E-6 : f32
      %add3A_133 = vector.broadcast %add3A_132 : f32 to vector<1x64xf32>
      %add3A_134 = arith.addf %sub3A_128, %add3A_133 : vector<1x64xf32>
      %rsqrt3A_135 = math.rsqrt %add3A_134 : vector<1x64xf32>
      %mul3A_136 = arith.mulf %get3A_131, %rsqrt3A_135 : vector<1x64xf32>
      %sub3A_137 = arith.subf %get3A_98, %add3A_107 : vector<1x64xf32>
      %mul3A_138 = arith.mulf %sub3A_137, %mul3A_136 : vector<1x64xf32>
      %get3A_139 = arith.constant 0 : index
      %get3A_140 = arith.constant 0 : index
      %get3A_141 = vector.load %arg10[%get3A_139, %get3A_140] : memref<1x64xf32, #tpu.memory_space<vmem>>, vector<1x64xf32>
      %add3A_142 = arith.addf %mul3A_138, %get3A_141 : vector<1x64xf32>
      %mul3A_143 = vector.broadcast %mul3A_136 : vector<1x64xf32> to vector<32x64xf32>
      %mul3A_144 = arith.mulf %get3A_95, %mul3A_143 : vector<32x64xf32>
      %broadcast_in_dim3A_145 = arith.constant 0.000000e+00 : f32
      %broadcast_in_dim3A_146 = vector.broadcast %broadcast_in_dim3A_145 : f32 to vector<64x3xf32>
      %broadcast_in_dim3A_147 = arith.constant 0.000000e+00 : f32
      %broadcast_in_dim3A_148 = vector.broadcast %broadcast_in_dim3A_147 : f32 to vector<64x64xf32>
      %concatenate3A = tpu.concatenate %broadcast_in_dim3A_146, %mul3A_92, %broadcast_in_dim3A_148 in 1 : vector<64x3xf32>, vector<64x64xf32>, vector<64x64xf32> -> vector<64x131xf32>
      %swap3A_149 = arith.constant 0 : index
      %swap3A_150 = arith.constant 0 : index
      %swap3A_151 = vector.load %arg12[%swap3A_149, %swap3A_150] : memref<64x131xf32, #tpu.memory_space<vmem>>, vector<64x131xf32>
      tpu.vector_store %arg12[%swap3A_149, %swap3A_150], %concatenate3A {strides = array<i32>} : memref<64x131xf32, #tpu.memory_space<vmem>>, vector<64x131xf32>,
      %broadcast_in_dim3A_152 = arith.constant 0.000000e+00 : f32
      %broadcast_in_dim3A_153 = vector.broadcast %broadcast_in_dim3A_152 : f32 to vector<32x67xf32>
      %concatenate3A_154 = tpu.concatenate %broadcast_in_dim3A_153, %mul3A_144 in 1 : vector<32x67xf32>, vector<32x64xf32> -> vector<32x131xf32>
      %swap3A_155 = arith.constant 0 : index
      %swap3A_156 = arith.constant 0 : index
      %swap3A_157 = vector.load %arg13[%swap3A_155, %swap3A_156] : memref<32x131xf32, #tpu.memory_space<vmem>>, vector<32x131xf32>
      tpu.vector_store %arg13[%swap3A_155, %swap3A_156], %concatenate3A_154 {strides = array<i32>} : memref<32x131xf32, #tpu.memory_space<vmem>>, vector<32x131xf32>,
      %iota3A = tpu.iota {dimensions = array<i32: 0>} : vector<8x131xi32>
      %iota3A_158 = tpu.iota {dimensions = array<i32: 1>} : vector<8x131xi32>
      %eq3A_159 = arith.cmpi eq, %iota3A, %iota3A_158 : vector<8x131xi32>
      %lt3A = arith.constant 3 : i32
      %lt3A_160 = vector.broadcast %lt3A : i32 to vector<8x131xi32>
      %lt3A_161 = arith.cmpi slt, %iota3A, %lt3A_160 : vector<8x131xi32>
      %and3A = arith.andi %eq3A_159, %lt3A_161 : vector<8x131xi1>
      %jit3A = arith.constant 1.000000e+00 : f32
      %jit3A_162 = arith.constant 0.000000e+00 : f32
      %broadcast_in_dim3A_163 = vector.broadcast %jit3A : f32 to vector<8x131xf32>
      %broadcast_in_dim3A_164 = vector.broadcast %jit3A_162 : f32 to vector<8x131xf32>
      %select_n3A = arith.select %and3A, %broadcast_in_dim3A_163, %broadcast_in_dim3A_164 : vector<8x131xi1>, vector<8x131xf32>
      %swap3A_165 = arith.constant 0 : index
      %swap3A_166 = arith.constant 0 : index
      %swap3A_167 = vector.load %arg11[%swap3A_165, %swap3A_166] : memref<8x131xf32, #tpu.memory_space<vmem>>, vector<8x131xf32>
      tpu.vector_store %arg11[%swap3A_165, %swap3A_166], %select_n3A {strides = array<i32>} : memref<8x131xf32, #tpu.memory_space<vmem>>, vector<8x131xf32>,
      %broadcast_in_dim3A_168 = arith.constant 0.000000e+00 : f32
      %broadcast_in_dim3A_169 = vector.broadcast %broadcast_in_dim3A_168 : f32 to vector<1x3xf32>
      %concatenate3A_170 = tpu.concatenate %broadcast_in_dim3A_169, %add3A_90, %add3A_142 in 1 : vector<1x3xf32>, vector<1x64xf32>, vector<1x64xf32> -> vector<1x131xf32>
      %slice3A = vector.extract_strided_slice %iota3A_158 {offsets = [0, 0], sizes = [1, 131], strides = [1, 1]} : vector<8x131xi32> to vector<1x131xi32>
      %lt3A_171 = arith.constant 3 : i32
      %lt3A_172 = vector.broadcast %lt3A_171 : i32 to vector<1x131xi32>
      %lt3A_173 = arith.cmpi slt, %slice3A, %lt3A_172 : vector<1x131xi32>
      %jit3A_174 = arith.constant -3.000000e+38 : f32
      %jit3A_175 = arith.constant 0.000000e+00 : f32
      %broadcast_in_dim3A_176 = vector.broadcast %jit3A_174 : f32 to vector<1x131xf32>
      %broadcast_in_dim3A_177 = vector.broadcast %jit3A_175 : f32 to vector<1x131xf32>
      %select_n3A_178 = arith.select %lt3A_173, %broadcast_in_dim3A_176, %broadcast_in_dim3A_177 : vector<1x131xi1>, vector<1x131xf32>
      %broadcast_in_dim3A_179 = arith.constant 0.000000e+00 : f32
      %broadcast_in_dim3A_180 = vector.broadcast %broadcast_in_dim3A_179 : f32 to vector<6x131xf32>
      %concatenate3A_181 = tpu.concatenate %concatenate3A_170, %select_n3A_178, %broadcast_in_dim3A_180 in 0 : vector<1x131xf32>, vector<1x131xf32>, vector<6x131xf32> -> vector<8x131xf32>
      %swap3A_182 = arith.constant 0 : index
      %swap3A_183 = arith.constant 0 : index
      %swap3A_184 = vector.load %arg14[%swap3A_182, %swap3A_183] : memref<8x131xf32, #tpu.memory_space<vmem>>, vector<8x131xf32>
      tpu.vector_store %arg14[%swap3A_182, %swap3A_183], %concatenate3A_181 {strides = array<i32>} : memref<8x131xf32, #tpu.memory_space<vmem>>, vector<8x131xf32>,
    } else {
    }
    return
  }
  func.func @transform_0(%arg0: i32) -> (i32, i32) {
    %c0_i32 = arith.constant 0 : i32
    %c0_i32_0 = arith.constant 0 : i32
    return %arg0, %c0_i32 : i32, i32
  }
  func.func @transform_1(%arg0: i32) -> (i32, i32) {
    %c0_i32 = arith.constant 0 : i32
    %c0_i32_0 = arith.constant 0 : i32
    return %arg0, %c0_i32 : i32, i32
  }
  func.func @transform_2(%arg0: i32) -> (i32, i32) {
    %c0_i32 = arith.constant 0 : i32
    %c0_i32_0 = arith.constant 0 : i32
    %c0_i32_1 = arith.constant 0 : i32
    return %c0_i32, %c0_i32_0 : i32, i32
  }
  func.func @transform_3(%arg0: i32) -> (i32, i32) {
    %c0_i32 = arith.constant 0 : i32
    %c0_i32_0 = arith.constant 0 : i32
    %c0_i32_1 = arith.constant 0 : i32
    return %c0_i32, %c0_i32_0 : i32, i32
  }
  func.func @transform_4(%arg0: i32) -> (i32, i32) {
    %c0_i32 = arith.constant 0 : i32
    %c0_i32_0 = arith.constant 0 : i32
    %c0_i32_1 = arith.constant 0 : i32
    return %c0_i32, %c0_i32_0 : i32, i32
  }
  func.func @transform_5(%arg0: i32) -> (i32, i32) {
    %c0_i32 = arith.constant 0 : i32
    %c0_i32_0 = arith.constant 0 : i32
    %c0_i32_1 = arith.constant 0 : i32
    return %c0_i32, %c0_i32_0 : i32, i32
  }
  func.func @transform_6(%arg0: i32) -> (i32, i32) {
    %c0_i32 = arith.constant 0 : i32
    %c0_i32_0 = arith.constant 0 : i32
    %c0_i32_1 = arith.constant 0 : i32
    return %c0_i32, %c0_i32_0 : i32, i32
  }
  func.func @transform_7(%arg0: i32) -> (i32, i32) {
    %c0_i32 = arith.constant 0 : i32
    %c0_i32_0 = arith.constant 0 : i32
    %c0_i32_1 = arith.constant 0 : i32
    return %c0_i32, %c0_i32_0 : i32, i32
  }
  func.func @transform_8(%arg0: i32) -> (i32, i32) {
    %c0_i32 = arith.constant 0 : i32
    %c0_i32_0 = arith.constant 0 : i32
    %c0_i32_1 = arith.constant 0 : i32
    return %c0_i32, %c0_i32_0 : i32, i32
  }
  func.func @transform_9(%arg0: i32) -> (i32, i32) {
    %c0_i32 = arith.constant 0 : i32
    %c0_i32_0 = arith.constant 0 : i32
    %c0_i32_1 = arith.constant 0 : i32
    return %c0_i32, %c0_i32_0 : i32, i32
  }
  func.func @transform_10(%arg0: i32) -> (i32, i32) {
    %c0_i32 = arith.constant 0 : i32
    %c0_i32_0 = arith.constant 0 : i32
    %c0_i32_1 = arith.constant 0 : i32
    return %c0_i32, %c0_i32_0 : i32, i32
  }
  func.func @transform_11(%arg0: i32) -> (i32, i32) {
    %c0_i32 = arith.constant 0 : i32
    %c0_i32_0 = arith.constant 0 : i32
    %c0_i32_1 = arith.constant 0 : i32
    return %c0_i32, %c0_i32_0 : i32, i32
  }
  func.func @transform_12(%arg0: i32) -> (i32, i32) {
    %c0_i32 = arith.constant 0 : i32
    %c0_i32_0 = arith.constant 0 : i32
    %c0_i32_1 = arith.constant 0 : i32
    return %c0_i32, %c0_i32_0 : i32, i32
  }
  func.func @transform_13(%arg0: i32) -> (i32, i32) {
    %c0_i32 = arith.constant 0 : i32
    %c0_i32_0 = arith.constant 0 : i32
    %c0_i32_1 = arith.constant 0 : i32
    return %c0_i32, %c0_i32_0 : i32, i32
  }
}

module attributes {stable_mosaic.version = 14 : i64} {
  func.func @_final_body(%arg0: i32, %arg1: memref<2048x64xf32, #tpu.memory_space<vmem>>, %arg2: memref<2048x32xf32, #tpu.memory_space<vmem>>, %arg3: memref<2048x3xf32, #tpu.memory_space<vmem>>, %arg4: memref<8x131xf32, #tpu.memory_space<vmem>>, %arg5: memref<64x131xf32, #tpu.memory_space<vmem>>, %arg6: memref<32x131xf32, #tpu.memory_space<vmem>>, %arg7: memref<8x131xf32, #tpu.memory_space<vmem>>, %arg8: memref<2048x131xf32, #tpu.memory_space<vmem>>) attributes {dimension_semantics = [#tpu.dimension_semantics<arbitrary>], iteration_bounds = array<i64: 64>, scalar_prefetch = 0 : i64, scratch_operands = 0 : i64, tpu.core_type = #tpu.core_type<tc>, window_params = [{transform_indices = @transform_0, window_bounds = array<i64: 2048, 64>}, {transform_indices = @transform_1, window_bounds = array<i64: 2048, 32>}, {transform_indices = @transform_2, window_bounds = array<i64: 2048, 3>}, {pipeline_mode = #tpu.pipeline_mode<synchronous>, transform_indices = @transform_3, window_bounds = array<i64: 8, 131>}, {pipeline_mode = #tpu.pipeline_mode<synchronous>, transform_indices = @transform_4, window_bounds = array<i64: 64, 131>}, {pipeline_mode = #tpu.pipeline_mode<synchronous>, transform_indices = @transform_5, window_bounds = array<i64: 32, 131>}, {pipeline_mode = #tpu.pipeline_mode<synchronous>, transform_indices = @transform_6, window_bounds = array<i64: 8, 131>}, {transform_indices = @transform_7, window_bounds = array<i64: 2048, 131>}]} {
    %get3A = arith.constant 0 : index
    %get3A_0 = arith.constant 0 : index
    %get3A_1 = vector.load %arg3[%get3A, %get3A_0] : memref<2048x3xf32, #tpu.memory_space<vmem>>, vector<2048x3xf32>
    %get3A_2 = arith.constant 0 : index
    %get3A_3 = arith.constant 0 : index
    %get3A_4 = vector.load %arg4[%get3A_2, %get3A_3] : memref<8x131xf32, #tpu.memory_space<vmem>>, vector<3x131xf32>
    %dot_general3A = arith.constant dense<0.000000e+00> : vector<2048x131xf32>
    %dot_general3A_5 = tpu.matmul %get3A_1, %get3A_4, %dot_general3A {dimension_numbers = #tpu.dot_dimension_numbers<[1], [0], [0], [1], [0, 0, 1, 1], [], []>, transpose_lhs_hint = false} : vector<2048x3xf32>, vector<3x131xf32>, vector<2048x131xf32> -> vector<2048x131xf32>
    %get3A_6 = arith.constant 0 : index
    %get3A_7 = arith.constant 0 : index
    %get3A_8 = vector.load %arg1[%get3A_6, %get3A_7] : memref<2048x64xf32, #tpu.memory_space<vmem>>, vector<2048x64xf32>
    %get3A_9 = arith.constant 0 : index
    %get3A_10 = arith.constant 0 : index
    %get3A_11 = vector.load %arg5[%get3A_9, %get3A_10] : memref<64x131xf32, #tpu.memory_space<vmem>>, vector<64x131xf32>
    %dot_general3A_12 = arith.constant dense<0.000000e+00> : vector<2048x131xf32>
    %dot_general3A_13 = tpu.matmul %get3A_8, %get3A_11, %dot_general3A_12 {dimension_numbers = #tpu.dot_dimension_numbers<[1], [0], [0], [1], [0, 0, 1, 1], [], []>, transpose_lhs_hint = false} : vector<2048x64xf32>, vector<64x131xf32>, vector<2048x131xf32> -> vector<2048x131xf32>
    %add3A = arith.addf %dot_general3A_5, %dot_general3A_13 : vector<2048x131xf32>
    %get3A_14 = arith.constant 0 : index
    %get3A_15 = arith.constant 0 : index
    %get3A_16 = vector.load %arg2[%get3A_14, %get3A_15] : memref<2048x32xf32, #tpu.memory_space<vmem>>, vector<2048x32xf32>
    %get3A_17 = arith.constant 0 : index
    %get3A_18 = arith.constant 0 : index
    %get3A_19 = vector.load %arg6[%get3A_17, %get3A_18] : memref<32x131xf32, #tpu.memory_space<vmem>>, vector<32x131xf32>
    %dot_general3A_20 = arith.constant dense<0.000000e+00> : vector<2048x131xf32>
    %dot_general3A_21 = tpu.matmul %get3A_16, %get3A_19, %dot_general3A_20 {dimension_numbers = #tpu.dot_dimension_numbers<[1], [0], [0], [1], [0, 0, 1, 1], [], []>, transpose_lhs_hint = false} : vector<2048x32xf32>, vector<32x131xf32>, vector<2048x131xf32> -> vector<2048x131xf32>
    %add3A_22 = arith.addf %add3A, %dot_general3A_21 : vector<2048x131xf32>
    %get3A_23 = arith.constant 0 : index
    %get3A_24 = arith.constant 0 : index
    %get3A_25 = vector.load %arg7[%get3A_23, %get3A_24] : memref<8x131xf32, #tpu.memory_space<vmem>>, vector<1x131xf32>
    %add3A_26 = vector.broadcast %get3A_25 : vector<1x131xf32> to vector<2048x131xf32>
    %add3A_27 = arith.addf %add3A_22, %add3A_26 : vector<2048x131xf32>
    %get3A_28 = arith.constant 1 : index
    %get3A_29 = arith.constant 0 : index
    %get3A_30 = vector.load %arg7[%get3A_28, %get3A_29] : memref<8x131xf32, #tpu.memory_space<vmem>>, vector<1x131xf32>
    %max3A = vector.broadcast %get3A_30 : vector<1x131xf32> to vector<2048x131xf32>
    %max3A_31 = arith.maximumf %add3A_27, %max3A : vector<2048x131xf32>
    %swap3A = arith.constant 0 : index
    %swap3A_32 = arith.constant 0 : index
    %swap3A_33 = vector.load %arg8[%swap3A, %swap3A_32] : memref<2048x131xf32, #tpu.memory_space<vmem>>, vector<2048x131xf32>
    tpu.vector_store %arg8[%swap3A, %swap3A_32], %max3A_31 {strides = array<i32>} : memref<2048x131xf32, #tpu.memory_space<vmem>>, vector<2048x131xf32>,
    return
  }
  func.func @transform_0(%arg0: i32) -> (i32, i32) {
    %c0_i32 = arith.constant 0 : i32
    %c0_i32_0 = arith.constant 0 : i32
    return %arg0, %c0_i32 : i32, i32
  }
  func.func @transform_1(%arg0: i32) -> (i32, i32) {
    %c0_i32 = arith.constant 0 : i32
    %c0_i32_0 = arith.constant 0 : i32
    return %arg0, %c0_i32 : i32, i32
  }
  func.func @transform_2(%arg0: i32) -> (i32, i32) {
    %c0_i32 = arith.constant 0 : i32
    %c0_i32_0 = arith.constant 0 : i32
    return %arg0, %c0_i32 : i32, i32
  }
  func.func @transform_3(%arg0: i32) -> (i32, i32) {
    %c0_i32 = arith.constant 0 : i32
    %c0_i32_0 = arith.constant 0 : i32
    %c0_i32_1 = arith.constant 0 : i32
    return %c0_i32, %c0_i32_0 : i32, i32
  }
  func.func @transform_4(%arg0: i32) -> (i32, i32) {
    %c0_i32 = arith.constant 0 : i32
    %c0_i32_0 = arith.constant 0 : i32
    %c0_i32_1 = arith.constant 0 : i32
    return %c0_i32, %c0_i32_0 : i32, i32
  }
  func.func @transform_5(%arg0: i32) -> (i32, i32) {
    %c0_i32 = arith.constant 0 : i32
    %c0_i32_0 = arith.constant 0 : i32
    %c0_i32_1 = arith.constant 0 : i32
    return %c0_i32, %c0_i32_0 : i32, i32
  }
  func.func @transform_6(%arg0: i32) -> (i32, i32) {
    %c0_i32 = arith.constant 0 : i32
    %c0_i32_0 = arith.constant 0 : i32
    %c0_i32_1 = arith.constant 0 : i32
    return %c0_i32, %c0_i32_0 : i32, i32
  }
  func.func @transform_7(%arg0: i32) -> (i32, i32) {
    %c0_i32 = arith.constant 0 : i32
    %c0_i32_0 = arith.constant 0 : i32
    return %arg0, %c0_i32 : i32, i32
  }
}

</mosaic_0001>

<sc_bundles>
// kernel: kernel.5.cloned.1.call-start
scs
__scs_entry_jumppad:
0x0: {  	(pc) =	sbr.rel $0x88, $3  }
0x1: {  	(tag) =	ssettag $0x0;
	lr =	simm.s32 $0x1  }
0x2: {  	[smem:$0x3F95] =	sst lr;
	_ =	strace $0xD0000000  }
0x3: {  	_ = 	snop  }
0x4: {  	_ = 	snop  }
0x5: {  	_ = 	snop  }
0x6: {  	_ = 	snop  }
0x7: {  	_ = 	snop  }
__scs_overlays_trampoline_lowered:
0x8: {  	[smem:$0x3FA4] =	sst s0  }
0x9: {  	[smem:$0x3FA5] =	sst s1  }
0xa: {  	[smem:$0x3FA6] =	sst s2  }
0xb: {  	[smem:$0x3FA7] =	sst s3  }
0xc: {  	[smem:$0x3FA8] =	sst s4  }
0xd: {  	[smem:$0x3FA9] =	sst s5  }
0xe: {  	[smem:$0x3FAA] =	sst s6  }
0xf: {  	[smem:$0x3FAB] =	sst s7  }
0x10: {  	[smem:$0x3FAC] =	sst s8  }
0x11: {  	[smem:$0x3FAD] =	sst s9;
	s0 =	simm.s32 @!p0 $0x0  }
0x12: {  	s1 =	sld [smem:$0x3F93];
	s0 =	simm.s32 @p0 $0x1  }
0x13: {  	[smem:$0x3FAE] =	sst s0;
	s0 =	simm.s32 @!p1 $0x0  }
0x14: {  	s2 =	sld [smem:$0x3F92];
	s0 =	simm.s32 @p1 $0x1  }
0x15: {  	[smem:$0x3FAF] =	sst s0;
	s0 =	simm.s32 @!p2 $0x0  }
0x16: {  	s3 =	sld [smem:$0x3FDB];
	s0 =	simm.s32 @p2 $0x1  }
0x17: {  	s4 =	simm.s32 $0x1BF5;
	[smem:$0x3FB1] =	sst s0  }
0x18: {  	s0 =	sld [smem:$0x3F94];
	_ =	swait.ge [sflag:s4], $0x0  }
0x19: {  	s7 =	sld [smem:$0x3F95]  }
0x1a: {  	s8 =	sadd.s32 $0xFFFFE003, lr  }
0x1b: {  	s9 =	sadd.s32 $0xFFFFFEF7, lr;
	s5 =	simm.s32 $0xFFFFFFFF;
	p2 =	slt.u32 s8, $0xFFFFF086  }
0x1c: {  	p1 =	slt.u32 s9, $0xF7A;
	s5 =	simm.s32 @!p2 $0x0  }
0x1d: {  	s5 =	simm.s32 @p1 $0x1;
	p0 =	seq.s32 s7, s2  }
0x1e: {  	s7 =	smul.u32 @!p0 $0xF7A, s2;
	p2 =	seq.s32 @!p0 s5, $0x0  }
0x1f: {  	s9 =	smul.u32 $0xF7A, s1;
	s8 =	simm.s32 @!p0 $0x1BF5;
	p2 =	por !p2, p0  }
0x20: {  	[sflag:s8] =	ssyncset.s32 @!p0 $0xFFFFF086;
	s6 =	sadd.s32 @!p0 s3, s7;
	s7 =	simm.s32 @!p0 $0x108  }
0x21: {  	s3 =	sadd.s32 s3, s9;
	s6 =	sadd.s32 @!p0 $0x88, s6;
	s7 =	simm.s32 @p2 $0x1082  }
0x22: {  	[simem:s7], [sflag:s8] =	dma.local @!p0 [hbm:s6], $0xF7A  }
0x23: {  	s9 =	sor.u32 $0xD0000000, s2;
	s6 =	simm.s32 $0x108;
	_ =	swait.ge @!p0 [sflag:s8], $0x0  }
0x24: {  	s3 =	sadd.s32 $0x88, s3;
	s6 =	simm.s32 @!p1 $0x1082;
	[sflag:s4] =	ssyncset.s32 $0xFFFFF086  }
0x25: {  	[simem:s6], [sflag:s4] =	dma.local [hbm:s3], $0xF7A  }
0x26: {  	[smem:$0x3F95] =	sst s1;
	(tag) =	ssettag s2;
	_ =	strace s9  }
0x27: {  	s1 =	sld [smem:$0x3FA5]  }
0x28: {  	s2 =	sld [smem:$0x3FA6]  }
0x29: {  	s4 =	sld [smem:$0x3FA8]  }
0x2a: {  	p0 =	seq.s32 s5, $0x0;
	s5 =	sld [smem:$0x3FA9]  }
0x2b: {  	s6 =	sld [smem:$0x3FAA]  }
0x2c: {  	s7 =	sld [smem:$0x3FAB]  }
0x2d: {  	s3 =	simm.s32 $0x108;
	s8 =	sld [smem:$0x3FAC]  }
0x2e: {  	s3 =	simm.s32 @!p0 $0x1082;
	s9 =	sld [smem:$0x3FAD]  }
0x2f: {  	lr =	sadd.s32 s0, s3;
	s0 =	sld [smem:$0x3FA4]  }
0x30: {  	s3 =	sld [smem:$0x3FA7]  }
0x31: {  	[smem:$0x3FB0] =	sst s10  }
0x32: {  	s10 =	sld [smem:$0x3FAE];
	_ =	sdelay $0x3  }
0x33: {  	p0 =	seq.s32 s10, $0x1;
	s10 =	sld [smem:$0x3FB0];
	_ =	sdelay $0x3  }
0x34: {  	[smem:$0x3FB0] =	sst s10  }
0x35: {  	s10 =	sld [smem:$0x3FAF];
	_ =	sdelay $0x3  }
0x36: {  	p1 =	seq.s32 s10, $0x1;
	s10 =	sld [smem:$0x3FB0];
	_ =	sdelay $0x3  }
0x37: {  	[smem:$0x3FB0] =	sst s10  }
0x38: {  	s10 =	sld [smem:$0x3FB1]  }
0x39: {  	_ = 	snop;
	(pc) =	sbr.ind lr, $3  }
0x3a: {  	_ = 	snop  }
0x3b: {  	_ = 	snop  }
0x3c: {  	p2 =	seq.s32 s10, $0x1;
	s10 =	sld [smem:$0x3FB0]  }
0x3d: {  	_ =	shalt  }
0x3e: {  	_ =	shalt  }
0x3f: {  	_ =	shalt  }
0x40: {  	_ =	shalt  }
0x41: {  	_ =	shalt  }
0x42: {  	_ =	shalt  }
0x43: {  	_ =	shalt  }
0x44: {  	_ =	shalt  }
0x45: {  	_ =	shalt  }
0x46: {  	_ =	shalt  }
0x47: {  	_ =	shalt  }
0x48: {  	_ =	shalt  }
0x49: {  	_ =	shalt  }
0x4a: {  	_ =	shalt  }
0x4b: {  	_ =	shalt  }
0x4c: {  	_ =	shalt  }
0x4d: {  	_ =	shalt  }
0x4e: {  	_ =	shalt  }
0x4f: {  	_ =	shalt  }
0x50: {  	_ =	shalt  }
0x51: {  	_ =	shalt  }
0x52: {  	_ =	shalt  }
0x53: {  	_ =	shalt  }
0x54: {  	_ =	shalt  }
0x55: {  	_ =	shalt  }
0x56: {  	_ =	shalt  }
0x57: {  	_ =	shalt  }
0x58: {  	_ =	shalt  }
0x59: {  	_ =	shalt  }
0x5a: {  	_ =	shalt  }
0x5b: {  	_ =	shalt  }
0x5c: {  	_ =	shalt  }
0x5d: {  	_ =	shalt  }
0x5e: {  	_ =	shalt  }
0x5f: {  	_ =	shalt  }
0x60: {  	_ =	shalt  }
0x61: {  	_ =	shalt  }
0x62: {  	_ =	shalt  }
0x63: {  	_ =	shalt  }
0x64: {  	_ =	shalt  }
0x65: {  	_ =	shalt  }
0x66: {  	_ =	shalt  }
0x67: {  	_ =	shalt  }
0x68: {  	_ =	shalt  }
0x69: {  	_ =	shalt  }
0x6a: {  	_ =	shalt  }
0x6b: {  	_ =	shalt  }
0x6c: {  	_ =	shalt  }
0x6d: {  	_ =	shalt  }
0x6e: {  	_ =	shalt  }
0x6f: {  	_ =	shalt  }
0x70: {  	_ =	shalt  }
0x71: {  	_ =	shalt  }
0x72: {  	_ =	shalt  }
0x73: {  	_ =	shalt  }
0x74: {  	_ =	shalt  }
0x75: {  	_ =	shalt  }
0x76: {  	_ =	shalt  }
0x77: {  	_ =	shalt  }
0x78: {  	_ =	shalt  }
0x79: {  	_ =	shalt  }
0x7a: {  	_ =	shalt  }
0x7b: {  	_ =	shalt  }
0x7c: {  	_ =	shalt  }
0x7d: {  	_ =	shalt  }
0x7e: {  	_ =	shalt  }
0x7f: {  	_ =	shalt  }
0x80: {  	_ =	shalt  }
0x81: {  	_ =	shalt  }
0x82: {  	_ =	shalt  }
0x83: {  	_ =	shalt  }
0x84: {  	_ =	shalt  }
0x85: {  	_ =	shalt  }
0x86: {  	_ =	shalt  }
0x87: {  	_ =	shalt  }
.Lfunc_end0:
.L_simem_size_0:
called_computation.1_lowered:
.L_overlay_start_0:
0x88: {  	s2 =	sld [smem:$0x3FD9]  }
0x89: {  	s3 =	sld [smem:$0x3FFE];
	_ =	sdelay $0x1  }
0x8a: {  	s1 =	srdreg.scid  }
0x8b: {  	s0 =	sand.u32 $0x1, s1  }
0x8c: {  	s16 =	sshll.u32 s0, $0xA;
	s2 =	sadd.s32 s3, s2  }
0x8d: {  	s2 =	sadd.s32 s2, s16  }
0x8e: {  	[smem:$0x3FBC] =	sst s2  }
0x8f: {  	_ = 	snop  }
0x90: {  	(tm) =	ssettm $0x1  }
0x91: {  	s17 =	sld [smem:$0x3FFB];
	_ =	sdelay $0x3  }
0x92: {  	_ =	strace s17  }
0x93: {  	s2 =	sld [smem:$0x3FFC];
	_ =	sdelay $0x3  }
0x94: {  	_ =	strace s2  }
0x95: {  	s2 =	sld [smem:$0x3FFD];
	_ =	sdelay $0x3  }
0x96: {  	_ =	strace s2  }
0x97: {  	_ =	strace $0x8FFFFFFF  }
0x98: {  	s18 =	sld [smem:$0x3FDB];
	_ =	sdelay $0x1  }
0x99: {  	s19 =	simm.s32 $_scs_section_size  }
0x9a: {  	s4 =	simm.s32 $_size__tile_overlayer_lowered;
	s5 =	simm.s32 $_tile_overlayer_lowered  }
0x9b: {  	s22 =	simm.s32 $0x1BFF;
	s21 =	sshll.u32 s5, $0x1;
	s2 =	sadd.s32 s19, s18  }
0x9c: {  	s6 =	simm.s32 $0x0;
	s20 =	sshll.u32 s4, $0x1;
	s4 =	sadd.s32 s21, s2  }
0x9d: {  	[timem:s6], [sflag:s22] =	dma.local [hbm:s4], s20  }
0x9e: {  	_ =	swait.ge [sflag:s22], s20  }
0x9f: {  	s3 =	ssub.s32 $0x0, s20;
	[sflag:s22] =	ssyncset.done $0x0  }
0xa0: {  	[sflag:s22] =	ssyncadd.s32 s3;
	_ =	sdelay $0x1  }
0xa1: {  	s23 =	simm.s32 $0x1B8B  }
0xa2: {  	_ =	swait.ge [sflag:s23], $0x1  }
0xa3: {  	[sflag:s23] =	ssyncset.done $0x0  }
0xa4: {  	s25 =	simm.s32 $0x1B8E;
	s24 =	sld [smem:$0x3FFE];
	[sflag:s23] =	ssyncadd.s32 $0xFFFFFFFF  }
0xa5: {  	s26 =	simm.s32 $execute0_lowered;
	[smem:$0x3FD2] =	sst s25  }
0xa6: {  	s4 =	sshll.u32 s26, $0x1;
	_ =	strace $0x80000046;
	[dreg:$0x1] =	wrdreg $0xFFFFFFFF  }
0xa7: {  	s28 =	simm.s32 $_size_execute0_lowered;
	s2 =	sadd.s32 s2, s4;
	[dreg:$0x0] =	wrdreg $0x0  }
0xa8: {  	s4 =	sshll.u32 s28, $0x1;
	[dreg:$0x2] =	wrdreg s2  }
0xa9: {  	[dreg:$0x3] =	wrdreg s4  }
0xaa: {  	[dreg:$0x4] =	wrdreg $0xC0  }
0xab: {  	_ =	task [dreg:s6], $0x5FFFF  }
0xac: {  	[dreg:$0x1] =	wrdreg $0xFFFFFFFF  }
0xad: {  	[dreg:$0x0] =	wrdreg $0x60  }
0xae: {  	[dreg:$0x2] =	wrdreg s24  }
0xaf: {  	[dreg:$0x3] =	wrdreg $0x9  }
0xb0: {  	_ =	task.clear_ibuf [dreg:s6], $0x4FFFF;
	_ =	strace $0x90000046  }
0xb1: {  	s29 =	simm.s32 $0x9;
	_ =	strace $0x80000048  }
0xb2: {  	_ =	swait.ge [sflag:s29], $0x1  }
0xb3: {  	[sflag:s29] =	ssyncadd.s32 $0xFFFFFFFF  }
0xb4: {  	_ =	strace $0x90000048  }
0xb5: {  	_ =	sfence  }
0xb6: {  	s30 =	sld [smem:$0x0];
	_ =	sdelay $0x2  }
0xb7: {  	s31 =	sshll.u32 s1, $0xD;
	s1 =	sshrl.u32 s1, $0x2  }
0xb8: {  	s3 =	sand.u32 $0x4000, s31;
	s1 =	sadd.s32 s1, s30  }
0xb9: {  	s0 =	sor.u32 s3, s0;
	s1 =	sshll.u32 s1, $0x11  }
0xba: {  	s0 =	sor.u32 s1, s0  }
0xbb: {  	s0 =	sadd.s32 $0x8F2B, s0  }
0xbc: {  	[sflag:s0] =	ssyncadd.remote.s32 $0x1  }
0xbd: {  	_ =	sfence.sel $0xFFFF  }
0xbe: {  	[dreg:$0x0] =	wrdreg $0xFFFFFFFF;
	(pc) =	sbr.abs _section_cstart, $3  }
0xbf: {  	[dreg:$0x1] =	wrdreg $0xFFFFFFFF  }
0xc0: {  	_ =	task.clear_ibuf [dreg:s6], $0x2FFFF;
	_ =	strace $0x9FFFFFFF  }
0xc1: {  	(tm) =	ssettm $0x7FFFFFFF  }
tec
execute0_lowered:
.L_overlay_start_1:
0x0: {  	(tag) =	ssettag $0x1  }
0x1: {  	s0 =	rddreg [dreg:$0x0];
	s2 =	simm.s32 $0x0  }
0x2: {  	s1 =	srdreg.scid;
	s9 =	stileid.u32;
	s11 =	simm.s32 $0x5  }
0x3: {  	s12 =	simm.s32 $0x80;
	s13 =	simm.s32 $0x300;
	s14 =	simm.s32 $0x2300  }
0x4: {  	s15 =	simm.s32 $0x100;
	s16 =	simm.s32 $0x4300;
	s17 =	simm.s32 $0x180  }
0x5: {  	s18 =	simm.s32 $0x6300;
	s19 =	simm.s32 $0x200;
	s20 =	simm.s32 $0x8300  }
0x6: {  	s21 =	simm.s32 $0x280;
	s22 =	simm.s32 $0xA300;
	s23 =	simm.s32 $0x1  }
0x7: {  	s24 =	simm.s32 $0xC300;
	s25 =	simm.s32 $0x2;
	s26 =	simm.s32 $0xE300  }
0x8: {  	[smem:$0x7FF] =	sst s2;
	s3 =	sadd.s32 $0x42E00, s0;
	s1 =	sand.u32 $0x1, s1  }
0x9: {  	s5 =	sshll.u32 s9, $0x1;
	s4 =	sadd.s32 $0x2E00, s0;
	s29 =	sshll.u32 s9, $0xB  }
0xa: {  	_ =	strace $0x80000047;
	s5 =	sor.u32 s1, s5;
	s1 =	ssub.s32 $0x2, s1  }
0xb: {  	s6 =	sshll.u32 s5, $0xF;
	s7 =	sshrl.u32 s1, $0x1;
	s8 =	smul.u32 $0x600, s5  }
.Ltmp0:
0xc: {  	s5 =	sshll.u32 s5, $0x5;
	s0 =	sadd.s32 s6, s0;
	(pc) =	sbr.rel .LBB2_1-.Ltmp0, $4  }
0xd: {  	s1 =	ssub.s32 s1, s7;
	s6 =	sand.u32 $0x7000, s29;
	s30 =	sadd.s32 s3, s8  }
0xe: {  	s9 =	sor.u32 $0x3, s5;
	s31 =	smax.u32 s1, $0x1;
	[dreg:$0x2] =	wrdreg s30  }
0xf: {  	s8 =	sor.u32 $0x2, s5;
	s7 =	sadd.s32 $0x30, s30;
	[dreg:$0x4] =	wrdreg s31  }
0x10: {  	v0 =	vmov s6;
	s5 =	simm.s32 $0x0;
	[dreg:$0x3] =	wrdreg s7;
	s7 =	sadd.s32 $0x4EE00, s0  }
.LBB2_10:
0x11: {  	s0 =	simm.s32 $0x3  }
0x12: {  	_ =	swait.ge [sflag:s0], $0x2000  }
0x13: {  	[sflag:s0] =	ssyncset.done $0x0  }
0x14: {  	s1 =	simm.s32 $0x4;
	[sflag:s0] =	ssyncadd.s32 $0xFFFFE000  }
0x15: {  	_ =	swait.ge [sflag:s1], $0x2000  }
0x16: {  	s5 =	rddreg [dreg:$0x5]  }
0x17: {  	s31 =	rddreg [dreg:$0x4];
	s5 =	sadd.s32 $0x1, s5  }
0x18: {  	p0 =	sne.s32 s5, s31  }
.Ltmp1:
0x19: {  	_ = 	snop;
	(pc) =	sbr.rel @!p0 .LBB2_11-.Ltmp1, $3  }
0x1a: {  	_ =	sdelay $0x1  }
0x1b: {  	[sflag:s1] =	ssyncset.done $0x0  }
0x1c: {  	[sflag:s1] =	ssyncadd.s32 $0xFFFFE000  }
.LBB2_1:
0x1d: {  	[dreg:$0x5] =	wrdreg s5  }
0x1e: {  	s0 =	rddreg [dreg:$0x2]  }
0x1f: {  	[tilespmem:s2], [sflag:$0x5] =	stream.linear.gather [hbm4b:s0+s2], $0x180, $0x38;
	[tilespmem:$0x10300] =	vst v63  }
0x20: {  	_ =	swait.ge [sflag:s11], $0x180  }
0x21: {  	[sflag:s11] =	ssyncset.done $0x0  }
0x22: {  	[sflag:s11] =	ssyncadd.s32 $0xFFFFFE80  }
0x23: {  	v1 =	vld [tilespmem:$0x0]  }
0x24: {  	v2 =	vld [tilespmem:$0x10]  }
0x25: {  	v3 =	vld [tilespmem:$0x20]  }
0x26: {  	v4 =	vld [tilespmem:$0x30]  }
0x27: {  	v5 =	vld [tilespmem:$0x40]  }
0x28: {  	v6 =	vld [tilespmem:$0x50];
	v1 =	vadd.s32 v0, v1  }
0x29: {  	[tilespmem:$0x0] =	vst v1;
	v1 =	vadd.s32 v0, v2;
	v2 =	vld [tilespmem:$0x60]  }
0x2a: {  	[tilespmem:$0x10] =	vst v1;
	v1 =	vadd.s32 v0, v3;
	v3 =	vld [tilespmem:$0x70]  }
0x2b: {  	v41 =	vld [tilespmem:$0x80];
	[tilespmem:$0x20] =	vst v1;
	v1 =	vadd.s32 v0, v4  }
0x2c: {  	v42 =	vld [tilespmem:$0x90];
	[tilespmem:$0x30] =	vst v1;
	v1 =	vadd.s32 v0, v5  }
0x2d: {  	v43 =	vld [tilespmem:$0xA0];
	[tilespmem:$0x40] =	vst v1;
	v1 =	vadd.s32 v0, v6  }
0x2e: {  	[tilespmem:$0x50] =	vst v1;
	v1 =	vadd.s32 v0, v2;
	v2 =	vld [tilespmem:$0xB0]  }
0x2f: {  	[tilespmem:$0x60] =	vst v1;
	v1 =	vadd.s32 v0, v3;
	v3 =	vld [tilespmem:$0xC0]  }
0x30: {  	v44 =	vld [tilespmem:$0xD0];
	[tilespmem:$0x70] =	vst v1;
	v1 =	vadd.s32 v0, v41  }
0x31: {  	v45 =	vld [tilespmem:$0xE0];
	[tilespmem:$0x80] =	vst v1;
	v1 =	vadd.s32 v0, v42  }
0x32: {  	v46 =	vld [tilespmem:$0xF0];
	[tilespmem:$0x90] =	vst v1;
	v1 =	vadd.s32 v0, v43  }
0x33: {  	[tilespmem:$0xA0] =	vst v1;
	v1 =	vadd.s32 v0, v2;
	v2 =	vld [tilespmem:$0x100]  }
0x34: {  	[tilespmem:$0xB0] =	vst v1;
	v1 =	vadd.s32 v0, v3;
	v3 =	vld [tilespmem:$0x110]  }
0x35: {  	v47 =	vld [tilespmem:$0x120];
	[tilespmem:$0xC0] =	vst v1;
	v1 =	vadd.s32 v0, v44  }
0x36: {  	v48 =	vld [tilespmem:$0x130];
	[tilespmem:$0xD0] =	vst v1;
	v1 =	vadd.s32 v0, v45  }
0x37: {  	v49 =	vld [tilespmem:$0x140];
	[tilespmem:$0xE0] =	vst v1;
	v1 =	vadd.s32 v0, v46  }
0x38: {  	[tilespmem:$0xF0] =	vst v1;
	v1 =	vadd.s32 v0, v2;
	v2 =	vld [tilespmem:$0x150]  }
0x39: {  	[tilespmem:$0x100] =	vst v1;
	v1 =	vadd.s32 v0, v3;
	v3 =	vld [tilespmem:$0x160]  }
0x3a: {  	v50 =	vld [tilespmem:$0x170];
	[tilespmem:$0x110] =	vst v1;
	v1 =	vadd.s32 v0, v47  }
0x3b: {  	[tilespmem:$0x120] =	vst v1;
	v1 =	vadd.s32 v0, v48  }
0x3c: {  	[tilespmem:$0x130] =	vst v1;
	v1 =	vadd.s32 v0, v49  }
0x3d: {  	[tilespmem:$0x140] =	vst v1;
	v1 =	vadd.s32 v0, v2  }
0x3e: {  	[tilespmem:$0x150] =	vst v1;
	v1 =	vadd.s32 v0, v3  }
0x3f: {  	[tilespmem:$0x160] =	vst v1;
	v1 =	vadd.s32 v0, v50  }
0x40: {  	[tilespmem:$0x170] =	vst v1  }
0x41: {  	[tilespmem:s13], [sflag:$0x1] =	stream.indirect.gather [hbm4b:s4+s12], $0x40, s2, s12, $0xb8;
	[tilespmem:$0x10300] =	vst v63  }
0x42: {  	_ = 	snop  }
0x43: {  	[tilespmem:s14], [sflag:$0x1] =	stream.indirect.gather [hbm4b:s4+s12], $0x40, s12, s12, $0xb8;
	[tilespmem:$0x10300] =	vst v63  }
0x44: {  	_ = 	snop  }
0x45: {  	[tilespmem:s16], [sflag:$0x1] =	stream.indirect.gather [hbm4b:s4+s12], $0x40, s15, s12, $0xb8;
	[tilespmem:$0x10300] =	vst v63  }
0x46: {  	s30 =	rddreg [dreg:$0x3]  }
0x47: {  	[tilespmem:s17], [sflag:$0x5] =	stream.linear.gather [hbm4b:s30+s2], $0x180, $0x38;
	[tilespmem:$0x10300] =	vst v63  }
0x48: {  	_ =	swait.ge [sflag:s11], $0x180  }
0x49: {  	[sflag:s11] =	ssyncset.done $0x0  }
0x4a: {  	[sflag:s11] =	ssyncadd.s32 $0xFFFFFE80  }
0x4b: {  	v1 =	vld [tilespmem:$0x180]  }
0x4c: {  	v2 =	vld [tilespmem:$0x190]  }
0x4d: {  	v3 =	vld [tilespmem:$0x1A0]  }
0x4e: {  	v51 =	vld [tilespmem:$0x1B0]  }
0x4f: {  	v52 =	vld [tilespmem:$0x1C0]  }
0x50: {  	v53 =	vld [tilespmem:$0x1D0];
	v1 =	vadd.s32 v0, v1  }
0x51: {  	[tilespmem:$0x180] =	vst v1;
	v1 =	vadd.s32 v0, v2;
	v2 =	vld [tilespmem:$0x1E0]  }
0x52: {  	[tilespmem:$0x190] =	vst v1;
	v1 =	vadd.s32 v0, v3;
	v3 =	vld [tilespmem:$0x1F0]  }
0x53: {  	v54 =	vld [tilespmem:$0x200];
	[tilespmem:$0x1A0] =	vst v1;
	v1 =	vadd.s32 v0, v51  }
0x54: {  	v55 =	vld [tilespmem:$0x210];
	[tilespmem:$0x1B0] =	vst v1;
	v1 =	vadd.s32 v0, v52  }
0x55: {  	v56 =	vld [tilespmem:$0x220];
	[tilespmem:$0x1C0] =	vst v1;
	v1 =	vadd.s32 v0, v53  }
0x56: {  	[tilespmem:$0x1D0] =	vst v1;
	v1 =	vadd.s32 v0, v2;
	v2 =	vld [tilespmem:$0x230]  }
0x57: {  	[tilespmem:$0x1E0] =	vst v1;
	v1 =	vadd.s32 v0, v3;
	v3 =	vld [tilespmem:$0x240]  }
0x58: {  	v57 =	vld [tilespmem:$0x250];
	[tilespmem:$0x1F0] =	vst v1;
	v1 =	vadd.s32 v0, v54  }
0x59: {  	v58 =	vld [tilespmem:$0x260];
	[tilespmem:$0x200] =	vst v1;
	v1 =	vadd.s32 v0, v55  }
0x5a: {  	v59 =	vld [tilespmem:$0x270];
	[tilespmem:$0x210] =	vst v1;
	v1 =	vadd.s32 v0, v56  }
0x5b: {  	[tilespmem:$0x220] =	vst v1;
	v1 =	vadd.s32 v0, v2;
	v2 =	vld [tilespmem:$0x280]  }
0x5c: {  	[tilespmem:$0x230] =	vst v1;
	v1 =	vadd.s32 v0, v3;
	v3 =	vld [tilespmem:$0x290]  }
0x5d: {  	v60 =	vld [tilespmem:$0x2A0];
	[tilespmem:$0x240] =	vst v1;
	v1 =	vadd.s32 v0, v57  }
0x5e: {  	v61 =	vld [tilespmem:$0x2B0];
	[tilespmem:$0x250] =	vst v1;
	v1 =	vadd.s32 v0, v58  }
0x5f: {  	v62 =	vld [tilespmem:$0x2C0];
	[tilespmem:$0x260] =	vst v1;
	v1 =	vadd.s32 v0, v59  }
0x60: {  	[tilespmem:$0x270] =	vst v1;
	v1 =	vadd.s32 v0, v2;
	v2 =	vld [tilespmem:$0x2D0]  }
0x61: {  	[tilespmem:$0x280] =	vst v1;
	v1 =	vadd.s32 v0, v3;
	v3 =	vld [tilespmem:$0x2E0]  }
0x62: {  	v63 =	vld [tilespmem:$0x2F0];
	[tilespmem:$0x290] =	vst v1;
	v1 =	vadd.s32 v0, v60  }
0x63: {  	[tilespmem:$0x2A0] =	vst v1;
	v1 =	vadd.s32 v0, v61  }
0x64: {  	[tilespmem:$0x2B0] =	vst v1;
	v1 =	vadd.s32 v0, v62  }
0x65: {  	[tilespmem:$0x2C0] =	vst v1;
	v1 =	vadd.s32 v0, v2  }
0x66: {  	[tilespmem:$0x2D0] =	vst v1;
	v1 =	vadd.s32 v0, v3  }
0x67: {  	[tilespmem:$0x2E0] =	vst v1;
	v1 =	vadd.s32 v0, v63  }
0x68: {  	[tilespmem:$0x2F0] =	vst v1  }
0x69: {  	[tilespmem:s18], [sflag:$0x2] =	stream.indirect.gather [hbm4b:s4+s12], $0x40, s17, s12, $0xb8;
	[tilespmem:$0x10300] =	vst v63  }
0x6a: {  	_ = 	snop  }
0x6b: {  	[tilespmem:s20], [sflag:$0x2] =	stream.indirect.gather [hbm4b:s4+s12], $0x40, s19, s12, $0xb8;
	[tilespmem:$0x10300] =	vst v63  }
0x6c: {  	s31 =	simm.s32 $0x0  }
0x6d: {  	[tilespmem:s22], [sflag:$0x2] =	stream.indirect.gather [hbm4b:s4+s12], $0x40, s21, s12, $0xb8;
	[tilespmem:$0x10300] =	vst v63  }
.LBB2_2:
0x6e: {  	_ =	swait.ge [sflag:s23], $0x2000  }
0x6f: {  	[sflag:s23] =	ssyncset.done $0x0  }
0x70: {  	[sflag:s23] =	ssyncadd.s32 $0xFFFFE000  }
0x71: {  	_ =	swait.ge [sflag:s23], $0x2000  }
0x72: {  	[sflag:s23] =	ssyncset.done $0x0  }
0x73: {  	[sflag:s23] =	ssyncadd.s32 $0xFFFFE000  }
0x74: {  	_ =	swait.ge [sflag:s23], $0x2000  }
0x75: {  	p0 =	seq.s32 s31, $0x0;
	[sflag:s23] =	ssyncset.done $0x0  }
0x76: {  	s0 =	simm.s32 @!p0 $0x3;
	[sflag:s23] =	ssyncadd.s32 $0xFFFFE000  }
0x77: {  	_ =	swait.ge @!p0 [sflag:s0], $0x2000  }
0x78: {  	[sflag:s0] =	ssyncset.done @!p0 $0x0  }
0x79: {  	s5 =	simm.s32 $0x480;
	[sflag:s0] =	ssyncadd.s32 @!p0 $0xFFFFE000  }
0x7a: {  	v1 =	vld [tilespmem:s5+$0xC0]  }
0x7b: {  	v2 =	vld [tilespmem:s5+$0x100]  }
0x7c: {  	v3 =	vld [tilespmem:s5+$0x140]  }
0x7d: {  	v4 =	vld [tilespmem:s5+$0xFFFFFEC0]  }
0x7e: {  	v7 =	vld [tilespmem:s5+$0x0]  }
0x7f: {  	v8 =	vld [tilespmem:s5+$0xFFFFFE80]  }
0x80: {  	v9 =	vld [tilespmem:s5+$0xFFFFFF00]  }
0x81: {  	s10 =	simm.s32 $0x780;
	v10 =	vld [tilespmem:s5+$0x40]  }
0x82: {  	v13 =	vld [tilespmem:s10+$0xC0]  }
0x83: {  	v14 =	vld [tilespmem:s10+$0x100]  }
0x84: {  	v15 =	vld [tilespmem:s10+$0x140]  }
0x85: {  	v16 =	vld [tilespmem:s10+$0xFFFFFEC0]  }
0x86: {  	v17 =	vld [tilespmem:s10+$0xFFFFFF40]  }
0x87: {  	v18 =	vld [tilespmem:s10+$0xFFFFFF80]  }
0x88: {  	v19 =	vld [tilespmem:s10+$0x0]  }
0x89: {  	v42 =	vld [tilespmem:s10+$0x40];
	v1 =	vmax.f32 v1, v2  }
0x8a: {  	s1 =	simm.s32 $0xC380;
	v43 =	vld [tilespmem:s10+$0xFFFFFE80];
	v1 =	vmax.f32 v1, v3  }
0x8b: {  	v2 =	vld [tilespmem:s5+$0xFFFFFF40];
	[tilespmem:s1+$0x40] =	vst v1  }
0x8c: {  	v1 =	vld [tilespmem:s5+$0xD0]  }
0x8d: {  	v13 =	vmax.f32 v13, v14;
	v5 =	vld [tilespmem:s5+$0x110]  }
0x8e: {  	s6 =	simm.s32 $0xC480;
	v13 =	vmax.f32 v13, v15;
	v6 =	vld [tilespmem:s5+$0x150]  }
0x8f: {  	v3 =	vld [tilespmem:s5+$0xFFFFFF80];
	[tilespmem:s6+$0x40] =	vst v13  }
0x90: {  	v13 =	vld [tilespmem:s10+$0xD0]  }
0x91: {  	v20 =	vld [tilespmem:s10+$0x110]  }
0x92: {  	v21 =	vld [tilespmem:s10+$0x150];
	v1 =	vmax.f32 v1, v5  }
0x93: {  	v5 =	vld [tilespmem:s5+$0xFFFFFFC0];
	v1 =	vmax.f32 v1, v6  }
0x94: {  	v6 =	vld [tilespmem:s5+$0x80];
	[tilespmem:s1+$0x50] =	vst v1  }
0x95: {  	v1 =	vmax.f32 v8, v4;
	v4 =	vld [tilespmem:s5+$0xE0]  }
0x96: {  	v1 =	vmax.f32 v1, v9;
	v8 =	vld [tilespmem:s5+$0x120]  }
0x97: {  	v2 =	vmax.f32 v2, v3;
	[tilespmem:s1+$0xFFFFFF80] =	vst v1;
	v1 =	vld [tilespmem:s5+$0x160]  }
0x98: {  	v2 =	vmax.f32 v2, v5;
	v3 =	vld [tilespmem:s5+$0xFFFFFE90]  }
0x99: {  	v5 =	vmax.f32 v7, v10;
	[tilespmem:s1+$0xFFFFFFC0] =	vst v2;
	v2 =	vld [tilespmem:s5+$0xFFFFFED0]  }
0x9a: {  	v5 =	vmax.f32 v5, v6;
	v6 =	vld [tilespmem:s5+$0xFFFFFF50]  }
0x9b: {  	[tilespmem:s1+$0x0] =	vst v5;
	v5 =	vld [tilespmem:s5+$0xFFFFFF90]  }
0x9c: {  	v7 =	vld [tilespmem:s5+$0x10]  }
0x9d: {  	v4 =	vmax.f32 v4, v8;
	v8 =	vld [tilespmem:s5+$0xFFFFFF10]  }
0x9e: {  	v1 =	vmax.f32 v4, v1;
	v4 =	vld [tilespmem:s5+$0x50]  }
0x9f: {  	[tilespmem:s1+$0x60] =	vst v1;
	v1 =	vld [tilespmem:s5+$0xFFFFFFD0]  }
0xa0: {  	v9 =	vld [tilespmem:s5+$0xF0]  }
0xa1: {  	v2 =	vmax.f32 v3, v2;
	v3 =	vld [tilespmem:s5+$0x90]  }
0xa2: {  	v10 =	vld [tilespmem:s5+$0x130];
	v2 =	vmax.f32 v2, v8  }
0xa3: {  	v5 =	vmax.f32 v6, v5;
	v6 =	vld [tilespmem:s5+$0x170];
	[tilespmem:s1+$0xFFFFFF90] =	vst v2  }
0xa4: {  	v2 =	vld [tilespmem:s5+$0xFFFFFEA0]  }
0xa5: {  	v1 =	vmax.f32 v5, v1;
	v8 =	vld [tilespmem:s5+$0xFFFFFF20]  }
0xa6: {  	v4 =	vmax.f32 v7, v4;
	[tilespmem:s1+$0xFFFFFFD0] =	vst v1;
	v1 =	vld [tilespmem:s5+$0xFFFFFEE0]  }
0xa7: {  	v3 =	vmax.f32 v4, v3;
	v4 =	vld [tilespmem:s5+$0xFFFFFF60]  }
0xa8: {  	[tilespmem:s1+$0x10] =	vst v3;
	v3 =	vld [tilespmem:s5+$0xFFFFFFA0]  }
0xa9: {  	v11 =	vld [tilespmem:s5+$0xFFFFFFE0]  }
0xaa: {  	v5 =	vld [tilespmem:s5+$0x20]  }
0xab: {  	v7 =	vld [tilespmem:s5+$0x60]  }
0xac: {  	v12 =	vld [tilespmem:s5+$0xA0]  }
0xad: {  	v1 =	vmax.f32 v2, v1;
	v2 =	vld [tilespmem:s10+$0xFFFFFF00]  }
0xae: {  	v1 =	vmax.f32 v1, v8;
	v8 =	vld [tilespmem:s10+$0xFFFFFFC0]  }
0xaf: {  	v3 =	vmax.f32 v4, v3;
	[tilespmem:s1+$0xFFFFFFA0] =	vst v1;
	v1 =	vld [tilespmem:s10+$0x80]  }
0xb0: {  	v4 =	vmax.f32 v13, v20;
	v3 =	vmax.f32 v3, v11;
	v11 =	vld [tilespmem:s5+$0xFFFFFEB0]  }
0xb1: {  	[tilespmem:s1+$0xFFFFFFE0] =	vst v3;
	v3 =	vmax.f32 v4, v21;
	v4 =	vld [tilespmem:s5+$0xFFFFFEF0]  }
0xb2: {  	v58 =	vld [tilespmem:s5+$0xFFFFFF30]  }
0xb3: {  	[tilespmem:s6+$0x50] =	vst v3;
	v3 =	vld [tilespmem:s5+$0xFFFFFF70]  }
0xb4: {  	v5 =	vmax.f32 v5, v7;
	v56 =	vld [tilespmem:s5+$0xFFFFFFB0]  }
0xb5: {  	v5 =	vmax.f32 v5, v12;
	v45 =	vld [tilespmem:s10+$0xE0]  }
0xb6: {  	v44 =	vmax.f32 v43, v16;
	[tilespmem:s1+$0x20] =	vst v5;
	v46 =	vld [tilespmem:s10+$0x120]  }
0xb7: {  	v2 =	vmax.f32 v44, v2;
	v57 =	vld [tilespmem:s5+$0x70]  }
0xb8: {  	v47 =	vmax.f32 v17, v18;
	[tilespmem:s6+$0xFFFFFF80] =	vst v2;
	v2 =	vld [tilespmem:s10+$0x160]  }
0xb9: {  	v8 =	vmax.f32 v47, v8;
	v48 =	vld [tilespmem:s10+$0xFFFFFE90]  }
0xba: {  	[tilespmem:s6+$0xFFFFFFC0] =	vst v8;
	v8 =	vld [tilespmem:s10+$0xFFFFFED0]  }
0xbb: {  	v14 =	vmax.f32 v19, v42;
	v54 =	vld [tilespmem:s10+$0xFFFFFF10]  }
0xbc: {  	v1 =	vmax.f32 v14, v1;
	v49 =	vld [tilespmem:s10+$0xFFFFFF50]  }
0xbd: {  	[tilespmem:s6+$0x0] =	vst v1;
	v1 =	vld [tilespmem:s10+$0xFFFFFF90]  }
0xbe: {  	v7 =	vld [tilespmem:s10+$0xFFFFFFD0]  }
0xbf: {  	v50 =	vld [tilespmem:s10+$0x10]  }
0xc0: {  	v51 =	vld [tilespmem:s10+$0x50];
	v13 =	vmax.f32 v45, v46  }
0xc1: {  	v55 =	vld [tilespmem:s10+$0x90];
	v2 =	vmax.f32 v13, v2  }
0xc2: {  	[tilespmem:s6+$0x60] =	vst v2;
	v5 =	vmax.f32 v48, v8;
	v8 =	vld [tilespmem:s5+$0x30]  }
0xc3: {  	v2 =	vld [tilespmem:s10+$0xF0]  }
0xc4: {  	v52 =	vld [tilespmem:s10+$0x130];
	v5 =	vmax.f32 v5, v54  }
0xc5: {  	v53 =	vld [tilespmem:s10+$0x170];
	v1 =	vmax.f32 v49, v1;
	[tilespmem:s6+$0xFFFFFF90] =	vst v5  }
0xc6: {  	v1 =	vmax.f32 v1, v7;
	v59 =	vld [tilespmem:s10+$0xFFFFFEA0]  }
0xc7: {  	v5 =	vmax.f32 v50, v51;
	[tilespmem:s6+$0xFFFFFFD0] =	vst v1;
	v60 =	vld [tilespmem:s10+$0xFFFFFEE0]  }
0xc8: {  	v1 =	vmax.f32 v5, v55;
	v61 =	vld [tilespmem:s10+$0xFFFFFF60]  }
0xc9: {  	[tilespmem:s6+$0x10] =	vst v1;
	v62 =	vld [tilespmem:s10+$0xFFFFFFA0]  }
0xca: {  	v63 =	vld [tilespmem:s10+$0x20]  }
0xcb: {  	v22 =	vld [tilespmem:s10+$0x60]  }
0xcc: {  	v7 =	vld [tilespmem:s10+$0xFFFFFF20];
	v1 =	vmax.f32 v9, v10  }
0xcd: {  	v1 =	vmax.f32 v1, v6;
	v6 =	vld [tilespmem:s10+$0xFFFFFFE0];
	v2 =	vmax.f32 v2, v52  }
0xce: {  	v4 =	vmax.f32 v11, v4;
	v5 =	vld [tilespmem:s10+$0xA0];
	[tilespmem:s1+$0x70] =	vst v1;
	v1 =	vmax.f32 v2, v53  }
0xcf: {  	v4 =	vmax.f32 v4, v58;
	v2 =	vmax.f32 v3, v56;
	v3 =	vld [tilespmem:s5+$0xFFFFFFF0];
	[tilespmem:s6+$0x70] =	vst v1;
	v1 =	vmax.f32 v8, v57  }
0xd0: {  	s28 =	simm.s32 $0x4;
	s29 =	simm.s32 $0xA80;
	s0 =	sshll.u32 s31, $0x1;
	[tilespmem:s1+$0xFFFFFFB0] =	vst v4;
	v4 =	vld [tilespmem:s5+$0xB0];
	v8 =	vmax.f32 v59, v60;
	v10 =	vmax.f32 v61, v62;
	v9 =	vmax.f32 v63, v22  }
.LBB2_3:
0xd1: {  	v11 =	vld [tilespmem:s29+$0xC0];
	v7 =	vmax.f32 v8, v7  }
0xd2: {  	v8 =	vld [tilespmem:s29+$0x100];
	[tilespmem:s6+$0xFFFFFFA0] =	vst v7;
	v6 =	vmax.f32 v10, v6  }
0xd3: {  	v7 =	vld [tilespmem:s29+$0x140];
	[tilespmem:s6+$0xFFFFFFE0] =	vst v6;
	v5 =	vmax.f32 v9, v5  }
0xd4: {  	v6 =	vld [tilespmem:s29+$0xFFFFFEC0];
	[tilespmem:s6+$0x20] =	vst v5;
	v2 =	vmax.f32 v2, v3  }
0xd5: {  	s28 =	sadd.s32 $0x4, s28;
	v3 =	vld [tilespmem:s29+$0xFFFFFF40];
	[tilespmem:s1+$0xFFFFFFF0] =	vst v2;
	v1 =	vmax.f32 v1, v4  }
0xd6: {  	p1 =	slt.u32 s28, $0x7C;
	v2 =	vld [tilespmem:s29+$0xFFFFFF80];
	[tilespmem:s1+$0x30] =	vst v1;
	s1 =	smov.u32 s6  }
0xd7: {  	v1 =	vld [tilespmem:s29+$0x0];
	v4 =	vmax.f32 v11, v8  }
0xd8: {  	s6 =	sadd.s32 $0x100, s6;
	v5 =	vld [tilespmem:s29+$0x40];
	v4 =	vmax.f32 v4, v7  }
0xd9: {  	v7 =	vld [tilespmem:s29+$0xFFFFFE80];
	[tilespmem:s6+$0x40] =	vst v4  }
0xda: {  	v4 =	vld [tilespmem:s29+$0xD0]  }
0xdb: {  	v2 =	vmax.f32 v3, v2;
	v3 =	vld [tilespmem:s29+$0x110]  }
0xdc: {  	v8 =	vld [tilespmem:s29+$0x150]  }
0xdd: {  	v9 =	vld [tilespmem:s29+$0xFFFFFF00];
	v1 =	vmax.f32 v1, v5  }
0xde: {  	v5 =	vmax.f32 v7, v6;
	v6 =	vld [tilespmem:s29+$0xFFFFFFC0]  }
0xdf: {  	v7 =	vld [tilespmem:s29+$0x80]  }
0xe0: {  	v3 =	vmax.f32 v4, v3;
	v4 =	vld [tilespmem:s10+$0xFFFFFEB0]  }
0xe1: {  	v3 =	vmax.f32 v3, v8;
	v8 =	vld [tilespmem:s10+$0xFFFFFEF0]  }
0xe2: {  	v5 =	vmax.f32 v5, v9;
	[tilespmem:s6+$0x50] =	vst v3;
	v3 =	vld [tilespmem:s10+$0xFFFFFF70]  }
0xe3: {  	[tilespmem:s6+$0xFFFFFF80] =	vst v5;
	v2 =	vmax.f32 v2, v6;
	v5 =	vld [tilespmem:s29+$0xE0]  }
0xe4: {  	[tilespmem:s6+$0xFFFFFFC0] =	vst v2;
	v1 =	vmax.f32 v1, v7;
	v2 =	vld [tilespmem:s29+$0x120]  }
0xe5: {  	[tilespmem:s6+$0x0] =	vst v1;
	v1 =	vld [tilespmem:s29+$0x160]  }
0xe6: {  	v6 =	vld [tilespmem:s29+$0xFFFFFE90];
	v4 =	vmax.f32 v4, v8  }
0xe7: {  	v7 =	vld [tilespmem:s29+$0xFFFFFED0]  }
0xe8: {  	v8 =	vld [tilespmem:s29+$0xFFFFFF50]  }
0xe9: {  	v9 =	vld [tilespmem:s29+$0xFFFFFF90];
	v2 =	vmax.f32 v5, v2  }
0xea: {  	v5 =	vld [tilespmem:s29+$0x10];
	v1 =	vmax.f32 v2, v1  }
0xeb: {  	v2 =	vld [tilespmem:s29+$0x50];
	[tilespmem:s6+$0x60] =	vst v1  }
0xec: {  	v1 =	vmax.f32 v6, v7;
	v6 =	vld [tilespmem:s29+$0xF0]  }
0xed: {  	v7 =	vld [tilespmem:s29+$0x130]  }
0xee: {  	v8 =	vmax.f32 v8, v9;
	v9 =	vld [tilespmem:s29+$0x170]  }
0xef: {  	v10 =	vld [tilespmem:s29+$0xFFFFFF10]  }
0xf0: {  	v11 =	vld [tilespmem:s29+$0xFFFFFFD0];
	v2 =	vmax.f32 v5, v2  }
0xf1: {  	v5 =	vld [tilespmem:s29+$0x90]  }
0xf2: {  	v6 =	vmax.f32 v6, v7;
	v7 =	vld [tilespmem:s10+$0xFFFFFFB0]  }
0xf3: {  	v6 =	vmax.f32 v6, v9;
	v9 =	vld [tilespmem:s10+$0x30]  }
0xf4: {  	v1 =	vmax.f32 v1, v10;
	[tilespmem:s6+$0x70] =	vst v6;
	v6 =	vld [tilespmem:s10+$0x70]  }
0xf5: {  	[tilespmem:s6+$0xFFFFFF90] =	vst v1;
	v1 =	vmax.f32 v8, v11;
	v8 =	vld [tilespmem:s10+$0xFFFFFF30]  }
0xf6: {  	v10 =	vld [tilespmem:s29+$0xFFFFFEA0];
	[tilespmem:s6+$0xFFFFFFD0] =	vst v1;
	v1 =	vmax.f32 v2, v5  }
0xf7: {  	v5 =	vld [tilespmem:s29+$0xFFFFFEE0];
	[tilespmem:s6+$0x10] =	vst v1;
	v2 =	vmax.f32 v3, v7  }
0xf8: {  	v3 =	vld [tilespmem:s29+$0xFFFFFF60]  }
0xf9: {  	v11 =	vld [tilespmem:s29+$0xFFFFFFA0];
	v1 =	vmax.f32 v9, v6  }
0xfa: {  	v9 =	vld [tilespmem:s29+$0x20];
	v4 =	vmax.f32 v4, v8  }
0xfb: {  	v12 =	vld [tilespmem:s29+$0x60];
	[tilespmem:s1+$0xFFFFFFB0] =	vst v4  }
.Ltmp2:
0xfc: {  	v8 =	vmax.f32 v10, v5;
	v7 =	vld [tilespmem:s29+$0xFFFFFF20];
	(pc) =	sbr.rel @p1 .LBB2_3-.Ltmp2, $4  }
0xfd: {  	v6 =	vld [tilespmem:s29+$0xFFFFFFE0]  }
0xfe: {  	v10 =	vmax.f32 v3, v11;
	v5 =	vld [tilespmem:s29+$0xA0]  }
0xff: {  	v3 =	vld [tilespmem:s10+$0xFFFFFFF0]  }
0x100: {  	v9 =	vmax.f32 v9, v12;
	v4 =	vld [tilespmem:s10+$0xB0];
	s10 =	smov.u32 s29;
	s29 =	sadd.s32 $0x300, s29  }
0x101: {  	v7 =	vmax.f32 v8, v7  }
0x102: {  	[tilespmem:s6+$0xFFFFFFA0] =	vst v7  }
0x103: {  	v7 =	vld [tilespmem:s10+$0xFFFFFEB0]  }
0x104: {  	v6 =	vmax.f32 v10, v6;
	v59 =	vld [tilespmem:s10+$0xFFFFFEF0]  }
0x105: {  	[tilespmem:s6+$0xFFFFFFE0] =	vst v6;
	v11 =	vld [tilespmem:s10+$0xFFFFFF30]  }
0x106: {  	v60 =	vld [tilespmem:s10+$0xFFFFFF70]  }
0x107: {  	v5 =	vmax.f32 v9, v5;
	v61 =	vld [tilespmem:s10+$0xFFFFFFB0]  }
0x108: {  	[tilespmem:s6+$0x20] =	vst v5;
	v12 =	vld [tilespmem:s10+$0xFFFFFFF0]  }
0x109: {  	v62 =	vld [tilespmem:s10+$0x30]  }
0x10a: {  	v63 =	vld [tilespmem:s10+$0x70]  }
0x10b: {  	v13 =	vld [tilespmem:s10+$0xB0]  }
0x10c: {  	v2 =	vmax.f32 v2, v3  }
0x10d: {  	p1 =	seq.s32 s31, $0xF;
	[tilespmem:s1+$0xFFFFFFF0] =	vst v2;
	v1 =	vmax.f32 v1, v4;
	v2 =	vmax.f32 v7, v59  }
.Ltmp3:
0x10e: {  	[tilespmem:s1+$0x30] =	vst v1;
	v1 =	vmax.f32 v60, v61;
	v2 =	vmax.f32 v2, v11;
	(pc) =	sbr.rel @p1 .LBB2_6-.Ltmp3, $4  }
0x10f: {  	v3 =	vmax.f32 v62, v63;
	[tilespmem:s6+$0xFFFFFFB0] =	vst v2;
	v1 =	vmax.f32 v1, v12  }
0x110: {  	s5 =	sshll.u32 s31, $0xB;
	[tilespmem:s6+$0xFFFFFFF0] =	vst v1;
	v1 =	vmax.f32 v3, v13  }
0x111: {  	s30 =	sadd.s32 s5, s7;
	[tilespmem:s6+$0x30] =	vst v1  }
0x112: {  	[hbm4b:s30+s2] =	stream.linear.scatter [tilespmem:s24], [sflag:$0x3], $0x2000, $0x38;
	[tilespmem:$0x10300] =	vst v63  }
0x113: {  	s1 =	sadd.s32 s0, s8  }
0x114: {  	s1 =	smul.u32 $0x30, s1;
	_ =	sdelay $0x1  }
0x115: {  	s1 =	sadd.s32 s3, s1  }
0x116: {  	[tilespmem:s2], [sflag:$0x5] =	stream.linear.gather [hbm4b:s1+s2], $0x180, $0x38;
	[tilespmem:$0x10300] =	vst v63  }
0x117: {  	_ =	swait.ge [sflag:s11], $0x180  }
0x118: {  	[sflag:s11] =	ssyncset.done $0x0  }
0x119: {  	[sflag:s11] =	ssyncadd.s32 $0xFFFFFE80  }
0x11a: {  	v1 =	vld [tilespmem:$0x0]  }
0x11b: {  	v2 =	vld [tilespmem:$0x10]  }
0x11c: {  	v3 =	vld [tilespmem:$0x20]  }
0x11d: {  	v4 =	vld [tilespmem:$0x30]  }
0x11e: {  	v5 =	vld [tilespmem:$0x40]  }
0x11f: {  	v6 =	vld [tilespmem:$0x50];
	v1 =	vadd.s32 v0, v1  }
0x120: {  	[tilespmem:$0x0] =	vst v1;
	v1 =	vadd.s32 v0, v2;
	v2 =	vld [tilespmem:$0x60]  }
0x121: {  	[tilespmem:$0x10] =	vst v1;
	v1 =	vadd.s32 v0, v3;
	v3 =	vld [tilespmem:$0x70]  }
0x122: {  	v54 =	vld [tilespmem:$0x80];
	[tilespmem:$0x20] =	vst v1;
	v1 =	vadd.s32 v0, v4  }
0x123: {  	v55 =	vld [tilespmem:$0x90];
	[tilespmem:$0x30] =	vst v1;
	v1 =	vadd.s32 v0, v5  }
0x124: {  	v56 =	vld [tilespmem:$0xA0];
	[tilespmem:$0x40] =	vst v1;
	v1 =	vadd.s32 v0, v6  }
0x125: {  	[tilespmem:$0x50] =	vst v1;
	v1 =	vadd.s32 v0, v2;
	v2 =	vld [tilespmem:$0xB0]  }
0x126: {  	[tilespmem:$0x60] =	vst v1;
	v1 =	vadd.s32 v0, v3;
	v3 =	vld [tilespmem:$0xC0]  }
0x127: {  	v57 =	vld [tilespmem:$0xD0];
	[tilespmem:$0x70] =	vst v1;
	v1 =	vadd.s32 v0, v54  }
0x128: {  	v58 =	vld [tilespmem:$0xE0];
	[tilespmem:$0x80] =	vst v1;
	v1 =	vadd.s32 v0, v55  }
0x129: {  	v59 =	vld [tilespmem:$0xF0];
	[tilespmem:$0x90] =	vst v1;
	v1 =	vadd.s32 v0, v56  }
0x12a: {  	[tilespmem:$0xA0] =	vst v1;
	v1 =	vadd.s32 v0, v2;
	v2 =	vld [tilespmem:$0x100]  }
0x12b: {  	[tilespmem:$0xB0] =	vst v1;
	v1 =	vadd.s32 v0, v3;
	v3 =	vld [tilespmem:$0x110]  }
0x12c: {  	v60 =	vld [tilespmem:$0x120];
	[tilespmem:$0xC0] =	vst v1;
	v1 =	vadd.s32 v0, v57  }
0x12d: {  	v61 =	vld [tilespmem:$0x130];
	[tilespmem:$0xD0] =	vst v1;
	v1 =	vadd.s32 v0, v58  }
0x12e: {  	v62 =	vld [tilespmem:$0x140];
	[tilespmem:$0xE0] =	vst v1;
	v1 =	vadd.s32 v0, v59  }
0x12f: {  	[tilespmem:$0xF0] =	vst v1;
	v1 =	vadd.s32 v0, v2;
	v2 =	vld [tilespmem:$0x150]  }
0x130: {  	[tilespmem:$0x100] =	vst v1;
	v1 =	vadd.s32 v0, v3;
	v3 =	vld [tilespmem:$0x160]  }
0x131: {  	v63 =	vld [tilespmem:$0x170];
	[tilespmem:$0x110] =	vst v1;
	v1 =	vadd.s32 v0, v60  }
0x132: {  	[tilespmem:$0x120] =	vst v1;
	v1 =	vadd.s32 v0, v61  }
0x133: {  	[tilespmem:$0x130] =	vst v1;
	v1 =	vadd.s32 v0, v62  }
0x134: {  	[tilespmem:$0x140] =	vst v1;
	v1 =	vadd.s32 v0, v2  }
0x135: {  	[tilespmem:$0x150] =	vst v1;
	v1 =	vadd.s32 v0, v3  }
0x136: {  	[tilespmem:$0x160] =	vst v1;
	v1 =	vadd.s32 v0, v63  }
0x137: {  	[tilespmem:$0x170] =	vst v1  }
0x138: {  	[tilespmem:s13], [sflag:$0x1] =	stream.indirect.gather [hbm4b:s4+s12], $0x40, s2, s12, $0xb8;
	[tilespmem:$0x10300] =	vst v63  }
0x139: {  	_ = 	snop  }
0x13a: {  	[tilespmem:s14], [sflag:$0x1] =	stream.indirect.gather [hbm4b:s4+s12], $0x40, s12, s12, $0xb8;
	[tilespmem:$0x10300] =	vst v63  }
0x13b: {  	_ = 	snop  }
0x13c: {  	[tilespmem:s16], [sflag:$0x1] =	stream.indirect.gather [hbm4b:s4+s12], $0x40, s15, s12, $0xb8;
	[tilespmem:$0x10300] =	vst v63  }
.LBB2_6:
0x13d: {  	_ =	swait.ge [sflag:s25], $0x2000  }
0x13e: {  	[sflag:s25] =	ssyncset.done $0x0  }
0x13f: {  	[sflag:s25] =	ssyncadd.s32 $0xFFFFE000  }
0x140: {  	_ =	swait.ge [sflag:s25], $0x2000  }
0x141: {  	[sflag:s25] =	ssyncset.done $0x0  }
0x142: {  	[sflag:s25] =	ssyncadd.s32 $0xFFFFE000  }
0x143: {  	_ =	swait.ge [sflag:s25], $0x2000  }
0x144: {  	[sflag:s25] =	ssyncset.done $0x0  }
0x145: {  	s1 =	simm.s32 @!p0 $0x4;
	[sflag:s25] =	ssyncadd.s32 $0xFFFFE000  }
0x146: {  	_ =	swait.ge @!p0 [sflag:s1], $0x2000  }
0x147: {  	[sflag:s1] =	ssyncset.done @!p0 $0x0  }
0x148: {  	s28 =	simm.s32 $0x65F0;
	[sflag:s1] =	ssyncadd.s32 @!p0 $0xFFFFE000  }
0x149: {  	v1 =	vld [tilespmem:s28+$0xFFFFFF50]  }
0x14a: {  	v2 =	vld [tilespmem:s28+$0xFFFFFF90]  }
0x14b: {  	v3 =	vld [tilespmem:s28+$0xFFFFFFD0]  }
0x14c: {  	v4 =	vld [tilespmem:s28+$0xFFFFFD50]  }
0x14d: {  	v7 =	vld [tilespmem:s28+$0xFFFFFE90]  }
0x14e: {  	v8 =	vld [tilespmem:s28+$0xFFFFFD10]  }
0x14f: {  	v9 =	vld [tilespmem:s28+$0xFFFFFD90]  }
0x150: {  	s10 =	simm.s32 $0x68F0;
	v10 =	vld [tilespmem:s28+$0xFFFFFED0]  }
0x151: {  	v13 =	vld [tilespmem:s10+$0xFFFFFF50]  }
0x152: {  	v14 =	vld [tilespmem:s10+$0xFFFFFF90]  }
0x153: {  	v15 =	vld [tilespmem:s10+$0xFFFFFFD0]  }
0x154: {  	v16 =	vld [tilespmem:s10+$0xFFFFFD50]  }
0x155: {  	v17 =	vld [tilespmem:s10+$0xFFFFFDD0]  }
0x156: {  	v18 =	vld [tilespmem:s10+$0xFFFFFE10]  }
0x157: {  	v19 =	vld [tilespmem:s10+$0xFFFFFE90]  }
0x158: {  	v42 =	vld [tilespmem:s10+$0xFFFFFED0];
	v1 =	vmax.f32 v1, v2  }
0x159: {  	s1 =	simm.s32 $0xE3F0;
	v43 =	vld [tilespmem:s10+$0xFFFFFD10];
	v1 =	vmax.f32 v1, v3  }
0x15a: {  	v2 =	vld [tilespmem:s28+$0xFFFFFDD0];
	[tilespmem:s1+$0xFFFFFFD0] =	vst v1  }
0x15b: {  	v1 =	vld [tilespmem:s28+$0xFFFFFF60]  }
0x15c: {  	v13 =	vmax.f32 v13, v14;
	v5 =	vld [tilespmem:s28+$0xFFFFFFA0]  }
0x15d: {  	s6 =	simm.s32 $0xE4F0;
	v13 =	vmax.f32 v13, v15;
	v6 =	vld [tilespmem:s28+$0xFFFFFFE0]  }
0x15e: {  	v3 =	vld [tilespmem:s28+$0xFFFFFE10];
	[tilespmem:s6+$0xFFFFFFD0] =	vst v13  }
0x15f: {  	v13 =	vld [tilespmem:s10+$0xFFFFFF60]  }
0x160: {  	v20 =	vld [tilespmem:s10+$0xFFFFFFA0]  }
0x161: {  	v21 =	vld [tilespmem:s10+$0xFFFFFFE0];
	v1 =	vmax.f32 v1, v5  }
0x162: {  	v5 =	vld [tilespmem:s28+$0xFFFFFE50];
	v1 =	vmax.f32 v1, v6  }
0x163: {  	v6 =	vld [tilespmem:s28+$0xFFFFFF10];
	[tilespmem:s1+$0xFFFFFFE0] =	vst v1  }
0x164: {  	v1 =	vmax.f32 v8, v4;
	v4 =	vld [tilespmem:s28+$0xFFFFFF70]  }
0x165: {  	v1 =	vmax.f32 v1, v9;
	v8 =	vld [tilespmem:s28+$0xFFFFFFB0]  }
0x166: {  	v2 =	vmax.f32 v2, v3;
	[tilespmem:s1+$0xFFFFFF10] =	vst v1;
	v1 =	vld [tilespmem:s28+$0xFFFFFFF0]  }
0x167: {  	v2 =	vmax.f32 v2, v5;
	v3 =	vld [tilespmem:s28+$0xFFFFFD20]  }
0x168: {  	v5 =	vmax.f32 v7, v10;
	[tilespmem:s1+$0xFFFFFF50] =	vst v2;
	v2 =	vld [tilespmem:s28+$0xFFFFFD60]  }
0x169: {  	v5 =	vmax.f32 v5, v6;
	v6 =	vld [tilespmem:s28+$0xFFFFFDE0]  }
0x16a: {  	[tilespmem:s1+$0xFFFFFF90] =	vst v5;
	v5 =	vld [tilespmem:s28+$0xFFFFFE20]  }
0x16b: {  	v7 =	vld [tilespmem:s28+$0xFFFFFEA0]  }
0x16c: {  	v4 =	vmax.f32 v4, v8;
	v8 =	vld [tilespmem:s28+$0xFFFFFDA0]  }
0x16d: {  	v1 =	vmax.f32 v4, v1;
	v4 =	vld [tilespmem:s28+$0xFFFFFEE0]  }
0x16e: {  	[tilespmem:s1+$0xFFFFFFF0] =	vst v1;
	v1 =	vld [tilespmem:s28+$0xFFFFFE60]  }
0x16f: {  	v9 =	vld [tilespmem:s28+$0xFFFFFF80]  }
0x170: {  	v2 =	vmax.f32 v3, v2;
	v3 =	vld [tilespmem:s28+$0xFFFFFF20]  }
0x171: {  	v10 =	vld [tilespmem:s28+$0xFFFFFFC0];
	v2 =	vmax.f32 v2, v8  }
0x172: {  	v5 =	vmax.f32 v6, v5;
	v6 =	vld [tilespmem:s28+$0x0];
	[tilespmem:s1+$0xFFFFFF20] =	vst v2  }
0x173: {  	v2 =	vld [tilespmem:s28+$0xFFFFFD30]  }
0x174: {  	v1 =	vmax.f32 v5, v1;
	v8 =	vld [tilespmem:s28+$0xFFFFFDB0]  }
0x175: {  	v4 =	vmax.f32 v7, v4;
	[tilespmem:s1+$0xFFFFFF60] =	vst v1;
	v1 =	vld [tilespmem:s28+$0xFFFFFD70]  }
0x176: {  	v3 =	vmax.f32 v4, v3;
	v4 =	vld [tilespmem:s28+$0xFFFFFDF0]  }
0x177: {  	[tilespmem:s1+$0xFFFFFFA0] =	vst v3;
	v3 =	vld [tilespmem:s28+$0xFFFFFE30]  }
0x178: {  	v11 =	vld [tilespmem:s28+$0xFFFFFE70]  }
0x179: {  	v5 =	vld [tilespmem:s28+$0xFFFFFEB0]  }
0x17a: {  	v7 =	vld [tilespmem:s28+$0xFFFFFEF0]  }
0x17b: {  	v12 =	vld [tilespmem:s28+$0xFFFFFF30]  }
0x17c: {  	v1 =	vmax.f32 v2, v1;
	v2 =	vld [tilespmem:s10+$0xFFFFFD90]  }
0x17d: {  	v1 =	vmax.f32 v1, v8;
	v8 =	vld [tilespmem:s10+$0xFFFFFE50]  }
0x17e: {  	v3 =	vmax.f32 v4, v3;
	[tilespmem:s1+$0xFFFFFF30] =	vst v1;
	v1 =	vld [tilespmem:s10+$0xFFFFFF10]  }
0x17f: {  	v4 =	vmax.f32 v13, v20;
	v3 =	vmax.f32 v3, v11;
	v11 =	vld [tilespmem:s28+$0xFFFFFD40]  }
0x180: {  	[tilespmem:s1+$0xFFFFFF70] =	vst v3;
	v3 =	vmax.f32 v4, v21;
	v4 =	vld [tilespmem:s28+$0xFFFFFD80]  }
0x181: {  	v58 =	vld [tilespmem:s28+$0xFFFFFDC0]  }
0x182: {  	[tilespmem:s6+$0xFFFFFFE0] =	vst v3;
	v3 =	vld [tilespmem:s28+$0xFFFFFE00]  }
0x183: {  	v5 =	vmax.f32 v5, v7;
	v56 =	vld [tilespmem:s28+$0xFFFFFE40]  }
0x184: {  	v5 =	vmax.f32 v5, v12;
	v45 =	vld [tilespmem:s10+$0xFFFFFF70]  }
0x185: {  	v44 =	vmax.f32 v43, v16;
	[tilespmem:s1+$0xFFFFFFB0] =	vst v5;
	v46 =	vld [tilespmem:s10+$0xFFFFFFB0]  }
0x186: {  	v2 =	vmax.f32 v44, v2;
	v57 =	vld [tilespmem:s28+$0xFFFFFF00]  }
0x187: {  	v47 =	vmax.f32 v17, v18;
	[tilespmem:s6+$0xFFFFFF10] =	vst v2;
	v2 =	vld [tilespmem:s10+$0xFFFFFFF0]  }
0x188: {  	v8 =	vmax.f32 v47, v8;
	v48 =	vld [tilespmem:s10+$0xFFFFFD20]  }
0x189: {  	[tilespmem:s6+$0xFFFFFF50] =	vst v8;
	v8 =	vld [tilespmem:s10+$0xFFFFFD60]  }
0x18a: {  	v14 =	vmax.f32 v19, v42;
	v54 =	vld [tilespmem:s10+$0xFFFFFDA0]  }
0x18b: {  	v1 =	vmax.f32 v14, v1;
	v49 =	vld [tilespmem:s10+$0xFFFFFDE0]  }
0x18c: {  	[tilespmem:s6+$0xFFFFFF90] =	vst v1;
	v1 =	vld [tilespmem:s10+$0xFFFFFE20]  }
0x18d: {  	v7 =	vld [tilespmem:s10+$0xFFFFFE60]  }
0x18e: {  	v50 =	vld [tilespmem:s10+$0xFFFFFEA0]  }
0x18f: {  	v51 =	vld [tilespmem:s10+$0xFFFFFEE0];
	v13 =	vmax.f32 v45, v46  }
0x190: {  	v55 =	vld [tilespmem:s10+$0xFFFFFF20];
	v2 =	vmax.f32 v13, v2  }
0x191: {  	[tilespmem:s6+$0xFFFFFFF0] =	vst v2;
	v5 =	vmax.f32 v48, v8;
	v8 =	vld [tilespmem:s28+$0xFFFFFEC0]  }
0x192: {  	v2 =	vld [tilespmem:s10+$0xFFFFFF80]  }
0x193: {  	v52 =	vld [tilespmem:s10+$0xFFFFFFC0];
	v5 =	vmax.f32 v5, v54  }
0x194: {  	v53 =	vld [tilespmem:s10+$0x0];
	v1 =	vmax.f32 v49, v1;
	[tilespmem:s6+$0xFFFFFF20] =	vst v5  }
0x195: {  	v1 =	vmax.f32 v1, v7;
	v59 =	vld [tilespmem:s10+$0xFFFFFD30]  }
0x196: {  	v5 =	vmax.f32 v50, v51;
	[tilespmem:s6+$0xFFFFFF60] =	vst v1;
	v60 =	vld [tilespmem:s10+$0xFFFFFD70]  }
0x197: {  	v1 =	vmax.f32 v5, v55;
	v61 =	vld [tilespmem:s10+$0xFFFFFDF0]  }
0x198: {  	[tilespmem:s6+$0xFFFFFFA0] =	vst v1;
	v62 =	vld [tilespmem:s10+$0xFFFFFE30]  }
0x199: {  	v63 =	vld [tilespmem:s10+$0xFFFFFEB0]  }
0x19a: {  	v22 =	vld [tilespmem:s10+$0xFFFFFEF0]  }
0x19b: {  	v7 =	vld [tilespmem:s10+$0xFFFFFDB0];
	v1 =	vmax.f32 v9, v10  }
0x19c: {  	v1 =	vmax.f32 v1, v6;
	v6 =	vld [tilespmem:s10+$0xFFFFFE70];
	v2 =	vmax.f32 v2, v52  }
0x19d: {  	v4 =	vmax.f32 v11, v4;
	v5 =	vld [tilespmem:s10+$0xFFFFFF30];
	[tilespmem:s1+$0x0] =	vst v1;
	v1 =	vmax.f32 v2, v53  }
0x19e: {  	v4 =	vmax.f32 v4, v58;
	v2 =	vmax.f32 v3, v56;
	v3 =	vld [tilespmem:s28+$0xFFFFFE80];
	[tilespmem:s6+$0x0] =	vst v1;
	v1 =	vmax.f32 v8, v57  }
0x19f: {  	s5 =	sor.u32 $0x400, s5;
	s29 =	simm.s32 $0x4;
	s30 =	simm.s32 $0x6BF0;
	[tilespmem:s1+$0xFFFFFF40] =	vst v4;
	v4 =	vld [tilespmem:s28+$0xFFFFFF40];
	v8 =	vmax.f32 v59, v60;
	v10 =	vmax.f32 v61, v62;
	v9 =	vmax.f32 v63, v22  }
.LBB2_7:
0x1a0: {  	v11 =	vld [tilespmem:s30+$0xFFFFFF50];
	v7 =	vmax.f32 v8, v7  }
0x1a1: {  	v8 =	vld [tilespmem:s30+$0xFFFFFF90];
	[tilespmem:s6+$0xFFFFFF30] =	vst v7;
	v6 =	vmax.f32 v10, v6  }
0x1a2: {  	v7 =	vld [tilespmem:s30+$0xFFFFFFD0];
	[tilespmem:s6+$0xFFFFFF70] =	vst v6;
	v5 =	vmax.f32 v9, v5  }
0x1a3: {  	v6 =	vld [tilespmem:s30+$0xFFFFFD50];
	[tilespmem:s6+$0xFFFFFFB0] =	vst v5;
	v2 =	vmax.f32 v2, v3  }
0x1a4: {  	s29 =	sadd.s32 $0x4, s29;
	v3 =	vld [tilespmem:s30+$0xFFFFFDD0];
	[tilespmem:s1+$0xFFFFFF80] =	vst v2;
	v1 =	vmax.f32 v1, v4  }
0x1a5: {  	p0 =	slt.u32 s29, $0x7C;
	v2 =	vld [tilespmem:s30+$0xFFFFFE10];
	[tilespmem:s1+$0xFFFFFFC0] =	vst v1;
	s1 =	smov.u32 s6  }
0x1a6: {  	v1 =	vld [tilespmem:s30+$0xFFFFFE90];
	v4 =	vmax.f32 v11, v8  }
0x1a7: {  	s6 =	sadd.s32 $0x100, s6;
	v5 =	vld [tilespmem:s30+$0xFFFFFED0];
	v4 =	vmax.f32 v4, v7  }
0x1a8: {  	v7 =	vld [tilespmem:s30+$0xFFFFFD10];
	[tilespmem:s6+$0xFFFFFFD0] =	vst v4  }
0x1a9: {  	v4 =	vld [tilespmem:s30+$0xFFFFFF60]  }
0x1aa: {  	v2 =	vmax.f32 v3, v2;
	v3 =	vld [tilespmem:s30+$0xFFFFFFA0]  }
0x1ab: {  	v8 =	vld [tilespmem:s30+$0xFFFFFFE0]  }
0x1ac: {  	v9 =	vld [tilespmem:s30+$0xFFFFFD90];
	v1 =	vmax.f32 v1, v5  }
0x1ad: {  	v5 =	vmax.f32 v7, v6;
	v6 =	vld [tilespmem:s30+$0xFFFFFE50]  }
0x1ae: {  	v7 =	vld [tilespmem:s30+$0xFFFFFF10]  }
0x1af: {  	v3 =	vmax.f32 v4, v3;
	v4 =	vld [tilespmem:s10+$0xFFFFFD40]  }
0x1b0: {  	v3 =	vmax.f32 v3, v8;
	v8 =	vld [tilespmem:s10+$0xFFFFFD80]  }
0x1b1: {  	v5 =	vmax.f32 v5, v9;
	[tilespmem:s6+$0xFFFFFFE0] =	vst v3;
	v3 =	vld [tilespmem:s10+$0xFFFFFE00]  }
0x1b2: {  	[tilespmem:s6+$0xFFFFFF10] =	vst v5;
	v2 =	vmax.f32 v2, v6;
	v5 =	vld [tilespmem:s30+$0xFFFFFF70]  }
0x1b3: {  	[tilespmem:s6+$0xFFFFFF50] =	vst v2;
	v1 =	vmax.f32 v1, v7;
	v2 =	vld [tilespmem:s30+$0xFFFFFFB0]  }
0x1b4: {  	[tilespmem:s6+$0xFFFFFF90] =	vst v1;
	v1 =	vld [tilespmem:s30+$0xFFFFFFF0]  }
0x1b5: {  	v6 =	vld [tilespmem:s30+$0xFFFFFD20];
	v4 =	vmax.f32 v4, v8  }
0x1b6: {  	v7 =	vld [tilespmem:s30+$0xFFFFFD60]  }
0x1b7: {  	v8 =	vld [tilespmem:s30+$0xFFFFFDE0]  }
0x1b8: {  	v9 =	vld [tilespmem:s30+$0xFFFFFE20];
	v2 =	vmax.f32 v5, v2  }
0x1b9: {  	v5 =	vld [tilespmem:s30+$0xFFFFFEA0];
	v1 =	vmax.f32 v2, v1  }
0x1ba: {  	v2 =	vld [tilespmem:s30+$0xFFFFFEE0];
	[tilespmem:s6+$0xFFFFFFF0] =	vst v1  }
0x1bb: {  	v1 =	vmax.f32 v6, v7;
	v6 =	vld [tilespmem:s30+$0xFFFFFF80]  }
0x1bc: {  	v7 =	vld [tilespmem:s30+$0xFFFFFFC0]  }
0x1bd: {  	v8 =	vmax.f32 v8, v9;
	v9 =	vld [tilespmem:s30+$0x0]  }
0x1be: {  	v10 =	vld [tilespmem:s30+$0xFFFFFDA0]  }
0x1bf: {  	v11 =	vld [tilespmem:s30+$0xFFFFFE60];
	v2 =	vmax.f32 v5, v2  }
0x1c0: {  	v5 =	vld [tilespmem:s30+$0xFFFFFF20]  }
0x1c1: {  	v6 =	vmax.f32 v6, v7;
	v7 =	vld [tilespmem:s10+$0xFFFFFE40]  }
0x1c2: {  	v6 =	vmax.f32 v6, v9;
	v9 =	vld [tilespmem:s10+$0xFFFFFEC0]  }
0x1c3: {  	v1 =	vmax.f32 v1, v10;
	[tilespmem:s6+$0x0] =	vst v6;
	v6 =	vld [tilespmem:s10+$0xFFFFFF00]  }
0x1c4: {  	[tilespmem:s6+$0xFFFFFF20] =	vst v1;
	v1 =	vmax.f32 v8, v11;
	v8 =	vld [tilespmem:s10+$0xFFFFFDC0]  }
0x1c5: {  	v10 =	vld [tilespmem:s30+$0xFFFFFD30];
	[tilespmem:s6+$0xFFFFFF60] =	vst v1;
	v1 =	vmax.f32 v2, v5  }
0x1c6: {  	v5 =	vld [tilespmem:s30+$0xFFFFFD70];
	[tilespmem:s6+$0xFFFFFFA0] =	vst v1;
	v2 =	vmax.f32 v3, v7  }
0x1c7: {  	v3 =	vld [tilespmem:s30+$0xFFFFFDF0]  }
0x1c8: {  	v11 =	vld [tilespmem:s30+$0xFFFFFE30];
	v1 =	vmax.f32 v9, v6  }
0x1c9: {  	v9 =	vld [tilespmem:s30+$0xFFFFFEB0];
	v4 =	vmax.f32 v4, v8  }
0x1ca: {  	v12 =	vld [tilespmem:s30+$0xFFFFFEF0];
	[tilespmem:s1+$0xFFFFFF40] =	vst v4  }
.Ltmp4:
0x1cb: {  	v8 =	vmax.f32 v10, v5;
	v7 =	vld [tilespmem:s30+$0xFFFFFDB0];
	(pc) =	sbr.rel @p0 .LBB2_7-.Ltmp4, $4  }
0x1cc: {  	v6 =	vld [tilespmem:s30+$0xFFFFFE70]  }
0x1cd: {  	v10 =	vmax.f32 v3, v11;
	v5 =	vld [tilespmem:s30+$0xFFFFFF30]  }
0x1ce: {  	v3 =	vld [tilespmem:s10+$0xFFFFFE80]  }
0x1cf: {  	v9 =	vmax.f32 v9, v12;
	v4 =	vld [tilespmem:s10+$0xFFFFFF40];
	s10 =	smov.u32 s30;
	s30 =	sadd.s32 $0x300, s30  }
0x1d0: {  	v7 =	vmax.f32 v8, v7  }
0x1d1: {  	[tilespmem:s6+$0xFFFFFF30] =	vst v7  }
0x1d2: {  	v7 =	vld [tilespmem:s10+$0xFFFFFD40]  }
0x1d3: {  	v6 =	vmax.f32 v10, v6;
	v59 =	vld [tilespmem:s10+$0xFFFFFD80]  }
0x1d4: {  	[tilespmem:s6+$0xFFFFFF70] =	vst v6;
	v11 =	vld [tilespmem:s10+$0xFFFFFDC0]  }
0x1d5: {  	v60 =	vld [tilespmem:s10+$0xFFFFFE00]  }
0x1d6: {  	v5 =	vmax.f32 v9, v5;
	v61 =	vld [tilespmem:s10+$0xFFFFFE40]  }
0x1d7: {  	[tilespmem:s6+$0xFFFFFFB0] =	vst v5;
	v12 =	vld [tilespmem:s10+$0xFFFFFE80]  }
0x1d8: {  	v62 =	vld [tilespmem:s10+$0xFFFFFEC0]  }
0x1d9: {  	v63 =	vld [tilespmem:s10+$0xFFFFFF00]  }
0x1da: {  	v13 =	vld [tilespmem:s10+$0xFFFFFF40]  }
0x1db: {  	v2 =	vmax.f32 v2, v3  }
0x1dc: {  	[tilespmem:s1+$0xFFFFFF80] =	vst v2;
	v1 =	vmax.f32 v1, v4;
	v2 =	vmax.f32 v7, v59  }
.Ltmp5:
0x1dd: {  	[tilespmem:s1+$0xFFFFFFC0] =	vst v1;
	v1 =	vmax.f32 v60, v61;
	v2 =	vmax.f32 v2, v11;
	(pc) =	sbr.rel @p1 .LBB2_10-.Ltmp5, $4  }
0x1de: {  	v3 =	vmax.f32 v62, v63;
	[tilespmem:s6+$0xFFFFFF40] =	vst v2;
	v1 =	vmax.f32 v1, v12  }
0x1df: {  	[tilespmem:s6+$0xFFFFFF80] =	vst v1;
	v1 =	vmax.f32 v3, v13  }
0x1e0: {  	s30 =	sadd.s32 s5, s7;
	[tilespmem:s6+$0xFFFFFFC0] =	vst v1  }
0x1e1: {  	[hbm4b:s30+s2] =	stream.linear.scatter [tilespmem:s26], [sflag:$0x4], $0x2000, $0x38;
	[tilespmem:$0x10300] =	vst v63  }
0x1e2: {  	s0 =	sadd.s32 s0, s9  }
0x1e3: {  	s0 =	smul.u32 $0x30, s0;
	_ =	sdelay $0x1  }
0x1e4: {  	s0 =	sadd.s32 s3, s0  }
0x1e5: {  	[tilespmem:s17], [sflag:$0x5] =	stream.linear.gather [hbm4b:s0+s2], $0x180, $0x38;
	[tilespmem:$0x10300] =	vst v63  }
0x1e6: {  	_ =	swait.ge [sflag:s11], $0x180  }
0x1e7: {  	[sflag:s11] =	ssyncset.done $0x0  }
0x1e8: {  	[sflag:s11] =	ssyncadd.s32 $0xFFFFFE80  }
0x1e9: {  	v1 =	vld [tilespmem:$0x180]  }
0x1ea: {  	v2 =	vld [tilespmem:$0x190]  }
0x1eb: {  	v3 =	vld [tilespmem:$0x1A0]  }
0x1ec: {  	v4 =	vld [tilespmem:$0x1B0]  }
0x1ed: {  	v5 =	vld [tilespmem:$0x1C0]  }
0x1ee: {  	v6 =	vld [tilespmem:$0x1D0];
	v1 =	vadd.s32 v0, v1  }
0x1ef: {  	[tilespmem:$0x180] =	vst v1;
	v1 =	vadd.s32 v0, v2;
	v2 =	vld [tilespmem:$0x1E0]  }
0x1f0: {  	[tilespmem:$0x190] =	vst v1;
	v1 =	vadd.s32 v0, v3;
	v3 =	vld [tilespmem:$0x1F0]  }
0x1f1: {  	v54 =	vld [tilespmem:$0x200];
	[tilespmem:$0x1A0] =	vst v1;
	v1 =	vadd.s32 v0, v4  }
0x1f2: {  	v55 =	vld [tilespmem:$0x210];
	[tilespmem:$0x1B0] =	vst v1;
	v1 =	vadd.s32 v0, v5  }
0x1f3: {  	v56 =	vld [tilespmem:$0x220];
	[tilespmem:$0x1C0] =	vst v1;
	v1 =	vadd.s32 v0, v6  }
0x1f4: {  	[tilespmem:$0x1D0] =	vst v1;
	v1 =	vadd.s32 v0, v2;
	v2 =	vld [tilespmem:$0x230]  }
0x1f5: {  	[tilespmem:$0x1E0] =	vst v1;
	v1 =	vadd.s32 v0, v3;
	v3 =	vld [tilespmem:$0x240]  }
0x1f6: {  	v57 =	vld [tilespmem:$0x250];
	[tilespmem:$0x1F0] =	vst v1;
	v1 =	vadd.s32 v0, v54  }
0x1f7: {  	v58 =	vld [tilespmem:$0x260];
	[tilespmem:$0x200] =	vst v1;
	v1 =	vadd.s32 v0, v55  }
0x1f8: {  	v59 =	vld [tilespmem:$0x270];
	[tilespmem:$0x210] =	vst v1;
	v1 =	vadd.s32 v0, v56  }
0x1f9: {  	[tilespmem:$0x220] =	vst v1;
	v1 =	vadd.s32 v0, v2;
	v2 =	vld [tilespmem:$0x280]  }
0x1fa: {  	[tilespmem:$0x230] =	vst v1;
	v1 =	vadd.s32 v0, v3;
	v3 =	vld [tilespmem:$0x290]  }
0x1fb: {  	v60 =	vld [tilespmem:$0x2A0];
	[tilespmem:$0x240] =	vst v1;
	v1 =	vadd.s32 v0, v57  }
0x1fc: {  	v61 =	vld [tilespmem:$0x2B0];
	[tilespmem:$0x250] =	vst v1;
	v1 =	vadd.s32 v0, v58  }
0x1fd: {  	v62 =	vld [tilespmem:$0x2C0];
	[tilespmem:$0x260] =	vst v1;
	v1 =	vadd.s32 v0, v59  }
0x1fe: {  	[tilespmem:$0x270] =	vst v1;
	v1 =	vadd.s32 v0, v2;
	v2 =	vld [tilespmem:$0x2D0]  }
0x1ff: {  	[tilespmem:$0x280] =	vst v1;
	v1 =	vadd.s32 v0, v3;
	v3 =	vld [tilespmem:$0x2E0]  }
0x200: {  	v63 =	vld [tilespmem:$0x2F0];
	[tilespmem:$0x290] =	vst v1;
	v1 =	vadd.s32 v0, v60  }
0x201: {  	[tilespmem:$0x2A0] =	vst v1;
	v1 =	vadd.s32 v0, v61  }
0x202: {  	[tilespmem:$0x2B0] =	vst v1;
	v1 =	vadd.s32 v0, v62  }
0x203: {  	[tilespmem:$0x2C0] =	vst v1;
	v1 =	vadd.s32 v0, v2  }
0x204: {  	[tilespmem:$0x2D0] =	vst v1;
	v1 =	vadd.s32 v0, v3  }
0x205: {  	[tilespmem:$0x2E0] =	vst v1;
	v1 =	vadd.s32 v0, v63  }
0x206: {  	[tilespmem:$0x2F0] =	vst v1  }
0x207: {  	[tilespmem:s18], [sflag:$0x2] =	stream.indirect.gather [hbm4b:s4+s12], $0x40, s17, s12, $0xb8;
	[tilespmem:$0x10300] =	vst v63  }
.Ltmp6:
0x208: {  	_ = 	snop;
	(pc) =	sbr.rel .LBB2_2-.Ltmp6, $4  }
0x209: {  	_ = 	snop  }
0x20a: {  	[tilespmem:s20], [sflag:$0x2] =	stream.indirect.gather [hbm4b:s4+s12], $0x40, s19, s12, $0xb8;
	[tilespmem:$0x10300] =	vst v63  }
0x20b: {  	s31 =	sadd.s32 $0x1, s31  }
0x20c: {  	[tilespmem:s22], [sflag:$0x2] =	stream.indirect.gather [hbm4b:s4+s12], $0x40, s21, s12, $0xb8;
	[tilespmem:$0x10300] =	vst v63  }
.LBB2_11:
0x20d: {  	_ =	sfence.sel $0x180000  }
0x20e: {  	[bflag:$0x0] =	sbarrier.arrive $0xFFFF  }
0x20f: {  	_ =	strace $0x90000047  }
0x210: {  	s0 =	stileid.u32;
	[bflag:$0x2] =	sbarrier.arrive $0xFFFF  }
0x211: {  	p0 =	sne.s32 s0, $0x0;
	s0 =	rddreg [dreg:$0x1]  }
0x212: {  	s0 =	sadd.s32 @!p0 $0x100000, s0  }
0x213: {  	[sflag:s0] =	ssyncadd.tile.s32 @!p0 $0x1;
	_ =	shalt  }
.Lfunc_end2:
_tile_overlayer_lowered:
.L_overlay_start_2:
0x214: {  	(tag) =	ssettag $0x2  }
0x215: {  	s0 =	rddreg [dreg:$0x0];
	s2 =	stileid.u32  }
0x216: {  	s1 =	rddreg [dreg:$0x1];
	p0 =	sne.s32 s2, $0x0  }
0x217: {  	s3 =	rddreg [dreg:$0x2];
	[bflag:$0x3] =	sbarrier.arrive $0xFFFF;
	s2 =	simm.s32 @!p0 $0x1C05  }
0x218: {  	[timem:s3], [sflag:s2] =	dma.local @!p0 [hbm:s0], s1  }
0x219: {  	s0 =	simm.s32 @!p0 $0x5  }
0x21a: {  	_ =	swait.ge @!p0 [sflag:s0], s1  }
0x21b: {  	s1 =	ssub.s32 @!p0 $0x0, s1;
	[sflag:s0] =	ssyncset.done @!p0 $0x0  }
0x21c: {  	[sflag:s0] =	ssyncadd.s32 @!p0 s1  }
0x21d: {  	[bflag:$0x3] =	sbarrier.arrive $0xFFFF  }
0x21e: {  	_ =	shalt  }

// kernel: sparse-core-data-format-call.cloned.1.call-start
scs
called_computation_lowered:
.L_overlay_start_0:
0x0: {  	s2 =	sld [smem:$0x3FD9]  }
0x1: {  	s3 =	sld [smem:$0x3FFE];
	_ =	sdelay $0x1  }
0x2: {  	s1 =	srdreg.scid  }
0x3: {  	s0 =	sand.u32 $0x1, s1  }
0x4: {  	s18 =	sshll.u32 s0, $0xA;
	s2 =	sadd.s32 s3, s2  }
0x5: {  	s2 =	sadd.s32 s2, s18  }
0x6: {  	[smem:$0x3FBC] =	sst s2  }
0x7: {  	_ = 	snop  }
0x8: {  	s2 =	sld [smem:$0x3FD0];
	(tm) =	ssettm $0x1  }
0x9: {  	s19 =	sld [smem:$0x3FFB];
	_ =	sdelay $0x3  }
0xa: {  	_ =	strace s19  }
0xb: {  	s3 =	sld [smem:$0x3FFC];
	_ =	sdelay $0x3  }
0xc: {  	_ =	strace s3  }
0xd: {  	s3 =	sld [smem:$0x3FFD];
	_ =	sdelay $0x3  }
0xe: {  	_ =	strace s3  }
0xf: {  	_ =	strace $0x8FFFFFFF  }
0x10: {  	s20 =	sld [smem:$0x3FDB];
	_ =	sdelay $0x1  }
0x11: {  	s4 =	simm.s32 $_scs_section_size  }
0x12: {  	s5 =	simm.s32 $_size__tile_overlayer_lowered;
	s6 =	simm.s32 $_tile_overlayer_lowered  }
0x13: {  	s23 =	simm.s32 $0x1BFF;
	s22 =	sshll.u32 s6, $0x1;
	s3 =	sadd.s32 s4, s20  }
0x14: {  	s7 =	simm.s32 $0x0;
	s21 =	sshll.u32 s5, $0x1;
	s5 =	sadd.s32 s22, s3  }
0x15: {  	[timem:s7], [sflag:s23] =	dma.local [hbm:s5], s21  }
0x16: {  	_ =	swait.ge [sflag:s23], s21  }
0x17: {  	s4 =	ssub.s32 $0x0, s21;
	[sflag:s23] =	ssyncset.done $0x0  }
0x18: {  	[sflag:s23] =	ssyncadd.s32 s4;
	_ =	sdelay $0x1  }
0x19: {  	s24 =	simm.s32 $0x1B8B  }
0x1a: {  	_ =	swait.ge [sflag:s24], $0x1  }
0x1b: {  	[sflag:s24] =	ssyncset.done $0x0  }
0x1c: {  	s26 =	simm.s32 $0x1B8E;
	s25 =	sld [smem:$0x3FFE];
	[sflag:s24] =	ssyncadd.s32 $0xFFFFFFFF  }
0x1d: {  	s27 =	simm.s32 $execute0_lowered;
	[smem:$0x3FD2] =	sst s26  }
0x1e: {  	s5 =	sshll.u32 s27, $0x1;
	_ =	strace $0x80000049;
	[dreg:$0x1] =	wrdreg $0xFFFFFFFF  }
0x1f: {  	s28 =	simm.s32 $_size_execute0_lowered;
	s3 =	sadd.s32 s3, s5;
	[dreg:$0x0] =	wrdreg $0x0  }
0x20: {  	s5 =	sshll.u32 s28, $0x1;
	[dreg:$0x2] =	wrdreg s3  }
0x21: {  	[dreg:$0x3] =	wrdreg s5  }
0x22: {  	[dreg:$0x4] =	wrdreg $0xC0  }
0x23: {  	_ =	task [dreg:s7], $0x5FFFF  }
0x24: {  	[dreg:$0x1] =	wrdreg $0xFFFFFFFF  }
0x25: {  	[dreg:$0x0] =	wrdreg $0x60  }
0x26: {  	[dreg:$0x2] =	wrdreg s25  }
0x27: {  	[dreg:$0x3] =	wrdreg s2  }
0x28: {  	[dreg:$0x4] =	wrdreg $0x9  }
0x29: {  	_ =	task.clear_ibuf [dreg:s7], $0x5FFFF;
	_ =	strace $0x90000049  }
0x2a: {  	s29 =	simm.s32 $0x9;
	_ =	strace $0x8000004B  }
0x2b: {  	_ =	swait.ge [sflag:s29], $0x1  }
0x2c: {  	[sflag:s29] =	ssyncadd.s32 $0xFFFFFFFF  }
0x2d: {  	_ =	strace $0x9000004B  }
0x2e: {  	_ =	sfence  }
0x2f: {  	s30 =	sld [smem:$0x0];
	_ =	sdelay $0x2  }
0x30: {  	s31 =	sshll.u32 s1, $0xD;
	s1 =	sshrl.u32 s1, $0x2  }
0x31: {  	s3 =	sand.u32 $0x4000, s31;
	s1 =	sadd.s32 s1, s30  }
0x32: {  	s0 =	sor.u32 s3, s0;
	s1 =	sshll.u32 s1, $0x11  }
0x33: {  	s0 =	sor.u32 s1, s0  }
0x34: {  	s0 =	sadd.s32 $0x8F2B, s0  }
0x35: {  	[sflag:s0] =	ssyncadd.remote.s32 $0x1  }
0x36: {  	_ =	sfence.sel $0xFFFF  }
0x37: {  	[dreg:$0x0] =	wrdreg $0xFFFFFFFF;
	(pc) =	sbr.abs _section_cstart, $3  }
0x38: {  	[dreg:$0x1] =	wrdreg $0xFFFFFFFF  }
0x39: {  	_ =	task.clear_ibuf [dreg:s7], $0x2FFFF;
	_ =	strace $0x9FFFFFFF  }
0x3a: {  	(tm) =	ssettm $0x7FFFFFFF  }
0x3b: {  	_ =	shalt  }
tec
execute0_lowered:
.L_overlay_start_1:
0x0: {  	(tag) =	ssettag $0x1  }
0x1: {  	s0 =	stileid.u32;
	s4 =	rddreg [dreg:$0x0]  }
0x2: {  	s1 =	srdreg.scid;
	s2 =	rddreg [dreg:$0x1];
	s5 =	simm.s32 $0x1  }
0x3: {  	s8 =	simm.s32 $0x2;
	s18 =	simm.s32 $0x0;
	s17 =	simm.s32 $0x0  }
0x4: {  	s19 =	simm.s32 $0x0;
	s10 =	simm.s32 $0x0;
	s11 =	simm.s32 $0x0  }
0x5: {  	s12 =	simm.s32 $0x0;
	s3 =	sshll.u32 s0, $0x4;
	s1 =	sshll.u32 s1, $0x8  }
0x6: {  	s13 =	simm.s32 $0x0;
	s16 =	simm.s32 $0x0;
	s3 =	sor.u32 s3, s1  }
0x7: {  	s1 =	rddreg [dreg:$0x2];
	_ =	strace $0x8000004A;
	s3 =	sand.u32 $0x180, s3  }
0x8: {  	s4 =	sadd.s32 $0x54EE00, s4;
	[sflag:s5] =	ssyncpa.u1 $0x0;
	s6 =	ssub.s32 $0x4000, s3  }
.Ltmp0:
0x9: {  	[sflag:s8] =	ssyncpa.u1 $0x0;
	s7 =	sand.u32 $0x180, s6;
	(pc) =	sbr.rel .LBB1_1-.Ltmp0, $4  }
0xa: {  	s14 =	smov.u32 s3;
	p0 =	sne.s32 s7, $0x0;
	s7 =	simm.s32 $0x1  }
0xb: {  	s9 =	sshrl.u32 s6, $0x9;
	s6 =	sand.u32 $0x7, s0;
	s7 =	simm.s32 @!p0 $0x0  }
0xc: {  	s15 =	smov.u32 s6;
	p0 =	por $0x0, $0x0;
	s31 =	sadd.s32 s7, s9  }
0xd: {  	s9 =	simm.s32 $0x20000;
	s7 =	sshll.u32 s31, $0x1;
	s8 =	sshllo.u32 s31, $0x1  }
.LBB1_4:
0xe: {  	s24 =	sshra.s32 s24, $0x2;
	p1 =	sgt.s32 s10, $0x3;
	s25 =	smov.u32 s10  }
0xf: {  	p2 =	sgt.s32 s12, $0x7;
	s26 =	smov.u32 s12;
	s29 =	sshra.s32 s12, $0x1F  }
0x10: {  	s27 =	smov.u32 s11;
	s28 =	sshra.s32 s11, $0x1F;
	s23 =	sadd.s32 s24, s23  }
0x11: {  	s25 =	simm.s32 @!p1 $0x3;
	s26 =	simm.s32 @!p2 $0x7;
	p1 =	sgt.s32 s11, $0x3F80  }
0x12: {  	v5 =	vld [tilespmem:s21+$0xFFFFFFD0];
	s24 =	sand.u32 s29, s12;
	s28 =	sand.u32 s28, s11;
	s27 =	simm.s32 @!p1 $0x3F80  }
0x13: {  	[tilespmem:s22+$0x2040 ss:$0x81] =	vst.msk $0xffff, v4;
	v58 =	vld [tilespmem:s21+$0xFFFFFFE0];
	s29 =	sshra.s32 s10, $0x1F;
	s24 =	ssub.s32 s26, s24;
	s26 =	ssub.s32 s27, s28  }
0x14: {  	[tilespmem:s22+$0x2850 ss:$0x81] =	vst.msk $0xffff, v3;
	v59 =	vld [tilespmem:s21+$0xFFFFFFF0];
	s27 =	sand.u32 s29, s10;
	s30 =	sadd.s32 $0xFFFFFFF9, s24;
	s24 =	ssub.s32 $0x8, s24  }
0x15: {  	[tilespmem:s22+$0x3060 ss:$0x81] =	vst.msk $0xffff, v2;
	v60 =	vld [tilespmem:s21+$0x0];
	s28 =	sand.u32 $0x78, s11;
	s29 =	sshll.u32 s12, $0x7;
	s31 =	sadd.s32 $0xFFFFC080, s26  }
0x16: {  	[tilespmem:s22+$0x0 ss:$0x81] =	vst.msk $0xffff, v1;
	v61 =	vld [tilespmem:s21+$0x10];
	s25 =	ssub.s32 s25, s27;
	p1 =	sgt.s32 s30, $0x0;
	s26 =	ssub.s32 $0x4000, s26  }
0x17: {  	v62 =	vld [tilespmem:s21+$0x20];
	[tilespmem:s23+$0x3870 ss:$0x81] =	vst.msk $0xffff, v0;
	s30 =	sshll.u32 s11, $0x3;
	p2 =	sgt.s32 s31, $0x7F;
	s27 =	sadd.s32 $0xFFFFFFFD, s25  }
0x18: {  	v63 =	vld [tilespmem:s21+$0xFFFFFFC0];
	s24 =	simm.s32 @p1 $0x0;
	[tilespmem:s23+$0x810 ss:$0x81] =	vst.msk $0xffff, v5;
	s25 =	ssub.s32 $0x83, s25;
	s21 =	sand.u32 $0x3C00, s30  }
0x19: {  	[tilespmem:s23+$0x1020 ss:$0x81] =	vst.msk $0xffff, v58;
	s26 =	simm.s32 @p2 $0x0;
	p1 =	sgt.s32 s27, $0x7F;
	s27 =	sand.u32 $0x3800, s11  }
0x1a: {  	[tilespmem:s23+$0x1830 ss:$0x81] =	vst.msk $0xffff, v59;
	s24 =	smul.u32 s24, s26;
	s26 =	sand.u32 $0x380, s29;
	s25 =	simm.s32 @p1 $0x0  }
0x1b: {  	[tilespmem:s23+$0x2040 ss:$0x81] =	vst.msk $0xffff, v60;
	s29 =	sand.u32 $0x7, s11;
	s22 =	sor.u32 s26, s28;
	s28 =	sshll.u32 s10, $0xE  }
0x1c: {  	[tilespmem:s23+$0x2850 ss:$0x81] =	vst.msk $0xffff, v61;
	s21 =	sor.u32 s21, s22;
	s31 =	smul.u32 s25, s24;
	s24 =	sadd.s32 s2, s27  }
0x1d: {  	[tilespmem:s23+$0x3060 ss:$0x81] =	vst.msk $0xffff, v62;
	s30 =	sshll.u32 s29, $0x12;
	s24 =	sadd.s32 s28, s24;
	s21 =	sshrl.u32 s21, $0x3  }
0x1e: {  	[tilespmem:s23+$0x0 ss:$0x81] =	vst.msk $0xffff, v63;
	s22 =	sand.u32 $0x3FFFFFFF, s31;
	s21 =	sadd.s32 s21, s24;
	s31 =	sor.u32 $0x80, s30  }
0x1f: {  	[hbm4b:s21+s31] =	stream.strided.scatter [tilespmem:s20], [sflag:$0x2], s22, s9, s31, $0x20;
	[tilespmem:$0x10100] =	vst v63  }
.LBB1_5:
0x20: {  	p1 =	slt.u32 s16, $0x2;
	s21 =	smov.u32 s19  }
0x21: {  	p2 =	sgt.s32 @!p1 s18, $0x3;
	s20 =	sshra.s32 @!p1 s18, $0x1F;
	p3 =	sgt.s32 @!p1 s19, $0x7  }
0x22: {  	s22 =	sshra.s32 @!p1 s19, $0x1F;
	p2 =	por !p2, p1;
	s20 =	sand.u32 @!p1 s20, s18  }
0x23: {  	p3 =	por !p3, p1;
	s19 =	sand.u32 @!p1 s22, s19;
	s22 =	sshra.s32 @!p1 s17, $0x1F  }
0x24: {  	s21 =	simm.s32 @p3 $0x7;
	p3 =	sgt.s32 @!p1 s17, $0x3F80;
	s18 =	simm.s32 @p2 $0x3  }
0x25: {  	s19 =	ssub.s32 @!p1 s21, s19;
	p3 =	por !p3, p1;
	s21 =	smov.u32 s17  }
0x26: {  	s17 =	sand.u32 @!p1 s22, s17;
	s18 =	ssub.s32 @!p1 s18, s20;
	s21 =	simm.s32 @p3 $0x3F80  }
0x27: {  	s20 =	sadd.s32 @!p1 $0xFFFFFFF9, s19;
	s19 =	ssub.s32 @!p1 $0x8, s19;
	s17 =	ssub.s32 @!p1 s21, s17  }
0x28: {  	s21 =	sadd.s32 @!p1 $0xFFFFFFFD, s18;
	p2 =	sgt.s32 @!p1 s20, $0x0;
	s20 =	sadd.s32 @!p1 $0xFFFFC080, s17  }
0x29: {  	s18 =	ssub.s32 @!p1 $0x83, s18;
	p2 =	por !p2, p1;
	p3 =	sgt.s32 @!p1 s20, $0x7F  }
0x2a: {  	s17 =	ssub.s32 @!p1 $0x4000, s17;
	s19 =	simm.s32 @!p2 $0x0;
	p2 =	por !p3, p1  }
0x2b: {  	s20 =	sadd.s32 $0x80, s13;
	p3 =	sgt.s32 @!p1 s21, $0x7F;
	s17 =	simm.s32 @!p2 $0x0  }
0x2c: {  	s21 =	smov.u32 s14;
	p2 =	por !p3, p1;
	s17 =	smul.u32 @!p1 s19, s17  }
0x2d: {  	s18 =	simm.s32 @!p2 $0x0;
	p2 =	sgt.s32 s20, $0x82;
	s19 =	sadd.s32 $0x200, s14  }
0x2e: {  	s22 =	smov.u32 s15;
	s21 =	smov.u32 @p2 s19  }
0x2f: {  	s17 =	smul.u32 @!p1 s18, s17;
	p3 =	sgt.s32 s21, $0x3FFF;
	s18 =	sadd.s32 $0x8, s15  }
0x30: {  	p0 =	por !p0, !p0;
	s23 =	simm.s32 @!p1 $0x2;
	s22 =	smov.u32 @p3 s18  }
0x31: {  	s20 =	simm.s32 @p2 $0x0;
	s19 =	smov.u32 s12;
	p2 =	sgt.s32 s22, $0x7  }
0x32: {  	s12 =	smov.u32 s15;
	s22 =	smov.u32 @p2 s6;
	p2 =	sne.s32 s16, s8  }
.Ltmp1:
0x33: {  	s21 =	smov.u32 @p3 s3;
	s18 =	smov.u32 s10;
	(pc) =	sbr.rel @!p2 .LBB1_6-.Ltmp1, $4  }
0x34: {  	s10 =	smov.u32 s13;
	s13 =	smov.u32 s20;
	s17 =	sand.u32 @!p1 $0x3FFFFFFF, s17  }
0x35: {  	_ =	swait.ge @!p1 [sflag:s23], s17;
	s24 =	ssub.s32 @!p1 $0x0, s17;
	s17 =	smov.u32 s11  }
0x36: {  	s16 =	sadd.s32 $0x1, s16;
	s11 =	smov.u32 s14;
	[sflag:s23] =	ssyncset.done @!p1 $0x0  }
0x37: {  	s14 =	smov.u32 s21;
	s15 =	smov.u32 s22;
	[sflag:s23] =	ssyncadd.s32 @!p1 s24  }
.LBB1_1:
0x38: {  	p1 =	sge.u32 s16, s7  }
0x39: {  	s31 =	sadd.s32 $0xFFFFFFFF, s16;
	s20 =	sxor.u32 @!p1 $0xFFFFFFFF, s16  }
0x3a: {  	s21 =	sshll.u32 @!p1 s14, $0x8;
	s22 =	sshll.u32 @!p1 s13, $0x3;
	s24 =	sand.u32 @!p1 $0x78, s13  }
0x3b: {  	s23 =	sshll.u32 @!p1 s14, $0x7;
	s21 =	sand.u32 @!p1 $0x3FF800, s21;
	s22 =	sand.u32 @!p1 $0x3FFC00, s22  }
0x3c: {  	s20 =	sshll.u32 @!p1 s20, $0xE;
	s21 =	sadd.s32 @!p1 s21, s22;
	s22 =	sand.u32 @!p1 $0x300, s23  }
0x3d: {  	s20 =	sand.u32 @!p1 $0x4000, s20;
	s21 =	sor.u32 @!p1 s22, s21;
	s22 =	sand.u32 @!p1 $0x80, s23  }
0x3e: {  	s23 =	sshll.u32 @!p1 s15, $0x13;
	s22 =	sor.u32 @!p1 s24, s22;
	s21 =	sshrl.u32 @!p1 s21, $0x3  }
0x3f: {  	s23 =	sadd.s32 @!p1 s4, s23;
	s24 =	sand.u32 @!p1 $0x7, s13;
	s22 =	sshrl.u32 @!p1 s22, $0x3  }
0x40: {  	s21 =	sand.u32 @!p1 $0x7FFE0, s21;
	s22 =	sadd.s32 @!p1 s22, s23;
	s23 =	sshll.u32 @!p1 s24, $0x12  }
0x41: {  	s21 =	sadd.s32 @!p1 s21, s22;
	s22 =	sor.u32 @!p1 $0x400, s23;
	s23 =	simm.s32 @!p1 $0x800  }
0x42: {  	[tilespmem:s20], [sflag:$0x1] =	stream.strided.gather @!p1 [hbm4b:s21+s22], $0x4000, s23, s22, $0x38;
	[tilespmem:$0x10100] =	vst v63  }
0x43: {  	p1 =	sge.u32 s31, s7  }
.Ltmp2:
0x44: {  	_ = 	snop;
	(pc) =	sbr.rel @p1 .LBB1_5-.Ltmp2, $1  }
0x45: {  	_ =	sdelay $0x3  }
0x46: {  	s20 =	simm.s32 $0x1  }
0x47: {  	_ =	swait.ge [sflag:s5], $0x4000;
	s20 =	simm.s32 @!p0 $0x0  }
0x48: {  	[sflag:s5] =	ssyncset.done $0x0;
	s21 =	sshll.u32 s20, $0xE  }
0x49: {  	[sflag:s5] =	ssyncadd.s32 $0xFFFFC000;
	s21 =	sor.u32 $0x40, s21  }
0x4a: {  	s20 =	smul.u32 $0x10200, s20;
	v0 =	vld [tilespmem:s21+$0x30]  }
0x4b: {  	v1 =	vld [tilespmem:s21+$0xFFFFFFD0]  }
0x4c: {  	s20 =	sshrl.u32 s20, $0x2;
	v5 =	vld [tilespmem:s21+$0xFFFFFFE0]  }
0x4d: {  	v6 =	vld [tilespmem:s21+$0xFFFFFFF0];
	s23 =	sor.u32 $0x8000, s20  }
0x4e: {  	s31 =	sand.u32 $0x1, s16;
	v4 =	vld [tilespmem:s21+$0x0];
	s22 =	sadd.s32 $0x0, s23  }
0x4f: {  	v3 =	vld [tilespmem:s21+$0x10];
	s20 =	smul.u32 $0x10200, s31;
	[tilespmem:s22+$0x3870 ss:$0x81] =	vst.msk $0xffff, v0  }
0x50: {  	v2 =	vld [tilespmem:s21+$0x20];
	[tilespmem:s22+$0x810 ss:$0x81] =	vst.msk $0xffff, v1  }
0x51: {  	s20 =	sshrl.u32 s20, $0x2;
	v1 =	vld [tilespmem:s21+$0xFFFFFFC0];
	[tilespmem:s22+$0x1020 ss:$0x81] =	vst.msk $0xffff, v5;
	s21 =	sadd.s32 $0x80, s21  }
0x52: {  	s24 =	simm.s32 $0x4;
	s25 =	simm.s32 $0x8;
	s20 =	sor.u32 $0x8000, s20;
	[tilespmem:s22+$0x1830 ss:$0x81] =	vst.msk $0xffff, v6;
	v0 =	vld [tilespmem:s21+$0x30]  }
.LBB1_3:
0x53: {  	p1 =	sne.s32 s25, $0x1FC;
	v5 =	vld [tilespmem:s21+$0xFFFFFFD0];
	[tilespmem:s22+$0x2040 ss:$0x81] =	vst.msk $0xffff, v4  }
0x54: {  	v6 =	vld [tilespmem:s21+$0xFFFFFFE0];
	[tilespmem:s22+$0x2850 ss:$0x81] =	vst.msk $0xffff, v3  }
0x55: {  	s26 =	sshra.s32 s24, $0x2;
	s24 =	smov.u32 s25;
	v7 =	vld [tilespmem:s21+$0xFFFFFFF0];
	[tilespmem:s22+$0x3060 ss:$0x81] =	vst.msk $0xffff, v2  }
.Ltmp3:
0x56: {  	v4 =	vld [tilespmem:s21+$0x0];
	[tilespmem:s22+$0x0 ss:$0x81] =	vst.msk $0xffff, v1;
	s22 =	sadd.s32 s26, s23;
	(pc) =	sbr.rel @p1 .LBB1_3-.Ltmp3, $4  }
0x57: {  	v3 =	vld [tilespmem:s21+$0x10];
	[tilespmem:s22+$0x3870 ss:$0x81] =	vst.msk $0xffff, v0  }
0x58: {  	[tilespmem:s22+$0x810 ss:$0x81] =	vst.msk $0xffff, v5;
	v2 =	vld [tilespmem:s21+$0x20]  }
0x59: {  	v1 =	vld [tilespmem:s21+$0xFFFFFFC0];
	[tilespmem:s22+$0x1020 ss:$0x81] =	vst.msk $0xffff, v6;
	s21 =	sadd.s32 $0x80, s21  }
0x5a: {  	s25 =	sadd.s32 $0x4, s25;
	v0 =	vld [tilespmem:s21+$0x30];
	[tilespmem:s22+$0x1830 ss:$0x81] =	vst.msk $0xffff, v7  }
.Ltmp4:
0x5b: {  	_ = 	snop;
	(pc) =	sbr.rel .LBB1_4-.Ltmp4, $1  }
0x5c: {  	_ =	sdelay $0x3  }
.LBB1_6:
0x5d: {  	_ =	sfence.sel $0x180000  }
0x5e: {  	s2 =	simm.s32 $0x1;
	[bflag:$0x0] =	sbarrier.arrive $0xFFFF  }
0x5f: {  	s31 =	simm.s32 $0x2;
	[sflag:s2] =	ssyncpa.u1 $0x1  }
0x60: {  	[sflag:s31] =	ssyncpa.u1 $0x1  }
0x61: {  	p0 =	sne.s32 s0, $0x0;
	_ =	strace $0x9000004A  }
0x62: {  	s0 =	sadd.s32 @!p0 $0x100000, s1;
	[bflag:$0x2] =	sbarrier.arrive $0xFFFF  }
0x63: {  	[sflag:s0] =	ssyncadd.tile.s32 @!p0 $0x1;
	_ =	shalt  }
.Lfunc_end1:
_tile_overlayer_lowered:
.L_overlay_start_2:
0x64: {  	(tag) =	ssettag $0x2  }
0x65: {  	s0 =	rddreg [dreg:$0x0];
	s2 =	stileid.u32  }
0x66: {  	s1 =	rddreg [dreg:$0x1];
	p0 =	sne.s32 s2, $0x0  }
0x67: {  	s3 =	rddreg [dreg:$0x2];
	[bflag:$0x3] =	sbarrier.arrive $0xFFFF;
	s2 =	simm.s32 @!p0 $0x1C01  }
0x68: {  	[timem:s3], [sflag:s2] =	dma.local @!p0 [hbm:s0], s1  }
0x69: {  	s0 =	simm.s32 @!p0 $0x1  }
0x6a: {  	_ =	swait.ge @!p0 [sflag:s0], s1  }
0x6b: {  	s1 =	ssub.s32 @!p0 $0x0, s1;
	[sflag:s0] =	ssyncset.done @!p0 $0x0  }
0x6c: {  	[sflag:s0] =	ssyncadd.s32 @!p0 s1  }
0x6d: {  	[bflag:$0x3] =	sbarrier.arrive $0xFFFF  }
0x6e: {  	_ =	shalt  }

</sc_bundles>
